<compile_context>
chip_gen: v7x
topology: tpu7x:2x2x1
jax: 0.10.2.dev20260603
libtpu: 0.0.44.dev20260713+nightly
codegen_flags: <defaults>
</compile_context>

<pallas_src>
import jax
import jax.numpy as jnp
from jax import lax
from jax.experimental import pallas as pl
from jax.experimental.pallas import tpu as pltpu
from jax.experimental.pallas import tpu_sc as plsc

NC = 2
NS = 16
NW = NC * NS
CHUNK = 80
DEGW = 128


def _sc_mesh():
    return plsc.VectorSubcoreMesh(
        core_axis_name="c", subcore_axis_name="s",
        num_cores=NC, num_subcores=NS)


def _fill_rows(buf, nrows, width, value):
    v16 = jnp.full((16,), value, jnp.float32)

    @pl.loop(0, nrows)
    def _(r):
        @pl.loop(0, width // 16)
        def _(j):
            buf[r, pl.ds(j * 16, 16)] = v16


ZC = 16


def _tile_rows(n_nodes, sid):
    lo = (n_nodes // NS) // ZC * ZC
    base = sid * lo
    nrows = lo + (n_nodes - NS * lo) * (sid == NS - 1)
    return base, nrows


GROUP = 8


def _sc_degree(dst2d, n_nodes, nchunk):
    nchunk_pad = dst2d.shape[0]
    kpw = nchunk_pad // NW
    ngrp = kpw // GROUP

    def body(dst_hbm, out_hbm, gdst0, gsem0, gdst1, gsem1,
             ones_v, zero_v, acc_sh, ssem):
        cid = lax.axis_index("c")
        sid = lax.axis_index("s")
        wid = cid * NS + sid
        _fill_rows(ones_v, CHUNK, DEGW, 1.0)
        _fill_rows(zero_v, ZC, DEGW, 0.0)
        base, nrows = _tile_rows(n_nodes, sid)

        @pl.loop(0, nrows // ZC)
        def _(k):
            pltpu.async_copy(zero_v, acc_sh.at[pl.ds(base + k * ZC, ZC)],
                             ssem)

        @pl.loop(0, nrows // ZC)
        def _(k):
            pltpu.make_async_copy(zero_v, acc_sh.at[pl.ds(base, ZC)],
                                  ssem).wait()

        plsc.subcore_barrier()

        c00 = wid * kpw
        gbufs = ((gdst0, gsem0), (gdst1, gsem1))

        def fetch(g, b):
            gd, gsem = gbufs[b]

            @pl.when((g < ngrp) & (c00 + g * GROUP < nchunk))
            def _():
                pltpu.async_copy(dst_hbm.at[pl.ds(c00 + g * GROUP, GROUP)],
                                 gd, gsem)

        def wait_fetch(g, b):
            gd, gsem = gbufs[b]

            @pl.when((g < ngrp) & (c00 + g * GROUP < nchunk))
            def _():
                pltpu.make_async_copy(dst_hbm.at[pl.ds(0, GROUP)],
                                      gd, gsem).wait()

        fetch(0, 0)

        @pl.loop(0, ngrp)
        def _(g):
            b = lax.rem(g, 2)
            for bb in range(2):
                @pl.when(b == bb)
                def _():
                    gd, _gsem = gbufs[bb]
                    wait_fetch(g, bb)
                    fetch(g + 1, (bb + 1) % 2)
                    for j in range(GROUP):
                        c = c00 + g * GROUP + j

                        @pl.when(c < nchunk)
                        def _():
                            pltpu.async_copy(ones_v, acc_sh.at[gd.at[j]],
                                             ssem, add=True)
                    for j in range(GROUP):
                        c = c00 + g * GROUP + j

                        @pl.when(c < nchunk)
                        def _():
                            pltpu.make_async_copy(
                                ones_v, acc_sh.at[gd.at[j]], ssem).wait()

        plsc.subcore_barrier()

        lo = (n_nodes // NS) // ZC * ZC
        rem = n_nodes - NS * lo
        pltpu.sync_copy(acc_sh.at[pl.ds(base, lo)],
                        out_hbm.at[cid, pl.ds(base, lo)])
        if rem:
            @pl.when(sid == NS - 1)
            def _():
                pltpu.sync_copy(acc_sh.at[pl.ds(NS * lo, rem)],
                                out_hbm.at[cid, pl.ds(NS * lo, rem)])

    return pl.kernel(
        body,
        out_type=jax.ShapeDtypeStruct((NC, n_nodes, DEGW), jnp.float32),
        mesh=_sc_mesh(),
        scratch_types=[
            pltpu.VMEM((GROUP, CHUNK), jnp.int32),
            pltpu.SemaphoreType.DMA,
            pltpu.VMEM((GROUP, CHUNK), jnp.int32),
            pltpu.SemaphoreType.DMA,
            pltpu.VMEM((CHUNK, DEGW), jnp.float32),
            pltpu.VMEM((ZC, DEGW), jnp.float32),
            pltpu.VMEM_SHARED((n_nodes, DEGW), jnp.float32),
            pltpu.SemaphoreType.DMA,
        ],
    )(dst2d)


def _sc_propagate(table, src2d, dst2d, nchunk):
    n_nodes, width = table.shape
    nchunk_pad = src2d.shape[0]
    kpw = nchunk_pad // NW
    ngrp = kpw // GROUP

    def body(tab_hbm, src_hbm, dst_hbm, out_hbm,
             gsrc0, gdst0, gsem0, gsrc1, gdst1, gsem1,
             rows0, rsem0, ssem0, rows1, rsem1, ssem1,
             rows2, rsem2, ssem2, rows3, rsem3, ssem3,
             zero_v, acc_sh):
        cid = lax.axis_index("c")
        sid = lax.axis_index("s")
        wid = cid * NS + sid
        _fill_rows(zero_v, ZC, width, 0.0)
        base, nrows = _tile_rows(n_nodes, sid)

        @pl.loop(0, nrows // ZC)
        def _(k):
            pltpu.async_copy(zero_v, acc_sh.at[pl.ds(base + k * ZC, ZC)],
                             rsem0)

        @pl.loop(0, nrows // ZC)
        def _(k):
            pltpu.make_async_copy(zero_v, acc_sh.at[pl.ds(base, ZC)],
                                  rsem0).wait()

        plsc.subcore_barrier()

        c00 = wid * kpw
        gbufs = ((gsrc0, gdst0, gsem0), (gsrc1, gdst1, gsem1))
        rbufs = ((rows0, rsem0, ssem0), (rows1, rsem1, ssem1),
                 (rows2, rsem2, ssem2), (rows3, rsem3, ssem3))
        RB = len(rbufs)

        def fetch(g, b):
            gs, gd, gsem = gbufs[b]

            @pl.when((g < ngrp) & (c00 + g * GROUP < nchunk))
            def _():
                pltpu.async_copy(src_hbm.at[pl.ds(c00 + g * GROUP, GROUP)],
                                 gs, gsem)
                pltpu.async_copy(dst_hbm.at[pl.ds(c00 + g * GROUP, GROUP)],
                                 gd, gsem)

        def wait_fetch(g, b):
            gs, gd, gsem = gbufs[b]

            @pl.when((g < ngrp) & (c00 + g * GROUP < nchunk))
            def _():
                pltpu.make_async_copy(src_hbm.at[pl.ds(0, GROUP)],
                                      gs, gsem).wait()
                pltpu.make_async_copy(dst_hbm.at[pl.ds(0, GROUP)],
                                      gd, gsem).wait()

        def drain_scatter(c, rb, gd_any):
            rows, _rsem, ssem = rbufs[rb]

            @pl.when((c >= c00) & (c < nchunk))
            def _():
                pltpu.make_async_copy(rows, acc_sh.at[gd_any.at[0]],
                                      ssem).wait()

        fetch(0, 0)

        @pl.loop(0, ngrp)
        def _(g):
            gb = lax.rem(g, 2)
            for bb in range(2):
                @pl.when(gb == bb)
                def _():
                    gs, gd, _gsem = gbufs[bb]
                    cg0 = c00 + g * GROUP
                    wait_fetch(g, bb)

                    def start(j):
                        c = cg0 + j
                        drain_scatter(c - RB, j % RB, gd)
                        rows, rsem, _ssem = rbufs[j % RB]

                        @pl.when(c < nchunk)
                        def _():
                            pltpu.async_copy(tab_hbm.at[gs.at[j]],
                                             rows, rsem)

                    def finish(j):
                        c = cg0 + j
                        rows, rsem, ssem = rbufs[j % RB]

                        @pl.when(c < nchunk)
                        def _():
                            pltpu.make_async_copy(tab_hbm.at[gs.at[j]],
                                                  rows, rsem).wait()
                            pltpu.async_copy(rows, acc_sh.at[gd.at[j]],
                                             ssem, add=True)

                    start(0)
                    start(1)
                    for j in range(GROUP):
                        if j + 2 < GROUP:
                            start(j + 2)
                        finish(j)
                        if j == 1:
                            fetch(g + 1, (bb + 1) % 2)

        gd0 = gbufs[0][1]
        for t in range(RB):
            drain_scatter(c00 + kpw - RB + t, (kpw - RB + t) % RB, gd0)

        plsc.subcore_barrier()

        lo = (n_nodes // NS) // ZC * ZC
        rem = n_nodes - NS * lo
        pltpu.sync_copy(acc_sh.at[pl.ds(base, lo)],
                        out_hbm.at[cid, pl.ds(base, lo)])
        if rem:
            @pl.when(sid == NS - 1)
            def _():
                pltpu.sync_copy(acc_sh.at[pl.ds(NS * lo, rem)],
                                out_hbm.at[cid, pl.ds(NS * lo, rem)])

    return pl.kernel(
        body,
        out_type=jax.ShapeDtypeStruct((NC, n_nodes, width), jnp.float32),
        mesh=_sc_mesh(),
        scratch_types=[
            pltpu.VMEM((GROUP, CHUNK), jnp.int32),
            pltpu.VMEM((GROUP, CHUNK), jnp.int32),
            pltpu.SemaphoreType.DMA,
            pltpu.VMEM((GROUP, CHUNK), jnp.int32),
            pltpu.VMEM((GROUP, CHUNK), jnp.int32),
            pltpu.SemaphoreType.DMA,
            pltpu.VMEM((CHUNK, width), jnp.float32),
            pltpu.SemaphoreType.DMA,
            pltpu.SemaphoreType.DMA,
            pltpu.VMEM((CHUNK, width), jnp.float32),
            pltpu.SemaphoreType.DMA,
            pltpu.SemaphoreType.DMA,
            pltpu.VMEM((CHUNK, width), jnp.float32),
            pltpu.SemaphoreType.DMA,
            pltpu.SemaphoreType.DMA,
            pltpu.VMEM((CHUNK, width), jnp.float32),
            pltpu.SemaphoreType.DMA,
            pltpu.SemaphoreType.DMA,
            pltpu.VMEM((ZC, width), jnp.float32),
            pltpu.VMEM_SHARED((n_nodes, width), jnp.float32),
        ],
    )(table, src2d, dst2d)


def _tc_blocks(n):
    for nb in (10, 8, 5, 4, 2, 1):
        if n % nb == 0 and (n // nb) % 8 == 0:
            return nb
    return 1


DVW = 8


def _tc_matmul(x, W1):
    n, d = x.shape
    hid = W1.shape[1]
    nb = _tc_blocks(n)
    bs = n // nb

    def body(x_ref, w_ref, o_ref):
        o_ref[...] = jnp.dot(x_ref[...], w_ref[...],
                             preferred_element_type=jnp.float32)

    return pl.pallas_call(
        body,
        grid=(nb,),
        in_specs=[
            pl.BlockSpec((bs, d), lambda i: (i, 0)),
            pl.BlockSpec((d, hid), lambda i: (0, 0)),
        ],
        out_specs=pl.BlockSpec((bs, hid), lambda i: (i, 0)),
        out_shape=jax.ShapeDtypeStruct((n, hid), jnp.float32),
    )(x, W1)


def _tc_scale(h, degA, degB):
    n, hid = h.shape
    nb = _tc_blocks(n)
    bs = n // nb

    def body(h_ref, da_ref, db_ref, o_ref, dv_ref):
        deg = da_ref[:, 0:1] + db_ref[:, 0:1] + 1.0
        dinv = lax.rsqrt(deg)
        o_ref[...] = h_ref[...] * dinv
        dv_ref[...] = jnp.broadcast_to(dinv, (bs, DVW))

    return pl.pallas_call(
        body,
        grid=(nb,),
        in_specs=[
            pl.BlockSpec((bs, hid), lambda i: (i, 0)),
            pl.BlockSpec((bs, DEGW), lambda i: (i, 0)),
            pl.BlockSpec((bs, DEGW), lambda i: (i, 0)),
        ],
        out_specs=[
            pl.BlockSpec((bs, hid), lambda i: (i, 0)),
            pl.BlockSpec((bs, DVW), lambda i: (i, 0)),
        ],
        out_shape=[
            jax.ShapeDtypeStruct((n, hid), jnp.float32),
            jax.ShapeDtypeStruct((n, DVW), jnp.float32),
        ],
    )(h, degA, degB)


def _tc_layer2_pre(accA, accB, hprime, dinv8, b1row):
    n, hid = hprime.shape
    nb = _tc_blocks(n)
    bs = n // nb

    def body(aa_ref, ab_ref, hp_ref, dv_ref, b1_ref, o_ref):
        dinv = dv_ref[:, 0:1]
        agg = aa_ref[...] + ab_ref[...] + hp_ref[...]
        g = jnp.maximum(agg * dinv + b1_ref[...], 0.0)
        o_ref[...] = g * dinv

    return pl.pallas_call(
        body,
        grid=(nb,),
        in_specs=[
            pl.BlockSpec((bs, hid), lambda i: (i, 0)),
            pl.BlockSpec((bs, hid), lambda i: (i, 0)),
            pl.BlockSpec((bs, hid), lambda i: (i, 0)),
            pl.BlockSpec((bs, DVW), lambda i: (i, 0)),
            pl.BlockSpec((1, hid), lambda i: (0, 0)),
        ],
        out_specs=pl.BlockSpec((bs, hid), lambda i: (i, 0)),
        out_shape=jax.ShapeDtypeStruct((n, hid), jnp.float32),
    )(accA, accB, hprime, dinv8, b1row)


def _tc_final(acc2A, acc2B, gprime, dinv8, W2p, b2row):
    n, hid = gprime.shape
    w = W2p.shape[1]
    nb = _tc_blocks(n)
    bs = n // nb

    def body(aa_ref, ab_ref, gp_ref, dv_ref, w_ref, b2_ref, o_ref):
        dinv = dv_ref[:, 0:1]
        agg = aa_ref[...] + ab_ref[...] + gp_ref[...]
        t = jnp.dot(agg, w_ref[...], preferred_element_type=jnp.float32)
        o_ref[...] = t * dinv + b2_ref[...]

    return pl.pallas_call(
        body,
        grid=(nb,),
        in_specs=[
            pl.BlockSpec((bs, hid), lambda i: (i, 0)),
            pl.BlockSpec((bs, hid), lambda i: (i, 0)),
            pl.BlockSpec((bs, hid), lambda i: (i, 0)),
            pl.BlockSpec((bs, DVW), lambda i: (i, 0)),
            pl.BlockSpec((hid, w), lambda i: (0, 0)),
            pl.BlockSpec((1, w), lambda i: (0, 0)),
        ],
        out_specs=pl.BlockSpec((bs, w), lambda i: (i, 0)),
        out_shape=jax.ShapeDtypeStruct((n, w), jnp.float32),
    )(acc2A, acc2B, gprime, dinv8, W2p, b2row)


PADW = 16


def kernel(x, edge_index, W1, b1, W2, b2):
    n = x.shape[0]
    e = edge_index.shape[1]
    d_out = W2.shape[1]
    assert e % CHUNK == 0 and n % ZC == 0

    nchunk = e // CHUNK
    kpw_raw = -(-nchunk // NW)
    kpw = -(-kpw_raw // GROUP) * GROUP
    npad = kpw * NW
    srcp = jnp.pad(edge_index[0], (0, npad * CHUNK - e)).reshape(npad, CHUNK)
    dstp = jnp.pad(edge_index[1], (0, npad * CHUNK - e)).reshape(npad, CHUNK)

    degp = _sc_degree(dstp, n, nchunk)
    degA, degB = degp[0], degp[1]

    h = _tc_matmul(x, W1)
    hp, dinv8 = _tc_scale(h, degA, degB)
    accp = _sc_propagate(hp, srcp, dstp, nchunk)

    gp = _tc_layer2_pre(accp[0], accp[1], hp, dinv8,
                        b1.reshape(1, -1))
    acc2p = _sc_propagate(gp, srcp, dstp, nchunk)

    W2p = jnp.pad(W2, ((0, 0), (0, PADW - d_out)))
    b2p = jnp.pad(b2, (0, PADW - d_out)).reshape(1, PADW)
    outp = _tc_final(acc2p[0], acc2p[1], gp, dinv8, W2p, b2p)
    return outp[:, :d_out]

# --- scband reference (transcript-rebuilt; emitter-appended) ---
"""Pipeline reference for scband-gcn-83236466197087 (READ-ONLY COPY).

The authoritative reference and input builder live on the scoring server;
editing this copy changes nothing except your own understanding.
"""

import jax, jax.numpy as jnp
import numpy as np

N = 10000
E = 320000
D_IN = 128
HIDDEN = 128
D_OUT = 4


def setup_inputs(seed: int = 0) -> dict:
    key = jax.random.key(seed)
    k1, k2, k3, k4 = jax.random.split(key, 4)
    x = jax.random.normal(k1, (N, D_IN), dtype=jnp.float32)
    edge_index = jax.random.randint(k2, (2, E), 0, N, dtype=jnp.int32)
    # GCNConv layer 1 params (glorot-style init, zero bias like PyG defaults)
    W1 = jax.random.normal(k3, (D_IN, HIDDEN), dtype=jnp.float32) * (1.0 / np.sqrt(D_IN))
    b1 = jnp.zeros((HIDDEN,), dtype=jnp.float32)
    # GCNConv layer 2 params
    W2 = jax.random.normal(k4, (HIDDEN, D_OUT), dtype=jnp.float32) * (1.0 / np.sqrt(HIDDEN))
    b2 = jnp.zeros((D_OUT,), dtype=jnp.float32)
    return {"x": x, "edge_index": edge_index, "W1": W1, "b1": b1, "W2": W2, "b2": b2}


def _gcn_conv(x, src, dst, W, b):
    # PyG GCNConv: x' = D^{-1/2} (A + I) D^{-1/2} (x W) + b
    # (self-loops already appended to src/dst by caller)
    n = x.shape[0]
    ones = jnp.ones(src.shape[0], dtype=x.dtype)
    deg = jax.ops.segment_sum(ones, dst, num_segments=n)
    dinv = jnp.where(deg > 0, jax.lax.rsqrt(deg), 0.0)
    norm = dinv[src] * dinv[dst]
    h = x @ W
    msg = h[src] * norm[:, None]
    out = jax.ops.segment_sum(msg, dst, num_segments=n)
    return out + b


def reference(x, edge_index, W1, b1, W2, b2):
    n = x.shape[0]
    loop = jnp.arange(n, dtype=edge_index.dtype)
    src = jnp.concatenate([edge_index[0], loop])
    dst = jnp.concatenate([edge_index[1], loop])
    h = _gcn_conv(x, src, dst, W1, b1)
    h = jax.nn.relu(h)
    # F.dropout(p=0.5, training=self.training) -> identity in eval mode
    out = _gcn_conv(h, src, dst, W2, b2)
    return out

if __name__ == "__main__":
    import jax
    _d = setup_inputs()
    print(jax.jit(kernel)(*tuple(_d.values())))

</pallas_src>

<mosaic_0001>
#map = affine_map<(d0, d1) -> (0, 0)>
#map1 = affine_map<(d0, d1) -> (0, 0, 0)>
module attributes {stable_mosaic.version = 14 : i64} {
  func.func @body(%arg0: i32, %arg1: i32, %arg2: memref<10000x128xf32, #tpu.memory_space<hbm>>, %arg3: memref<4096x80xi32, #tpu.memory_space<hbm>>, %arg4: memref<4096x80xi32, #tpu.memory_space<hbm>>, %arg5: memref<2x10000x128xf32, #tpu.memory_space<hbm>>, %arg6: memref<8x80xi32, #tpu.memory_space<vmem>>, %arg7: memref<8x80xi32, #tpu.memory_space<vmem>>, %arg8: memref<!tpu.dma_semaphore, #tpu.memory_space<semaphore_mem>>, %arg9: memref<8x80xi32, #tpu.memory_space<vmem>>, %arg10: memref<8x80xi32, #tpu.memory_space<vmem>>, %arg11: memref<!tpu.dma_semaphore, #tpu.memory_space<semaphore_mem>>, %arg12: memref<80x128xf32, #tpu.memory_space<vmem>>, %arg13: memref<!tpu.dma_semaphore, #tpu.memory_space<semaphore_mem>>, %arg14: memref<!tpu.dma_semaphore, #tpu.memory_space<semaphore_mem>>, %arg15: memref<80x128xf32, #tpu.memory_space<vmem>>, %arg16: memref<!tpu.dma_semaphore, #tpu.memory_space<semaphore_mem>>, %arg17: memref<!tpu.dma_semaphore, #tpu.memory_space<semaphore_mem>>, %arg18: memref<80x128xf32, #tpu.memory_space<vmem>>, %arg19: memref<!tpu.dma_semaphore, #tpu.memory_space<semaphore_mem>>, %arg20: memref<!tpu.dma_semaphore, #tpu.memory_space<semaphore_mem>>, %arg21: memref<80x128xf32, #tpu.memory_space<vmem>>, %arg22: memref<!tpu.dma_semaphore, #tpu.memory_space<semaphore_mem>>, %arg23: memref<!tpu.dma_semaphore, #tpu.memory_space<semaphore_mem>>, %arg24: memref<16x128xf32, #tpu.memory_space<vmem>>, %arg25: memref<10000x128xf32, #tpu.memory_space<vmem_shared>>) attributes {dimension_semantics = [#tpu.dimension_semantics<core_parallel>, #tpu.dimension_semantics<subcore_parallel>], iteration_bounds = array<i64: 2, 16>, scalar_prefetch = 0 : i64, scratch_operands = 20 : i64, tpu.core_type = #tpu.core_type<sc_vector_subcore>, window_params = [{transform_indices = #map}, {transform_indices = #map}, {transform_indices = #map}, {transform_indices = #map1}]} {
    %mul3A = arith.constant 16 : i32
    %mul3A_0 = arith.muli %arg0, %mul3A : i32
    %add3A = arith.addi %mul3A_0, %arg1 : i32
    %broadcast_in_dim3A = arith.constant 0.000000e+00 : f32
    %broadcast_in_dim3A_1 = vector.broadcast %broadcast_in_dim3A : f32 to vector<16xf32>
    %scan3A = arith.constant 0 : i32
    %scan3A_2 = arith.constant 16 : i32
    %scan3A_3 = arith.addi %scan3A, %scan3A_2 : i32
    %scan3A_4 = arith.constant 1 : i32
    scf.for %scan3A_161 = %scan3A to %scan3A_3 step %scan3A_4  : i32 {
      %mul3A_162 = arith.constant 1 : i32
      %mul3A_163 = arith.muli %scan3A_161, %mul3A_162 : i32
      %add3A_164 = arith.constant 0 : i32
      %add3A_165 = arith.addi %add3A_164, %mul3A_163 : i32
      %scan3A_166 = arith.constant 0 : i32
      %scan3A_167 = arith.constant 8 : i32
      %scan3A_168 = arith.addi %scan3A_166, %scan3A_167 : i32
      %scan3A_169 = arith.constant 1 : i32
      scf.for %scan3A_171 = %scan3A_166 to %scan3A_168 step %scan3A_169  : i32 {
        %mul3A_172 = arith.constant 1 : i32
        %mul3A_173 = arith.muli %scan3A_171, %mul3A_172 : i32
        %add3A_174 = arith.constant 0 : i32
        %add3A_175 = arith.addi %add3A_174, %mul3A_173 : i32
        %mul3A_176 = arith.constant 16 : i32
        %mul3A_177 = arith.muli %add3A_175, %mul3A_176 : i32
        %swap3A = arith.index_cast %add3A_165 : i32 to index
        %swap3A_178 = arith.index_cast %mul3A_177 : i32 to index
        %swap3A_179 = tpu.vector_load %arg24[%swap3A, %swap3A_178] {strides = array<i32>} : memref<16x128xf32, #tpu.memory_space<vmem>>, vector<1x16xf32>,
        %swap3A_180 = vector.shape_cast %swap3A_179 : vector<1x16xf32> to vector<16xf32>
        %swap3A_181 = vector.shape_cast %broadcast_in_dim3A_1 : vector<16xf32> to vector<1x16xf32>
        tpu.vector_store %arg24[%swap3A, %swap3A_178], %swap3A_181 {strides = array<i32>} : memref<16x128xf32, #tpu.memory_space<vmem>>, vector<1x16xf32>,
      }
      %scan3A_170 = arith.constant 8 : i32
    }
    %scan3A_5 = arith.constant 16 : i32
    %mul3A_6 = arith.constant 624 : i32
    %mul3A_7 = arith.muli %arg1, %mul3A_6 : i32
    %eq3A = arith.constant 15 : i32
    %eq3A_8 = arith.cmpi eq, %arg1, %eq3A : i32
    %convert_element_type3A = arith.extui %eq3A_8 : i1 to i32
    %mul3A_9 = arith.constant 16 : i32
    %mul3A_10 = arith.muli %mul3A_9, %convert_element_type3A : i32
    %add3A_11 = arith.constant 624 : i32
    %add3A_12 = arith.addi %add3A_11, %mul3A_10 : i32
    %jit3A = arith.constant 16 : i32
    %div3A = arith.divsi %add3A_12, %jit3A : i32
    %sign3A = arith.constant 0 : i32
    %sign3A_13 = arith.cmpi sgt, %add3A_12, %sign3A : i32
    %sign3A_14 = arith.extui %sign3A_13 : i1 to i32
    %sign3A_15 = arith.constant 0 : i32
    %sign3A_16 = arith.cmpi slt, %add3A_12, %sign3A_15 : i32
    %sign3A_17 = arith.extui %sign3A_16 : i1 to i32
    %sign3A_18 = arith.subi %sign3A_14, %sign3A_17 : i32
    %sign3A_19 = arith.constant 0 : i32
    %sign3A_20 = arith.cmpi sgt, %jit3A, %sign3A_19 : i32
    %sign3A_21 = arith.extui %sign3A_20 : i1 to i32
    %sign3A_22 = arith.constant 0 : i32
    %sign3A_23 = arith.cmpi slt, %jit3A, %sign3A_22 : i32
    %sign3A_24 = arith.extui %sign3A_23 : i1 to i32
    %sign3A_25 = arith.subi %sign3A_21, %sign3A_24 : i32
    %ne3A = arith.cmpi ne, %sign3A_18, %sign3A_25 : i32
    %rem3A = arith.remsi %add3A_12, %jit3A : i32
    %ne3A_26 = arith.constant 0 : i32
    %ne3A_27 = arith.cmpi ne, %rem3A, %ne3A_26 : i32
    %and3A = arith.andi %ne3A, %ne3A_27 : i1
    %sub3A = arith.constant 1 : i32
    %sub3A_28 = arith.subi %div3A, %sub3A : i32
    %select_n3A = arith.select %and3A, %sub3A_28, %div3A : i32
    %sub3A_29 = arith.constant 0 : i32
    %sub3A_30 = arith.subi %select_n3A, %sub3A_29 : i32
    %sub3A_31 = arith.constant 1 : i32
    %sub3A_32 = arith.constant 1 : i32
    %sub3A_33 = arith.subi %sub3A_31, %sub3A_32 : i32
    %add3A_34 = arith.addi %sub3A_30, %sub3A_33 : i32
    %div3A_35 = arith.constant 1 : i32
    %div3A_36 = arith.divsi %add3A_34, %div3A_35 : i32
    %while3A = arith.constant 1 : i32
    %while3A_37 = arith.constant 0 : i32
    %while3A_38 = arith.constant 0 : i32
    %while3A_39 = arith.subi %div3A_36, %while3A_38 : i32
    %while3A_40 = arith.addi %while3A_38, %while3A_39 : i32
    %while3A_41 = arith.constant 1 : i32
    %while3A_42 = arith.divsi %while3A_39, %while3A_41 : i32
    %while3A_43 = arith.muli %while3A_42, %while3A_41 : i32
    %while3A_44 = arith.addi %while3A_38, %while3A_43 : i32
    %while3A_45 = arith.constant 1 : i32
    scf.for %while3A_161 = %while3A_38 to %while3A_44 step %while3A_45  : i32 {
      %mul3A_162 = arith.muli %while3A_161, %while3A : i32
      %add3A_163 = arith.addi %while3A_37, %mul3A_162 : i32
      %mul3A_164 = arith.constant 16 : i32
      %mul3A_165 = arith.muli %add3A_163, %mul3A_164 : i32
      %add3A_166 = arith.addi %mul3A_7, %mul3A_165 : i32
      %dma_start3A = arith.constant 0 : i32
      %dma_start3A_167 = tpu.memref_slice %arg25[%add3A_166, %dma_start3A] : memref<10000x128xf32, #tpu.memory_space<vmem_shared>> -> memref<16x128xf32, #tpu.memory_space<vmem_shared>>
      %dma_start3A_168 = arith.constant 0 : i32
      %dma_start3A_169 = tpu.memref_slice %arg25[%add3A_166, %dma_start3A_168] : memref<10000x128xf32, #tpu.memory_space<vmem_shared>> -> memref<16x128xf32, #tpu.memory_space<vmem_shared>>
      tpu.enqueue_dma source(%arg24 : memref<16x128xf32, #tpu.memory_space<vmem>>) target(%dma_start3A_169 : memref<16x128xf32, #tpu.memory_space<vmem_shared>>) target_semaphore(%arg13 : memref<!tpu.dma_semaphore, #tpu.memory_space<semaphore_mem>>)
    }
    %while3A_46 = arith.constant 1 : i32
    scf.for %while3A_161 = %while3A_44 to %while3A_40 step %while3A_46  : i32 {
      %mul3A_162 = arith.muli %while3A_161, %while3A : i32
      %add3A_163 = arith.addi %while3A_37, %mul3A_162 : i32
      %mul3A_164 = arith.constant 16 : i32
      %mul3A_165 = arith.muli %add3A_163, %mul3A_164 : i32
      %add3A_166 = arith.addi %mul3A_7, %mul3A_165 : i32
      %dma_start3A = arith.constant 0 : i32
      %dma_start3A_167 = tpu.memref_slice %arg25[%add3A_166, %dma_start3A] : memref<10000x128xf32, #tpu.memory_space<vmem_shared>> -> memref<16x128xf32, #tpu.memory_space<vmem_shared>>
      %dma_start3A_168 = arith.constant 0 : i32
      %dma_start3A_169 = tpu.memref_slice %arg25[%add3A_166, %dma_start3A_168] : memref<10000x128xf32, #tpu.memory_space<vmem_shared>> -> memref<16x128xf32, #tpu.memory_space<vmem_shared>>
      tpu.enqueue_dma source(%arg24 : memref<16x128xf32, #tpu.memory_space<vmem>>) target(%dma_start3A_169 : memref<16x128xf32, #tpu.memory_space<vmem_shared>>) target_semaphore(%arg13 : memref<!tpu.dma_semaphore, #tpu.memory_space<semaphore_mem>>)
    }
    %jit3A_47 = arith.constant 16 : i32
    %div3A_48 = arith.divsi %add3A_12, %jit3A_47 : i32
    %sign3A_49 = arith.constant 0 : i32
    %sign3A_50 = arith.cmpi sgt, %add3A_12, %sign3A_49 : i32
    %sign3A_51 = arith.extui %sign3A_50 : i1 to i32
    %sign3A_52 = arith.constant 0 : i32
    %sign3A_53 = arith.cmpi slt, %add3A_12, %sign3A_52 : i32
    %sign3A_54 = arith.extui %sign3A_53 : i1 to i32
    %sign3A_55 = arith.subi %sign3A_51, %sign3A_54 : i32
    %sign3A_56 = arith.constant 0 : i32
    %sign3A_57 = arith.cmpi sgt, %jit3A_47, %sign3A_56 : i32
    %sign3A_58 = arith.extui %sign3A_57 : i1 to i32
    %sign3A_59 = arith.constant 0 : i32
    %sign3A_60 = arith.cmpi slt, %jit3A_47, %sign3A_59 : i32
    %sign3A_61 = arith.extui %sign3A_60 : i1 to i32
    %sign3A_62 = arith.subi %sign3A_58, %sign3A_61 : i32
    %ne3A_63 = arith.cmpi ne, %sign3A_55, %sign3A_62 : i32
    %rem3A_64 = arith.remsi %add3A_12, %jit3A_47 : i32
    %ne3A_65 = arith.constant 0 : i32
    %ne3A_66 = arith.cmpi ne, %rem3A_64, %ne3A_65 : i32
    %and3A_67 = arith.andi %ne3A_63, %ne3A_66 : i1
    %sub3A_68 = arith.constant 1 : i32
    %sub3A_69 = arith.subi %div3A_48, %sub3A_68 : i32
    %select_n3A_70 = arith.select %and3A_67, %sub3A_69, %div3A_48 : i32
    %sub3A_71 = arith.constant 0 : i32
    %sub3A_72 = arith.subi %select_n3A_70, %sub3A_71 : i32
    %sub3A_73 = arith.constant 1 : i32
    %sub3A_74 = arith.constant 1 : i32
    %sub3A_75 = arith.subi %sub3A_73, %sub3A_74 : i32
    %add3A_76 = arith.addi %sub3A_72, %sub3A_75 : i32
    %div3A_77 = arith.constant 1 : i32
    %div3A_78 = arith.divsi %add3A_76, %div3A_77 : i32
    %while3A_79 = arith.constant 1 : i32
    %while3A_80 = arith.constant 0 : i32
    %while3A_81 = arith.constant 0 : i32
    %while3A_82 = arith.subi %div3A_78, %while3A_81 : i32
    %while3A_83 = arith.addi %while3A_81, %while3A_82 : i32
    %while3A_84 = arith.constant 1 : i32
    %while3A_85 = arith.divsi %while3A_82, %while3A_84 : i32
    %while3A_86 = arith.muli %while3A_85, %while3A_84 : i32
    %while3A_87 = arith.addi %while3A_81, %while3A_86 : i32
    %while3A_88 = arith.constant 1 : i32
    scf.for %while3A_161 = %while3A_81 to %while3A_87 step %while3A_88  : i32 {
      %mul3A_162 = arith.muli %while3A_161, %while3A_79 : i32
      %add3A_163 = arith.addi %while3A_80, %mul3A_162 : i32
      %dma_wait3A = arith.constant 0 : i32
      %dma_wait3A_164 = tpu.memref_slice %arg25[%mul3A_7, %dma_wait3A] : memref<10000x128xf32, #tpu.memory_space<vmem_shared>> -> memref<16x128xf32, #tpu.memory_space<vmem_shared>>
      %dma_wait3A_165 = arith.constant 0 : i32
      %dma_wait3A_166 = tpu.memref_slice %arg25[%mul3A_7, %dma_wait3A_165] : memref<10000x128xf32, #tpu.memory_space<vmem_shared>> -> memref<16x128xf32, #tpu.memory_space<vmem_shared>>
      tpu.wait_dma2 semaphore(%arg13 : memref<!tpu.dma_semaphore, #tpu.memory_space<semaphore_mem>>) src(%arg24 : memref<16x128xf32, #tpu.memory_space<vmem>>) dst(%dma_wait3A_166 : memref<16x128xf32, #tpu.memory_space<vmem_shared>>)
    }
    %while3A_89 = arith.constant 1 : i32
    scf.for %while3A_161 = %while3A_87 to %while3A_83 step %while3A_89  : i32 {
      %mul3A_162 = arith.muli %while3A_161, %while3A_79 : i32
      %add3A_163 = arith.addi %while3A_80, %mul3A_162 : i32
      %dma_wait3A = arith.constant 0 : i32
      %dma_wait3A_164 = tpu.memref_slice %arg25[%mul3A_7, %dma_wait3A] : memref<10000x128xf32, #tpu.memory_space<vmem_shared>> -> memref<16x128xf32, #tpu.memory_space<vmem_shared>>
      %dma_wait3A_165 = arith.constant 0 : i32
      %dma_wait3A_166 = tpu.memref_slice %arg25[%mul3A_7, %dma_wait3A_165] : memref<10000x128xf32, #tpu.memory_space<vmem_shared>> -> memref<16x128xf32, #tpu.memory_space<vmem_shared>>
      tpu.wait_dma2 semaphore(%arg13 : memref<!tpu.dma_semaphore, #tpu.memory_space<semaphore_mem>>) src(%arg24 : memref<16x128xf32, #tpu.memory_space<vmem>>) dst(%dma_wait3A_166 : memref<16x128xf32, #tpu.memory_space<vmem_shared>>)
    }
    %barrier3A = arith.constant 0 : index
    tpu.barrier barrier_id(%barrier3A)
    %mul3A_90 = arith.constant 128 : i32
    %mul3A_91 = arith.muli %add3A, %mul3A_90 : i32
    %add3A_92 = arith.constant 0 : i32
    %add3A_93 = arith.addi %mul3A_91, %add3A_92 : i32
    %lt3A = arith.constant 4000 : i32
    %lt3A_94 = arith.cmpi slt, %add3A_93, %lt3A : i32
    %and3A_95 = arith.constant true
    %and3A_96 = arith.andi %and3A_95, %lt3A_94 : i1
    %convert_element_type3A_97 = arith.extui %and3A_96 : i1 to i32
    %cond3A = arith.constant 0 : i32
    %cond3A_98 = arith.cmpi ne, %convert_element_type3A_97, %cond3A : i32
    scf.if %cond3A_98 {
      %add3A_161 = arith.constant 0 : i32
      %add3A_162 = arith.addi %mul3A_91, %add3A_161 : i32
      %dma_start3A = arith.constant 0 : i32
      %dma_start3A_163 = tpu.memref_slice %arg3[%add3A_162, %dma_start3A] : memref<4096x80xi32, #tpu.memory_space<hbm>> -> memref<8x80xi32, #tpu.memory_space<hbm>>
      %dma_start3A_164 = arith.constant 0 : i32
      %dma_start3A_165 = tpu.memref_slice %arg3[%add3A_162, %dma_start3A_164] : memref<4096x80xi32, #tpu.memory_space<hbm>> -> memref<8x80xi32, #tpu.memory_space<hbm>>
      tpu.enqueue_dma source(%dma_start3A_165 : memref<8x80xi32, #tpu.memory_space<hbm>>) target(%arg6 : memref<8x80xi32, #tpu.memory_space<vmem>>) target_semaphore(%arg8 : memref<!tpu.dma_semaphore, #tpu.memory_space<semaphore_mem>>)
      %add3A_166 = arith.constant 0 : i32
      %add3A_167 = arith.addi %mul3A_91, %add3A_166 : i32
      %dma_start3A_168 = arith.constant 0 : i32
      %dma_start3A_169 = tpu.memref_slice %arg4[%add3A_167, %dma_start3A_168] : memref<4096x80xi32, #tpu.memory_space<hbm>> -> memref<8x80xi32, #tpu.memory_space<hbm>>
      %dma_start3A_170 = arith.constant 0 : i32
      %dma_start3A_171 = tpu.memref_slice %arg4[%add3A_167, %dma_start3A_170] : memref<4096x80xi32, #tpu.memory_space<hbm>> -> memref<8x80xi32, #tpu.memory_space<hbm>>
      tpu.enqueue_dma source(%dma_start3A_171 : memref<8x80xi32, #tpu.memory_space<hbm>>) target(%arg7 : memref<8x80xi32, #tpu.memory_space<vmem>>) target_semaphore(%arg8 : memref<!tpu.dma_semaphore, #tpu.memory_space<semaphore_mem>>)
    } else {
    }
    %scan3A_99 = arith.constant 0 : i32
    %scan3A_100 = arith.constant 16 : i32
    %scan3A_101 = arith.addi %scan3A_99, %scan3A_100 : i32
    %scan3A_102 = arith.constant 1 : i32
    scf.for %scan3A_161 = %scan3A_99 to %scan3A_101 step %scan3A_102  : i32 {
      %mul3A_162 = arith.constant 1 : i32
      %mul3A_163 = arith.muli %scan3A_161, %mul3A_162 : i32
      %add3A_164 = arith.constant 0 : i32
      %add3A_165 = arith.addi %add3A_164, %mul3A_163 : i32
      %rem3A_166 = arith.constant 2 : i32
      %rem3A_167 = arith.remsi %add3A_165, %rem3A_166 : i32
      %eq3A_168 = arith.constant 0 : i32
      %eq3A_169 = arith.cmpi eq, %rem3A_167, %eq3A_168 : i32
      %convert_element_type3A_170 = arith.extui %eq3A_169 : i1 to i32
      %cond3A_171 = arith.constant 0 : i32
      %cond3A_172 = arith.cmpi ne, %convert_element_type3A_170, %cond3A_171 : i32
      scf.if %cond3A_172 {
        %mul3A_178 = arith.constant 8 : i32
        %mul3A_179 = arith.muli %add3A_165, %mul3A_178 : i32
        %add3A_180 = arith.addi %mul3A_91, %mul3A_179 : i32
        %lt3A_181 = arith.constant 16 : i32
        %lt3A_182 = arith.cmpi slt, %add3A_165, %lt3A_181 : i32
        %mul3A_183 = arith.constant 8 : i32
        %mul3A_184 = arith.muli %add3A_165, %mul3A_183 : i32
        %add3A_185 = arith.addi %mul3A_91, %mul3A_184 : i32
        %lt3A_186 = arith.constant 4000 : i32
        %lt3A_187 = arith.cmpi slt, %add3A_185, %lt3A_186 : i32
        %and3A_188 = arith.andi %lt3A_182, %lt3A_187 : i1
        %convert_element_type3A_189 = arith.extui %and3A_188 : i1 to i32
        %cond3A_190 = arith.constant 0 : i32
        %cond3A_191 = arith.cmpi ne, %convert_element_type3A_189, %cond3A_190 : i32
        scf.if %cond3A_191 {
          %dma_wait3A = arith.constant 0 : i32
          %dma_wait3A_389 = arith.constant 0 : i32
          %dma_wait3A_390 = tpu.memref_slice %arg3[%dma_wait3A, %dma_wait3A_389] : memref<4096x80xi32, #tpu.memory_space<hbm>> -> memref<8x80xi32, #tpu.memory_space<hbm>>
          %dma_wait3A_391 = arith.constant 0 : i32
          %dma_wait3A_392 = arith.constant 0 : i32
          %dma_wait3A_393 = tpu.memref_slice %arg3[%dma_wait3A_391, %dma_wait3A_392] : memref<4096x80xi32, #tpu.memory_space<hbm>> -> memref<8x80xi32, #tpu.memory_space<hbm>>
          tpu.wait_dma2 semaphore(%arg8 : memref<!tpu.dma_semaphore, #tpu.memory_space<semaphore_mem>>) src(%dma_wait3A_393 : memref<8x80xi32, #tpu.memory_space<hbm>>) dst(%arg6 : memref<8x80xi32, #tpu.memory_space<vmem>>)
          %dma_wait3A_394 = arith.constant 0 : i32
          %dma_wait3A_395 = arith.constant 0 : i32
          %dma_wait3A_396 = tpu.memref_slice %arg4[%dma_wait3A_394, %dma_wait3A_395] : memref<4096x80xi32, #tpu.memory_space<hbm>> -> memref<8x80xi32, #tpu.memory_space<hbm>>
          %dma_wait3A_397 = arith.constant 0 : i32
          %dma_wait3A_398 = arith.constant 0 : i32
          %dma_wait3A_399 = tpu.memref_slice %arg4[%dma_wait3A_397, %dma_wait3A_398] : memref<4096x80xi32, #tpu.memory_space<hbm>> -> memref<8x80xi32, #tpu.memory_space<hbm>>
          tpu.wait_dma2 semaphore(%arg8 : memref<!tpu.dma_semaphore, #tpu.memory_space<semaphore_mem>>) src(%dma_wait3A_399 : memref<8x80xi32, #tpu.memory_space<hbm>>) dst(%arg7 : memref<8x80xi32, #tpu.memory_space<vmem>>)
        } else {
        }
        %add3A_192 = arith.constant 0 : i32
        %add3A_193 = arith.addi %add3A_180, %add3A_192 : i32
        %sub3A_194 = arith.constant 4 : i32
        %sub3A_195 = arith.subi %add3A_193, %sub3A_194 : i32
        %ge3A_196 = arith.cmpi sge, %sub3A_195, %mul3A_91 : i32
        %lt3A_197 = arith.constant 4000 : i32
        %lt3A_198 = arith.cmpi slt, %sub3A_195, %lt3A_197 : i32
        %and3A_199 = arith.andi %ge3A_196, %lt3A_198 : i1
        %convert_element_type3A_200 = arith.extui %and3A_199 : i1 to i32
        %cond3A_201 = arith.constant 0 : i32
        %cond3A_202 = arith.cmpi ne, %convert_element_type3A_200, %cond3A_201 : i32
        scf.if %cond3A_202 {
          %dma_wait3A = arith.constant 0 : i32
          %dma_wait3A_389 = arith.constant 0 : i32
          %dma_wait3A_390 = tpu.memref_slice %arg7[%dma_wait3A, %dma_wait3A_389] : memref<8x80xi32, #tpu.memory_space<vmem>> -> memref<1x80xi32, #tpu.memory_space<vmem>>
          %dma_wait3A_391 = tpu.memref_squeeze %dma_wait3A_390 : memref<1x80xi32, #tpu.memory_space<vmem>> -> memref<80xi32, #tpu.memory_space<vmem>>
          %dma_wait3A_392 = arith.constant 0 : i32
          %dma_wait3A_393 = arith.constant 0 : i32
          %dma_wait3A_394 = tpu.memref_slice %arg25[%dma_wait3A_392, %dma_wait3A_393] : memref<10000x128xf32, #tpu.memory_space<vmem_shared>> -> memref<10000x128xf32, #tpu.memory_space<vmem_shared>>
          tpu.wait_indirect_dma semaphore(%arg14 : memref<!tpu.dma_semaphore, #tpu.memory_space<semaphore_mem>>) src(%arg12 : memref<80x128xf32, #tpu.memory_space<vmem>>) dst(%dma_wait3A_394 : memref<10000x128xf32, #tpu.memory_space<vmem_shared>>)
        } else {
        }
        %lt3A_203 = arith.constant 4000 : i32
        %lt3A_204 = arith.cmpi slt, %add3A_193, %lt3A_203 : i32
        %convert_element_type3A_205 = arith.extui %lt3A_204 : i1 to i32
        %cond3A_206 = arith.constant 0 : i32
        %cond3A_207 = arith.cmpi ne, %convert_element_type3A_205, %cond3A_206 : i32
        scf.if %cond3A_207 {
          %dma_start3A = arith.constant 0 : i32
          %dma_start3A_389 = arith.constant 0 : i32
          %dma_start3A_390 = tpu.memref_slice %arg6[%dma_start3A, %dma_start3A_389] : memref<8x80xi32, #tpu.memory_space<vmem>> -> memref<1x80xi32, #tpu.memory_space<vmem>>
          %dma_start3A_391 = tpu.memref_squeeze %dma_start3A_390 : memref<1x80xi32, #tpu.memory_space<vmem>> -> memref<80xi32, #tpu.memory_space<vmem>>
          %dma_start3A_392 = arith.constant 0 : i32
          %dma_start3A_393 = arith.constant 0 : i32
          %dma_start3A_394 = tpu.memref_slice %arg2[%dma_start3A_392, %dma_start3A_393] : memref<10000x128xf32, #tpu.memory_space<hbm>> -> memref<10000x128xf32, #tpu.memory_space<hbm>>
          tpu.enqueue_indirect_dma source(%dma_start3A_394 : memref<10000x128xf32, #tpu.memory_space<hbm>>) target(%arg12 : memref<80x128xf32, #tpu.memory_space<vmem>>) offsets(%dma_start3A_391 : memref<80xi32, #tpu.memory_space<vmem>>) semaphore(%arg13 : memref<!tpu.dma_semaphore, #tpu.memory_space<semaphore_mem>>)
        } else {
        }
        %add3A_208 = arith.constant 1 : i32
        %add3A_209 = arith.addi %add3A_180, %add3A_208 : i32
        %sub3A_210 = arith.constant 4 : i32
        %sub3A_211 = arith.subi %add3A_209, %sub3A_210 : i32
        %ge3A_212 = arith.cmpi sge, %sub3A_211, %mul3A_91 : i32
        %lt3A_213 = arith.constant 4000 : i32
        %lt3A_214 = arith.cmpi slt, %sub3A_211, %lt3A_213 : i32
        %and3A_215 = arith.andi %ge3A_212, %lt3A_214 : i1
        %convert_element_type3A_216 = arith.extui %and3A_215 : i1 to i32
        %cond3A_217 = arith.constant 0 : i32
        %cond3A_218 = arith.cmpi ne, %convert_element_type3A_216, %cond3A_217 : i32
        scf.if %cond3A_218 {
          %dma_wait3A = arith.constant 0 : i32
          %dma_wait3A_389 = arith.constant 0 : i32
          %dma_wait3A_390 = tpu.memref_slice %arg7[%dma_wait3A, %dma_wait3A_389] : memref<8x80xi32, #tpu.memory_space<vmem>> -> memref<1x80xi32, #tpu.memory_space<vmem>>
          %dma_wait3A_391 = tpu.memref_squeeze %dma_wait3A_390 : memref<1x80xi32, #tpu.memory_space<vmem>> -> memref<80xi32, #tpu.memory_space<vmem>>
          %dma_wait3A_392 = arith.constant 0 : i32
          %dma_wait3A_393 = arith.constant 0 : i32
          %dma_wait3A_394 = tpu.memref_slice %arg25[%dma_wait3A_392, %dma_wait3A_393] : memref<10000x128xf32, #tpu.memory_space<vmem_shared>> -> memref<10000x128xf32, #tpu.memory_space<vmem_shared>>
          tpu.wait_indirect_dma semaphore(%arg17 : memref<!tpu.dma_semaphore, #tpu.memory_space<semaphore_mem>>) src(%arg15 : memref<80x128xf32, #tpu.memory_space<vmem>>) dst(%dma_wait3A_394 : memref<10000x128xf32, #tpu.memory_space<vmem_shared>>)
        } else {
        }
        %lt3A_219 = arith.constant 4000 : i32
        %lt3A_220 = arith.cmpi slt, %add3A_209, %lt3A_219 : i32
        %convert_element_type3A_221 = arith.extui %lt3A_220 : i1 to i32
        %cond3A_222 = arith.constant 0 : i32
        %cond3A_223 = arith.cmpi ne, %convert_element_type3A_221, %cond3A_222 : i32
        scf.if %cond3A_223 {
          %dma_start3A = arith.constant 1 : i32
          %dma_start3A_389 = arith.constant 0 : i32
          %dma_start3A_390 = tpu.memref_slice %arg6[%dma_start3A, %dma_start3A_389] : memref<8x80xi32, #tpu.memory_space<vmem>> -> memref<1x80xi32, #tpu.memory_space<vmem>>
          %dma_start3A_391 = tpu.memref_squeeze %dma_start3A_390 : memref<1x80xi32, #tpu.memory_space<vmem>> -> memref<80xi32, #tpu.memory_space<vmem>>
          %dma_start3A_392 = arith.constant 0 : i32
          %dma_start3A_393 = arith.constant 0 : i32
          %dma_start3A_394 = tpu.memref_slice %arg2[%dma_start3A_392, %dma_start3A_393] : memref<10000x128xf32, #tpu.memory_space<hbm>> -> memref<10000x128xf32, #tpu.memory_space<hbm>>
          tpu.enqueue_indirect_dma source(%dma_start3A_394 : memref<10000x128xf32, #tpu.memory_space<hbm>>) target(%arg15 : memref<80x128xf32, #tpu.memory_space<vmem>>) offsets(%dma_start3A_391 : memref<80xi32, #tpu.memory_space<vmem>>) semaphore(%arg16 : memref<!tpu.dma_semaphore, #tpu.memory_space<semaphore_mem>>)
        } else {
        }
        %add3A_224 = arith.constant 2 : i32
        %add3A_225 = arith.addi %add3A_180, %add3A_224 : i32
        %sub3A_226 = arith.constant 4 : i32
        %sub3A_227 = arith.subi %add3A_225, %sub3A_226 : i32
        %ge3A_228 = arith.cmpi sge, %sub3A_227, %mul3A_91 : i32
        %lt3A_229 = arith.constant 4000 : i32
        %lt3A_230 = arith.cmpi slt, %sub3A_227, %lt3A_229 : i32
        %and3A_231 = arith.andi %ge3A_228, %lt3A_230 : i1
        %convert_element_type3A_232 = arith.extui %and3A_231 : i1 to i32
        %cond3A_233 = arith.constant 0 : i32
        %cond3A_234 = arith.cmpi ne, %convert_element_type3A_232, %cond3A_233 : i32
        scf.if %cond3A_234 {
          %dma_wait3A = arith.constant 0 : i32
          %dma_wait3A_389 = arith.constant 0 : i32
          %dma_wait3A_390 = tpu.memref_slice %arg7[%dma_wait3A, %dma_wait3A_389] : memref<8x80xi32, #tpu.memory_space<vmem>> -> memref<1x80xi32, #tpu.memory_space<vmem>>
          %dma_wait3A_391 = tpu.memref_squeeze %dma_wait3A_390 : memref<1x80xi32, #tpu.memory_space<vmem>> -> memref<80xi32, #tpu.memory_space<vmem>>
          %dma_wait3A_392 = arith.constant 0 : i32
          %dma_wait3A_393 = arith.constant 0 : i32
          %dma_wait3A_394 = tpu.memref_slice %arg25[%dma_wait3A_392, %dma_wait3A_393] : memref<10000x128xf32, #tpu.memory_space<vmem_shared>> -> memref<10000x128xf32, #tpu.memory_space<vmem_shared>>
          tpu.wait_indirect_dma semaphore(%arg20 : memref<!tpu.dma_semaphore, #tpu.memory_space<semaphore_mem>>) src(%arg18 : memref<80x128xf32, #tpu.memory_space<vmem>>) dst(%dma_wait3A_394 : memref<10000x128xf32, #tpu.memory_space<vmem_shared>>)
        } else {
        }
        %lt3A_235 = arith.constant 4000 : i32
        %lt3A_236 = arith.cmpi slt, %add3A_225, %lt3A_235 : i32
        %convert_element_type3A_237 = arith.extui %lt3A_236 : i1 to i32
        %cond3A_238 = arith.constant 0 : i32
        %cond3A_239 = arith.cmpi ne, %convert_element_type3A_237, %cond3A_238 : i32
        scf.if %cond3A_239 {
          %dma_start3A = arith.constant 2 : i32
          %dma_start3A_389 = arith.constant 0 : i32
          %dma_start3A_390 = tpu.memref_slice %arg6[%dma_start3A, %dma_start3A_389] : memref<8x80xi32, #tpu.memory_space<vmem>> -> memref<1x80xi32, #tpu.memory_space<vmem>>
          %dma_start3A_391 = tpu.memref_squeeze %dma_start3A_390 : memref<1x80xi32, #tpu.memory_space<vmem>> -> memref<80xi32, #tpu.memory_space<vmem>>
          %dma_start3A_392 = arith.constant 0 : i32
          %dma_start3A_393 = arith.constant 0 : i32
          %dma_start3A_394 = tpu.memref_slice %arg2[%dma_start3A_392, %dma_start3A_393] : memref<10000x128xf32, #tpu.memory_space<hbm>> -> memref<10000x128xf32, #tpu.memory_space<hbm>>
          tpu.enqueue_indirect_dma source(%dma_start3A_394 : memref<10000x128xf32, #tpu.memory_space<hbm>>) target(%arg18 : memref<80x128xf32, #tpu.memory_space<vmem>>) offsets(%dma_start3A_391 : memref<80xi32, #tpu.memory_space<vmem>>) semaphore(%arg19 : memref<!tpu.dma_semaphore, #tpu.memory_space<semaphore_mem>>)
        } else {
        }
        %add3A_240 = arith.constant 0 : i32
        %add3A_241 = arith.addi %add3A_180, %add3A_240 : i32
        %lt3A_242 = arith.constant 4000 : i32
        %lt3A_243 = arith.cmpi slt, %add3A_241, %lt3A_242 : i32
        %convert_element_type3A_244 = arith.extui %lt3A_243 : i1 to i32
        %cond3A_245 = arith.constant 0 : i32
        %cond3A_246 = arith.cmpi ne, %convert_element_type3A_244, %cond3A_245 : i32
        scf.if %cond3A_246 {
          %dma_wait3A = arith.constant 0 : i32
          %dma_wait3A_389 = arith.constant 0 : i32
          %dma_wait3A_390 = tpu.memref_slice %arg6[%dma_wait3A, %dma_wait3A_389] : memref<8x80xi32, #tpu.memory_space<vmem>> -> memref<1x80xi32, #tpu.memory_space<vmem>>
          %dma_wait3A_391 = tpu.memref_squeeze %dma_wait3A_390 : memref<1x80xi32, #tpu.memory_space<vmem>> -> memref<80xi32, #tpu.memory_space<vmem>>
          %dma_wait3A_392 = arith.constant 0 : i32
          %dma_wait3A_393 = arith.constant 0 : i32
          %dma_wait3A_394 = tpu.memref_slice %arg2[%dma_wait3A_392, %dma_wait3A_393] : memref<10000x128xf32, #tpu.memory_space<hbm>> -> memref<10000x128xf32, #tpu.memory_space<hbm>>
          tpu.wait_indirect_dma semaphore(%arg13 : memref<!tpu.dma_semaphore, #tpu.memory_space<semaphore_mem>>) src(%dma_wait3A_394 : memref<10000x128xf32, #tpu.memory_space<hbm>>) dst(%arg12 : memref<80x128xf32, #tpu.memory_space<vmem>>)
          %dma_start3A = arith.constant 0 : i32
          %dma_start3A_395 = arith.constant 0 : i32
          %dma_start3A_396 = tpu.memref_slice %arg7[%dma_start3A, %dma_start3A_395] : memref<8x80xi32, #tpu.memory_space<vmem>> -> memref<1x80xi32, #tpu.memory_space<vmem>>
          %dma_start3A_397 = tpu.memref_squeeze %dma_start3A_396 : memref<1x80xi32, #tpu.memory_space<vmem>> -> memref<80xi32, #tpu.memory_space<vmem>>
          %dma_start3A_398 = arith.constant 0 : i32
          %dma_start3A_399 = arith.constant 0 : i32
          %dma_start3A_400 = tpu.memref_slice %arg25[%dma_start3A_398, %dma_start3A_399] : memref<10000x128xf32, #tpu.memory_space<vmem_shared>> -> memref<10000x128xf32, #tpu.memory_space<vmem_shared>>
          tpu.enqueue_indirect_dma source(%arg12 : memref<80x128xf32, #tpu.memory_space<vmem>>) target(%dma_start3A_400 : memref<10000x128xf32, #tpu.memory_space<vmem_shared>>) offsets(%dma_start3A_397 : memref<80xi32, #tpu.memory_space<vmem>>) semaphore(%arg14 : memref<!tpu.dma_semaphore, #tpu.memory_space<semaphore_mem>>) {add = true}
        } else {
        }
        %add3A_247 = arith.constant 3 : i32
        %add3A_248 = arith.addi %add3A_180, %add3A_247 : i32
        %sub3A_249 = arith.constant 4 : i32
        %sub3A_250 = arith.subi %add3A_248, %sub3A_249 : i32
        %ge3A_251 = arith.cmpi sge, %sub3A_250, %mul3A_91 : i32
        %lt3A_252 = arith.constant 4000 : i32
        %lt3A_253 = arith.cmpi slt, %sub3A_250, %lt3A_252 : i32
        %and3A_254 = arith.andi %ge3A_251, %lt3A_253 : i1
        %convert_element_type3A_255 = arith.extui %and3A_254 : i1 to i32
        %cond3A_256 = arith.constant 0 : i32
        %cond3A_257 = arith.cmpi ne, %convert_element_type3A_255, %cond3A_256 : i32
        scf.if %cond3A_257 {
          %dma_wait3A = arith.constant 0 : i32
          %dma_wait3A_389 = arith.constant 0 : i32
          %dma_wait3A_390 = tpu.memref_slice %arg7[%dma_wait3A, %dma_wait3A_389] : memref<8x80xi32, #tpu.memory_space<vmem>> -> memref<1x80xi32, #tpu.memory_space<vmem>>
          %dma_wait3A_391 = tpu.memref_squeeze %dma_wait3A_390 : memref<1x80xi32, #tpu.memory_space<vmem>> -> memref<80xi32, #tpu.memory_space<vmem>>
          %dma_wait3A_392 = arith.constant 0 : i32
          %dma_wait3A_393 = arith.constant 0 : i32
          %dma_wait3A_394 = tpu.memref_slice %arg25[%dma_wait3A_392, %dma_wait3A_393] : memref<10000x128xf32, #tpu.memory_space<vmem_shared>> -> memref<10000x128xf32, #tpu.memory_space<vmem_shared>>
          tpu.wait_indirect_dma semaphore(%arg23 : memref<!tpu.dma_semaphore, #tpu.memory_space<semaphore_mem>>) src(%arg21 : memref<80x128xf32, #tpu.memory_space<vmem>>) dst(%dma_wait3A_394 : memref<10000x128xf32, #tpu.memory_space<vmem_shared>>)
        } else {
        }
        %lt3A_258 = arith.constant 4000 : i32
        %lt3A_259 = arith.cmpi slt, %add3A_248, %lt3A_258 : i32
        %convert_element_type3A_260 = arith.extui %lt3A_259 : i1 to i32
        %cond3A_261 = arith.constant 0 : i32
        %cond3A_262 = arith.cmpi ne, %convert_element_type3A_260, %cond3A_261 : i32
        scf.if %cond3A_262 {
          %dma_start3A = arith.constant 3 : i32
          %dma_start3A_389 = arith.constant 0 : i32
          %dma_start3A_390 = tpu.memref_slice %arg6[%dma_start3A, %dma_start3A_389] : memref<8x80xi32, #tpu.memory_space<vmem>> -> memref<1x80xi32, #tpu.memory_space<vmem>>
          %dma_start3A_391 = tpu.memref_squeeze %dma_start3A_390 : memref<1x80xi32, #tpu.memory_space<vmem>> -> memref<80xi32, #tpu.memory_space<vmem>>
          %dma_start3A_392 = arith.constant 0 : i32
          %dma_start3A_393 = arith.constant 0 : i32
          %dma_start3A_394 = tpu.memref_slice %arg2[%dma_start3A_392, %dma_start3A_393] : memref<10000x128xf32, #tpu.memory_space<hbm>> -> memref<10000x128xf32, #tpu.memory_space<hbm>>
          tpu.enqueue_indirect_dma source(%dma_start3A_394 : memref<10000x128xf32, #tpu.memory_space<hbm>>) target(%arg21 : memref<80x128xf32, #tpu.memory_space<vmem>>) offsets(%dma_start3A_391 : memref<80xi32, #tpu.memory_space<vmem>>) semaphore(%arg22 : memref<!tpu.dma_semaphore, #tpu.memory_space<semaphore_mem>>)
        } else {
        }
        %add3A_263 = arith.constant 1 : i32
        %add3A_264 = arith.addi %add3A_180, %add3A_263 : i32
        %lt3A_265 = arith.constant 4000 : i32
        %lt3A_266 = arith.cmpi slt, %add3A_264, %lt3A_265 : i32
        %convert_element_type3A_267 = arith.extui %lt3A_266 : i1 to i32
        %cond3A_268 = arith.constant 0 : i32
        %cond3A_269 = arith.cmpi ne, %convert_element_type3A_267, %cond3A_268 : i32
        scf.if %cond3A_269 {
          %dma_wait3A = arith.constant 1 : i32
          %dma_wait3A_389 = arith.constant 0 : i32
          %dma_wait3A_390 = tpu.memref_slice %arg6[%dma_wait3A, %dma_wait3A_389] : memref<8x80xi32, #tpu.memory_space<vmem>> -> memref<1x80xi32, #tpu.memory_space<vmem>>
          %dma_wait3A_391 = tpu.memref_squeeze %dma_wait3A_390 : memref<1x80xi32, #tpu.memory_space<vmem>> -> memref<80xi32, #tpu.memory_space<vmem>>
          %dma_wait3A_392 = arith.constant 0 : i32
          %dma_wait3A_393 = arith.constant 0 : i32
          %dma_wait3A_394 = tpu.memref_slice %arg2[%dma_wait3A_392, %dma_wait3A_393] : memref<10000x128xf32, #tpu.memory_space<hbm>> -> memref<10000x128xf32, #tpu.memory_space<hbm>>
          tpu.wait_indirect_dma semaphore(%arg16 : memref<!tpu.dma_semaphore, #tpu.memory_space<semaphore_mem>>) src(%dma_wait3A_394 : memref<10000x128xf32, #tpu.memory_space<hbm>>) dst(%arg15 : memref<80x128xf32, #tpu.memory_space<vmem>>)
          %dma_start3A = arith.constant 1 : i32
          %dma_start3A_395 = arith.constant 0 : i32
          %dma_start3A_396 = tpu.memref_slice %arg7[%dma_start3A, %dma_start3A_395] : memref<8x80xi32, #tpu.memory_space<vmem>> -> memref<1x80xi32, #tpu.memory_space<vmem>>
          %dma_start3A_397 = tpu.memref_squeeze %dma_start3A_396 : memref<1x80xi32, #tpu.memory_space<vmem>> -> memref<80xi32, #tpu.memory_space<vmem>>
          %dma_start3A_398 = arith.constant 0 : i32
          %dma_start3A_399 = arith.constant 0 : i32
          %dma_start3A_400 = tpu.memref_slice %arg25[%dma_start3A_398, %dma_start3A_399] : memref<10000x128xf32, #tpu.memory_space<vmem_shared>> -> memref<10000x128xf32, #tpu.memory_space<vmem_shared>>
          tpu.enqueue_indirect_dma source(%arg15 : memref<80x128xf32, #tpu.memory_space<vmem>>) target(%dma_start3A_400 : memref<10000x128xf32, #tpu.memory_space<vmem_shared>>) offsets(%dma_start3A_397 : memref<80xi32, #tpu.memory_space<vmem>>) semaphore(%arg17 : memref<!tpu.dma_semaphore, #tpu.memory_space<semaphore_mem>>) {add = true}
        } else {
        }
        %add3A_270 = arith.constant 1 : i32
        %add3A_271 = arith.addi %add3A_165, %add3A_270 : i32
        %lt3A_272 = arith.constant 16 : i32
        %lt3A_273 = arith.cmpi slt, %add3A_271, %lt3A_272 : i32
        %mul3A_274 = arith.constant 8 : i32
        %mul3A_275 = arith.muli %add3A_271, %mul3A_274 : i32
        %add3A_276 = arith.addi %mul3A_91, %mul3A_275 : i32
        %lt3A_277 = arith.constant 4000 : i32
        %lt3A_278 = arith.cmpi slt, %add3A_276, %lt3A_277 : i32
        %and3A_279 = arith.andi %lt3A_273, %lt3A_278 : i1
        %convert_element_type3A_280 = arith.extui %and3A_279 : i1 to i32
        %cond3A_281 = arith.constant 0 : i32
        %cond3A_282 = arith.cmpi ne, %convert_element_type3A_280, %cond3A_281 : i32
        scf.if %cond3A_282 {
          %mul3A_389 = arith.constant 8 : i32
          %mul3A_390 = arith.muli %add3A_271, %mul3A_389 : i32
          %add3A_391 = arith.addi %mul3A_91, %mul3A_390 : i32
          %dma_start3A = arith.constant 0 : i32
          %dma_start3A_392 = tpu.memref_slice %arg3[%add3A_391, %dma_start3A] : memref<4096x80xi32, #tpu.memory_space<hbm>> -> memref<8x80xi32, #tpu.memory_space<hbm>>
          %dma_start3A_393 = arith.constant 0 : i32
          %dma_start3A_394 = tpu.memref_slice %arg3[%add3A_391, %dma_start3A_393] : memref<4096x80xi32, #tpu.memory_space<hbm>> -> memref<8x80xi32, #tpu.memory_space<hbm>>
          tpu.enqueue_dma source(%dma_start3A_394 : memref<8x80xi32, #tpu.memory_space<hbm>>) target(%arg9 : memref<8x80xi32, #tpu.memory_space<vmem>>) target_semaphore(%arg11 : memref<!tpu.dma_semaphore, #tpu.memory_space<semaphore_mem>>)
          %mul3A_395 = arith.constant 8 : i32
          %mul3A_396 = arith.muli %add3A_271, %mul3A_395 : i32
          %add3A_397 = arith.addi %mul3A_91, %mul3A_396 : i32
          %dma_start3A_398 = arith.constant 0 : i32
          %dma_start3A_399 = tpu.memref_slice %arg4[%add3A_397, %dma_start3A_398] : memref<4096x80xi32, #tpu.memory_space<hbm>> -> memref<8x80xi32, #tpu.memory_space<hbm>>
          %dma_start3A_400 = arith.constant 0 : i32
          %dma_start3A_401 = tpu.memref_slice %arg4[%add3A_397, %dma_start3A_400] : memref<4096x80xi32, #tpu.memory_space<hbm>> -> memref<8x80xi32, #tpu.memory_space<hbm>>
          tpu.enqueue_dma source(%dma_start3A_401 : memref<8x80xi32, #tpu.memory_space<hbm>>) target(%arg10 : memref<8x80xi32, #tpu.memory_space<vmem>>) target_semaphore(%arg11 : memref<!tpu.dma_semaphore, #tpu.memory_space<semaphore_mem>>)
        } else {
        }
        %add3A_283 = arith.constant 4 : i32
        %add3A_284 = arith.addi %add3A_180, %add3A_283 : i32
        %sub3A_285 = arith.constant 4 : i32
        %sub3A_286 = arith.subi %add3A_284, %sub3A_285 : i32
        %ge3A_287 = arith.cmpi sge, %sub3A_286, %mul3A_91 : i32
        %lt3A_288 = arith.constant 4000 : i32
        %lt3A_289 = arith.cmpi slt, %sub3A_286, %lt3A_288 : i32
        %and3A_290 = arith.andi %ge3A_287, %lt3A_289 : i1
        %convert_element_type3A_291 = arith.extui %and3A_290 : i1 to i32
        %cond3A_292 = arith.constant 0 : i32
        %cond3A_293 = arith.cmpi ne, %convert_element_type3A_291, %cond3A_292 : i32
        scf.if %cond3A_293 {
          %dma_wait3A = arith.constant 0 : i32
          %dma_wait3A_389 = arith.constant 0 : i32
          %dma_wait3A_390 = tpu.memref_slice %arg7[%dma_wait3A, %dma_wait3A_389] : memref<8x80xi32, #tpu.memory_space<vmem>> -> memref<1x80xi32, #tpu.memory_space<vmem>>
          %dma_wait3A_391 = tpu.memref_squeeze %dma_wait3A_390 : memref<1x80xi32, #tpu.memory_space<vmem>> -> memref<80xi32, #tpu.memory_space<vmem>>
          %dma_wait3A_392 = arith.constant 0 : i32
          %dma_wait3A_393 = arith.constant 0 : i32
          %dma_wait3A_394 = tpu.memref_slice %arg25[%dma_wait3A_392, %dma_wait3A_393] : memref<10000x128xf32, #tpu.memory_space<vmem_shared>> -> memref<10000x128xf32, #tpu.memory_space<vmem_shared>>
          tpu.wait_indirect_dma semaphore(%arg14 : memref<!tpu.dma_semaphore, #tpu.memory_space<semaphore_mem>>) src(%arg12 : memref<80x128xf32, #tpu.memory_space<vmem>>) dst(%dma_wait3A_394 : memref<10000x128xf32, #tpu.memory_space<vmem_shared>>)
        } else {
        }
        %lt3A_294 = arith.constant 4000 : i32
        %lt3A_295 = arith.cmpi slt, %add3A_284, %lt3A_294 : i32
        %convert_element_type3A_296 = arith.extui %lt3A_295 : i1 to i32
        %cond3A_297 = arith.constant 0 : i32
        %cond3A_298 = arith.cmpi ne, %convert_element_type3A_296, %cond3A_297 : i32
        scf.if %cond3A_298 {
          %dma_start3A = arith.constant 4 : i32
          %dma_start3A_389 = arith.constant 0 : i32
          %dma_start3A_390 = tpu.memref_slice %arg6[%dma_start3A, %dma_start3A_389] : memref<8x80xi32, #tpu.memory_space<vmem>> -> memref<1x80xi32, #tpu.memory_space<vmem>>
          %dma_start3A_391 = tpu.memref_squeeze %dma_start3A_390 : memref<1x80xi32, #tpu.memory_space<vmem>> -> memref<80xi32, #tpu.memory_space<vmem>>
          %dma_start3A_392 = arith.constant 0 : i32
          %dma_start3A_393 = arith.constant 0 : i32
          %dma_start3A_394 = tpu.memref_slice %arg2[%dma_start3A_392, %dma_start3A_393] : memref<10000x128xf32, #tpu.memory_space<hbm>> -> memref<10000x128xf32, #tpu.memory_space<hbm>>
          tpu.enqueue_indirect_dma source(%dma_start3A_394 : memref<10000x128xf32, #tpu.memory_space<hbm>>) target(%arg12 : memref<80x128xf32, #tpu.memory_space<vmem>>) offsets(%dma_start3A_391 : memref<80xi32, #tpu.memory_space<vmem>>) semaphore(%arg13 : memref<!tpu.dma_semaphore, #tpu.memory_space<semaphore_mem>>)
        } else {
        }
        %add3A_299 = arith.constant 2 : i32
        %add3A_300 = arith.addi %add3A_180, %add3A_299 : i32
        %lt3A_301 = arith.constant 4000 : i32
        %lt3A_302 = arith.cmpi slt, %add3A_300, %lt3A_301 : i32
        %convert_element_type3A_303 = arith.extui %lt3A_302 : i1 to i32
        %cond3A_304 = arith.constant 0 : i32
        %cond3A_305 = arith.cmpi ne, %convert_element_type3A_303, %cond3A_304 : i32
        scf.if %cond3A_305 {
          %dma_wait3A = arith.constant 2 : i32
          %dma_wait3A_389 = arith.constant 0 : i32
          %dma_wait3A_390 = tpu.memref_slice %arg6[%dma_wait3A, %dma_wait3A_389] : memref<8x80xi32, #tpu.memory_space<vmem>> -> memref<1x80xi32, #tpu.memory_space<vmem>>
          %dma_wait3A_391 = tpu.memref_squeeze %dma_wait3A_390 : memref<1x80xi32, #tpu.memory_space<vmem>> -> memref<80xi32, #tpu.memory_space<vmem>>
          %dma_wait3A_392 = arith.constant 0 : i32
          %dma_wait3A_393 = arith.constant 0 : i32
          %dma_wait3A_394 = tpu.memref_slice %arg2[%dma_wait3A_392, %dma_wait3A_393] : memref<10000x128xf32, #tpu.memory_space<hbm>> -> memref<10000x128xf32, #tpu.memory_space<hbm>>
          tpu.wait_indirect_dma semaphore(%arg19 : memref<!tpu.dma_semaphore, #tpu.memory_space<semaphore_mem>>) src(%dma_wait3A_394 : memref<10000x128xf32, #tpu.memory_space<hbm>>) dst(%arg18 : memref<80x128xf32, #tpu.memory_space<vmem>>)
          %dma_start3A = arith.constant 2 : i32
          %dma_start3A_395 = arith.constant 0 : i32
          %dma_start3A_396 = tpu.memref_slice %arg7[%dma_start3A, %dma_start3A_395] : memref<8x80xi32, #tpu.memory_space<vmem>> -> memref<1x80xi32, #tpu.memory_space<vmem>>
          %dma_start3A_397 = tpu.memref_squeeze %dma_start3A_396 : memref<1x80xi32, #tpu.memory_space<vmem>> -> memref<80xi32, #tpu.memory_space<vmem>>
          %dma_start3A_398 = arith.constant 0 : i32
          %dma_start3A_399 = arith.constant 0 : i32
          %dma_start3A_400 = tpu.memref_slice %arg25[%dma_start3A_398, %dma_start3A_399] : memref<10000x128xf32, #tpu.memory_space<vmem_shared>> -> memref<10000x128xf32, #tpu.memory_space<vmem_shared>>
          tpu.enqueue_indirect_dma source(%arg18 : memref<80x128xf32, #tpu.memory_space<vmem>>) target(%dma_start3A_400 : memref<10000x128xf32, #tpu.memory_space<vmem_shared>>) offsets(%dma_start3A_397 : memref<80xi32, #tpu.memory_space<vmem>>) semaphore(%arg20 : memref<!tpu.dma_semaphore, #tpu.memory_space<semaphore_mem>>) {add = true}
        } else {
        }
        %add3A_306 = arith.constant 5 : i32
        %add3A_307 = arith.addi %add3A_180, %add3A_306 : i32
        %sub3A_308 = arith.constant 4 : i32
        %sub3A_309 = arith.subi %add3A_307, %sub3A_308 : i32
        %ge3A_310 = arith.cmpi sge, %sub3A_309, %mul3A_91 : i32
        %lt3A_311 = arith.constant 4000 : i32
        %lt3A_312 = arith.cmpi slt, %sub3A_309, %lt3A_311 : i32
        %and3A_313 = arith.andi %ge3A_310, %lt3A_312 : i1
        %convert_element_type3A_314 = arith.extui %and3A_313 : i1 to i32
        %cond3A_315 = arith.constant 0 : i32
        %cond3A_316 = arith.cmpi ne, %convert_element_type3A_314, %cond3A_315 : i32
        scf.if %cond3A_316 {
          %dma_wait3A = arith.constant 0 : i32
          %dma_wait3A_389 = arith.constant 0 : i32
          %dma_wait3A_390 = tpu.memref_slice %arg7[%dma_wait3A, %dma_wait3A_389] : memref<8x80xi32, #tpu.memory_space<vmem>> -> memref<1x80xi32, #tpu.memory_space<vmem>>
          %dma_wait3A_391 = tpu.memref_squeeze %dma_wait3A_390 : memref<1x80xi32, #tpu.memory_space<vmem>> -> memref<80xi32, #tpu.memory_space<vmem>>
          %dma_wait3A_392 = arith.constant 0 : i32
          %dma_wait3A_393 = arith.constant 0 : i32
          %dma_wait3A_394 = tpu.memref_slice %arg25[%dma_wait3A_392, %dma_wait3A_393] : memref<10000x128xf32, #tpu.memory_space<vmem_shared>> -> memref<10000x128xf32, #tpu.memory_space<vmem_shared>>
          tpu.wait_indirect_dma semaphore(%arg17 : memref<!tpu.dma_semaphore, #tpu.memory_space<semaphore_mem>>) src(%arg15 : memref<80x128xf32, #tpu.memory_space<vmem>>) dst(%dma_wait3A_394 : memref<10000x128xf32, #tpu.memory_space<vmem_shared>>)
        } else {
        }
        %lt3A_317 = arith.constant 4000 : i32
        %lt3A_318 = arith.cmpi slt, %add3A_307, %lt3A_317 : i32
        %convert_element_type3A_319 = arith.extui %lt3A_318 : i1 to i32
        %cond3A_320 = arith.constant 0 : i32
        %cond3A_321 = arith.cmpi ne, %convert_element_type3A_319, %cond3A_320 : i32
        scf.if %cond3A_321 {
          %dma_start3A = arith.constant 5 : i32
          %dma_start3A_389 = arith.constant 0 : i32
          %dma_start3A_390 = tpu.memref_slice %arg6[%dma_start3A, %dma_start3A_389] : memref<8x80xi32, #tpu.memory_space<vmem>> -> memref<1x80xi32, #tpu.memory_space<vmem>>
          %dma_start3A_391 = tpu.memref_squeeze %dma_start3A_390 : memref<1x80xi32, #tpu.memory_space<vmem>> -> memref<80xi32, #tpu.memory_space<vmem>>
          %dma_start3A_392 = arith.constant 0 : i32
          %dma_start3A_393 = arith.constant 0 : i32
          %dma_start3A_394 = tpu.memref_slice %arg2[%dma_start3A_392, %dma_start3A_393] : memref<10000x128xf32, #tpu.memory_space<hbm>> -> memref<10000x128xf32, #tpu.memory_space<hbm>>
          tpu.enqueue_indirect_dma source(%dma_start3A_394 : memref<10000x128xf32, #tpu.memory_space<hbm>>) target(%arg15 : memref<80x128xf32, #tpu.memory_space<vmem>>) offsets(%dma_start3A_391 : memref<80xi32, #tpu.memory_space<vmem>>) semaphore(%arg16 : memref<!tpu.dma_semaphore, #tpu.memory_space<semaphore_mem>>)
        } else {
        }
        %add3A_322 = arith.constant 3 : i32
        %add3A_323 = arith.addi %add3A_180, %add3A_322 : i32
        %lt3A_324 = arith.constant 4000 : i32
        %lt3A_325 = arith.cmpi slt, %add3A_323, %lt3A_324 : i32
        %convert_element_type3A_326 = arith.extui %lt3A_325 : i1 to i32
        %cond3A_327 = arith.constant 0 : i32
        %cond3A_328 = arith.cmpi ne, %convert_element_type3A_326, %cond3A_327 : i32
        scf.if %cond3A_328 {
          %dma_wait3A = arith.constant 3 : i32
          %dma_wait3A_389 = arith.constant 0 : i32
          %dma_wait3A_390 = tpu.memref_slice %arg6[%dma_wait3A, %dma_wait3A_389] : memref<8x80xi32, #tpu.memory_space<vmem>> -> memref<1x80xi32, #tpu.memory_space<vmem>>
          %dma_wait3A_391 = tpu.memref_squeeze %dma_wait3A_390 : memref<1x80xi32, #tpu.memory_space<vmem>> -> memref<80xi32, #tpu.memory_space<vmem>>
          %dma_wait3A_392 = arith.constant 0 : i32
          %dma_wait3A_393 = arith.constant 0 : i32
          %dma_wait3A_394 = tpu.memref_slice %arg2[%dma_wait3A_392, %dma_wait3A_393] : memref<10000x128xf32, #tpu.memory_space<hbm>> -> memref<10000x128xf32, #tpu.memory_space<hbm>>
          tpu.wait_indirect_dma semaphore(%arg22 : memref<!tpu.dma_semaphore, #tpu.memory_space<semaphore_mem>>) src(%dma_wait3A_394 : memref<10000x128xf32, #tpu.memory_space<hbm>>) dst(%arg21 : memref<80x128xf32, #tpu.memory_space<vmem>>)
          %dma_start3A = arith.constant 3 : i32
          %dma_start3A_395 = arith.constant 0 : i32
          %dma_start3A_396 = tpu.memref_slice %arg7[%dma_start3A, %dma_start3A_395] : memref<8x80xi32, #tpu.memory_space<vmem>> -> memref<1x80xi32, #tpu.memory_space<vmem>>
          %dma_start3A_397 = tpu.memref_squeeze %dma_start3A_396 : memref<1x80xi32, #tpu.memory_space<vmem>> -> memref<80xi32, #tpu.memory_space<vmem>>
          %dma_start3A_398 = arith.constant 0 : i32
          %dma_start3A_399 = arith.constant 0 : i32
          %dma_start3A_400 = tpu.memref_slice %arg25[%dma_start3A_398, %dma_start3A_399] : memref<10000x128xf32, #tpu.memory_space<vmem_shared>> -> memref<10000x128xf32, #tpu.memory_space<vmem_shared>>
          tpu.enqueue_indirect_dma source(%arg21 : memref<80x128xf32, #tpu.memory_space<vmem>>) target(%dma_start3A_400 : memref<10000x128xf32, #tpu.memory_space<vmem_shared>>) offsets(%dma_start3A_397 : memref<80xi32, #tpu.memory_space<vmem>>) semaphore(%arg23 : memref<!tpu.dma_semaphore, #tpu.memory_space<semaphore_mem>>) {add = true}
        } else {
        }
        %add3A_329 = arith.constant 6 : i32
        %add3A_330 = arith.addi %add3A_180, %add3A_329 : i32
        %sub3A_331 = arith.constant 4 : i32
        %sub3A_332 = arith.subi %add3A_330, %sub3A_331 : i32
        %ge3A_333 = arith.cmpi sge, %sub3A_332, %mul3A_91 : i32
        %lt3A_334 = arith.constant 4000 : i32
        %lt3A_335 = arith.cmpi slt, %sub3A_332, %lt3A_334 : i32
        %and3A_336 = arith.andi %ge3A_333, %lt3A_335 : i1
        %convert_element_type3A_337 = arith.extui %and3A_336 : i1 to i32
        %cond3A_338 = arith.constant 0 : i32
        %cond3A_339 = arith.cmpi ne, %convert_element_type3A_337, %cond3A_338 : i32
        scf.if %cond3A_339 {
          %dma_wait3A = arith.constant 0 : i32
          %dma_wait3A_389 = arith.constant 0 : i32
          %dma_wait3A_390 = tpu.memref_slice %arg7[%dma_wait3A, %dma_wait3A_389] : memref<8x80xi32, #tpu.memory_space<vmem>> -> memref<1x80xi32, #tpu.memory_space<vmem>>
          %dma_wait3A_391 = tpu.memref_squeeze %dma_wait3A_390 : memref<1x80xi32, #tpu.memory_space<vmem>> -> memref<80xi32, #tpu.memory_space<vmem>>
          %dma_wait3A_392 = arith.constant 0 : i32
          %dma_wait3A_393 = arith.constant 0 : i32
          %dma_wait3A_394 = tpu.memref_slice %arg25[%dma_wait3A_392, %dma_wait3A_393] : memref<10000x128xf32, #tpu.memory_space<vmem_shared>> -> memref<10000x128xf32, #tpu.memory_space<vmem_shared>>
          tpu.wait_indirect_dma semaphore(%arg20 : memref<!tpu.dma_semaphore, #tpu.memory_space<semaphore_mem>>) src(%arg18 : memref<80x128xf32, #tpu.memory_space<vmem>>) dst(%dma_wait3A_394 : memref<10000x128xf32, #tpu.memory_space<vmem_shared>>)
        } else {
        }
        %lt3A_340 = arith.constant 4000 : i32
        %lt3A_341 = arith.cmpi slt, %add3A_330, %lt3A_340 : i32
        %convert_element_type3A_342 = arith.extui %lt3A_341 : i1 to i32
        %cond3A_343 = arith.constant 0 : i32
        %cond3A_344 = arith.cmpi ne, %convert_element_type3A_342, %cond3A_343 : i32
        scf.if %cond3A_344 {
          %dma_start3A = arith.constant 6 : i32
          %dma_start3A_389 = arith.constant 0 : i32
          %dma_start3A_390 = tpu.memref_slice %arg6[%dma_start3A, %dma_start3A_389] : memref<8x80xi32, #tpu.memory_space<vmem>> -> memref<1x80xi32, #tpu.memory_space<vmem>>
          %dma_start3A_391 = tpu.memref_squeeze %dma_start3A_390 : memref<1x80xi32, #tpu.memory_space<vmem>> -> memref<80xi32, #tpu.memory_space<vmem>>
          %dma_start3A_392 = arith.constant 0 : i32
          %dma_start3A_393 = arith.constant 0 : i32
          %dma_start3A_394 = tpu.memref_slice %arg2[%dma_start3A_392, %dma_start3A_393] : memref<10000x128xf32, #tpu.memory_space<hbm>> -> memref<10000x128xf32, #tpu.memory_space<hbm>>
          tpu.enqueue_indirect_dma source(%dma_start3A_394 : memref<10000x128xf32, #tpu.memory_space<hbm>>) target(%arg18 : memref<80x128xf32, #tpu.memory_space<vmem>>) offsets(%dma_start3A_391 : memref<80xi32, #tpu.memory_space<vmem>>) semaphore(%arg19 : memref<!tpu.dma_semaphore, #tpu.memory_space<semaphore_mem>>)
        } else {
        }
        %add3A_345 = arith.constant 4 : i32
        %add3A_346 = arith.addi %add3A_180, %add3A_345 : i32
        %lt3A_347 = arith.constant 4000 : i32
        %lt3A_348 = arith.cmpi slt, %add3A_346, %lt3A_347 : i32
        %convert_element_type3A_349 = arith.extui %lt3A_348 : i1 to i32
        %cond3A_350 = arith.constant 0 : i32
        %cond3A_351 = arith.cmpi ne, %convert_element_type3A_349, %cond3A_350 : i32
        scf.if %cond3A_351 {
          %dma_wait3A = arith.constant 4 : i32
          %dma_wait3A_389 = arith.constant 0 : i32
          %dma_wait3A_390 = tpu.memref_slice %arg6[%dma_wait3A, %dma_wait3A_389] : memref<8x80xi32, #tpu.memory_space<vmem>> -> memref<1x80xi32, #tpu.memory_space<vmem>>
          %dma_wait3A_391 = tpu.memref_squeeze %dma_wait3A_390 : memref<1x80xi32, #tpu.memory_space<vmem>> -> memref<80xi32, #tpu.memory_space<vmem>>
          %dma_wait3A_392 = arith.constant 0 : i32
          %dma_wait3A_393 = arith.constant 0 : i32
          %dma_wait3A_394 = tpu.memref_slice %arg2[%dma_wait3A_392, %dma_wait3A_393] : memref<10000x128xf32, #tpu.memory_space<hbm>> -> memref<10000x128xf32, #tpu.memory_space<hbm>>
          tpu.wait_indirect_dma semaphore(%arg13 : memref<!tpu.dma_semaphore, #tpu.memory_space<semaphore_mem>>) src(%dma_wait3A_394 : memref<10000x128xf32, #tpu.memory_space<hbm>>) dst(%arg12 : memref<80x128xf32, #tpu.memory_space<vmem>>)
          %dma_start3A = arith.constant 4 : i32
          %dma_start3A_395 = arith.constant 0 : i32
          %dma_start3A_396 = tpu.memref_slice %arg7[%dma_start3A, %dma_start3A_395] : memref<8x80xi32, #tpu.memory_space<vmem>> -> memref<1x80xi32, #tpu.memory_space<vmem>>
          %dma_start3A_397 = tpu.memref_squeeze %dma_start3A_396 : memref<1x80xi32, #tpu.memory_space<vmem>> -> memref<80xi32, #tpu.memory_space<vmem>>
          %dma_start3A_398 = arith.constant 0 : i32
          %dma_start3A_399 = arith.constant 0 : i32
          %dma_start3A_400 = tpu.memref_slice %arg25[%dma_start3A_398, %dma_start3A_399] : memref<10000x128xf32, #tpu.memory_space<vmem_shared>> -> memref<10000x128xf32, #tpu.memory_space<vmem_shared>>
          tpu.enqueue_indirect_dma source(%arg12 : memref<80x128xf32, #tpu.memory_space<vmem>>) target(%dma_start3A_400 : memref<10000x128xf32, #tpu.memory_space<vmem_shared>>) offsets(%dma_start3A_397 : memref<80xi32, #tpu.memory_space<vmem>>) semaphore(%arg14 : memref<!tpu.dma_semaphore, #tpu.memory_space<semaphore_mem>>) {add = true}
        } else {
        }
        %add3A_352 = arith.constant 7 : i32
        %add3A_353 = arith.addi %add3A_180, %add3A_352 : i32
        %sub3A_354 = arith.constant 4 : i32
        %sub3A_355 = arith.subi %add3A_353, %sub3A_354 : i32
        %ge3A_356 = arith.cmpi sge, %sub3A_355, %mul3A_91 : i32
        %lt3A_357 = arith.constant 4000 : i32
        %lt3A_358 = arith.cmpi slt, %sub3A_355, %lt3A_357 : i32
        %and3A_359 = arith.andi %ge3A_356, %lt3A_358 : i1
        %convert_element_type3A_360 = arith.extui %and3A_359 : i1 to i32
        %cond3A_361 = arith.constant 0 : i32
        %cond3A_362 = arith.cmpi ne, %convert_element_type3A_360, %cond3A_361 : i32
        scf.if %cond3A_362 {
          %dma_wait3A = arith.constant 0 : i32
          %dma_wait3A_389 = arith.constant 0 : i32
          %dma_wait3A_390 = tpu.memref_slice %arg7[%dma_wait3A, %dma_wait3A_389] : memref<8x80xi32, #tpu.memory_space<vmem>> -> memref<1x80xi32, #tpu.memory_space<vmem>>
          %dma_wait3A_391 = tpu.memref_squeeze %dma_wait3A_390 : memref<1x80xi32, #tpu.memory_space<vmem>> -> memref<80xi32, #tpu.memory_space<vmem>>
          %dma_wait3A_392 = arith.constant 0 : i32
          %dma_wait3A_393 = arith.constant 0 : i32
          %dma_wait3A_394 = tpu.memref_slice %arg25[%dma_wait3A_392, %dma_wait3A_393] : memref<10000x128xf32, #tpu.memory_space<vmem_shared>> -> memref<10000x128xf32, #tpu.memory_space<vmem_shared>>
          tpu.wait_indirect_dma semaphore(%arg23 : memref<!tpu.dma_semaphore, #tpu.memory_space<semaphore_mem>>) src(%arg21 : memref<80x128xf32, #tpu.memory_space<vmem>>) dst(%dma_wait3A_394 : memref<10000x128xf32, #tpu.memory_space<vmem_shared>>)
        } else {
        }
        %lt3A_363 = arith.constant 4000 : i32
        %lt3A_364 = arith.cmpi slt, %add3A_353, %lt3A_363 : i32
        %convert_element_type3A_365 = arith.extui %lt3A_364 : i1 to i32
        %cond3A_366 = arith.constant 0 : i32
        %cond3A_367 = arith.cmpi ne, %convert_element_type3A_365, %cond3A_366 : i32
        scf.if %cond3A_367 {
          %dma_start3A = arith.constant 7 : i32
          %dma_start3A_389 = arith.constant 0 : i32
          %dma_start3A_390 = tpu.memref_slice %arg6[%dma_start3A, %dma_start3A_389] : memref<8x80xi32, #tpu.memory_space<vmem>> -> memref<1x80xi32, #tpu.memory_space<vmem>>
          %dma_start3A_391 = tpu.memref_squeeze %dma_start3A_390 : memref<1x80xi32, #tpu.memory_space<vmem>> -> memref<80xi32, #tpu.memory_space<vmem>>
          %dma_start3A_392 = arith.constant 0 : i32
          %dma_start3A_393 = arith.constant 0 : i32
          %dma_start3A_394 = tpu.memref_slice %arg2[%dma_start3A_392, %dma_start3A_393] : memref<10000x128xf32, #tpu.memory_space<hbm>> -> memref<10000x128xf32, #tpu.memory_space<hbm>>
          tpu.enqueue_indirect_dma source(%dma_start3A_394 : memref<10000x128xf32, #tpu.memory_space<hbm>>) target(%arg21 : memref<80x128xf32, #tpu.memory_space<vmem>>) offsets(%dma_start3A_391 : memref<80xi32, #tpu.memory_space<vmem>>) semaphore(%arg22 : memref<!tpu.dma_semaphore, #tpu.memory_space<semaphore_mem>>)
        } else {
        }
        %add3A_368 = arith.constant 5 : i32
        %add3A_369 = arith.addi %add3A_180, %add3A_368 : i32
        %lt3A_370 = arith.constant 4000 : i32
        %lt3A_371 = arith.cmpi slt, %add3A_369, %lt3A_370 : i32
        %convert_element_type3A_372 = arith.extui %lt3A_371 : i1 to i32
        %cond3A_373 = arith.constant 0 : i32
        %cond3A_374 = arith.cmpi ne, %convert_element_type3A_372, %cond3A_373 : i32
        scf.if %cond3A_374 {
          %dma_wait3A = arith.constant 5 : i32
          %dma_wait3A_389 = arith.constant 0 : i32
          %dma_wait3A_390 = tpu.memref_slice %arg6[%dma_wait3A, %dma_wait3A_389] : memref<8x80xi32, #tpu.memory_space<vmem>> -> memref<1x80xi32, #tpu.memory_space<vmem>>
          %dma_wait3A_391 = tpu.memref_squeeze %dma_wait3A_390 : memref<1x80xi32, #tpu.memory_space<vmem>> -> memref<80xi32, #tpu.memory_space<vmem>>
          %dma_wait3A_392 = arith.constant 0 : i32
          %dma_wait3A_393 = arith.constant 0 : i32
          %dma_wait3A_394 = tpu.memref_slice %arg2[%dma_wait3A_392, %dma_wait3A_393] : memref<10000x128xf32, #tpu.memory_space<hbm>> -> memref<10000x128xf32, #tpu.memory_space<hbm>>
          tpu.wait_indirect_dma semaphore(%arg16 : memref<!tpu.dma_semaphore, #tpu.memory_space<semaphore_mem>>) src(%dma_wait3A_394 : memref<10000x128xf32, #tpu.memory_space<hbm>>) dst(%arg15 : memref<80x128xf32, #tpu.memory_space<vmem>>)
          %dma_start3A = arith.constant 5 : i32
          %dma_start3A_395 = arith.constant 0 : i32
          %dma_start3A_396 = tpu.memref_slice %arg7[%dma_start3A, %dma_start3A_395] : memref<8x80xi32, #tpu.memory_space<vmem>> -> memref<1x80xi32, #tpu.memory_space<vmem>>
          %dma_start3A_397 = tpu.memref_squeeze %dma_start3A_396 : memref<1x80xi32, #tpu.memory_space<vmem>> -> memref<80xi32, #tpu.memory_space<vmem>>
          %dma_start3A_398 = arith.constant 0 : i32
          %dma_start3A_399 = arith.constant 0 : i32
          %dma_start3A_400 = tpu.memref_slice %arg25[%dma_start3A_398, %dma_start3A_399] : memref<10000x128xf32, #tpu.memory_space<vmem_shared>> -> memref<10000x128xf32, #tpu.memory_space<vmem_shared>>
          tpu.enqueue_indirect_dma source(%arg15 : memref<80x128xf32, #tpu.memory_space<vmem>>) target(%dma_start3A_400 : memref<10000x128xf32, #tpu.memory_space<vmem_shared>>) offsets(%dma_start3A_397 : memref<80xi32, #tpu.memory_space<vmem>>) semaphore(%arg17 : memref<!tpu.dma_semaphore, #tpu.memory_space<semaphore_mem>>) {add = true}
        } else {
        }
        %add3A_375 = arith.constant 6 : i32
        %add3A_376 = arith.addi %add3A_180, %add3A_375 : i32
        %lt3A_377 = arith.constant 4000 : i32
        %lt3A_378 = arith.cmpi slt, %add3A_376, %lt3A_377 : i32
        %convert_element_type3A_379 = arith.extui %lt3A_378 : i1 to i32
        %cond3A_380 = arith.constant 0 : i32
        %cond3A_381 = arith.cmpi ne, %convert_element_type3A_379, %cond3A_380 : i32
        scf.if %cond3A_381 {
          %dma_wait3A = arith.constant 6 : i32
          %dma_wait3A_389 = arith.constant 0 : i32
          %dma_wait3A_390 = tpu.memref_slice %arg6[%dma_wait3A, %dma_wait3A_389] : memref<8x80xi32, #tpu.memory_space<vmem>> -> memref<1x80xi32, #tpu.memory_space<vmem>>
          %dma_wait3A_391 = tpu.memref_squeeze %dma_wait3A_390 : memref<1x80xi32, #tpu.memory_space<vmem>> -> memref<80xi32, #tpu.memory_space<vmem>>
          %dma_wait3A_392 = arith.constant 0 : i32
          %dma_wait3A_393 = arith.constant 0 : i32
          %dma_wait3A_394 = tpu.memref_slice %arg2[%dma_wait3A_392, %dma_wait3A_393] : memref<10000x128xf32, #tpu.memory_space<hbm>> -> memref<10000x128xf32, #tpu.memory_space<hbm>>
          tpu.wait_indirect_dma semaphore(%arg19 : memref<!tpu.dma_semaphore, #tpu.memory_space<semaphore_mem>>) src(%dma_wait3A_394 : memref<10000x128xf32, #tpu.memory_space<hbm>>) dst(%arg18 : memref<80x128xf32, #tpu.memory_space<vmem>>)
          %dma_start3A = arith.constant 6 : i32
          %dma_start3A_395 = arith.constant 0 : i32
          %dma_start3A_396 = tpu.memref_slice %arg7[%dma_start3A, %dma_start3A_395] : memref<8x80xi32, #tpu.memory_space<vmem>> -> memref<1x80xi32, #tpu.memory_space<vmem>>
          %dma_start3A_397 = tpu.memref_squeeze %dma_start3A_396 : memref<1x80xi32, #tpu.memory_space<vmem>> -> memref<80xi32, #tpu.memory_space<vmem>>
          %dma_start3A_398 = arith.constant 0 : i32
          %dma_start3A_399 = arith.constant 0 : i32
          %dma_start3A_400 = tpu.memref_slice %arg25[%dma_start3A_398, %dma_start3A_399] : memref<10000x128xf32, #tpu.memory_space<vmem_shared>> -> memref<10000x128xf32, #tpu.memory_space<vmem_shared>>
          tpu.enqueue_indirect_dma source(%arg18 : memref<80x128xf32, #tpu.memory_space<vmem>>) target(%dma_start3A_400 : memref<10000x128xf32, #tpu.memory_space<vmem_shared>>) offsets(%dma_start3A_397 : memref<80xi32, #tpu.memory_space<vmem>>) semaphore(%arg20 : memref<!tpu.dma_semaphore, #tpu.memory_space<semaphore_mem>>) {add = true}
        } else {
        }
        %add3A_382 = arith.constant 7 : i32
        %add3A_383 = arith.addi %add3A_180, %add3A_382 : i32
        %lt3A_384 = arith.constant 4000 : i32
        %lt3A_385 = arith.cmpi slt, %add3A_383, %lt3A_384 : i32
        %convert_element_type3A_386 = arith.extui %lt3A_385 : i1 to i32
        %cond3A_387 = arith.constant 0 : i32
        %cond3A_388 = arith.cmpi ne, %convert_element_type3A_386, %cond3A_387 : i32
        scf.if %cond3A_388 {
          %dma_wait3A = arith.constant 7 : i32
          %dma_wait3A_389 = arith.constant 0 : i32
          %dma_wait3A_390 = tpu.memref_slice %arg6[%dma_wait3A, %dma_wait3A_389] : memref<8x80xi32, #tpu.memory_space<vmem>> -> memref<1x80xi32, #tpu.memory_space<vmem>>
          %dma_wait3A_391 = tpu.memref_squeeze %dma_wait3A_390 : memref<1x80xi32, #tpu.memory_space<vmem>> -> memref<80xi32, #tpu.memory_space<vmem>>
          %dma_wait3A_392 = arith.constant 0 : i32
          %dma_wait3A_393 = arith.constant 0 : i32
          %dma_wait3A_394 = tpu.memref_slice %arg2[%dma_wait3A_392, %dma_wait3A_393] : memref<10000x128xf32, #tpu.memory_space<hbm>> -> memref<10000x128xf32, #tpu.memory_space<hbm>>
          tpu.wait_indirect_dma semaphore(%arg22 : memref<!tpu.dma_semaphore, #tpu.memory_space<semaphore_mem>>) src(%dma_wait3A_394 : memref<10000x128xf32, #tpu.memory_space<hbm>>) dst(%arg21 : memref<80x128xf32, #tpu.memory_space<vmem>>)
          %dma_start3A = arith.constant 7 : i32
          %dma_start3A_395 = arith.constant 0 : i32
          %dma_start3A_396 = tpu.memref_slice %arg7[%dma_start3A, %dma_start3A_395] : memref<8x80xi32, #tpu.memory_space<vmem>> -> memref<1x80xi32, #tpu.memory_space<vmem>>
          %dma_start3A_397 = tpu.memref_squeeze %dma_start3A_396 : memref<1x80xi32, #tpu.memory_space<vmem>> -> memref<80xi32, #tpu.memory_space<vmem>>
          %dma_start3A_398 = arith.constant 0 : i32
          %dma_start3A_399 = arith.constant 0 : i32
          %dma_start3A_400 = tpu.memref_slice %arg25[%dma_start3A_398, %dma_start3A_399] : memref<10000x128xf32, #tpu.memory_space<vmem_shared>> -> memref<10000x128xf32, #tpu.memory_space<vmem_shared>>
          tpu.enqueue_indirect_dma source(%arg21 : memref<80x128xf32, #tpu.memory_space<vmem>>) target(%dma_start3A_400 : memref<10000x128xf32, #tpu.memory_space<vmem_shared>>) offsets(%dma_start3A_397 : memref<80xi32, #tpu.memory_space<vmem>>) semaphore(%arg23 : memref<!tpu.dma_semaphore, #tpu.memory_space<semaphore_mem>>) {add = true}
        } else {
        }
      } else {
      }
      %eq3A_173 = arith.constant 1 : i32
      %eq3A_174 = arith.cmpi eq, %rem3A_167, %eq3A_173 : i32
      %convert_element_type3A_175 = arith.extui %eq3A_174 : i1 to i32
      %cond3A_176 = arith.constant 0 : i32
      %cond3A_177 = arith.cmpi ne, %convert_element_type3A_175, %cond3A_176 : i32
      scf.if %cond3A_177 {
        %mul3A_178 = arith.constant 8 : i32
        %mul3A_179 = arith.muli %add3A_165, %mul3A_178 : i32
        %add3A_180 = arith.addi %mul3A_91, %mul3A_179 : i32
        %lt3A_181 = arith.constant 16 : i32
        %lt3A_182 = arith.cmpi slt, %add3A_165, %lt3A_181 : i32
        %mul3A_183 = arith.constant 8 : i32
        %mul3A_184 = arith.muli %add3A_165, %mul3A_183 : i32
        %add3A_185 = arith.addi %mul3A_91, %mul3A_184 : i32
        %lt3A_186 = arith.constant 4000 : i32
        %lt3A_187 = arith.cmpi slt, %add3A_185, %lt3A_186 : i32
        %and3A_188 = arith.andi %lt3A_182, %lt3A_187 : i1
        %convert_element_type3A_189 = arith.extui %and3A_188 : i1 to i32
        %cond3A_190 = arith.constant 0 : i32
        %cond3A_191 = arith.cmpi ne, %convert_element_type3A_189, %cond3A_190 : i32
        scf.if %cond3A_191 {
          %dma_wait3A = arith.constant 0 : i32
          %dma_wait3A_389 = arith.constant 0 : i32
          %dma_wait3A_390 = tpu.memref_slice %arg3[%dma_wait3A, %dma_wait3A_389] : memref<4096x80xi32, #tpu.memory_space<hbm>> -> memref<8x80xi32, #tpu.memory_space<hbm>>
          %dma_wait3A_391 = arith.constant 0 : i32
          %dma_wait3A_392 = arith.constant 0 : i32
          %dma_wait3A_393 = tpu.memref_slice %arg3[%dma_wait3A_391, %dma_wait3A_392] : memref<4096x80xi32, #tpu.memory_space<hbm>> -> memref<8x80xi32, #tpu.memory_space<hbm>>
          tpu.wait_dma2 semaphore(%arg11 : memref<!tpu.dma_semaphore, #tpu.memory_space<semaphore_mem>>) src(%dma_wait3A_393 : memref<8x80xi32, #tpu.memory_space<hbm>>) dst(%arg9 : memref<8x80xi32, #tpu.memory_space<vmem>>)
          %dma_wait3A_394 = arith.constant 0 : i32
          %dma_wait3A_395 = arith.constant 0 : i32
          %dma_wait3A_396 = tpu.memref_slice %arg4[%dma_wait3A_394, %dma_wait3A_395] : memref<4096x80xi32, #tpu.memory_space<hbm>> -> memref<8x80xi32, #tpu.memory_space<hbm>>
          %dma_wait3A_397 = arith.constant 0 : i32
          %dma_wait3A_398 = arith.constant 0 : i32
          %dma_wait3A_399 = tpu.memref_slice %arg4[%dma_wait3A_397, %dma_wait3A_398] : memref<4096x80xi32, #tpu.memory_space<hbm>> -> memref<8x80xi32, #tpu.memory_space<hbm>>
          tpu.wait_dma2 semaphore(%arg11 : memref<!tpu.dma_semaphore, #tpu.memory_space<semaphore_mem>>) src(%dma_wait3A_399 : memref<8x80xi32, #tpu.memory_space<hbm>>) dst(%arg10 : memref<8x80xi32, #tpu.memory_space<vmem>>)
        } else {
        }
        %add3A_192 = arith.constant 0 : i32
        %add3A_193 = arith.addi %add3A_180, %add3A_192 : i32
        %sub3A_194 = arith.constant 4 : i32
        %sub3A_195 = arith.subi %add3A_193, %sub3A_194 : i32
        %ge3A_196 = arith.cmpi sge, %sub3A_195, %mul3A_91 : i32
        %lt3A_197 = arith.constant 4000 : i32
        %lt3A_198 = arith.cmpi slt, %sub3A_195, %lt3A_197 : i32
        %and3A_199 = arith.andi %ge3A_196, %lt3A_198 : i1
        %convert_element_type3A_200 = arith.extui %and3A_199 : i1 to i32
        %cond3A_201 = arith.constant 0 : i32
        %cond3A_202 = arith.cmpi ne, %convert_element_type3A_200, %cond3A_201 : i32
        scf.if %cond3A_202 {
          %dma_wait3A = arith.constant 0 : i32
          %dma_wait3A_389 = arith.constant 0 : i32
          %dma_wait3A_390 = tpu.memref_slice %arg10[%dma_wait3A, %dma_wait3A_389] : memref<8x80xi32, #tpu.memory_space<vmem>> -> memref<1x80xi32, #tpu.memory_space<vmem>>
          %dma_wait3A_391 = tpu.memref_squeeze %dma_wait3A_390 : memref<1x80xi32, #tpu.memory_space<vmem>> -> memref<80xi32, #tpu.memory_space<vmem>>
          %dma_wait3A_392 = arith.constant 0 : i32
          %dma_wait3A_393 = arith.constant 0 : i32
          %dma_wait3A_394 = tpu.memref_slice %arg25[%dma_wait3A_392, %dma_wait3A_393] : memref<10000x128xf32, #tpu.memory_space<vmem_shared>> -> memref<10000x128xf32, #tpu.memory_space<vmem_shared>>
          tpu.wait_indirect_dma semaphore(%arg14 : memref<!tpu.dma_semaphore, #tpu.memory_space<semaphore_mem>>) src(%arg12 : memref<80x128xf32, #tpu.memory_space<vmem>>) dst(%dma_wait3A_394 : memref<10000x128xf32, #tpu.memory_space<vmem_shared>>)
        } else {
        }
        %lt3A_203 = arith.constant 4000 : i32
        %lt3A_204 = arith.cmpi slt, %add3A_193, %lt3A_203 : i32
        %convert_element_type3A_205 = arith.extui %lt3A_204 : i1 to i32
        %cond3A_206 = arith.constant 0 : i32
        %cond3A_207 = arith.cmpi ne, %convert_element_type3A_205, %cond3A_206 : i32
        scf.if %cond3A_207 {
          %dma_start3A = arith.constant 0 : i32
          %dma_start3A_389 = arith.constant 0 : i32
          %dma_start3A_390 = tpu.memref_slice %arg9[%dma_start3A, %dma_start3A_389] : memref<8x80xi32, #tpu.memory_space<vmem>> -> memref<1x80xi32, #tpu.memory_space<vmem>>
          %dma_start3A_391 = tpu.memref_squeeze %dma_start3A_390 : memref<1x80xi32, #tpu.memory_space<vmem>> -> memref<80xi32, #tpu.memory_space<vmem>>
          %dma_start3A_392 = arith.constant 0 : i32
          %dma_start3A_393 = arith.constant 0 : i32
          %dma_start3A_394 = tpu.memref_slice %arg2[%dma_start3A_392, %dma_start3A_393] : memref<10000x128xf32, #tpu.memory_space<hbm>> -> memref<10000x128xf32, #tpu.memory_space<hbm>>
          tpu.enqueue_indirect_dma source(%dma_start3A_394 : memref<10000x128xf32, #tpu.memory_space<hbm>>) target(%arg12 : memref<80x128xf32, #tpu.memory_space<vmem>>) offsets(%dma_start3A_391 : memref<80xi32, #tpu.memory_space<vmem>>) semaphore(%arg13 : memref<!tpu.dma_semaphore, #tpu.memory_space<semaphore_mem>>)
        } else {
        }
        %add3A_208 = arith.constant 1 : i32
        %add3A_209 = arith.addi %add3A_180, %add3A_208 : i32
        %sub3A_210 = arith.constant 4 : i32
        %sub3A_211 = arith.subi %add3A_209, %sub3A_210 : i32
        %ge3A_212 = arith.cmpi sge, %sub3A_211, %mul3A_91 : i32
        %lt3A_213 = arith.constant 4000 : i32
        %lt3A_214 = arith.cmpi slt, %sub3A_211, %lt3A_213 : i32
        %and3A_215 = arith.andi %ge3A_212, %lt3A_214 : i1
        %convert_element_type3A_216 = arith.extui %and3A_215 : i1 to i32
        %cond3A_217 = arith.constant 0 : i32
        %cond3A_218 = arith.cmpi ne, %convert_element_type3A_216, %cond3A_217 : i32
        scf.if %cond3A_218 {
          %dma_wait3A = arith.constant 0 : i32
          %dma_wait3A_389 = arith.constant 0 : i32
          %dma_wait3A_390 = tpu.memref_slice %arg10[%dma_wait3A, %dma_wait3A_389] : memref<8x80xi32, #tpu.memory_space<vmem>> -> memref<1x80xi32, #tpu.memory_space<vmem>>
          %dma_wait3A_391 = tpu.memref_squeeze %dma_wait3A_390 : memref<1x80xi32, #tpu.memory_space<vmem>> -> memref<80xi32, #tpu.memory_space<vmem>>
          %dma_wait3A_392 = arith.constant 0 : i32
          %dma_wait3A_393 = arith.constant 0 : i32
          %dma_wait3A_394 = tpu.memref_slice %arg25[%dma_wait3A_392, %dma_wait3A_393] : memref<10000x128xf32, #tpu.memory_space<vmem_shared>> -> memref<10000x128xf32, #tpu.memory_space<vmem_shared>>
          tpu.wait_indirect_dma semaphore(%arg17 : memref<!tpu.dma_semaphore, #tpu.memory_space<semaphore_mem>>) src(%arg15 : memref<80x128xf32, #tpu.memory_space<vmem>>) dst(%dma_wait3A_394 : memref<10000x128xf32, #tpu.memory_space<vmem_shared>>)
        } else {
        }
        %lt3A_219 = arith.constant 4000 : i32
        %lt3A_220 = arith.cmpi slt, %add3A_209, %lt3A_219 : i32
        %convert_element_type3A_221 = arith.extui %lt3A_220 : i1 to i32
        %cond3A_222 = arith.constant 0 : i32
        %cond3A_223 = arith.cmpi ne, %convert_element_type3A_221, %cond3A_222 : i32
        scf.if %cond3A_223 {
          %dma_start3A = arith.constant 1 : i32
          %dma_start3A_389 = arith.constant 0 : i32
          %dma_start3A_390 = tpu.memref_slice %arg9[%dma_start3A, %dma_start3A_389] : memref<8x80xi32, #tpu.memory_space<vmem>> -> memref<1x80xi32, #tpu.memory_space<vmem>>
          %dma_start3A_391 = tpu.memref_squeeze %dma_start3A_390 : memref<1x80xi32, #tpu.memory_space<vmem>> -> memref<80xi32, #tpu.memory_space<vmem>>
          %dma_start3A_392 = arith.constant 0 : i32
          %dma_start3A_393 = arith.constant 0 : i32
          %dma_start3A_394 = tpu.memref_slice %arg2[%dma_start3A_392, %dma_start3A_393] : memref<10000x128xf32, #tpu.memory_space<hbm>> -> memref<10000x128xf32, #tpu.memory_space<hbm>>
          tpu.enqueue_indirect_dma source(%dma_start3A_394 : memref<10000x128xf32, #tpu.memory_space<hbm>>) target(%arg15 : memref<80x128xf32, #tpu.memory_space<vmem>>) offsets(%dma_start3A_391 : memref<80xi32, #tpu.memory_space<vmem>>) semaphore(%arg16 : memref<!tpu.dma_semaphore, #tpu.memory_space<semaphore_mem>>)
        } else {
        }
        %add3A_224 = arith.constant 2 : i32
        %add3A_225 = arith.addi %add3A_180, %add3A_224 : i32
        %sub3A_226 = arith.constant 4 : i32
        %sub3A_227 = arith.subi %add3A_225, %sub3A_226 : i32
        %ge3A_228 = arith.cmpi sge, %sub3A_227, %mul3A_91 : i32
        %lt3A_229 = arith.constant 4000 : i32
        %lt3A_230 = arith.cmpi slt, %sub3A_227, %lt3A_229 : i32
        %and3A_231 = arith.andi %ge3A_228, %lt3A_230 : i1
        %convert_element_type3A_232 = arith.extui %and3A_231 : i1 to i32
        %cond3A_233 = arith.constant 0 : i32
        %cond3A_234 = arith.cmpi ne, %convert_element_type3A_232, %cond3A_233 : i32
        scf.if %cond3A_234 {
          %dma_wait3A = arith.constant 0 : i32
          %dma_wait3A_389 = arith.constant 0 : i32
          %dma_wait3A_390 = tpu.memref_slice %arg10[%dma_wait3A, %dma_wait3A_389] : memref<8x80xi32, #tpu.memory_space<vmem>> -> memref<1x80xi32, #tpu.memory_space<vmem>>
          %dma_wait3A_391 = tpu.memref_squeeze %dma_wait3A_390 : memref<1x80xi32, #tpu.memory_space<vmem>> -> memref<80xi32, #tpu.memory_space<vmem>>
          %dma_wait3A_392 = arith.constant 0 : i32
          %dma_wait3A_393 = arith.constant 0 : i32
          %dma_wait3A_394 = tpu.memref_slice %arg25[%dma_wait3A_392, %dma_wait3A_393] : memref<10000x128xf32, #tpu.memory_space<vmem_shared>> -> memref<10000x128xf32, #tpu.memory_space<vmem_shared>>
          tpu.wait_indirect_dma semaphore(%arg20 : memref<!tpu.dma_semaphore, #tpu.memory_space<semaphore_mem>>) src(%arg18 : memref<80x128xf32, #tpu.memory_space<vmem>>) dst(%dma_wait3A_394 : memref<10000x128xf32, #tpu.memory_space<vmem_shared>>)
        } else {
        }
        %lt3A_235 = arith.constant 4000 : i32
        %lt3A_236 = arith.cmpi slt, %add3A_225, %lt3A_235 : i32
        %convert_element_type3A_237 = arith.extui %lt3A_236 : i1 to i32
        %cond3A_238 = arith.constant 0 : i32
        %cond3A_239 = arith.cmpi ne, %convert_element_type3A_237, %cond3A_238 : i32
        scf.if %cond3A_239 {
          %dma_start3A = arith.constant 2 : i32
          %dma_start3A_389 = arith.constant 0 : i32
          %dma_start3A_390 = tpu.memref_slice %arg9[%dma_start3A, %dma_start3A_389] : memref<8x80xi32, #tpu.memory_space<vmem>> -> memref<1x80xi32, #tpu.memory_space<vmem>>
          %dma_start3A_391 = tpu.memref_squeeze %dma_start3A_390 : memref<1x80xi32, #tpu.memory_space<vmem>> -> memref<80xi32, #tpu.memory_space<vmem>>
          %dma_start3A_392 = arith.constant 0 : i32
          %dma_start3A_393 = arith.constant 0 : i32
          %dma_start3A_394 = tpu.memref_slice %arg2[%dma_start3A_392, %dma_start3A_393] : memref<10000x128xf32, #tpu.memory_space<hbm>> -> memref<10000x128xf32, #tpu.memory_space<hbm>>
          tpu.enqueue_indirect_dma source(%dma_start3A_394 : memref<10000x128xf32, #tpu.memory_space<hbm>>) target(%arg18 : memref<80x128xf32, #tpu.memory_space<vmem>>) offsets(%dma_start3A_391 : memref<80xi32, #tpu.memory_space<vmem>>) semaphore(%arg19 : memref<!tpu.dma_semaphore, #tpu.memory_space<semaphore_mem>>)
        } else {
        }
        %add3A_240 = arith.constant 0 : i32
        %add3A_241 = arith.addi %add3A_180, %add3A_240 : i32
        %lt3A_242 = arith.constant 4000 : i32
        %lt3A_243 = arith.cmpi slt, %add3A_241, %lt3A_242 : i32
        %convert_element_type3A_244 = arith.extui %lt3A_243 : i1 to i32
        %cond3A_245 = arith.constant 0 : i32
        %cond3A_246 = arith.cmpi ne, %convert_element_type3A_244, %cond3A_245 : i32
        scf.if %cond3A_246 {
          %dma_wait3A = arith.constant 0 : i32
          %dma_wait3A_389 = arith.constant 0 : i32
          %dma_wait3A_390 = tpu.memref_slice %arg9[%dma_wait3A, %dma_wait3A_389] : memref<8x80xi32, #tpu.memory_space<vmem>> -> memref<1x80xi32, #tpu.memory_space<vmem>>
          %dma_wait3A_391 = tpu.memref_squeeze %dma_wait3A_390 : memref<1x80xi32, #tpu.memory_space<vmem>> -> memref<80xi32, #tpu.memory_space<vmem>>
          %dma_wait3A_392 = arith.constant 0 : i32
          %dma_wait3A_393 = arith.constant 0 : i32
          %dma_wait3A_394 = tpu.memref_slice %arg2[%dma_wait3A_392, %dma_wait3A_393] : memref<10000x128xf32, #tpu.memory_space<hbm>> -> memref<10000x128xf32, #tpu.memory_space<hbm>>
          tpu.wait_indirect_dma semaphore(%arg13 : memref<!tpu.dma_semaphore, #tpu.memory_space<semaphore_mem>>) src(%dma_wait3A_394 : memref<10000x128xf32, #tpu.memory_space<hbm>>) dst(%arg12 : memref<80x128xf32, #tpu.memory_space<vmem>>)
          %dma_start3A = arith.constant 0 : i32
          %dma_start3A_395 = arith.constant 0 : i32
          %dma_start3A_396 = tpu.memref_slice %arg10[%dma_start3A, %dma_start3A_395] : memref<8x80xi32, #tpu.memory_space<vmem>> -> memref<1x80xi32, #tpu.memory_space<vmem>>
          %dma_start3A_397 = tpu.memref_squeeze %dma_start3A_396 : memref<1x80xi32, #tpu.memory_space<vmem>> -> memref<80xi32, #tpu.memory_space<vmem>>
          %dma_start3A_398 = arith.constant 0 : i32
          %dma_start3A_399 = arith.constant 0 : i32
          %dma_start3A_400 = tpu.memref_slice %arg25[%dma_start3A_398, %dma_start3A_399] : memref<10000x128xf32, #tpu.memory_space<vmem_shared>> -> memref<10000x128xf32, #tpu.memory_space<vmem_shared>>
          tpu.enqueue_indirect_dma source(%arg12 : memref<80x128xf32, #tpu.memory_space<vmem>>) target(%dma_start3A_400 : memref<10000x128xf32, #tpu.memory_space<vmem_shared>>) offsets(%dma_start3A_397 : memref<80xi32, #tpu.memory_space<vmem>>) semaphore(%arg14 : memref<!tpu.dma_semaphore, #tpu.memory_space<semaphore_mem>>) {add = true}
        } else {
        }
        %add3A_247 = arith.constant 3 : i32
        %add3A_248 = arith.addi %add3A_180, %add3A_247 : i32
        %sub3A_249 = arith.constant 4 : i32
        %sub3A_250 = arith.subi %add3A_248, %sub3A_249 : i32
        %ge3A_251 = arith.cmpi sge, %sub3A_250, %mul3A_91 : i32
        %lt3A_252 = arith.constant 4000 : i32
        %lt3A_253 = arith.cmpi slt, %sub3A_250, %lt3A_252 : i32
        %and3A_254 = arith.andi %ge3A_251, %lt3A_253 : i1
        %convert_element_type3A_255 = arith.extui %and3A_254 : i1 to i32
        %cond3A_256 = arith.constant 0 : i32
        %cond3A_257 = arith.cmpi ne, %convert_element_type3A_255, %cond3A_256 : i32
        scf.if %cond3A_257 {
          %dma_wait3A = arith.constant 0 : i32
          %dma_wait3A_389 = arith.constant 0 : i32
          %dma_wait3A_390 = tpu.memref_slice %arg10[%dma_wait3A, %dma_wait3A_389] : memref<8x80xi32, #tpu.memory_space<vmem>> -> memref<1x80xi32, #tpu.memory_space<vmem>>
          %dma_wait3A_391 = tpu.memref_squeeze %dma_wait3A_390 : memref<1x80xi32, #tpu.memory_space<vmem>> -> memref<80xi32, #tpu.memory_space<vmem>>
          %dma_wait3A_392 = arith.constant 0 : i32
          %dma_wait3A_393 = arith.constant 0 : i32
          %dma_wait3A_394 = tpu.memref_slice %arg25[%dma_wait3A_392, %dma_wait3A_393] : memref<10000x128xf32, #tpu.memory_space<vmem_shared>> -> memref<10000x128xf32, #tpu.memory_space<vmem_shared>>
          tpu.wait_indirect_dma semaphore(%arg23 : memref<!tpu.dma_semaphore, #tpu.memory_space<semaphore_mem>>) src(%arg21 : memref<80x128xf32, #tpu.memory_space<vmem>>) dst(%dma_wait3A_394 : memref<10000x128xf32, #tpu.memory_space<vmem_shared>>)
        } else {
        }
        %lt3A_258 = arith.constant 4000 : i32
        %lt3A_259 = arith.cmpi slt, %add3A_248, %lt3A_258 : i32
        %convert_element_type3A_260 = arith.extui %lt3A_259 : i1 to i32
        %cond3A_261 = arith.constant 0 : i32
        %cond3A_262 = arith.cmpi ne, %convert_element_type3A_260, %cond3A_261 : i32
        scf.if %cond3A_262 {
          %dma_start3A = arith.constant 3 : i32
          %dma_start3A_389 = arith.constant 0 : i32
          %dma_start3A_390 = tpu.memref_slice %arg9[%dma_start3A, %dma_start3A_389] : memref<8x80xi32, #tpu.memory_space<vmem>> -> memref<1x80xi32, #tpu.memory_space<vmem>>
          %dma_start3A_391 = tpu.memref_squeeze %dma_start3A_390 : memref<1x80xi32, #tpu.memory_space<vmem>> -> memref<80xi32, #tpu.memory_space<vmem>>
          %dma_start3A_392 = arith.constant 0 : i32
          %dma_start3A_393 = arith.constant 0 : i32
          %dma_start3A_394 = tpu.memref_slice %arg2[%dma_start3A_392, %dma_start3A_393] : memref<10000x128xf32, #tpu.memory_space<hbm>> -> memref<10000x128xf32, #tpu.memory_space<hbm>>
          tpu.enqueue_indirect_dma source(%dma_start3A_394 : memref<10000x128xf32, #tpu.memory_space<hbm>>) target(%arg21 : memref<80x128xf32, #tpu.memory_space<vmem>>) offsets(%dma_start3A_391 : memref<80xi32, #tpu.memory_space<vmem>>) semaphore(%arg22 : memref<!tpu.dma_semaphore, #tpu.memory_space<semaphore_mem>>)
        } else {
        }
        %add3A_263 = arith.constant 1 : i32
        %add3A_264 = arith.addi %add3A_180, %add3A_263 : i32
        %lt3A_265 = arith.constant 4000 : i32
        %lt3A_266 = arith.cmpi slt, %add3A_264, %lt3A_265 : i32
        %convert_element_type3A_267 = arith.extui %lt3A_266 : i1 to i32
        %cond3A_268 = arith.constant 0 : i32
        %cond3A_269 = arith.cmpi ne, %convert_element_type3A_267, %cond3A_268 : i32
        scf.if %cond3A_269 {
          %dma_wait3A = arith.constant 1 : i32
          %dma_wait3A_389 = arith.constant 0 : i32
          %dma_wait3A_390 = tpu.memref_slice %arg9[%dma_wait3A, %dma_wait3A_389] : memref<8x80xi32, #tpu.memory_space<vmem>> -> memref<1x80xi32, #tpu.memory_space<vmem>>
          %dma_wait3A_391 = tpu.memref_squeeze %dma_wait3A_390 : memref<1x80xi32, #tpu.memory_space<vmem>> -> memref<80xi32, #tpu.memory_space<vmem>>
          %dma_wait3A_392 = arith.constant 0 : i32
          %dma_wait3A_393 = arith.constant 0 : i32
          %dma_wait3A_394 = tpu.memref_slice %arg2[%dma_wait3A_392, %dma_wait3A_393] : memref<10000x128xf32, #tpu.memory_space<hbm>> -> memref<10000x128xf32, #tpu.memory_space<hbm>>
          tpu.wait_indirect_dma semaphore(%arg16 : memref<!tpu.dma_semaphore, #tpu.memory_space<semaphore_mem>>) src(%dma_wait3A_394 : memref<10000x128xf32, #tpu.memory_space<hbm>>) dst(%arg15 : memref<80x128xf32, #tpu.memory_space<vmem>>)
          %dma_start3A = arith.constant 1 : i32
          %dma_start3A_395 = arith.constant 0 : i32
          %dma_start3A_396 = tpu.memref_slice %arg10[%dma_start3A, %dma_start3A_395] : memref<8x80xi32, #tpu.memory_space<vmem>> -> memref<1x80xi32, #tpu.memory_space<vmem>>
          %dma_start3A_397 = tpu.memref_squeeze %dma_start3A_396 : memref<1x80xi32, #tpu.memory_space<vmem>> -> memref<80xi32, #tpu.memory_space<vmem>>
          %dma_start3A_398 = arith.constant 0 : i32
          %dma_start3A_399 = arith.constant 0 : i32
          %dma_start3A_400 = tpu.memref_slice %arg25[%dma_start3A_398, %dma_start3A_399] : memref<10000x128xf32, #tpu.memory_space<vmem_shared>> -> memref<10000x128xf32, #tpu.memory_space<vmem_shared>>
          tpu.enqueue_indirect_dma source(%arg15 : memref<80x128xf32, #tpu.memory_space<vmem>>) target(%dma_start3A_400 : memref<10000x128xf32, #tpu.memory_space<vmem_shared>>) offsets(%dma_start3A_397 : memref<80xi32, #tpu.memory_space<vmem>>) semaphore(%arg17 : memref<!tpu.dma_semaphore, #tpu.memory_space<semaphore_mem>>) {add = true}
        } else {
        }
        %add3A_270 = arith.constant 1 : i32
        %add3A_271 = arith.addi %add3A_165, %add3A_270 : i32
        %lt3A_272 = arith.constant 16 : i32
        %lt3A_273 = arith.cmpi slt, %add3A_271, %lt3A_272 : i32
        %mul3A_274 = arith.constant 8 : i32
        %mul3A_275 = arith.muli %add3A_271, %mul3A_274 : i32
        %add3A_276 = arith.addi %mul3A_91, %mul3A_275 : i32
        %lt3A_277 = arith.constant 4000 : i32
        %lt3A_278 = arith.cmpi slt, %add3A_276, %lt3A_277 : i32
        %and3A_279 = arith.andi %lt3A_273, %lt3A_278 : i1
        %convert_element_type3A_280 = arith.extui %and3A_279 : i1 to i32
        %cond3A_281 = arith.constant 0 : i32
        %cond3A_282 = arith.cmpi ne, %convert_element_type3A_280, %cond3A_281 : i32
        scf.if %cond3A_282 {
          %mul3A_389 = arith.constant 8 : i32
          %mul3A_390 = arith.muli %add3A_271, %mul3A_389 : i32
          %add3A_391 = arith.addi %mul3A_91, %mul3A_390 : i32
          %dma_start3A = arith.constant 0 : i32
          %dma_start3A_392 = tpu.memref_slice %arg3[%add3A_391, %dma_start3A] : memref<4096x80xi32, #tpu.memory_space<hbm>> -> memref<8x80xi32, #tpu.memory_space<hbm>>
          %dma_start3A_393 = arith.constant 0 : i32
          %dma_start3A_394 = tpu.memref_slice %arg3[%add3A_391, %dma_start3A_393] : memref<4096x80xi32, #tpu.memory_space<hbm>> -> memref<8x80xi32, #tpu.memory_space<hbm>>
          tpu.enqueue_dma source(%dma_start3A_394 : memref<8x80xi32, #tpu.memory_space<hbm>>) target(%arg6 : memref<8x80xi32, #tpu.memory_space<vmem>>) target_semaphore(%arg8 : memref<!tpu.dma_semaphore, #tpu.memory_space<semaphore_mem>>)
          %mul3A_395 = arith.constant 8 : i32
          %mul3A_396 = arith.muli %add3A_271, %mul3A_395 : i32
          %add3A_397 = arith.addi %mul3A_91, %mul3A_396 : i32
          %dma_start3A_398 = arith.constant 0 : i32
          %dma_start3A_399 = tpu.memref_slice %arg4[%add3A_397, %dma_start3A_398] : memref<4096x80xi32, #tpu.memory_space<hbm>> -> memref<8x80xi32, #tpu.memory_space<hbm>>
          %dma_start3A_400 = arith.constant 0 : i32
          %dma_start3A_401 = tpu.memref_slice %arg4[%add3A_397, %dma_start3A_400] : memref<4096x80xi32, #tpu.memory_space<hbm>> -> memref<8x80xi32, #tpu.memory_space<hbm>>
          tpu.enqueue_dma source(%dma_start3A_401 : memref<8x80xi32, #tpu.memory_space<hbm>>) target(%arg7 : memref<8x80xi32, #tpu.memory_space<vmem>>) target_semaphore(%arg8 : memref<!tpu.dma_semaphore, #tpu.memory_space<semaphore_mem>>)
        } else {
        }
        %add3A_283 = arith.constant 4 : i32
        %add3A_284 = arith.addi %add3A_180, %add3A_283 : i32
        %sub3A_285 = arith.constant 4 : i32
        %sub3A_286 = arith.subi %add3A_284, %sub3A_285 : i32
        %ge3A_287 = arith.cmpi sge, %sub3A_286, %mul3A_91 : i32
        %lt3A_288 = arith.constant 4000 : i32
        %lt3A_289 = arith.cmpi slt, %sub3A_286, %lt3A_288 : i32
        %and3A_290 = arith.andi %ge3A_287, %lt3A_289 : i1
        %convert_element_type3A_291 = arith.extui %and3A_290 : i1 to i32
        %cond3A_292 = arith.constant 0 : i32
        %cond3A_293 = arith.cmpi ne, %convert_element_type3A_291, %cond3A_292 : i32
        scf.if %cond3A_293 {
          %dma_wait3A = arith.constant 0 : i32
          %dma_wait3A_389 = arith.constant 0 : i32
          %dma_wait3A_390 = tpu.memref_slice %arg10[%dma_wait3A, %dma_wait3A_389] : memref<8x80xi32, #tpu.memory_space<vmem>> -> memref<1x80xi32, #tpu.memory_space<vmem>>
          %dma_wait3A_391 = tpu.memref_squeeze %dma_wait3A_390 : memref<1x80xi32, #tpu.memory_space<vmem>> -> memref<80xi32, #tpu.memory_space<vmem>>
          %dma_wait3A_392 = arith.constant 0 : i32
          %dma_wait3A_393 = arith.constant 0 : i32
          %dma_wait3A_394 = tpu.memref_slice %arg25[%dma_wait3A_392, %dma_wait3A_393] : memref<10000x128xf32, #tpu.memory_space<vmem_shared>> -> memref<10000x128xf32, #tpu.memory_space<vmem_shared>>
          tpu.wait_indirect_dma semaphore(%arg14 : memref<!tpu.dma_semaphore, #tpu.memory_space<semaphore_mem>>) src(%arg12 : memref<80x128xf32, #tpu.memory_space<vmem>>) dst(%dma_wait3A_394 : memref<10000x128xf32, #tpu.memory_space<vmem_shared>>)
        } else {
        }
        %lt3A_294 = arith.constant 4000 : i32
        %lt3A_295 = arith.cmpi slt, %add3A_284, %lt3A_294 : i32
        %convert_element_type3A_296 = arith.extui %lt3A_295 : i1 to i32
        %cond3A_297 = arith.constant 0 : i32
        %cond3A_298 = arith.cmpi ne, %convert_element_type3A_296, %cond3A_297 : i32
        scf.if %cond3A_298 {
          %dma_start3A = arith.constant 4 : i32
          %dma_start3A_389 = arith.constant 0 : i32
          %dma_start3A_390 = tpu.memref_slice %arg9[%dma_start3A, %dma_start3A_389] : memref<8x80xi32, #tpu.memory_space<vmem>> -> memref<1x80xi32, #tpu.memory_space<vmem>>
          %dma_start3A_391 = tpu.memref_squeeze %dma_start3A_390 : memref<1x80xi32, #tpu.memory_space<vmem>> -> memref<80xi32, #tpu.memory_space<vmem>>
          %dma_start3A_392 = arith.constant 0 : i32
          %dma_start3A_393 = arith.constant 0 : i32
          %dma_start3A_394 = tpu.memref_slice %arg2[%dma_start3A_392, %dma_start3A_393] : memref<10000x128xf32, #tpu.memory_space<hbm>> -> memref<10000x128xf32, #tpu.memory_space<hbm>>
          tpu.enqueue_indirect_dma source(%dma_start3A_394 : memref<10000x128xf32, #tpu.memory_space<hbm>>) target(%arg12 : memref<80x128xf32, #tpu.memory_space<vmem>>) offsets(%dma_start3A_391 : memref<80xi32, #tpu.memory_space<vmem>>) semaphore(%arg13 : memref<!tpu.dma_semaphore, #tpu.memory_space<semaphore_mem>>)
        } else {
        }
        %add3A_299 = arith.constant 2 : i32
        %add3A_300 = arith.addi %add3A_180, %add3A_299 : i32
        %lt3A_301 = arith.constant 4000 : i32
        %lt3A_302 = arith.cmpi slt, %add3A_300, %lt3A_301 : i32
        %convert_element_type3A_303 = arith.extui %lt3A_302 : i1 to i32
        %cond3A_304 = arith.constant 0 : i32
        %cond3A_305 = arith.cmpi ne, %convert_element_type3A_303, %cond3A_304 : i32
        scf.if %cond3A_305 {
          %dma_wait3A = arith.constant 2 : i32
          %dma_wait3A_389 = arith.constant 0 : i32
          %dma_wait3A_390 = tpu.memref_slice %arg9[%dma_wait3A, %dma_wait3A_389] : memref<8x80xi32, #tpu.memory_space<vmem>> -> memref<1x80xi32, #tpu.memory_space<vmem>>
          %dma_wait3A_391 = tpu.memref_squeeze %dma_wait3A_390 : memref<1x80xi32, #tpu.memory_space<vmem>> -> memref<80xi32, #tpu.memory_space<vmem>>
          %dma_wait3A_392 = arith.constant 0 : i32
          %dma_wait3A_393 = arith.constant 0 : i32
          %dma_wait3A_394 = tpu.memref_slice %arg2[%dma_wait3A_392, %dma_wait3A_393] : memref<10000x128xf32, #tpu.memory_space<hbm>> -> memref<10000x128xf32, #tpu.memory_space<hbm>>
          tpu.wait_indirect_dma semaphore(%arg19 : memref<!tpu.dma_semaphore, #tpu.memory_space<semaphore_mem>>) src(%dma_wait3A_394 : memref<10000x128xf32, #tpu.memory_space<hbm>>) dst(%arg18 : memref<80x128xf32, #tpu.memory_space<vmem>>)
          %dma_start3A = arith.constant 2 : i32
          %dma_start3A_395 = arith.constant 0 : i32
          %dma_start3A_396 = tpu.memref_slice %arg10[%dma_start3A, %dma_start3A_395] : memref<8x80xi32, #tpu.memory_space<vmem>> -> memref<1x80xi32, #tpu.memory_space<vmem>>
          %dma_start3A_397 = tpu.memref_squeeze %dma_start3A_396 : memref<1x80xi32, #tpu.memory_space<vmem>> -> memref<80xi32, #tpu.memory_space<vmem>>
          %dma_start3A_398 = arith.constant 0 : i32
          %dma_start3A_399 = arith.constant 0 : i32
          %dma_start3A_400 = tpu.memref_slice %arg25[%dma_start3A_398, %dma_start3A_399] : memref<10000x128xf32, #tpu.memory_space<vmem_shared>> -> memref<10000x128xf32, #tpu.memory_space<vmem_shared>>
          tpu.enqueue_indirect_dma source(%arg18 : memref<80x128xf32, #tpu.memory_space<vmem>>) target(%dma_start3A_400 : memref<10000x128xf32, #tpu.memory_space<vmem_shared>>) offsets(%dma_start3A_397 : memref<80xi32, #tpu.memory_space<vmem>>) semaphore(%arg20 : memref<!tpu.dma_semaphore, #tpu.memory_space<semaphore_mem>>) {add = true}
        } else {
        }
        %add3A_306 = arith.constant 5 : i32
        %add3A_307 = arith.addi %add3A_180, %add3A_306 : i32
        %sub3A_308 = arith.constant 4 : i32
        %sub3A_309 = arith.subi %add3A_307, %sub3A_308 : i32
        %ge3A_310 = arith.cmpi sge, %sub3A_309, %mul3A_91 : i32
        %lt3A_311 = arith.constant 4000 : i32
        %lt3A_312 = arith.cmpi slt, %sub3A_309, %lt3A_311 : i32
        %and3A_313 = arith.andi %ge3A_310, %lt3A_312 : i1
        %convert_element_type3A_314 = arith.extui %and3A_313 : i1 to i32
        %cond3A_315 = arith.constant 0 : i32
        %cond3A_316 = arith.cmpi ne, %convert_element_type3A_314, %cond3A_315 : i32
        scf.if %cond3A_316 {
          %dma_wait3A = arith.constant 0 : i32
          %dma_wait3A_389 = arith.constant 0 : i32
          %dma_wait3A_390 = tpu.memref_slice %arg10[%dma_wait3A, %dma_wait3A_389] : memref<8x80xi32, #tpu.memory_space<vmem>> -> memref<1x80xi32, #tpu.memory_space<vmem>>
          %dma_wait3A_391 = tpu.memref_squeeze %dma_wait3A_390 : memref<1x80xi32, #tpu.memory_space<vmem>> -> memref<80xi32, #tpu.memory_space<vmem>>
          %dma_wait3A_392 = arith.constant 0 : i32
          %dma_wait3A_393 = arith.constant 0 : i32
          %dma_wait3A_394 = tpu.memref_slice %arg25[%dma_wait3A_392, %dma_wait3A_393] : memref<10000x128xf32, #tpu.memory_space<vmem_shared>> -> memref<10000x128xf32, #tpu.memory_space<vmem_shared>>
          tpu.wait_indirect_dma semaphore(%arg17 : memref<!tpu.dma_semaphore, #tpu.memory_space<semaphore_mem>>) src(%arg15 : memref<80x128xf32, #tpu.memory_space<vmem>>) dst(%dma_wait3A_394 : memref<10000x128xf32, #tpu.memory_space<vmem_shared>>)
        } else {
        }
        %lt3A_317 = arith.constant 4000 : i32
        %lt3A_318 = arith.cmpi slt, %add3A_307, %lt3A_317 : i32
        %convert_element_type3A_319 = arith.extui %lt3A_318 : i1 to i32
        %cond3A_320 = arith.constant 0 : i32
        %cond3A_321 = arith.cmpi ne, %convert_element_type3A_319, %cond3A_320 : i32
        scf.if %cond3A_321 {
          %dma_start3A = arith.constant 5 : i32
          %dma_start3A_389 = arith.constant 0 : i32
          %dma_start3A_390 = tpu.memref_slice %arg9[%dma_start3A, %dma_start3A_389] : memref<8x80xi32, #tpu.memory_space<vmem>> -> memref<1x80xi32, #tpu.memory_space<vmem>>
          %dma_start3A_391 = tpu.memref_squeeze %dma_start3A_390 : memref<1x80xi32, #tpu.memory_space<vmem>> -> memref<80xi32, #tpu.memory_space<vmem>>
          %dma_start3A_392 = arith.constant 0 : i32
          %dma_start3A_393 = arith.constant 0 : i32
          %dma_start3A_394 = tpu.memref_slice %arg2[%dma_start3A_392, %dma_start3A_393] : memref<10000x128xf32, #tpu.memory_space<hbm>> -> memref<10000x128xf32, #tpu.memory_space<hbm>>
          tpu.enqueue_indirect_dma source(%dma_start3A_394 : memref<10000x128xf32, #tpu.memory_space<hbm>>) target(%arg15 : memref<80x128xf32, #tpu.memory_space<vmem>>) offsets(%dma_start3A_391 : memref<80xi32, #tpu.memory_space<vmem>>) semaphore(%arg16 : memref<!tpu.dma_semaphore, #tpu.memory_space<semaphore_mem>>)
        } else {
        }
        %add3A_322 = arith.constant 3 : i32
        %add3A_323 = arith.addi %add3A_180, %add3A_322 : i32
        %lt3A_324 = arith.constant 4000 : i32
        %lt3A_325 = arith.cmpi slt, %add3A_323, %lt3A_324 : i32
        %convert_element_type3A_326 = arith.extui %lt3A_325 : i1 to i32
        %cond3A_327 = arith.constant 0 : i32
        %cond3A_328 = arith.cmpi ne, %convert_element_type3A_326, %cond3A_327 : i32
        scf.if %cond3A_328 {
          %dma_wait3A = arith.constant 3 : i32
          %dma_wait3A_389 = arith.constant 0 : i32
          %dma_wait3A_390 = tpu.memref_slice %arg9[%dma_wait3A, %dma_wait3A_389] : memref<8x80xi32, #tpu.memory_space<vmem>> -> memref<1x80xi32, #tpu.memory_space<vmem>>
          %dma_wait3A_391 = tpu.memref_squeeze %dma_wait3A_390 : memref<1x80xi32, #tpu.memory_space<vmem>> -> memref<80xi32, #tpu.memory_space<vmem>>
          %dma_wait3A_392 = arith.constant 0 : i32
          %dma_wait3A_393 = arith.constant 0 : i32
          %dma_wait3A_394 = tpu.memref_slice %arg2[%dma_wait3A_392, %dma_wait3A_393] : memref<10000x128xf32, #tpu.memory_space<hbm>> -> memref<10000x128xf32, #tpu.memory_space<hbm>>
          tpu.wait_indirect_dma semaphore(%arg22 : memref<!tpu.dma_semaphore, #tpu.memory_space<semaphore_mem>>) src(%dma_wait3A_394 : memref<10000x128xf32, #tpu.memory_space<hbm>>) dst(%arg21 : memref<80x128xf32, #tpu.memory_space<vmem>>)
          %dma_start3A = arith.constant 3 : i32
          %dma_start3A_395 = arith.constant 0 : i32
          %dma_start3A_396 = tpu.memref_slice %arg10[%dma_start3A, %dma_start3A_395] : memref<8x80xi32, #tpu.memory_space<vmem>> -> memref<1x80xi32, #tpu.memory_space<vmem>>
          %dma_start3A_397 = tpu.memref_squeeze %dma_start3A_396 : memref<1x80xi32, #tpu.memory_space<vmem>> -> memref<80xi32, #tpu.memory_space<vmem>>
          %dma_start3A_398 = arith.constant 0 : i32
          %dma_start3A_399 = arith.constant 0 : i32
          %dma_start3A_400 = tpu.memref_slice %arg25[%dma_start3A_398, %dma_start3A_399] : memref<10000x128xf32, #tpu.memory_space<vmem_shared>> -> memref<10000x128xf32, #tpu.memory_space<vmem_shared>>
          tpu.enqueue_indirect_dma source(%arg21 : memref<80x128xf32, #tpu.memory_space<vmem>>) target(%dma_start3A_400 : memref<10000x128xf32, #tpu.memory_space<vmem_shared>>) offsets(%dma_start3A_397 : memref<80xi32, #tpu.memory_space<vmem>>) semaphore(%arg23 : memref<!tpu.dma_semaphore, #tpu.memory_space<semaphore_mem>>) {add = true}
        } else {
        }
        %add3A_329 = arith.constant 6 : i32
        %add3A_330 = arith.addi %add3A_180, %add3A_329 : i32
        %sub3A_331 = arith.constant 4 : i32
        %sub3A_332 = arith.subi %add3A_330, %sub3A_331 : i32
        %ge3A_333 = arith.cmpi sge, %sub3A_332, %mul3A_91 : i32
        %lt3A_334 = arith.constant 4000 : i32
        %lt3A_335 = arith.cmpi slt, %sub3A_332, %lt3A_334 : i32
        %and3A_336 = arith.andi %ge3A_333, %lt3A_335 : i1
        %convert_element_type3A_337 = arith.extui %and3A_336 : i1 to i32
        %cond3A_338 = arith.constant 0 : i32
        %cond3A_339 = arith.cmpi ne, %convert_element_type3A_337, %cond3A_338 : i32
        scf.if %cond3A_339 {
          %dma_wait3A = arith.constant 0 : i32
          %dma_wait3A_389 = arith.constant 0 : i32
          %dma_wait3A_390 = tpu.memref_slice %arg10[%dma_wait3A, %dma_wait3A_389] : memref<8x80xi32, #tpu.memory_space<vmem>> -> memref<1x80xi32, #tpu.memory_space<vmem>>
          %dma_wait3A_391 = tpu.memref_squeeze %dma_wait3A_390 : memref<1x80xi32, #tpu.memory_space<vmem>> -> memref<80xi32, #tpu.memory_space<vmem>>
          %dma_wait3A_392 = arith.constant 0 : i32
          %dma_wait3A_393 = arith.constant 0 : i32
          %dma_wait3A_394 = tpu.memref_slice %arg25[%dma_wait3A_392, %dma_wait3A_393] : memref<10000x128xf32, #tpu.memory_space<vmem_shared>> -> memref<10000x128xf32, #tpu.memory_space<vmem_shared>>
          tpu.wait_indirect_dma semaphore(%arg20 : memref<!tpu.dma_semaphore, #tpu.memory_space<semaphore_mem>>) src(%arg18 : memref<80x128xf32, #tpu.memory_space<vmem>>) dst(%dma_wait3A_394 : memref<10000x128xf32, #tpu.memory_space<vmem_shared>>)
        } else {
        }
        %lt3A_340 = arith.constant 4000 : i32
        %lt3A_341 = arith.cmpi slt, %add3A_330, %lt3A_340 : i32
        %convert_element_type3A_342 = arith.extui %lt3A_341 : i1 to i32
        %cond3A_343 = arith.constant 0 : i32
        %cond3A_344 = arith.cmpi ne, %convert_element_type3A_342, %cond3A_343 : i32
        scf.if %cond3A_344 {
          %dma_start3A = arith.constant 6 : i32
          %dma_start3A_389 = arith.constant 0 : i32
          %dma_start3A_390 = tpu.memref_slice %arg9[%dma_start3A, %dma_start3A_389] : memref<8x80xi32, #tpu.memory_space<vmem>> -> memref<1x80xi32, #tpu.memory_space<vmem>>
          %dma_start3A_391 = tpu.memref_squeeze %dma_start3A_390 : memref<1x80xi32, #tpu.memory_space<vmem>> -> memref<80xi32, #tpu.memory_space<vmem>>
          %dma_start3A_392 = arith.constant 0 : i32
          %dma_start3A_393 = arith.constant 0 : i32
          %dma_start3A_394 = tpu.memref_slice %arg2[%dma_start3A_392, %dma_start3A_393] : memref<10000x128xf32, #tpu.memory_space<hbm>> -> memref<10000x128xf32, #tpu.memory_space<hbm>>
          tpu.enqueue_indirect_dma source(%dma_start3A_394 : memref<10000x128xf32, #tpu.memory_space<hbm>>) target(%arg18 : memref<80x128xf32, #tpu.memory_space<vmem>>) offsets(%dma_start3A_391 : memref<80xi32, #tpu.memory_space<vmem>>) semaphore(%arg19 : memref<!tpu.dma_semaphore, #tpu.memory_space<semaphore_mem>>)
        } else {
        }
        %add3A_345 = arith.constant 4 : i32
        %add3A_346 = arith.addi %add3A_180, %add3A_345 : i32
        %lt3A_347 = arith.constant 4000 : i32
        %lt3A_348 = arith.cmpi slt, %add3A_346, %lt3A_347 : i32
        %convert_element_type3A_349 = arith.extui %lt3A_348 : i1 to i32
        %cond3A_350 = arith.constant 0 : i32
        %cond3A_351 = arith.cmpi ne, %convert_element_type3A_349, %cond3A_350 : i32
        scf.if %cond3A_351 {
          %dma_wait3A = arith.constant 4 : i32
          %dma_wait3A_389 = arith.constant 0 : i32
          %dma_wait3A_390 = tpu.memref_slice %arg9[%dma_wait3A, %dma_wait3A_389] : memref<8x80xi32, #tpu.memory_space<vmem>> -> memref<1x80xi32, #tpu.memory_space<vmem>>
          %dma_wait3A_391 = tpu.memref_squeeze %dma_wait3A_390 : memref<1x80xi32, #tpu.memory_space<vmem>> -> memref<80xi32, #tpu.memory_space<vmem>>
          %dma_wait3A_392 = arith.constant 0 : i32
          %dma_wait3A_393 = arith.constant 0 : i32
          %dma_wait3A_394 = tpu.memref_slice %arg2[%dma_wait3A_392, %dma_wait3A_393] : memref<10000x128xf32, #tpu.memory_space<hbm>> -> memref<10000x128xf32, #tpu.memory_space<hbm>>
          tpu.wait_indirect_dma semaphore(%arg13 : memref<!tpu.dma_semaphore, #tpu.memory_space<semaphore_mem>>) src(%dma_wait3A_394 : memref<10000x128xf32, #tpu.memory_space<hbm>>) dst(%arg12 : memref<80x128xf32, #tpu.memory_space<vmem>>)
          %dma_start3A = arith.constant 4 : i32
          %dma_start3A_395 = arith.constant 0 : i32
          %dma_start3A_396 = tpu.memref_slice %arg10[%dma_start3A, %dma_start3A_395] : memref<8x80xi32, #tpu.memory_space<vmem>> -> memref<1x80xi32, #tpu.memory_space<vmem>>
          %dma_start3A_397 = tpu.memref_squeeze %dma_start3A_396 : memref<1x80xi32, #tpu.memory_space<vmem>> -> memref<80xi32, #tpu.memory_space<vmem>>
          %dma_start3A_398 = arith.constant 0 : i32
          %dma_start3A_399 = arith.constant 0 : i32
          %dma_start3A_400 = tpu.memref_slice %arg25[%dma_start3A_398, %dma_start3A_399] : memref<10000x128xf32, #tpu.memory_space<vmem_shared>> -> memref<10000x128xf32, #tpu.memory_space<vmem_shared>>
          tpu.enqueue_indirect_dma source(%arg12 : memref<80x128xf32, #tpu.memory_space<vmem>>) target(%dma_start3A_400 : memref<10000x128xf32, #tpu.memory_space<vmem_shared>>) offsets(%dma_start3A_397 : memref<80xi32, #tpu.memory_space<vmem>>) semaphore(%arg14 : memref<!tpu.dma_semaphore, #tpu.memory_space<semaphore_mem>>) {add = true}
        } else {
        }
        %add3A_352 = arith.constant 7 : i32
        %add3A_353 = arith.addi %add3A_180, %add3A_352 : i32
        %sub3A_354 = arith.constant 4 : i32
        %sub3A_355 = arith.subi %add3A_353, %sub3A_354 : i32
        %ge3A_356 = arith.cmpi sge, %sub3A_355, %mul3A_91 : i32
        %lt3A_357 = arith.constant 4000 : i32
        %lt3A_358 = arith.cmpi slt, %sub3A_355, %lt3A_357 : i32
        %and3A_359 = arith.andi %ge3A_356, %lt3A_358 : i1
        %convert_element_type3A_360 = arith.extui %and3A_359 : i1 to i32
        %cond3A_361 = arith.constant 0 : i32
        %cond3A_362 = arith.cmpi ne, %convert_element_type3A_360, %cond3A_361 : i32
        scf.if %cond3A_362 {
          %dma_wait3A = arith.constant 0 : i32
          %dma_wait3A_389 = arith.constant 0 : i32
          %dma_wait3A_390 = tpu.memref_slice %arg10[%dma_wait3A, %dma_wait3A_389] : memref<8x80xi32, #tpu.memory_space<vmem>> -> memref<1x80xi32, #tpu.memory_space<vmem>>
          %dma_wait3A_391 = tpu.memref_squeeze %dma_wait3A_390 : memref<1x80xi32, #tpu.memory_space<vmem>> -> memref<80xi32, #tpu.memory_space<vmem>>
          %dma_wait3A_392 = arith.constant 0 : i32
          %dma_wait3A_393 = arith.constant 0 : i32
          %dma_wait3A_394 = tpu.memref_slice %arg25[%dma_wait3A_392, %dma_wait3A_393] : memref<10000x128xf32, #tpu.memory_space<vmem_shared>> -> memref<10000x128xf32, #tpu.memory_space<vmem_shared>>
          tpu.wait_indirect_dma semaphore(%arg23 : memref<!tpu.dma_semaphore, #tpu.memory_space<semaphore_mem>>) src(%arg21 : memref<80x128xf32, #tpu.memory_space<vmem>>) dst(%dma_wait3A_394 : memref<10000x128xf32, #tpu.memory_space<vmem_shared>>)
        } else {
        }
        %lt3A_363 = arith.constant 4000 : i32
        %lt3A_364 = arith.cmpi slt, %add3A_353, %lt3A_363 : i32
        %convert_element_type3A_365 = arith.extui %lt3A_364 : i1 to i32
        %cond3A_366 = arith.constant 0 : i32
        %cond3A_367 = arith.cmpi ne, %convert_element_type3A_365, %cond3A_366 : i32
        scf.if %cond3A_367 {
          %dma_start3A = arith.constant 7 : i32
          %dma_start3A_389 = arith.constant 0 : i32
          %dma_start3A_390 = tpu.memref_slice %arg9[%dma_start3A, %dma_start3A_389] : memref<8x80xi32, #tpu.memory_space<vmem>> -> memref<1x80xi32, #tpu.memory_space<vmem>>
          %dma_start3A_391 = tpu.memref_squeeze %dma_start3A_390 : memref<1x80xi32, #tpu.memory_space<vmem>> -> memref<80xi32, #tpu.memory_space<vmem>>
          %dma_start3A_392 = arith.constant 0 : i32
          %dma_start3A_393 = arith.constant 0 : i32
          %dma_start3A_394 = tpu.memref_slice %arg2[%dma_start3A_392, %dma_start3A_393] : memref<10000x128xf32, #tpu.memory_space<hbm>> -> memref<10000x128xf32, #tpu.memory_space<hbm>>
          tpu.enqueue_indirect_dma source(%dma_start3A_394 : memref<10000x128xf32, #tpu.memory_space<hbm>>) target(%arg21 : memref<80x128xf32, #tpu.memory_space<vmem>>) offsets(%dma_start3A_391 : memref<80xi32, #tpu.memory_space<vmem>>) semaphore(%arg22 : memref<!tpu.dma_semaphore, #tpu.memory_space<semaphore_mem>>)
        } else {
        }
        %add3A_368 = arith.constant 5 : i32
        %add3A_369 = arith.addi %add3A_180, %add3A_368 : i32
        %lt3A_370 = arith.constant 4000 : i32
        %lt3A_371 = arith.cmpi slt, %add3A_369, %lt3A_370 : i32
        %convert_element_type3A_372 = arith.extui %lt3A_371 : i1 to i32
        %cond3A_373 = arith.constant 0 : i32
        %cond3A_374 = arith.cmpi ne, %convert_element_type3A_372, %cond3A_373 : i32
        scf.if %cond3A_374 {
          %dma_wait3A = arith.constant 5 : i32
          %dma_wait3A_389 = arith.constant 0 : i32
          %dma_wait3A_390 = tpu.memref_slice %arg9[%dma_wait3A, %dma_wait3A_389] : memref<8x80xi32, #tpu.memory_space<vmem>> -> memref<1x80xi32, #tpu.memory_space<vmem>>
          %dma_wait3A_391 = tpu.memref_squeeze %dma_wait3A_390 : memref<1x80xi32, #tpu.memory_space<vmem>> -> memref<80xi32, #tpu.memory_space<vmem>>
          %dma_wait3A_392 = arith.constant 0 : i32
          %dma_wait3A_393 = arith.constant 0 : i32
          %dma_wait3A_394 = tpu.memref_slice %arg2[%dma_wait3A_392, %dma_wait3A_393] : memref<10000x128xf32, #tpu.memory_space<hbm>> -> memref<10000x128xf32, #tpu.memory_space<hbm>>
          tpu.wait_indirect_dma semaphore(%arg16 : memref<!tpu.dma_semaphore, #tpu.memory_space<semaphore_mem>>) src(%dma_wait3A_394 : memref<10000x128xf32, #tpu.memory_space<hbm>>) dst(%arg15 : memref<80x128xf32, #tpu.memory_space<vmem>>)
          %dma_start3A = arith.constant 5 : i32
          %dma_start3A_395 = arith.constant 0 : i32
          %dma_start3A_396 = tpu.memref_slice %arg10[%dma_start3A, %dma_start3A_395] : memref<8x80xi32, #tpu.memory_space<vmem>> -> memref<1x80xi32, #tpu.memory_space<vmem>>
          %dma_start3A_397 = tpu.memref_squeeze %dma_start3A_396 : memref<1x80xi32, #tpu.memory_space<vmem>> -> memref<80xi32, #tpu.memory_space<vmem>>
          %dma_start3A_398 = arith.constant 0 : i32
          %dma_start3A_399 = arith.constant 0 : i32
          %dma_start3A_400 = tpu.memref_slice %arg25[%dma_start3A_398, %dma_start3A_399] : memref<10000x128xf32, #tpu.memory_space<vmem_shared>> -> memref<10000x128xf32, #tpu.memory_space<vmem_shared>>
          tpu.enqueue_indirect_dma source(%arg15 : memref<80x128xf32, #tpu.memory_space<vmem>>) target(%dma_start3A_400 : memref<10000x128xf32, #tpu.memory_space<vmem_shared>>) offsets(%dma_start3A_397 : memref<80xi32, #tpu.memory_space<vmem>>) semaphore(%arg17 : memref<!tpu.dma_semaphore, #tpu.memory_space<semaphore_mem>>) {add = true}
        } else {
        }
        %add3A_375 = arith.constant 6 : i32
        %add3A_376 = arith.addi %add3A_180, %add3A_375 : i32
        %lt3A_377 = arith.constant 4000 : i32
        %lt3A_378 = arith.cmpi slt, %add3A_376, %lt3A_377 : i32
        %convert_element_type3A_379 = arith.extui %lt3A_378 : i1 to i32
        %cond3A_380 = arith.constant 0 : i32
        %cond3A_381 = arith.cmpi ne, %convert_element_type3A_379, %cond3A_380 : i32
        scf.if %cond3A_381 {
          %dma_wait3A = arith.constant 6 : i32
          %dma_wait3A_389 = arith.constant 0 : i32
          %dma_wait3A_390 = tpu.memref_slice %arg9[%dma_wait3A, %dma_wait3A_389] : memref<8x80xi32, #tpu.memory_space<vmem>> -> memref<1x80xi32, #tpu.memory_space<vmem>>
          %dma_wait3A_391 = tpu.memref_squeeze %dma_wait3A_390 : memref<1x80xi32, #tpu.memory_space<vmem>> -> memref<80xi32, #tpu.memory_space<vmem>>
          %dma_wait3A_392 = arith.constant 0 : i32
          %dma_wait3A_393 = arith.constant 0 : i32
          %dma_wait3A_394 = tpu.memref_slice %arg2[%dma_wait3A_392, %dma_wait3A_393] : memref<10000x128xf32, #tpu.memory_space<hbm>> -> memref<10000x128xf32, #tpu.memory_space<hbm>>
          tpu.wait_indirect_dma semaphore(%arg19 : memref<!tpu.dma_semaphore, #tpu.memory_space<semaphore_mem>>) src(%dma_wait3A_394 : memref<10000x128xf32, #tpu.memory_space<hbm>>) dst(%arg18 : memref<80x128xf32, #tpu.memory_space<vmem>>)
          %dma_start3A = arith.constant 6 : i32
          %dma_start3A_395 = arith.constant 0 : i32
          %dma_start3A_396 = tpu.memref_slice %arg10[%dma_start3A, %dma_start3A_395] : memref<8x80xi32, #tpu.memory_space<vmem>> -> memref<1x80xi32, #tpu.memory_space<vmem>>
          %dma_start3A_397 = tpu.memref_squeeze %dma_start3A_396 : memref<1x80xi32, #tpu.memory_space<vmem>> -> memref<80xi32, #tpu.memory_space<vmem>>
          %dma_start3A_398 = arith.constant 0 : i32
          %dma_start3A_399 = arith.constant 0 : i32
          %dma_start3A_400 = tpu.memref_slice %arg25[%dma_start3A_398, %dma_start3A_399] : memref<10000x128xf32, #tpu.memory_space<vmem_shared>> -> memref<10000x128xf32, #tpu.memory_space<vmem_shared>>
          tpu.enqueue_indirect_dma source(%arg18 : memref<80x128xf32, #tpu.memory_space<vmem>>) target(%dma_start3A_400 : memref<10000x128xf32, #tpu.memory_space<vmem_shared>>) offsets(%dma_start3A_397 : memref<80xi32, #tpu.memory_space<vmem>>) semaphore(%arg20 : memref<!tpu.dma_semaphore, #tpu.memory_space<semaphore_mem>>) {add = true}
        } else {
        }
        %add3A_382 = arith.constant 7 : i32
        %add3A_383 = arith.addi %add3A_180, %add3A_382 : i32
        %lt3A_384 = arith.constant 4000 : i32
        %lt3A_385 = arith.cmpi slt, %add3A_383, %lt3A_384 : i32
        %convert_element_type3A_386 = arith.extui %lt3A_385 : i1 to i32
        %cond3A_387 = arith.constant 0 : i32
        %cond3A_388 = arith.cmpi ne, %convert_element_type3A_386, %cond3A_387 : i32
        scf.if %cond3A_388 {
          %dma_wait3A = arith.constant 7 : i32
          %dma_wait3A_389 = arith.constant 0 : i32
          %dma_wait3A_390 = tpu.memref_slice %arg9[%dma_wait3A, %dma_wait3A_389] : memref<8x80xi32, #tpu.memory_space<vmem>> -> memref<1x80xi32, #tpu.memory_space<vmem>>
          %dma_wait3A_391 = tpu.memref_squeeze %dma_wait3A_390 : memref<1x80xi32, #tpu.memory_space<vmem>> -> memref<80xi32, #tpu.memory_space<vmem>>
          %dma_wait3A_392 = arith.constant 0 : i32
          %dma_wait3A_393 = arith.constant 0 : i32
          %dma_wait3A_394 = tpu.memref_slice %arg2[%dma_wait3A_392, %dma_wait3A_393] : memref<10000x128xf32, #tpu.memory_space<hbm>> -> memref<10000x128xf32, #tpu.memory_space<hbm>>
          tpu.wait_indirect_dma semaphore(%arg22 : memref<!tpu.dma_semaphore, #tpu.memory_space<semaphore_mem>>) src(%dma_wait3A_394 : memref<10000x128xf32, #tpu.memory_space<hbm>>) dst(%arg21 : memref<80x128xf32, #tpu.memory_space<vmem>>)
          %dma_start3A = arith.constant 7 : i32
          %dma_start3A_395 = arith.constant 0 : i32
          %dma_start3A_396 = tpu.memref_slice %arg10[%dma_start3A, %dma_start3A_395] : memref<8x80xi32, #tpu.memory_space<vmem>> -> memref<1x80xi32, #tpu.memory_space<vmem>>
          %dma_start3A_397 = tpu.memref_squeeze %dma_start3A_396 : memref<1x80xi32, #tpu.memory_space<vmem>> -> memref<80xi32, #tpu.memory_space<vmem>>
          %dma_start3A_398 = arith.constant 0 : i32
          %dma_start3A_399 = arith.constant 0 : i32
          %dma_start3A_400 = tpu.memref_slice %arg25[%dma_start3A_398, %dma_start3A_399] : memref<10000x128xf32, #tpu.memory_space<vmem_shared>> -> memref<10000x128xf32, #tpu.memory_space<vmem_shared>>
          tpu.enqueue_indirect_dma source(%arg21 : memref<80x128xf32, #tpu.memory_space<vmem>>) target(%dma_start3A_400 : memref<10000x128xf32, #tpu.memory_space<vmem_shared>>) offsets(%dma_start3A_397 : memref<80xi32, #tpu.memory_space<vmem>>) semaphore(%arg23 : memref<!tpu.dma_semaphore, #tpu.memory_space<semaphore_mem>>) {add = true}
        } else {
        }
      } else {
      }
    }
    %scan3A_103 = arith.constant 16 : i32
    %add3A_104 = arith.constant 128 : i32
    %add3A_105 = arith.addi %mul3A_91, %add3A_104 : i32
    %sub3A_106 = arith.constant 4 : i32
    %sub3A_107 = arith.subi %add3A_105, %sub3A_106 : i32
    %add3A_108 = arith.constant 0 : i32
    %add3A_109 = arith.addi %sub3A_107, %add3A_108 : i32
    %ge3A = arith.cmpi sge, %add3A_109, %mul3A_91 : i32
    %lt3A_110 = arith.constant 4000 : i32
    %lt3A_111 = arith.cmpi slt, %add3A_109, %lt3A_110 : i32
    %and3A_112 = arith.andi %ge3A, %lt3A_111 : i1
    %convert_element_type3A_113 = arith.extui %and3A_112 : i1 to i32
    %cond3A_114 = arith.constant 0 : i32
    %cond3A_115 = arith.cmpi ne, %convert_element_type3A_113, %cond3A_114 : i32
    scf.if %cond3A_115 {
      %dma_wait3A = arith.constant 0 : i32
      %dma_wait3A_161 = arith.constant 0 : i32
      %dma_wait3A_162 = tpu.memref_slice %arg7[%dma_wait3A, %dma_wait3A_161] : memref<8x80xi32, #tpu.memory_space<vmem>> -> memref<1x80xi32, #tpu.memory_space<vmem>>
      %dma_wait3A_163 = tpu.memref_squeeze %dma_wait3A_162 : memref<1x80xi32, #tpu.memory_space<vmem>> -> memref<80xi32, #tpu.memory_space<vmem>>
      %dma_wait3A_164 = arith.constant 0 : i32
      %dma_wait3A_165 = arith.constant 0 : i32
      %dma_wait3A_166 = tpu.memref_slice %arg25[%dma_wait3A_164, %dma_wait3A_165] : memref<10000x128xf32, #tpu.memory_space<vmem_shared>> -> memref<10000x128xf32, #tpu.memory_space<vmem_shared>>
      tpu.wait_indirect_dma semaphore(%arg14 : memref<!tpu.dma_semaphore, #tpu.memory_space<semaphore_mem>>) src(%arg12 : memref<80x128xf32, #tpu.memory_space<vmem>>) dst(%dma_wait3A_166 : memref<10000x128xf32, #tpu.memory_space<vmem_shared>>)
    } else {
    }
    %add3A_116 = arith.constant 128 : i32
    %add3A_117 = arith.addi %mul3A_91, %add3A_116 : i32
    %sub3A_118 = arith.constant 4 : i32
    %sub3A_119 = arith.subi %add3A_117, %sub3A_118 : i32
    %add3A_120 = arith.constant 1 : i32
    %add3A_121 = arith.addi %sub3A_119, %add3A_120 : i32
    %ge3A_122 = arith.cmpi sge, %add3A_121, %mul3A_91 : i32
    %lt3A_123 = arith.constant 4000 : i32
    %lt3A_124 = arith.cmpi slt, %add3A_121, %lt3A_123 : i32
    %and3A_125 = arith.andi %ge3A_122, %lt3A_124 : i1
    %convert_element_type3A_126 = arith.extui %and3A_125 : i1 to i32
    %cond3A_127 = arith.constant 0 : i32
    %cond3A_128 = arith.cmpi ne, %convert_element_type3A_126, %cond3A_127 : i32
    scf.if %cond3A_128 {
      %dma_wait3A = arith.constant 0 : i32
      %dma_wait3A_161 = arith.constant 0 : i32
      %dma_wait3A_162 = tpu.memref_slice %arg7[%dma_wait3A, %dma_wait3A_161] : memref<8x80xi32, #tpu.memory_space<vmem>> -> memref<1x80xi32, #tpu.memory_space<vmem>>
      %dma_wait3A_163 = tpu.memref_squeeze %dma_wait3A_162 : memref<1x80xi32, #tpu.memory_space<vmem>> -> memref<80xi32, #tpu.memory_space<vmem>>
      %dma_wait3A_164 = arith.constant 0 : i32
      %dma_wait3A_165 = arith.constant 0 : i32
      %dma_wait3A_166 = tpu.memref_slice %arg25[%dma_wait3A_164, %dma_wait3A_165] : memref<10000x128xf32, #tpu.memory_space<vmem_shared>> -> memref<10000x128xf32, #tpu.memory_space<vmem_shared>>
      tpu.wait_indirect_dma semaphore(%arg17 : memref<!tpu.dma_semaphore, #tpu.memory_space<semaphore_mem>>) src(%arg15 : memref<80x128xf32, #tpu.memory_space<vmem>>) dst(%dma_wait3A_166 : memref<10000x128xf32, #tpu.memory_space<vmem_shared>>)
    } else {
    }
    %add3A_129 = arith.constant 128 : i32
    %add3A_130 = arith.addi %mul3A_91, %add3A_129 : i32
    %sub3A_131 = arith.constant 4 : i32
    %sub3A_132 = arith.subi %add3A_130, %sub3A_131 : i32
    %add3A_133 = arith.constant 2 : i32
    %add3A_134 = arith.addi %sub3A_132, %add3A_133 : i32
    %ge3A_135 = arith.cmpi sge, %add3A_134, %mul3A_91 : i32
    %lt3A_136 = arith.constant 4000 : i32
    %lt3A_137 = arith.cmpi slt, %add3A_134, %lt3A_136 : i32
    %and3A_138 = arith.andi %ge3A_135, %lt3A_137 : i1
    %convert_element_type3A_139 = arith.extui %and3A_138 : i1 to i32
    %cond3A_140 = arith.constant 0 : i32
    %cond3A_141 = arith.cmpi ne, %convert_element_type3A_139, %cond3A_140 : i32
    scf.if %cond3A_141 {
      %dma_wait3A = arith.constant 0 : i32
      %dma_wait3A_161 = arith.constant 0 : i32
      %dma_wait3A_162 = tpu.memref_slice %arg7[%dma_wait3A, %dma_wait3A_161] : memref<8x80xi32, #tpu.memory_space<vmem>> -> memref<1x80xi32, #tpu.memory_space<vmem>>
      %dma_wait3A_163 = tpu.memref_squeeze %dma_wait3A_162 : memref<1x80xi32, #tpu.memory_space<vmem>> -> memref<80xi32, #tpu.memory_space<vmem>>
      %dma_wait3A_164 = arith.constant 0 : i32
      %dma_wait3A_165 = arith.constant 0 : i32
      %dma_wait3A_166 = tpu.memref_slice %arg25[%dma_wait3A_164, %dma_wait3A_165] : memref<10000x128xf32, #tpu.memory_space<vmem_shared>> -> memref<10000x128xf32, #tpu.memory_space<vmem_shared>>
      tpu.wait_indirect_dma semaphore(%arg20 : memref<!tpu.dma_semaphore, #tpu.memory_space<semaphore_mem>>) src(%arg18 : memref<80x128xf32, #tpu.memory_space<vmem>>) dst(%dma_wait3A_166 : memref<10000x128xf32, #tpu.memory_space<vmem_shared>>)
    } else {
    }
    %add3A_142 = arith.constant 128 : i32
    %add3A_143 = arith.addi %mul3A_91, %add3A_142 : i32
    %sub3A_144 = arith.constant 4 : i32
    %sub3A_145 = arith.subi %add3A_143, %sub3A_144 : i32
    %add3A_146 = arith.constant 3 : i32
    %add3A_147 = arith.addi %sub3A_145, %add3A_146 : i32
    %ge3A_148 = arith.cmpi sge, %add3A_147, %mul3A_91 : i32
    %lt3A_149 = arith.constant 4000 : i32
    %lt3A_150 = arith.cmpi slt, %add3A_147, %lt3A_149 : i32
    %and3A_151 = arith.andi %ge3A_148, %lt3A_150 : i1
    %convert_element_type3A_152 = arith.extui %and3A_151 : i1 to i32
    %cond3A_153 = arith.constant 0 : i32
    %cond3A_154 = arith.cmpi ne, %convert_element_type3A_152, %cond3A_153 : i32
    scf.if %cond3A_154 {
      %dma_wait3A = arith.constant 0 : i32
      %dma_wait3A_161 = arith.constant 0 : i32
      %dma_wait3A_162 = tpu.memref_slice %arg7[%dma_wait3A, %dma_wait3A_161] : memref<8x80xi32, #tpu.memory_space<vmem>> -> memref<1x80xi32, #tpu.memory_space<vmem>>
      %dma_wait3A_163 = tpu.memref_squeeze %dma_wait3A_162 : memref<1x80xi32, #tpu.memory_space<vmem>> -> memref<80xi32, #tpu.memory_space<vmem>>
      %dma_wait3A_164 = arith.constant 0 : i32
      %dma_wait3A_165 = arith.constant 0 : i32
      %dma_wait3A_166 = tpu.memref_slice %arg25[%dma_wait3A_164, %dma_wait3A_165] : memref<10000x128xf32, #tpu.memory_space<vmem_shared>> -> memref<10000x128xf32, #tpu.memory_space<vmem_shared>>
      tpu.wait_indirect_dma semaphore(%arg23 : memref<!tpu.dma_semaphore, #tpu.memory_space<semaphore_mem>>) src(%arg21 : memref<80x128xf32, #tpu.memory_space<vmem>>) dst(%dma_wait3A_166 : memref<10000x128xf32, #tpu.memory_space<vmem_shared>>)
    } else {
    }
    %barrier3A_155 = arith.constant 0 : index
    tpu.barrier barrier_id(%barrier3A_155)
    "tpu.region"() ({
      %run_scoped3A = tpu.sem_alloc : memref<!tpu.dma_semaphore, #tpu.memory_space<semaphore_mem>>
      %dma_start3A = arith.constant 0 : i32
      %dma_start3A_161 = tpu.memref_slice %arg5[%arg0, %mul3A_7, %dma_start3A] : memref<2x10000x128xf32, #tpu.memory_space<hbm>> -> memref<1x624x128xf32, #tpu.memory_space<hbm>>
      %dma_start3A_162 = tpu.memref_squeeze %dma_start3A_161 : memref<1x624x128xf32, #tpu.memory_space<hbm>> -> memref<624x128xf32, #tpu.memory_space<hbm>>
      %dma_start3A_163 = arith.constant 0 : i32
      %dma_start3A_164 = tpu.memref_slice %arg25[%mul3A_7, %dma_start3A_163] : memref<10000x128xf32, #tpu.memory_space<vmem_shared>> -> memref<624x128xf32, #tpu.memory_space<vmem_shared>>
      tpu.enqueue_dma source(%dma_start3A_164 : memref<624x128xf32, #tpu.memory_space<vmem_shared>>) target(%dma_start3A_162 : memref<624x128xf32, #tpu.memory_space<hbm>>) target_semaphore(%run_scoped3A : memref<!tpu.dma_semaphore, #tpu.memory_space<semaphore_mem>>)
      %dma_wait3A = arith.constant 0 : i32
      %dma_wait3A_165 = tpu.memref_slice %arg5[%arg0, %mul3A_7, %dma_wait3A] : memref<2x10000x128xf32, #tpu.memory_space<hbm>> -> memref<1x624x128xf32, #tpu.memory_space<hbm>>
      %dma_wait3A_166 = tpu.memref_squeeze %dma_wait3A_165 : memref<1x624x128xf32, #tpu.memory_space<hbm>> -> memref<624x128xf32, #tpu.memory_space<hbm>>
      %dma_wait3A_167 = arith.constant 0 : i32
      %dma_wait3A_168 = tpu.memref_slice %arg25[%mul3A_7, %dma_wait3A_167] : memref<10000x128xf32, #tpu.memory_space<vmem_shared>> -> memref<624x128xf32, #tpu.memory_space<vmem_shared>>
      tpu.wait_dma2 semaphore(%run_scoped3A : memref<!tpu.dma_semaphore, #tpu.memory_space<semaphore_mem>>) src(%dma_wait3A_168 : memref<624x128xf32, #tpu.memory_space<vmem_shared>>) dst(%dma_wait3A_166 : memref<624x128xf32, #tpu.memory_space<hbm>>)
      tpu.yield
    }) : () -> ()
    %eq3A_156 = arith.constant 15 : i32
    %eq3A_157 = arith.cmpi eq, %arg1, %eq3A_156 : i32
    %convert_element_type3A_158 = arith.extui %eq3A_157 : i1 to i32
    %cond3A_159 = arith.constant 0 : i32
    %cond3A_160 = arith.cmpi ne, %convert_element_type3A_158, %cond3A_159 : i32
    scf.if %cond3A_160 {
      "tpu.region"() ({
        %run_scoped3A = tpu.sem_alloc : memref<!tpu.dma_semaphore, #tpu.memory_space<semaphore_mem>>
        %dma_start3A = arith.constant 9984 : i32
        %dma_start3A_161 = arith.constant 0 : i32
        %dma_start3A_162 = tpu.memref_slice %arg5[%arg0, %dma_start3A, %dma_start3A_161] : memref<2x10000x128xf32, #tpu.memory_space<hbm>> -> memref<1x16x128xf32, #tpu.memory_space<hbm>>
        %dma_start3A_163 = tpu.memref_squeeze %dma_start3A_162 : memref<1x16x128xf32, #tpu.memory_space<hbm>> -> memref<16x128xf32, #tpu.memory_space<hbm>>
        %dma_start3A_164 = arith.constant 9984 : i32
        %dma_start3A_165 = arith.constant 0 : i32
        %dma_start3A_166 = tpu.memref_slice %arg25[%dma_start3A_164, %dma_start3A_165] : memref<10000x128xf32, #tpu.memory_space<vmem_shared>> -> memref<16x128xf32, #tpu.memory_space<vmem_shared>>
        tpu.enqueue_dma source(%dma_start3A_166 : memref<16x128xf32, #tpu.memory_space<vmem_shared>>) target(%dma_start3A_163 : memref<16x128xf32, #tpu.memory_space<hbm>>) target_semaphore(%run_scoped3A : memref<!tpu.dma_semaphore, #tpu.memory_space<semaphore_mem>>)
        %dma_wait3A = arith.constant 9984 : i32
        %dma_wait3A_167 = arith.constant 0 : i32
        %dma_wait3A_168 = tpu.memref_slice %arg5[%arg0, %dma_wait3A, %dma_wait3A_167] : memref<2x10000x128xf32, #tpu.memory_space<hbm>> -> memref<1x16x128xf32, #tpu.memory_space<hbm>>
        %dma_wait3A_169 = tpu.memref_squeeze %dma_wait3A_168 : memref<1x16x128xf32, #tpu.memory_space<hbm>> -> memref<16x128xf32, #tpu.memory_space<hbm>>
        %dma_wait3A_170 = arith.constant 9984 : i32
        %dma_wait3A_171 = arith.constant 0 : i32
        %dma_wait3A_172 = tpu.memref_slice %arg25[%dma_wait3A_170, %dma_wait3A_171] : memref<10000x128xf32, #tpu.memory_space<vmem_shared>> -> memref<16x128xf32, #tpu.memory_space<vmem_shared>>
        tpu.wait_dma2 semaphore(%run_scoped3A : memref<!tpu.dma_semaphore, #tpu.memory_space<semaphore_mem>>) src(%dma_wait3A_172 : memref<16x128xf32, #tpu.memory_space<vmem_shared>>) dst(%dma_wait3A_169 : memref<16x128xf32, #tpu.memory_space<hbm>>)
        tpu.yield
      }) : () -> ()
    } else {
    }
    return
  }
}

#map = affine_map<(d0, d1) -> (0, 0)>
#map1 = affine_map<(d0, d1) -> (0, 0, 0)>
module attributes {stable_mosaic.version = 14 : i64} {
  func.func @body(%arg0: i32, %arg1: i32, %arg2: memref<10000x128xf32, #tpu.memory_space<hbm>>, %arg3: memref<4096x80xi32, #tpu.memory_space<hbm>>, %arg4: memref<4096x80xi32, #tpu.memory_space<hbm>>, %arg5: memref<2x10000x128xf32, #tpu.memory_space<hbm>>, %arg6: memref<8x80xi32, #tpu.memory_space<vmem>>, %arg7: memref<8x80xi32, #tpu.memory_space<vmem>>, %arg8: memref<!tpu.dma_semaphore, #tpu.memory_space<semaphore_mem>>, %arg9: memref<8x80xi32, #tpu.memory_space<vmem>>, %arg10: memref<8x80xi32, #tpu.memory_space<vmem>>, %arg11: memref<!tpu.dma_semaphore, #tpu.memory_space<semaphore_mem>>, %arg12: memref<80x128xf32, #tpu.memory_space<vmem>>, %arg13: memref<!tpu.dma_semaphore, #tpu.memory_space<semaphore_mem>>, %arg14: memref<!tpu.dma_semaphore, #tpu.memory_space<semaphore_mem>>, %arg15: memref<80x128xf32, #tpu.memory_space<vmem>>, %arg16: memref<!tpu.dma_semaphore, #tpu.memory_space<semaphore_mem>>, %arg17: memref<!tpu.dma_semaphore, #tpu.memory_space<semaphore_mem>>, %arg18: memref<80x128xf32, #tpu.memory_space<vmem>>, %arg19: memref<!tpu.dma_semaphore, #tpu.memory_space<semaphore_mem>>, %arg20: memref<!tpu.dma_semaphore, #tpu.memory_space<semaphore_mem>>, %arg21: memref<80x128xf32, #tpu.memory_space<vmem>>, %arg22: memref<!tpu.dma_semaphore, #tpu.memory_space<semaphore_mem>>, %arg23: memref<!tpu.dma_semaphore, #tpu.memory_space<semaphore_mem>>, %arg24: memref<16x128xf32, #tpu.memory_space<vmem>>, %arg25: memref<10000x128xf32, #tpu.memory_space<vmem_shared>>) attributes {dimension_semantics = [#tpu.dimension_semantics<core_parallel>, #tpu.dimension_semantics<subcore_parallel>], iteration_bounds = array<i64: 2, 16>, scalar_prefetch = 0 : i64, scratch_operands = 20 : i64, tpu.core_type = #tpu.core_type<sc_vector_subcore>, window_params = [{transform_indices = #map}, {transform_indices = #map}, {transform_indices = #map}, {transform_indices = #map1}]} {
    %mul3A = arith.constant 16 : i32
    %mul3A_0 = arith.muli %arg0, %mul3A : i32
    %add3A = arith.addi %mul3A_0, %arg1 : i32
    %broadcast_in_dim3A = arith.constant 0.000000e+00 : f32
    %broadcast_in_dim3A_1 = vector.broadcast %broadcast_in_dim3A : f32 to vector<16xf32>
    %scan3A = arith.constant 0 : i32
    %scan3A_2 = arith.constant 16 : i32
    %scan3A_3 = arith.addi %scan3A, %scan3A_2 : i32
    %scan3A_4 = arith.constant 1 : i32
    scf.for %scan3A_161 = %scan3A to %scan3A_3 step %scan3A_4  : i32 {
      %mul3A_162 = arith.constant 1 : i32
      %mul3A_163 = arith.muli %scan3A_161, %mul3A_162 : i32
      %add3A_164 = arith.constant 0 : i32
      %add3A_165 = arith.addi %add3A_164, %mul3A_163 : i32
      %scan3A_166 = arith.constant 0 : i32
      %scan3A_167 = arith.constant 8 : i32
      %scan3A_168 = arith.addi %scan3A_166, %scan3A_167 : i32
      %scan3A_169 = arith.constant 1 : i32
      scf.for %scan3A_171 = %scan3A_166 to %scan3A_168 step %scan3A_169  : i32 {
        %mul3A_172 = arith.constant 1 : i32
        %mul3A_173 = arith.muli %scan3A_171, %mul3A_172 : i32
        %add3A_174 = arith.constant 0 : i32
        %add3A_175 = arith.addi %add3A_174, %mul3A_173 : i32
        %mul3A_176 = arith.constant 16 : i32
        %mul3A_177 = arith.muli %add3A_175, %mul3A_176 : i32
        %swap3A = arith.index_cast %add3A_165 : i32 to index
        %swap3A_178 = arith.index_cast %mul3A_177 : i32 to index
        %swap3A_179 = tpu.vector_load %arg24[%swap3A, %swap3A_178] {strides = array<i32>} : memref<16x128xf32, #tpu.memory_space<vmem>>, vector<1x16xf32>,
        %swap3A_180 = vector.shape_cast %swap3A_179 : vector<1x16xf32> to vector<16xf32>
        %swap3A_181 = vector.shape_cast %broadcast_in_dim3A_1 : vector<16xf32> to vector<1x16xf32>
        tpu.vector_store %arg24[%swap3A, %swap3A_178], %swap3A_181 {strides = array<i32>} : memref<16x128xf32, #tpu.memory_space<vmem>>, vector<1x16xf32>,
      }
      %scan3A_170 = arith.constant 8 : i32
    }
    %scan3A_5 = arith.constant 16 : i32
    %mul3A_6 = arith.constant 624 : i32
    %mul3A_7 = arith.muli %arg1, %mul3A_6 : i32
    %eq3A = arith.constant 15 : i32
    %eq3A_8 = arith.cmpi eq, %arg1, %eq3A : i32
    %convert_element_type3A = arith.extui %eq3A_8 : i1 to i32
    %mul3A_9 = arith.constant 16 : i32
    %mul3A_10 = arith.muli %mul3A_9, %convert_element_type3A : i32
    %add3A_11 = arith.constant 624 : i32
    %add3A_12 = arith.addi %add3A_11, %mul3A_10 : i32
    %jit3A = arith.constant 16 : i32
    %div3A = arith.divsi %add3A_12, %jit3A : i32
    %sign3A = arith.constant 0 : i32
    %sign3A_13 = arith.cmpi sgt, %add3A_12, %sign3A : i32
    %sign3A_14 = arith.extui %sign3A_13 : i1 to i32
    %sign3A_15 = arith.constant 0 : i32
    %sign3A_16 = arith.cmpi slt, %add3A_12, %sign3A_15 : i32
    %sign3A_17 = arith.extui %sign3A_16 : i1 to i32
    %sign3A_18 = arith.subi %sign3A_14, %sign3A_17 : i32
    %sign3A_19 = arith.constant 0 : i32
    %sign3A_20 = arith.cmpi sgt, %jit3A, %sign3A_19 : i32
    %sign3A_21 = arith.extui %sign3A_20 : i1 to i32
    %sign3A_22 = arith.constant 0 : i32
    %sign3A_23 = arith.cmpi slt, %jit3A, %sign3A_22 : i32
    %sign3A_24 = arith.extui %sign3A_23 : i1 to i32
    %sign3A_25 = arith.subi %sign3A_21, %sign3A_24 : i32
    %ne3A = arith.cmpi ne, %sign3A_18, %sign3A_25 : i32
    %rem3A = arith.remsi %add3A_12, %jit3A : i32
    %ne3A_26 = arith.constant 0 : i32
    %ne3A_27 = arith.cmpi ne, %rem3A, %ne3A_26 : i32
    %and3A = arith.andi %ne3A, %ne3A_27 : i1
    %sub3A = arith.constant 1 : i32
    %sub3A_28 = arith.subi %div3A, %sub3A : i32
    %select_n3A = arith.select %and3A, %sub3A_28, %div3A : i32
    %sub3A_29 = arith.constant 0 : i32
    %sub3A_30 = arith.subi %select_n3A, %sub3A_29 : i32
    %sub3A_31 = arith.constant 1 : i32
    %sub3A_32 = arith.constant 1 : i32
    %sub3A_33 = arith.subi %sub3A_31, %sub3A_32 : i32
    %add3A_34 = arith.addi %sub3A_30, %sub3A_33 : i32
    %div3A_35 = arith.constant 1 : i32
    %div3A_36 = arith.divsi %add3A_34, %div3A_35 : i32
    %while3A = arith.constant 1 : i32
    %while3A_37 = arith.constant 0 : i32
    %while3A_38 = arith.constant 0 : i32
    %while3A_39 = arith.subi %div3A_36, %while3A_38 : i32
    %while3A_40 = arith.addi %while3A_38, %while3A_39 : i32
    %while3A_41 = arith.constant 1 : i32
    %while3A_42 = arith.divsi %while3A_39, %while3A_41 : i32
    %while3A_43 = arith.muli %while3A_42, %while3A_41 : i32
    %while3A_44 = arith.addi %while3A_38, %while3A_43 : i32
    %while3A_45 = arith.constant 1 : i32
    scf.for %while3A_161 = %while3A_38 to %while3A_44 step %while3A_45  : i32 {
      %mul3A_162 = arith.muli %while3A_161, %while3A : i32
      %add3A_163 = arith.addi %while3A_37, %mul3A_162 : i32
      %mul3A_164 = arith.constant 16 : i32
      %mul3A_165 = arith.muli %add3A_163, %mul3A_164 : i32
      %add3A_166 = arith.addi %mul3A_7, %mul3A_165 : i32
      %dma_start3A = arith.constant 0 : i32
      %dma_start3A_167 = tpu.memref_slice %arg25[%add3A_166, %dma_start3A] : memref<10000x128xf32, #tpu.memory_space<vmem_shared>> -> memref<16x128xf32, #tpu.memory_space<vmem_shared>>
      %dma_start3A_168 = arith.constant 0 : i32
      %dma_start3A_169 = tpu.memref_slice %arg25[%add3A_166, %dma_start3A_168] : memref<10000x128xf32, #tpu.memory_space<vmem_shared>> -> memref<16x128xf32, #tpu.memory_space<vmem_shared>>
      tpu.enqueue_dma source(%arg24 : memref<16x128xf32, #tpu.memory_space<vmem>>) target(%dma_start3A_169 : memref<16x128xf32, #tpu.memory_space<vmem_shared>>) target_semaphore(%arg13 : memref<!tpu.dma_semaphore, #tpu.memory_space<semaphore_mem>>)
    }
    %while3A_46 = arith.constant 1 : i32
    scf.for %while3A_161 = %while3A_44 to %while3A_40 step %while3A_46  : i32 {
      %mul3A_162 = arith.muli %while3A_161, %while3A : i32
      %add3A_163 = arith.addi %while3A_37, %mul3A_162 : i32
      %mul3A_164 = arith.constant 16 : i32
      %mul3A_165 = arith.muli %add3A_163, %mul3A_164 : i32
      %add3A_166 = arith.addi %mul3A_7, %mul3A_165 : i32
      %dma_start3A = arith.constant 0 : i32
      %dma_start3A_167 = tpu.memref_slice %arg25[%add3A_166, %dma_start3A] : memref<10000x128xf32, #tpu.memory_space<vmem_shared>> -> memref<16x128xf32, #tpu.memory_space<vmem_shared>>
      %dma_start3A_168 = arith.constant 0 : i32
      %dma_start3A_169 = tpu.memref_slice %arg25[%add3A_166, %dma_start3A_168] : memref<10000x128xf32, #tpu.memory_space<vmem_shared>> -> memref<16x128xf32, #tpu.memory_space<vmem_shared>>
      tpu.enqueue_dma source(%arg24 : memref<16x128xf32, #tpu.memory_space<vmem>>) target(%dma_start3A_169 : memref<16x128xf32, #tpu.memory_space<vmem_shared>>) target_semaphore(%arg13 : memref<!tpu.dma_semaphore, #tpu.memory_space<semaphore_mem>>)
    }
    %jit3A_47 = arith.constant 16 : i32
    %div3A_48 = arith.divsi %add3A_12, %jit3A_47 : i32
    %sign3A_49 = arith.constant 0 : i32
    %sign3A_50 = arith.cmpi sgt, %add3A_12, %sign3A_49 : i32
    %sign3A_51 = arith.extui %sign3A_50 : i1 to i32
    %sign3A_52 = arith.constant 0 : i32
    %sign3A_53 = arith.cmpi slt, %add3A_12, %sign3A_52 : i32
    %sign3A_54 = arith.extui %sign3A_53 : i1 to i32
    %sign3A_55 = arith.subi %sign3A_51, %sign3A_54 : i32
    %sign3A_56 = arith.constant 0 : i32
    %sign3A_57 = arith.cmpi sgt, %jit3A_47, %sign3A_56 : i32
    %sign3A_58 = arith.extui %sign3A_57 : i1 to i32
    %sign3A_59 = arith.constant 0 : i32
    %sign3A_60 = arith.cmpi slt, %jit3A_47, %sign3A_59 : i32
    %sign3A_61 = arith.extui %sign3A_60 : i1 to i32
    %sign3A_62 = arith.subi %sign3A_58, %sign3A_61 : i32
    %ne3A_63 = arith.cmpi ne, %sign3A_55, %sign3A_62 : i32
    %rem3A_64 = arith.remsi %add3A_12, %jit3A_47 : i32
    %ne3A_65 = arith.constant 0 : i32
    %ne3A_66 = arith.cmpi ne, %rem3A_64, %ne3A_65 : i32
    %and3A_67 = arith.andi %ne3A_63, %ne3A_66 : i1
    %sub3A_68 = arith.constant 1 : i32
    %sub3A_69 = arith.subi %div3A_48, %sub3A_68 : i32
    %select_n3A_70 = arith.select %and3A_67, %sub3A_69, %div3A_48 : i32
    %sub3A_71 = arith.constant 0 : i32
    %sub3A_72 = arith.subi %select_n3A_70, %sub3A_71 : i32
    %sub3A_73 = arith.constant 1 : i32
    %sub3A_74 = arith.constant 1 : i32
    %sub3A_75 = arith.subi %sub3A_73, %sub3A_74 : i32
    %add3A_76 = arith.addi %sub3A_72, %sub3A_75 : i32
    %div3A_77 = arith.constant 1 : i32
    %div3A_78 = arith.divsi %add3A_76, %div3A_77 : i32
    %while3A_79 = arith.constant 1 : i32
    %while3A_80 = arith.constant 0 : i32
    %while3A_81 = arith.constant 0 : i32
    %while3A_82 = arith.subi %div3A_78, %while3A_81 : i32
    %while3A_83 = arith.addi %while3A_81, %while3A_82 : i32
    %while3A_84 = arith.constant 1 : i32
    %while3A_85 = arith.divsi %while3A_82, %while3A_84 : i32
    %while3A_86 = arith.muli %while3A_85, %while3A_84 : i32
    %while3A_87 = arith.addi %while3A_81, %while3A_86 : i32
    %while3A_88 = arith.constant 1 : i32
    scf.for %while3A_161 = %while3A_81 to %while3A_87 step %while3A_88  : i32 {
      %mul3A_162 = arith.muli %while3A_161, %while3A_79 : i32
      %add3A_163 = arith.addi %while3A_80, %mul3A_162 : i32
      %dma_wait3A = arith.constant 0 : i32
      %dma_wait3A_164 = tpu.memref_slice %arg25[%mul3A_7, %dma_wait3A] : memref<10000x128xf32, #tpu.memory_space<vmem_shared>> -> memref<16x128xf32, #tpu.memory_space<vmem_shared>>
      %dma_wait3A_165 = arith.constant 0 : i32
      %dma_wait3A_166 = tpu.memref_slice %arg25[%mul3A_7, %dma_wait3A_165] : memref<10000x128xf32, #tpu.memory_space<vmem_shared>> -> memref<16x128xf32, #tpu.memory_space<vmem_shared>>
      tpu.wait_dma2 semaphore(%arg13 : memref<!tpu.dma_semaphore, #tpu.memory_space<semaphore_mem>>) src(%arg24 : memref<16x128xf32, #tpu.memory_space<vmem>>) dst(%dma_wait3A_166 : memref<16x128xf32, #tpu.memory_space<vmem_shared>>)
    }
    %while3A_89 = arith.constant 1 : i32
    scf.for %while3A_161 = %while3A_87 to %while3A_83 step %while3A_89  : i32 {
      %mul3A_162 = arith.muli %while3A_161, %while3A_79 : i32
      %add3A_163 = arith.addi %while3A_80, %mul3A_162 : i32
      %dma_wait3A = arith.constant 0 : i32
      %dma_wait3A_164 = tpu.memref_slice %arg25[%mul3A_7, %dma_wait3A] : memref<10000x128xf32, #tpu.memory_space<vmem_shared>> -> memref<16x128xf32, #tpu.memory_space<vmem_shared>>
      %dma_wait3A_165 = arith.constant 0 : i32
      %dma_wait3A_166 = tpu.memref_slice %arg25[%mul3A_7, %dma_wait3A_165] : memref<10000x128xf32, #tpu.memory_space<vmem_shared>> -> memref<16x128xf32, #tpu.memory_space<vmem_shared>>
      tpu.wait_dma2 semaphore(%arg13 : memref<!tpu.dma_semaphore, #tpu.memory_space<semaphore_mem>>) src(%arg24 : memref<16x128xf32, #tpu.memory_space<vmem>>) dst(%dma_wait3A_166 : memref<16x128xf32, #tpu.memory_space<vmem_shared>>)
    }
    %barrier3A = arith.constant 0 : index
    tpu.barrier barrier_id(%barrier3A)
    %mul3A_90 = arith.constant 128 : i32
    %mul3A_91 = arith.muli %add3A, %mul3A_90 : i32
    %add3A_92 = arith.constant 0 : i32
    %add3A_93 = arith.addi %mul3A_91, %add3A_92 : i32
    %lt3A = arith.constant 4000 : i32
    %lt3A_94 = arith.cmpi slt, %add3A_93, %lt3A : i32
    %and3A_95 = arith.constant true
    %and3A_96 = arith.andi %and3A_95, %lt3A_94 : i1
    %convert_element_type3A_97 = arith.extui %and3A_96 : i1 to i32
    %cond3A = arith.constant 0 : i32
    %cond3A_98 = arith.cmpi ne, %convert_element_type3A_97, %cond3A : i32
    scf.if %cond3A_98 {
      %add3A_161 = arith.constant 0 : i32
      %add3A_162 = arith.addi %mul3A_91, %add3A_161 : i32
      %dma_start3A = arith.constant 0 : i32
      %dma_start3A_163 = tpu.memref_slice %arg3[%add3A_162, %dma_start3A] : memref<4096x80xi32, #tpu.memory_space<hbm>> -> memref<8x80xi32, #tpu.memory_space<hbm>>
      %dma_start3A_164 = arith.constant 0 : i32
      %dma_start3A_165 = tpu.memref_slice %arg3[%add3A_162, %dma_start3A_164] : memref<4096x80xi32, #tpu.memory_space<hbm>> -> memref<8x80xi32, #tpu.memory_space<hbm>>
      tpu.enqueue_dma source(%dma_start3A_165 : memref<8x80xi32, #tpu.memory_space<hbm>>) target(%arg6 : memref<8x80xi32, #tpu.memory_space<vmem>>) target_semaphore(%arg8 : memref<!tpu.dma_semaphore, #tpu.memory_space<semaphore_mem>>)
      %add3A_166 = arith.constant 0 : i32
      %add3A_167 = arith.addi %mul3A_91, %add3A_166 : i32
      %dma_start3A_168 = arith.constant 0 : i32
      %dma_start3A_169 = tpu.memref_slice %arg4[%add3A_167, %dma_start3A_168] : memref<4096x80xi32, #tpu.memory_space<hbm>> -> memref<8x80xi32, #tpu.memory_space<hbm>>
      %dma_start3A_170 = arith.constant 0 : i32
      %dma_start3A_171 = tpu.memref_slice %arg4[%add3A_167, %dma_start3A_170] : memref<4096x80xi32, #tpu.memory_space<hbm>> -> memref<8x80xi32, #tpu.memory_space<hbm>>
      tpu.enqueue_dma source(%dma_start3A_171 : memref<8x80xi32, #tpu.memory_space<hbm>>) target(%arg7 : memref<8x80xi32, #tpu.memory_space<vmem>>) target_semaphore(%arg8 : memref<!tpu.dma_semaphore, #tpu.memory_space<semaphore_mem>>)
    } else {
    }
    %scan3A_99 = arith.constant 0 : i32
    %scan3A_100 = arith.constant 16 : i32
    %scan3A_101 = arith.addi %scan3A_99, %scan3A_100 : i32
    %scan3A_102 = arith.constant 1 : i32
    scf.for %scan3A_161 = %scan3A_99 to %scan3A_101 step %scan3A_102  : i32 {
      %mul3A_162 = arith.constant 1 : i32
      %mul3A_163 = arith.muli %scan3A_161, %mul3A_162 : i32
      %add3A_164 = arith.constant 0 : i32
      %add3A_165 = arith.addi %add3A_164, %mul3A_163 : i32
      %rem3A_166 = arith.constant 2 : i32
      %rem3A_167 = arith.remsi %add3A_165, %rem3A_166 : i32
      %eq3A_168 = arith.constant 0 : i32
      %eq3A_169 = arith.cmpi eq, %rem3A_167, %eq3A_168 : i32
      %convert_element_type3A_170 = arith.extui %eq3A_169 : i1 to i32
      %cond3A_171 = arith.constant 0 : i32
      %cond3A_172 = arith.cmpi ne, %convert_element_type3A_170, %cond3A_171 : i32
      scf.if %cond3A_172 {
        %mul3A_178 = arith.constant 8 : i32
        %mul3A_179 = arith.muli %add3A_165, %mul3A_178 : i32
        %add3A_180 = arith.addi %mul3A_91, %mul3A_179 : i32
        %lt3A_181 = arith.constant 16 : i32
        %lt3A_182 = arith.cmpi slt, %add3A_165, %lt3A_181 : i32
        %mul3A_183 = arith.constant 8 : i32
        %mul3A_184 = arith.muli %add3A_165, %mul3A_183 : i32
        %add3A_185 = arith.addi %mul3A_91, %mul3A_184 : i32
        %lt3A_186 = arith.constant 4000 : i32
        %lt3A_187 = arith.cmpi slt, %add3A_185, %lt3A_186 : i32
        %and3A_188 = arith.andi %lt3A_182, %lt3A_187 : i1
        %convert_element_type3A_189 = arith.extui %and3A_188 : i1 to i32
        %cond3A_190 = arith.constant 0 : i32
        %cond3A_191 = arith.cmpi ne, %convert_element_type3A_189, %cond3A_190 : i32
        scf.if %cond3A_191 {
          %dma_wait3A = arith.constant 0 : i32
          %dma_wait3A_389 = arith.constant 0 : i32
          %dma_wait3A_390 = tpu.memref_slice %arg3[%dma_wait3A, %dma_wait3A_389] : memref<4096x80xi32, #tpu.memory_space<hbm>> -> memref<8x80xi32, #tpu.memory_space<hbm>>
          %dma_wait3A_391 = arith.constant 0 : i32
          %dma_wait3A_392 = arith.constant 0 : i32
          %dma_wait3A_393 = tpu.memref_slice %arg3[%dma_wait3A_391, %dma_wait3A_392] : memref<4096x80xi32, #tpu.memory_space<hbm>> -> memref<8x80xi32, #tpu.memory_space<hbm>>
          tpu.wait_dma2 semaphore(%arg8 : memref<!tpu.dma_semaphore, #tpu.memory_space<semaphore_mem>>) src(%dma_wait3A_393 : memref<8x80xi32, #tpu.memory_space<hbm>>) dst(%arg6 : memref<8x80xi32, #tpu.memory_space<vmem>>)
          %dma_wait3A_394 = arith.constant 0 : i32
          %dma_wait3A_395 = arith.constant 0 : i32
          %dma_wait3A_396 = tpu.memref_slice %arg4[%dma_wait3A_394, %dma_wait3A_395] : memref<4096x80xi32, #tpu.memory_space<hbm>> -> memref<8x80xi32, #tpu.memory_space<hbm>>
          %dma_wait3A_397 = arith.constant 0 : i32
          %dma_wait3A_398 = arith.constant 0 : i32
          %dma_wait3A_399 = tpu.memref_slice %arg4[%dma_wait3A_397, %dma_wait3A_398] : memref<4096x80xi32, #tpu.memory_space<hbm>> -> memref<8x80xi32, #tpu.memory_space<hbm>>
          tpu.wait_dma2 semaphore(%arg8 : memref<!tpu.dma_semaphore, #tpu.memory_space<semaphore_mem>>) src(%dma_wait3A_399 : memref<8x80xi32, #tpu.memory_space<hbm>>) dst(%arg7 : memref<8x80xi32, #tpu.memory_space<vmem>>)
        } else {
        }
        %add3A_192 = arith.constant 0 : i32
        %add3A_193 = arith.addi %add3A_180, %add3A_192 : i32
        %sub3A_194 = arith.constant 4 : i32
        %sub3A_195 = arith.subi %add3A_193, %sub3A_194 : i32
        %ge3A_196 = arith.cmpi sge, %sub3A_195, %mul3A_91 : i32
        %lt3A_197 = arith.constant 4000 : i32
        %lt3A_198 = arith.cmpi slt, %sub3A_195, %lt3A_197 : i32
        %and3A_199 = arith.andi %ge3A_196, %lt3A_198 : i1
        %convert_element_type3A_200 = arith.extui %and3A_199 : i1 to i32
        %cond3A_201 = arith.constant 0 : i32
        %cond3A_202 = arith.cmpi ne, %convert_element_type3A_200, %cond3A_201 : i32
        scf.if %cond3A_202 {
          %dma_wait3A = arith.constant 0 : i32
          %dma_wait3A_389 = arith.constant 0 : i32
          %dma_wait3A_390 = tpu.memref_slice %arg7[%dma_wait3A, %dma_wait3A_389] : memref<8x80xi32, #tpu.memory_space<vmem>> -> memref<1x80xi32, #tpu.memory_space<vmem>>
          %dma_wait3A_391 = tpu.memref_squeeze %dma_wait3A_390 : memref<1x80xi32, #tpu.memory_space<vmem>> -> memref<80xi32, #tpu.memory_space<vmem>>
          %dma_wait3A_392 = arith.constant 0 : i32
          %dma_wait3A_393 = arith.constant 0 : i32
          %dma_wait3A_394 = tpu.memref_slice %arg25[%dma_wait3A_392, %dma_wait3A_393] : memref<10000x128xf32, #tpu.memory_space<vmem_shared>> -> memref<10000x128xf32, #tpu.memory_space<vmem_shared>>
          tpu.wait_indirect_dma semaphore(%arg14 : memref<!tpu.dma_semaphore, #tpu.memory_space<semaphore_mem>>) src(%arg12 : memref<80x128xf32, #tpu.memory_space<vmem>>) dst(%dma_wait3A_394 : memref<10000x128xf32, #tpu.memory_space<vmem_shared>>)
        } else {
        }
        %lt3A_203 = arith.constant 4000 : i32
        %lt3A_204 = arith.cmpi slt, %add3A_193, %lt3A_203 : i32
        %convert_element_type3A_205 = arith.extui %lt3A_204 : i1 to i32
        %cond3A_206 = arith.constant 0 : i32
        %cond3A_207 = arith.cmpi ne, %convert_element_type3A_205, %cond3A_206 : i32
        scf.if %cond3A_207 {
          %dma_start3A = arith.constant 0 : i32
          %dma_start3A_389 = arith.constant 0 : i32
          %dma_start3A_390 = tpu.memref_slice %arg6[%dma_start3A, %dma_start3A_389] : memref<8x80xi32, #tpu.memory_space<vmem>> -> memref<1x80xi32, #tpu.memory_space<vmem>>
          %dma_start3A_391 = tpu.memref_squeeze %dma_start3A_390 : memref<1x80xi32, #tpu.memory_space<vmem>> -> memref<80xi32, #tpu.memory_space<vmem>>
          %dma_start3A_392 = arith.constant 0 : i32
          %dma_start3A_393 = arith.constant 0 : i32
          %dma_start3A_394 = tpu.memref_slice %arg2[%dma_start3A_392, %dma_start3A_393] : memref<10000x128xf32, #tpu.memory_space<hbm>> -> memref<10000x128xf32, #tpu.memory_space<hbm>>
          tpu.enqueue_indirect_dma source(%dma_start3A_394 : memref<10000x128xf32, #tpu.memory_space<hbm>>) target(%arg12 : memref<80x128xf32, #tpu.memory_space<vmem>>) offsets(%dma_start3A_391 : memref<80xi32, #tpu.memory_space<vmem>>) semaphore(%arg13 : memref<!tpu.dma_semaphore, #tpu.memory_space<semaphore_mem>>)
        } else {
        }
        %add3A_208 = arith.constant 1 : i32
        %add3A_209 = arith.addi %add3A_180, %add3A_208 : i32
        %sub3A_210 = arith.constant 4 : i32
        %sub3A_211 = arith.subi %add3A_209, %sub3A_210 : i32
        %ge3A_212 = arith.cmpi sge, %sub3A_211, %mul3A_91 : i32
        %lt3A_213 = arith.constant 4000 : i32
        %lt3A_214 = arith.cmpi slt, %sub3A_211, %lt3A_213 : i32
        %and3A_215 = arith.andi %ge3A_212, %lt3A_214 : i1
        %convert_element_type3A_216 = arith.extui %and3A_215 : i1 to i32
        %cond3A_217 = arith.constant 0 : i32
        %cond3A_218 = arith.cmpi ne, %convert_element_type3A_216, %cond3A_217 : i32
        scf.if %cond3A_218 {
          %dma_wait3A = arith.constant 0 : i32
          %dma_wait3A_389 = arith.constant 0 : i32
          %dma_wait3A_390 = tpu.memref_slice %arg7[%dma_wait3A, %dma_wait3A_389] : memref<8x80xi32, #tpu.memory_space<vmem>> -> memref<1x80xi32, #tpu.memory_space<vmem>>
          %dma_wait3A_391 = tpu.memref_squeeze %dma_wait3A_390 : memref<1x80xi32, #tpu.memory_space<vmem>> -> memref<80xi32, #tpu.memory_space<vmem>>
          %dma_wait3A_392 = arith.constant 0 : i32
          %dma_wait3A_393 = arith.constant 0 : i32
          %dma_wait3A_394 = tpu.memref_slice %arg25[%dma_wait3A_392, %dma_wait3A_393] : memref<10000x128xf32, #tpu.memory_space<vmem_shared>> -> memref<10000x128xf32, #tpu.memory_space<vmem_shared>>
          tpu.wait_indirect_dma semaphore(%arg17 : memref<!tpu.dma_semaphore, #tpu.memory_space<semaphore_mem>>) src(%arg15 : memref<80x128xf32, #tpu.memory_space<vmem>>) dst(%dma_wait3A_394 : memref<10000x128xf32, #tpu.memory_space<vmem_shared>>)
        } else {
        }
        %lt3A_219 = arith.constant 4000 : i32
        %lt3A_220 = arith.cmpi slt, %add3A_209, %lt3A_219 : i32
        %convert_element_type3A_221 = arith.extui %lt3A_220 : i1 to i32
        %cond3A_222 = arith.constant 0 : i32
        %cond3A_223 = arith.cmpi ne, %convert_element_type3A_221, %cond3A_222 : i32
        scf.if %cond3A_223 {
          %dma_start3A = arith.constant 1 : i32
          %dma_start3A_389 = arith.constant 0 : i32
          %dma_start3A_390 = tpu.memref_slice %arg6[%dma_start3A, %dma_start3A_389] : memref<8x80xi32, #tpu.memory_space<vmem>> -> memref<1x80xi32, #tpu.memory_space<vmem>>
          %dma_start3A_391 = tpu.memref_squeeze %dma_start3A_390 : memref<1x80xi32, #tpu.memory_space<vmem>> -> memref<80xi32, #tpu.memory_space<vmem>>
          %dma_start3A_392 = arith.constant 0 : i32
          %dma_start3A_393 = arith.constant 0 : i32
          %dma_start3A_394 = tpu.memref_slice %arg2[%dma_start3A_392, %dma_start3A_393] : memref<10000x128xf32, #tpu.memory_space<hbm>> -> memref<10000x128xf32, #tpu.memory_space<hbm>>
          tpu.enqueue_indirect_dma source(%dma_start3A_394 : memref<10000x128xf32, #tpu.memory_space<hbm>>) target(%arg15 : memref<80x128xf32, #tpu.memory_space<vmem>>) offsets(%dma_start3A_391 : memref<80xi32, #tpu.memory_space<vmem>>) semaphore(%arg16 : memref<!tpu.dma_semaphore, #tpu.memory_space<semaphore_mem>>)
        } else {
        }
        %add3A_224 = arith.constant 2 : i32
        %add3A_225 = arith.addi %add3A_180, %add3A_224 : i32
        %sub3A_226 = arith.constant 4 : i32
        %sub3A_227 = arith.subi %add3A_225, %sub3A_226 : i32
        %ge3A_228 = arith.cmpi sge, %sub3A_227, %mul3A_91 : i32
        %lt3A_229 = arith.constant 4000 : i32
        %lt3A_230 = arith.cmpi slt, %sub3A_227, %lt3A_229 : i32
        %and3A_231 = arith.andi %ge3A_228, %lt3A_230 : i1
        %convert_element_type3A_232 = arith.extui %and3A_231 : i1 to i32
        %cond3A_233 = arith.constant 0 : i32
        %cond3A_234 = arith.cmpi ne, %convert_element_type3A_232, %cond3A_233 : i32
        scf.if %cond3A_234 {
          %dma_wait3A = arith.constant 0 : i32
          %dma_wait3A_389 = arith.constant 0 : i32
          %dma_wait3A_390 = tpu.memref_slice %arg7[%dma_wait3A, %dma_wait3A_389] : memref<8x80xi32, #tpu.memory_space<vmem>> -> memref<1x80xi32, #tpu.memory_space<vmem>>
          %dma_wait3A_391 = tpu.memref_squeeze %dma_wait3A_390 : memref<1x80xi32, #tpu.memory_space<vmem>> -> memref<80xi32, #tpu.memory_space<vmem>>
          %dma_wait3A_392 = arith.constant 0 : i32
          %dma_wait3A_393 = arith.constant 0 : i32
          %dma_wait3A_394 = tpu.memref_slice %arg25[%dma_wait3A_392, %dma_wait3A_393] : memref<10000x128xf32, #tpu.memory_space<vmem_shared>> -> memref<10000x128xf32, #tpu.memory_space<vmem_shared>>
          tpu.wait_indirect_dma semaphore(%arg20 : memref<!tpu.dma_semaphore, #tpu.memory_space<semaphore_mem>>) src(%arg18 : memref<80x128xf32, #tpu.memory_space<vmem>>) dst(%dma_wait3A_394 : memref<10000x128xf32, #tpu.memory_space<vmem_shared>>)
        } else {
        }
        %lt3A_235 = arith.constant 4000 : i32
        %lt3A_236 = arith.cmpi slt, %add3A_225, %lt3A_235 : i32
        %convert_element_type3A_237 = arith.extui %lt3A_236 : i1 to i32
        %cond3A_238 = arith.constant 0 : i32
        %cond3A_239 = arith.cmpi ne, %convert_element_type3A_237, %cond3A_238 : i32
        scf.if %cond3A_239 {
          %dma_start3A = arith.constant 2 : i32
          %dma_start3A_389 = arith.constant 0 : i32
          %dma_start3A_390 = tpu.memref_slice %arg6[%dma_start3A, %dma_start3A_389] : memref<8x80xi32, #tpu.memory_space<vmem>> -> memref<1x80xi32, #tpu.memory_space<vmem>>
          %dma_start3A_391 = tpu.memref_squeeze %dma_start3A_390 : memref<1x80xi32, #tpu.memory_space<vmem>> -> memref<80xi32, #tpu.memory_space<vmem>>
          %dma_start3A_392 = arith.constant 0 : i32
          %dma_start3A_393 = arith.constant 0 : i32
          %dma_start3A_394 = tpu.memref_slice %arg2[%dma_start3A_392, %dma_start3A_393] : memref<10000x128xf32, #tpu.memory_space<hbm>> -> memref<10000x128xf32, #tpu.memory_space<hbm>>
          tpu.enqueue_indirect_dma source(%dma_start3A_394 : memref<10000x128xf32, #tpu.memory_space<hbm>>) target(%arg18 : memref<80x128xf32, #tpu.memory_space<vmem>>) offsets(%dma_start3A_391 : memref<80xi32, #tpu.memory_space<vmem>>) semaphore(%arg19 : memref<!tpu.dma_semaphore, #tpu.memory_space<semaphore_mem>>)
        } else {
        }
        %add3A_240 = arith.constant 0 : i32
        %add3A_241 = arith.addi %add3A_180, %add3A_240 : i32
        %lt3A_242 = arith.constant 4000 : i32
        %lt3A_243 = arith.cmpi slt, %add3A_241, %lt3A_242 : i32
        %convert_element_type3A_244 = arith.extui %lt3A_243 : i1 to i32
        %cond3A_245 = arith.constant 0 : i32
        %cond3A_246 = arith.cmpi ne, %convert_element_type3A_244, %cond3A_245 : i32
        scf.if %cond3A_246 {
          %dma_wait3A = arith.constant 0 : i32
          %dma_wait3A_389 = arith.constant 0 : i32
          %dma_wait3A_390 = tpu.memref_slice %arg6[%dma_wait3A, %dma_wait3A_389] : memref<8x80xi32, #tpu.memory_space<vmem>> -> memref<1x80xi32, #tpu.memory_space<vmem>>
          %dma_wait3A_391 = tpu.memref_squeeze %dma_wait3A_390 : memref<1x80xi32, #tpu.memory_space<vmem>> -> memref<80xi32, #tpu.memory_space<vmem>>
          %dma_wait3A_392 = arith.constant 0 : i32
          %dma_wait3A_393 = arith.constant 0 : i32
          %dma_wait3A_394 = tpu.memref_slice %arg2[%dma_wait3A_392, %dma_wait3A_393] : memref<10000x128xf32, #tpu.memory_space<hbm>> -> memref<10000x128xf32, #tpu.memory_space<hbm>>
          tpu.wait_indirect_dma semaphore(%arg13 : memref<!tpu.dma_semaphore, #tpu.memory_space<semaphore_mem>>) src(%dma_wait3A_394 : memref<10000x128xf32, #tpu.memory_space<hbm>>) dst(%arg12 : memref<80x128xf32, #tpu.memory_space<vmem>>)
          %dma_start3A = arith.constant 0 : i32
          %dma_start3A_395 = arith.constant 0 : i32
          %dma_start3A_396 = tpu.memref_slice %arg7[%dma_start3A, %dma_start3A_395] : memref<8x80xi32, #tpu.memory_space<vmem>> -> memref<1x80xi32, #tpu.memory_space<vmem>>
          %dma_start3A_397 = tpu.memref_squeeze %dma_start3A_396 : memref<1x80xi32, #tpu.memory_space<vmem>> -> memref<80xi32, #tpu.memory_space<vmem>>
          %dma_start3A_398 = arith.constant 0 : i32
          %dma_start3A_399 = arith.constant 0 : i32
          %dma_start3A_400 = tpu.memref_slice %arg25[%dma_start3A_398, %dma_start3A_399] : memref<10000x128xf32, #tpu.memory_space<vmem_shared>> -> memref<10000x128xf32, #tpu.memory_space<vmem_shared>>
          tpu.enqueue_indirect_dma source(%arg12 : memref<80x128xf32, #tpu.memory_space<vmem>>) target(%dma_start3A_400 : memref<10000x128xf32, #tpu.memory_space<vmem_shared>>) offsets(%dma_start3A_397 : memref<80xi32, #tpu.memory_space<vmem>>) semaphore(%arg14 : memref<!tpu.dma_semaphore, #tpu.memory_space<semaphore_mem>>) {add = true}
        } else {
        }
        %add3A_247 = arith.constant 3 : i32
        %add3A_248 = arith.addi %add3A_180, %add3A_247 : i32
        %sub3A_249 = arith.constant 4 : i32
        %sub3A_250 = arith.subi %add3A_248, %sub3A_249 : i32
        %ge3A_251 = arith.cmpi sge, %sub3A_250, %mul3A_91 : i32
        %lt3A_252 = arith.constant 4000 : i32
        %lt3A_253 = arith.cmpi slt, %sub3A_250, %lt3A_252 : i32
        %and3A_254 = arith.andi %ge3A_251, %lt3A_253 : i1
        %convert_element_type3A_255 = arith.extui %and3A_254 : i1 to i32
        %cond3A_256 = arith.constant 0 : i32
        %cond3A_257 = arith.cmpi ne, %convert_element_type3A_255, %cond3A_256 : i32
        scf.if %cond3A_257 {
          %dma_wait3A = arith.constant 0 : i32
          %dma_wait3A_389 = arith.constant 0 : i32
          %dma_wait3A_390 = tpu.memref_slice %arg7[%dma_wait3A, %dma_wait3A_389] : memref<8x80xi32, #tpu.memory_space<vmem>> -> memref<1x80xi32, #tpu.memory_space<vmem>>
          %dma_wait3A_391 = tpu.memref_squeeze %dma_wait3A_390 : memref<1x80xi32, #tpu.memory_space<vmem>> -> memref<80xi32, #tpu.memory_space<vmem>>
          %dma_wait3A_392 = arith.constant 0 : i32
          %dma_wait3A_393 = arith.constant 0 : i32
          %dma_wait3A_394 = tpu.memref_slice %arg25[%dma_wait3A_392, %dma_wait3A_393] : memref<10000x128xf32, #tpu.memory_space<vmem_shared>> -> memref<10000x128xf32, #tpu.memory_space<vmem_shared>>
          tpu.wait_indirect_dma semaphore(%arg23 : memref<!tpu.dma_semaphore, #tpu.memory_space<semaphore_mem>>) src(%arg21 : memref<80x128xf32, #tpu.memory_space<vmem>>) dst(%dma_wait3A_394 : memref<10000x128xf32, #tpu.memory_space<vmem_shared>>)
        } else {
        }
        %lt3A_258 = arith.constant 4000 : i32
        %lt3A_259 = arith.cmpi slt, %add3A_248, %lt3A_258 : i32
        %convert_element_type3A_260 = arith.extui %lt3A_259 : i1 to i32
        %cond3A_261 = arith.constant 0 : i32
        %cond3A_262 = arith.cmpi ne, %convert_element_type3A_260, %cond3A_261 : i32
        scf.if %cond3A_262 {
          %dma_start3A = arith.constant 3 : i32
          %dma_start3A_389 = arith.constant 0 : i32
          %dma_start3A_390 = tpu.memref_slice %arg6[%dma_start3A, %dma_start3A_389] : memref<8x80xi32, #tpu.memory_space<vmem>> -> memref<1x80xi32, #tpu.memory_space<vmem>>
          %dma_start3A_391 = tpu.memref_squeeze %dma_start3A_390 : memref<1x80xi32, #tpu.memory_space<vmem>> -> memref<80xi32, #tpu.memory_space<vmem>>
          %dma_start3A_392 = arith.constant 0 : i32
          %dma_start3A_393 = arith.constant 0 : i32
          %dma_start3A_394 = tpu.memref_slice %arg2[%dma_start3A_392, %dma_start3A_393] : memref<10000x128xf32, #tpu.memory_space<hbm>> -> memref<10000x128xf32, #tpu.memory_space<hbm>>
          tpu.enqueue_indirect_dma source(%dma_start3A_394 : memref<10000x128xf32, #tpu.memory_space<hbm>>) target(%arg21 : memref<80x128xf32, #tpu.memory_space<vmem>>) offsets(%dma_start3A_391 : memref<80xi32, #tpu.memory_space<vmem>>) semaphore(%arg22 : memref<!tpu.dma_semaphore, #tpu.memory_space<semaphore_mem>>)
        } else {
        }
        %add3A_263 = arith.constant 1 : i32
        %add3A_264 = arith.addi %add3A_180, %add3A_263 : i32
        %lt3A_265 = arith.constant 4000 : i32
        %lt3A_266 = arith.cmpi slt, %add3A_264, %lt3A_265 : i32
        %convert_element_type3A_267 = arith.extui %lt3A_266 : i1 to i32
        %cond3A_268 = arith.constant 0 : i32
        %cond3A_269 = arith.cmpi ne, %convert_element_type3A_267, %cond3A_268 : i32
        scf.if %cond3A_269 {
          %dma_wait3A = arith.constant 1 : i32
          %dma_wait3A_389 = arith.constant 0 : i32
          %dma_wait3A_390 = tpu.memref_slice %arg6[%dma_wait3A, %dma_wait3A_389] : memref<8x80xi32, #tpu.memory_space<vmem>> -> memref<1x80xi32, #tpu.memory_space<vmem>>
          %dma_wait3A_391 = tpu.memref_squeeze %dma_wait3A_390 : memref<1x80xi32, #tpu.memory_space<vmem>> -> memref<80xi32, #tpu.memory_space<vmem>>
          %dma_wait3A_392 = arith.constant 0 : i32
          %dma_wait3A_393 = arith.constant 0 : i32
          %dma_wait3A_394 = tpu.memref_slice %arg2[%dma_wait3A_392, %dma_wait3A_393] : memref<10000x128xf32, #tpu.memory_space<hbm>> -> memref<10000x128xf32, #tpu.memory_space<hbm>>
          tpu.wait_indirect_dma semaphore(%arg16 : memref<!tpu.dma_semaphore, #tpu.memory_space<semaphore_mem>>) src(%dma_wait3A_394 : memref<10000x128xf32, #tpu.memory_space<hbm>>) dst(%arg15 : memref<80x128xf32, #tpu.memory_space<vmem>>)
          %dma_start3A = arith.constant 1 : i32
          %dma_start3A_395 = arith.constant 0 : i32
          %dma_start3A_396 = tpu.memref_slice %arg7[%dma_start3A, %dma_start3A_395] : memref<8x80xi32, #tpu.memory_space<vmem>> -> memref<1x80xi32, #tpu.memory_space<vmem>>
          %dma_start3A_397 = tpu.memref_squeeze %dma_start3A_396 : memref<1x80xi32, #tpu.memory_space<vmem>> -> memref<80xi32, #tpu.memory_space<vmem>>
          %dma_start3A_398 = arith.constant 0 : i32
          %dma_start3A_399 = arith.constant 0 : i32
          %dma_start3A_400 = tpu.memref_slice %arg25[%dma_start3A_398, %dma_start3A_399] : memref<10000x128xf32, #tpu.memory_space<vmem_shared>> -> memref<10000x128xf32, #tpu.memory_space<vmem_shared>>
          tpu.enqueue_indirect_dma source(%arg15 : memref<80x128xf32, #tpu.memory_space<vmem>>) target(%dma_start3A_400 : memref<10000x128xf32, #tpu.memory_space<vmem_shared>>) offsets(%dma_start3A_397 : memref<80xi32, #tpu.memory_space<vmem>>) semaphore(%arg17 : memref<!tpu.dma_semaphore, #tpu.memory_space<semaphore_mem>>) {add = true}
        } else {
        }
        %add3A_270 = arith.constant 1 : i32
        %add3A_271 = arith.addi %add3A_165, %add3A_270 : i32
        %lt3A_272 = arith.constant 16 : i32
        %lt3A_273 = arith.cmpi slt, %add3A_271, %lt3A_272 : i32
        %mul3A_274 = arith.constant 8 : i32
        %mul3A_275 = arith.muli %add3A_271, %mul3A_274 : i32
        %add3A_276 = arith.addi %mul3A_91, %mul3A_275 : i32
        %lt3A_277 = arith.constant 4000 : i32
        %lt3A_278 = arith.cmpi slt, %add3A_276, %lt3A_277 : i32
        %and3A_279 = arith.andi %lt3A_273, %lt3A_278 : i1
        %convert_element_type3A_280 = arith.extui %and3A_279 : i1 to i32
        %cond3A_281 = arith.constant 0 : i32
        %cond3A_282 = arith.cmpi ne, %convert_element_type3A_280, %cond3A_281 : i32
        scf.if %cond3A_282 {
          %mul3A_389 = arith.constant 8 : i32
          %mul3A_390 = arith.muli %add3A_271, %mul3A_389 : i32
          %add3A_391 = arith.addi %mul3A_91, %mul3A_390 : i32
          %dma_start3A = arith.constant 0 : i32
          %dma_start3A_392 = tpu.memref_slice %arg3[%add3A_391, %dma_start3A] : memref<4096x80xi32, #tpu.memory_space<hbm>> -> memref<8x80xi32, #tpu.memory_space<hbm>>
          %dma_start3A_393 = arith.constant 0 : i32
          %dma_start3A_394 = tpu.memref_slice %arg3[%add3A_391, %dma_start3A_393] : memref<4096x80xi32, #tpu.memory_space<hbm>> -> memref<8x80xi32, #tpu.memory_space<hbm>>
          tpu.enqueue_dma source(%dma_start3A_394 : memref<8x80xi32, #tpu.memory_space<hbm>>) target(%arg9 : memref<8x80xi32, #tpu.memory_space<vmem>>) target_semaphore(%arg11 : memref<!tpu.dma_semaphore, #tpu.memory_space<semaphore_mem>>)
          %mul3A_395 = arith.constant 8 : i32
          %mul3A_396 = arith.muli %add3A_271, %mul3A_395 : i32
          %add3A_397 = arith.addi %mul3A_91, %mul3A_396 : i32
          %dma_start3A_398 = arith.constant 0 : i32
          %dma_start3A_399 = tpu.memref_slice %arg4[%add3A_397, %dma_start3A_398] : memref<4096x80xi32, #tpu.memory_space<hbm>> -> memref<8x80xi32, #tpu.memory_space<hbm>>
          %dma_start3A_400 = arith.constant 0 : i32
          %dma_start3A_401 = tpu.memref_slice %arg4[%add3A_397, %dma_start3A_400] : memref<4096x80xi32, #tpu.memory_space<hbm>> -> memref<8x80xi32, #tpu.memory_space<hbm>>
          tpu.enqueue_dma source(%dma_start3A_401 : memref<8x80xi32, #tpu.memory_space<hbm>>) target(%arg10 : memref<8x80xi32, #tpu.memory_space<vmem>>) target_semaphore(%arg11 : memref<!tpu.dma_semaphore, #tpu.memory_space<semaphore_mem>>)
        } else {
        }
        %add3A_283 = arith.constant 4 : i32
        %add3A_284 = arith.addi %add3A_180, %add3A_283 : i32
        %sub3A_285 = arith.constant 4 : i32
        %sub3A_286 = arith.subi %add3A_284, %sub3A_285 : i32
        %ge3A_287 = arith.cmpi sge, %sub3A_286, %mul3A_91 : i32
        %lt3A_288 = arith.constant 4000 : i32
        %lt3A_289 = arith.cmpi slt, %sub3A_286, %lt3A_288 : i32
        %and3A_290 = arith.andi %ge3A_287, %lt3A_289 : i1
        %convert_element_type3A_291 = arith.extui %and3A_290 : i1 to i32
        %cond3A_292 = arith.constant 0 : i32
        %cond3A_293 = arith.cmpi ne, %convert_element_type3A_291, %cond3A_292 : i32
        scf.if %cond3A_293 {
          %dma_wait3A = arith.constant 0 : i32
          %dma_wait3A_389 = arith.constant 0 : i32
          %dma_wait3A_390 = tpu.memref_slice %arg7[%dma_wait3A, %dma_wait3A_389] : memref<8x80xi32, #tpu.memory_space<vmem>> -> memref<1x80xi32, #tpu.memory_space<vmem>>
          %dma_wait3A_391 = tpu.memref_squeeze %dma_wait3A_390 : memref<1x80xi32, #tpu.memory_space<vmem>> -> memref<80xi32, #tpu.memory_space<vmem>>
          %dma_wait3A_392 = arith.constant 0 : i32
          %dma_wait3A_393 = arith.constant 0 : i32
          %dma_wait3A_394 = tpu.memref_slice %arg25[%dma_wait3A_392, %dma_wait3A_393] : memref<10000x128xf32, #tpu.memory_space<vmem_shared>> -> memref<10000x128xf32, #tpu.memory_space<vmem_shared>>
          tpu.wait_indirect_dma semaphore(%arg14 : memref<!tpu.dma_semaphore, #tpu.memory_space<semaphore_mem>>) src(%arg12 : memref<80x128xf32, #tpu.memory_space<vmem>>) dst(%dma_wait3A_394 : memref<10000x128xf32, #tpu.memory_space<vmem_shared>>)
        } else {
        }
        %lt3A_294 = arith.constant 4000 : i32
        %lt3A_295 = arith.cmpi slt, %add3A_284, %lt3A_294 : i32
        %convert_element_type3A_296 = arith.extui %lt3A_295 : i1 to i32
        %cond3A_297 = arith.constant 0 : i32
        %cond3A_298 = arith.cmpi ne, %convert_element_type3A_296, %cond3A_297 : i32
        scf.if %cond3A_298 {
          %dma_start3A = arith.constant 4 : i32
          %dma_start3A_389 = arith.constant 0 : i32
          %dma_start3A_390 = tpu.memref_slice %arg6[%dma_start3A, %dma_start3A_389] : memref<8x80xi32, #tpu.memory_space<vmem>> -> memref<1x80xi32, #tpu.memory_space<vmem>>
          %dma_start3A_391 = tpu.memref_squeeze %dma_start3A_390 : memref<1x80xi32, #tpu.memory_space<vmem>> -> memref<80xi32, #tpu.memory_space<vmem>>
          %dma_start3A_392 = arith.constant 0 : i32
          %dma_start3A_393 = arith.constant 0 : i32
          %dma_start3A_394 = tpu.memref_slice %arg2[%dma_start3A_392, %dma_start3A_393] : memref<10000x128xf32, #tpu.memory_space<hbm>> -> memref<10000x128xf32, #tpu.memory_space<hbm>>
          tpu.enqueue_indirect_dma source(%dma_start3A_394 : memref<10000x128xf32, #tpu.memory_space<hbm>>) target(%arg12 : memref<80x128xf32, #tpu.memory_space<vmem>>) offsets(%dma_start3A_391 : memref<80xi32, #tpu.memory_space<vmem>>) semaphore(%arg13 : memref<!tpu.dma_semaphore, #tpu.memory_space<semaphore_mem>>)
        } else {
        }
        %add3A_299 = arith.constant 2 : i32
        %add3A_300 = arith.addi %add3A_180, %add3A_299 : i32
        %lt3A_301 = arith.constant 4000 : i32
        %lt3A_302 = arith.cmpi slt, %add3A_300, %lt3A_301 : i32
        %convert_element_type3A_303 = arith.extui %lt3A_302 : i1 to i32
        %cond3A_304 = arith.constant 0 : i32
        %cond3A_305 = arith.cmpi ne, %convert_element_type3A_303, %cond3A_304 : i32
        scf.if %cond3A_305 {
          %dma_wait3A = arith.constant 2 : i32
          %dma_wait3A_389 = arith.constant 0 : i32
          %dma_wait3A_390 = tpu.memref_slice %arg6[%dma_wait3A, %dma_wait3A_389] : memref<8x80xi32, #tpu.memory_space<vmem>> -> memref<1x80xi32, #tpu.memory_space<vmem>>
          %dma_wait3A_391 = tpu.memref_squeeze %dma_wait3A_390 : memref<1x80xi32, #tpu.memory_space<vmem>> -> memref<80xi32, #tpu.memory_space<vmem>>
          %dma_wait3A_392 = arith.constant 0 : i32
          %dma_wait3A_393 = arith.constant 0 : i32
          %dma_wait3A_394 = tpu.memref_slice %arg2[%dma_wait3A_392, %dma_wait3A_393] : memref<10000x128xf32, #tpu.memory_space<hbm>> -> memref<10000x128xf32, #tpu.memory_space<hbm>>
          tpu.wait_indirect_dma semaphore(%arg19 : memref<!tpu.dma_semaphore, #tpu.memory_space<semaphore_mem>>) src(%dma_wait3A_394 : memref<10000x128xf32, #tpu.memory_space<hbm>>) dst(%arg18 : memref<80x128xf32, #tpu.memory_space<vmem>>)
          %dma_start3A = arith.constant 2 : i32
          %dma_start3A_395 = arith.constant 0 : i32
          %dma_start3A_396 = tpu.memref_slice %arg7[%dma_start3A, %dma_start3A_395] : memref<8x80xi32, #tpu.memory_space<vmem>> -> memref<1x80xi32, #tpu.memory_space<vmem>>
          %dma_start3A_397 = tpu.memref_squeeze %dma_start3A_396 : memref<1x80xi32, #tpu.memory_space<vmem>> -> memref<80xi32, #tpu.memory_space<vmem>>
          %dma_start3A_398 = arith.constant 0 : i32
          %dma_start3A_399 = arith.constant 0 : i32
          %dma_start3A_400 = tpu.memref_slice %arg25[%dma_start3A_398, %dma_start3A_399] : memref<10000x128xf32, #tpu.memory_space<vmem_shared>> -> memref<10000x128xf32, #tpu.memory_space<vmem_shared>>
          tpu.enqueue_indirect_dma source(%arg18 : memref<80x128xf32, #tpu.memory_space<vmem>>) target(%dma_start3A_400 : memref<10000x128xf32, #tpu.memory_space<vmem_shared>>) offsets(%dma_start3A_397 : memref<80xi32, #tpu.memory_space<vmem>>) semaphore(%arg20 : memref<!tpu.dma_semaphore, #tpu.memory_space<semaphore_mem>>) {add = true}
        } else {
        }
        %add3A_306 = arith.constant 5 : i32
        %add3A_307 = arith.addi %add3A_180, %add3A_306 : i32
        %sub3A_308 = arith.constant 4 : i32
        %sub3A_309 = arith.subi %add3A_307, %sub3A_308 : i32
        %ge3A_310 = arith.cmpi sge, %sub3A_309, %mul3A_91 : i32
        %lt3A_311 = arith.constant 4000 : i32
        %lt3A_312 = arith.cmpi slt, %sub3A_309, %lt3A_311 : i32
        %and3A_313 = arith.andi %ge3A_310, %lt3A_312 : i1
        %convert_element_type3A_314 = arith.extui %and3A_313 : i1 to i32
        %cond3A_315 = arith.constant 0 : i32
        %cond3A_316 = arith.cmpi ne, %convert_element_type3A_314, %cond3A_315 : i32
        scf.if %cond3A_316 {
          %dma_wait3A = arith.constant 0 : i32
          %dma_wait3A_389 = arith.constant 0 : i32
          %dma_wait3A_390 = tpu.memref_slice %arg7[%dma_wait3A, %dma_wait3A_389] : memref<8x80xi32, #tpu.memory_space<vmem>> -> memref<1x80xi32, #tpu.memory_space<vmem>>
          %dma_wait3A_391 = tpu.memref_squeeze %dma_wait3A_390 : memref<1x80xi32, #tpu.memory_space<vmem>> -> memref<80xi32, #tpu.memory_space<vmem>>
          %dma_wait3A_392 = arith.constant 0 : i32
          %dma_wait3A_393 = arith.constant 0 : i32
          %dma_wait3A_394 = tpu.memref_slice %arg25[%dma_wait3A_392, %dma_wait3A_393] : memref<10000x128xf32, #tpu.memory_space<vmem_shared>> -> memref<10000x128xf32, #tpu.memory_space<vmem_shared>>
          tpu.wait_indirect_dma semaphore(%arg17 : memref<!tpu.dma_semaphore, #tpu.memory_space<semaphore_mem>>) src(%arg15 : memref<80x128xf32, #tpu.memory_space<vmem>>) dst(%dma_wait3A_394 : memref<10000x128xf32, #tpu.memory_space<vmem_shared>>)
        } else {
        }
        %lt3A_317 = arith.constant 4000 : i32
        %lt3A_318 = arith.cmpi slt, %add3A_307, %lt3A_317 : i32
        %convert_element_type3A_319 = arith.extui %lt3A_318 : i1 to i32
        %cond3A_320 = arith.constant 0 : i32
        %cond3A_321 = arith.cmpi ne, %convert_element_type3A_319, %cond3A_320 : i32
        scf.if %cond3A_321 {
          %dma_start3A = arith.constant 5 : i32
          %dma_start3A_389 = arith.constant 0 : i32
          %dma_start3A_390 = tpu.memref_slice %arg6[%dma_start3A, %dma_start3A_389] : memref<8x80xi32, #tpu.memory_space<vmem>> -> memref<1x80xi32, #tpu.memory_space<vmem>>
          %dma_start3A_391 = tpu.memref_squeeze %dma_start3A_390 : memref<1x80xi32, #tpu.memory_space<vmem>> -> memref<80xi32, #tpu.memory_space<vmem>>
          %dma_start3A_392 = arith.constant 0 : i32
          %dma_start3A_393 = arith.constant 0 : i32
          %dma_start3A_394 = tpu.memref_slice %arg2[%dma_start3A_392, %dma_start3A_393] : memref<10000x128xf32, #tpu.memory_space<hbm>> -> memref<10000x128xf32, #tpu.memory_space<hbm>>
          tpu.enqueue_indirect_dma source(%dma_start3A_394 : memref<10000x128xf32, #tpu.memory_space<hbm>>) target(%arg15 : memref<80x128xf32, #tpu.memory_space<vmem>>) offsets(%dma_start3A_391 : memref<80xi32, #tpu.memory_space<vmem>>) semaphore(%arg16 : memref<!tpu.dma_semaphore, #tpu.memory_space<semaphore_mem>>)
        } else {
        }
        %add3A_322 = arith.constant 3 : i32
        %add3A_323 = arith.addi %add3A_180, %add3A_322 : i32
        %lt3A_324 = arith.constant 4000 : i32
        %lt3A_325 = arith.cmpi slt, %add3A_323, %lt3A_324 : i32
        %convert_element_type3A_326 = arith.extui %lt3A_325 : i1 to i32
        %cond3A_327 = arith.constant 0 : i32
        %cond3A_328 = arith.cmpi ne, %convert_element_type3A_326, %cond3A_327 : i32
        scf.if %cond3A_328 {
          %dma_wait3A = arith.constant 3 : i32
          %dma_wait3A_389 = arith.constant 0 : i32
          %dma_wait3A_390 = tpu.memref_slice %arg6[%dma_wait3A, %dma_wait3A_389] : memref<8x80xi32, #tpu.memory_space<vmem>> -> memref<1x80xi32, #tpu.memory_space<vmem>>
          %dma_wait3A_391 = tpu.memref_squeeze %dma_wait3A_390 : memref<1x80xi32, #tpu.memory_space<vmem>> -> memref<80xi32, #tpu.memory_space<vmem>>
          %dma_wait3A_392 = arith.constant 0 : i32
          %dma_wait3A_393 = arith.constant 0 : i32
          %dma_wait3A_394 = tpu.memref_slice %arg2[%dma_wait3A_392, %dma_wait3A_393] : memref<10000x128xf32, #tpu.memory_space<hbm>> -> memref<10000x128xf32, #tpu.memory_space<hbm>>
          tpu.wait_indirect_dma semaphore(%arg22 : memref<!tpu.dma_semaphore, #tpu.memory_space<semaphore_mem>>) src(%dma_wait3A_394 : memref<10000x128xf32, #tpu.memory_space<hbm>>) dst(%arg21 : memref<80x128xf32, #tpu.memory_space<vmem>>)
          %dma_start3A = arith.constant 3 : i32
          %dma_start3A_395 = arith.constant 0 : i32
          %dma_start3A_396 = tpu.memref_slice %arg7[%dma_start3A, %dma_start3A_395] : memref<8x80xi32, #tpu.memory_space<vmem>> -> memref<1x80xi32, #tpu.memory_space<vmem>>
          %dma_start3A_397 = tpu.memref_squeeze %dma_start3A_396 : memref<1x80xi32, #tpu.memory_space<vmem>> -> memref<80xi32, #tpu.memory_space<vmem>>
          %dma_start3A_398 = arith.constant 0 : i32
          %dma_start3A_399 = arith.constant 0 : i32
          %dma_start3A_400 = tpu.memref_slice %arg25[%dma_start3A_398, %dma_start3A_399] : memref<10000x128xf32, #tpu.memory_space<vmem_shared>> -> memref<10000x128xf32, #tpu.memory_space<vmem_shared>>
          tpu.enqueue_indirect_dma source(%arg21 : memref<80x128xf32, #tpu.memory_space<vmem>>) target(%dma_start3A_400 : memref<10000x128xf32, #tpu.memory_space<vmem_shared>>) offsets(%dma_start3A_397 : memref<80xi32, #tpu.memory_space<vmem>>) semaphore(%arg23 : memref<!tpu.dma_semaphore, #tpu.memory_space<semaphore_mem>>) {add = true}
        } else {
        }
        %add3A_329 = arith.constant 6 : i32
        %add3A_330 = arith.addi %add3A_180, %add3A_329 : i32
        %sub3A_331 = arith.constant 4 : i32
        %sub3A_332 = arith.subi %add3A_330, %sub3A_331 : i32
        %ge3A_333 = arith.cmpi sge, %sub3A_332, %mul3A_91 : i32
        %lt3A_334 = arith.constant 4000 : i32
        %lt3A_335 = arith.cmpi slt, %sub3A_332, %lt3A_334 : i32
        %and3A_336 = arith.andi %ge3A_333, %lt3A_335 : i1
        %convert_element_type3A_337 = arith.extui %and3A_336 : i1 to i32
        %cond3A_338 = arith.constant 0 : i32
        %cond3A_339 = arith.cmpi ne, %convert_element_type3A_337, %cond3A_338 : i32
        scf.if %cond3A_339 {
          %dma_wait3A = arith.constant 0 : i32
          %dma_wait3A_389 = arith.constant 0 : i32
          %dma_wait3A_390 = tpu.memref_slice %arg7[%dma_wait3A, %dma_wait3A_389] : memref<8x80xi32, #tpu.memory_space<vmem>> -> memref<1x80xi32, #tpu.memory_space<vmem>>
          %dma_wait3A_391 = tpu.memref_squeeze %dma_wait3A_390 : memref<1x80xi32, #tpu.memory_space<vmem>> -> memref<80xi32, #tpu.memory_space<vmem>>
          %dma_wait3A_392 = arith.constant 0 : i32
          %dma_wait3A_393 = arith.constant 0 : i32
          %dma_wait3A_394 = tpu.memref_slice %arg25[%dma_wait3A_392, %dma_wait3A_393] : memref<10000x128xf32, #tpu.memory_space<vmem_shared>> -> memref<10000x128xf32, #tpu.memory_space<vmem_shared>>
          tpu.wait_indirect_dma semaphore(%arg20 : memref<!tpu.dma_semaphore, #tpu.memory_space<semaphore_mem>>) src(%arg18 : memref<80x128xf32, #tpu.memory_space<vmem>>) dst(%dma_wait3A_394 : memref<10000x128xf32, #tpu.memory_space<vmem_shared>>)
        } else {
        }
        %lt3A_340 = arith.constant 4000 : i32
        %lt3A_341 = arith.cmpi slt, %add3A_330, %lt3A_340 : i32
        %convert_element_type3A_342 = arith.extui %lt3A_341 : i1 to i32
        %cond3A_343 = arith.constant 0 : i32
        %cond3A_344 = arith.cmpi ne, %convert_element_type3A_342, %cond3A_343 : i32
        scf.if %cond3A_344 {
          %dma_start3A = arith.constant 6 : i32
          %dma_start3A_389 = arith.constant 0 : i32
          %dma_start3A_390 = tpu.memref_slice %arg6[%dma_start3A, %dma_start3A_389] : memref<8x80xi32, #tpu.memory_space<vmem>> -> memref<1x80xi32, #tpu.memory_space<vmem>>
          %dma_start3A_391 = tpu.memref_squeeze %dma_start3A_390 : memref<1x80xi32, #tpu.memory_space<vmem>> -> memref<80xi32, #tpu.memory_space<vmem>>
          %dma_start3A_392 = arith.constant 0 : i32
          %dma_start3A_393 = arith.constant 0 : i32
          %dma_start3A_394 = tpu.memref_slice %arg2[%dma_start3A_392, %dma_start3A_393] : memref<10000x128xf32, #tpu.memory_space<hbm>> -> memref<10000x128xf32, #tpu.memory_space<hbm>>
          tpu.enqueue_indirect_dma source(%dma_start3A_394 : memref<10000x128xf32, #tpu.memory_space<hbm>>) target(%arg18 : memref<80x128xf32, #tpu.memory_space<vmem>>) offsets(%dma_start3A_391 : memref<80xi32, #tpu.memory_space<vmem>>) semaphore(%arg19 : memref<!tpu.dma_semaphore, #tpu.memory_space<semaphore_mem>>)
        } else {
        }
        %add3A_345 = arith.constant 4 : i32
        %add3A_346 = arith.addi %add3A_180, %add3A_345 : i32
        %lt3A_347 = arith.constant 4000 : i32
        %lt3A_348 = arith.cmpi slt, %add3A_346, %lt3A_347 : i32
        %convert_element_type3A_349 = arith.extui %lt3A_348 : i1 to i32
        %cond3A_350 = arith.constant 0 : i32
        %cond3A_351 = arith.cmpi ne, %convert_element_type3A_349, %cond3A_350 : i32
        scf.if %cond3A_351 {
          %dma_wait3A = arith.constant 4 : i32
          %dma_wait3A_389 = arith.constant 0 : i32
          %dma_wait3A_390 = tpu.memref_slice %arg6[%dma_wait3A, %dma_wait3A_389] : memref<8x80xi32, #tpu.memory_space<vmem>> -> memref<1x80xi32, #tpu.memory_space<vmem>>
          %dma_wait3A_391 = tpu.memref_squeeze %dma_wait3A_390 : memref<1x80xi32, #tpu.memory_space<vmem>> -> memref<80xi32, #tpu.memory_space<vmem>>
          %dma_wait3A_392 = arith.constant 0 : i32
          %dma_wait3A_393 = arith.constant 0 : i32
          %dma_wait3A_394 = tpu.memref_slice %arg2[%dma_wait3A_392, %dma_wait3A_393] : memref<10000x128xf32, #tpu.memory_space<hbm>> -> memref<10000x128xf32, #tpu.memory_space<hbm>>
          tpu.wait_indirect_dma semaphore(%arg13 : memref<!tpu.dma_semaphore, #tpu.memory_space<semaphore_mem>>) src(%dma_wait3A_394 : memref<10000x128xf32, #tpu.memory_space<hbm>>) dst(%arg12 : memref<80x128xf32, #tpu.memory_space<vmem>>)
          %dma_start3A = arith.constant 4 : i32
          %dma_start3A_395 = arith.constant 0 : i32
          %dma_start3A_396 = tpu.memref_slice %arg7[%dma_start3A, %dma_start3A_395] : memref<8x80xi32, #tpu.memory_space<vmem>> -> memref<1x80xi32, #tpu.memory_space<vmem>>
          %dma_start3A_397 = tpu.memref_squeeze %dma_start3A_396 : memref<1x80xi32, #tpu.memory_space<vmem>> -> memref<80xi32, #tpu.memory_space<vmem>>
          %dma_start3A_398 = arith.constant 0 : i32
          %dma_start3A_399 = arith.constant 0 : i32
          %dma_start3A_400 = tpu.memref_slice %arg25[%dma_start3A_398, %dma_start3A_399] : memref<10000x128xf32, #tpu.memory_space<vmem_shared>> -> memref<10000x128xf32, #tpu.memory_space<vmem_shared>>
          tpu.enqueue_indirect_dma source(%arg12 : memref<80x128xf32, #tpu.memory_space<vmem>>) target(%dma_start3A_400 : memref<10000x128xf32, #tpu.memory_space<vmem_shared>>) offsets(%dma_start3A_397 : memref<80xi32, #tpu.memory_space<vmem>>) semaphore(%arg14 : memref<!tpu.dma_semaphore, #tpu.memory_space<semaphore_mem>>) {add = true}
        } else {
        }
        %add3A_352 = arith.constant 7 : i32
        %add3A_353 = arith.addi %add3A_180, %add3A_352 : i32
        %sub3A_354 = arith.constant 4 : i32
        %sub3A_355 = arith.subi %add3A_353, %sub3A_354 : i32
        %ge3A_356 = arith.cmpi sge, %sub3A_355, %mul3A_91 : i32
        %lt3A_357 = arith.constant 4000 : i32
        %lt3A_358 = arith.cmpi slt, %sub3A_355, %lt3A_357 : i32
        %and3A_359 = arith.andi %ge3A_356, %lt3A_358 : i1
        %convert_element_type3A_360 = arith.extui %and3A_359 : i1 to i32
        %cond3A_361 = arith.constant 0 : i32
        %cond3A_362 = arith.cmpi ne, %convert_element_type3A_360, %cond3A_361 : i32
        scf.if %cond3A_362 {
          %dma_wait3A = arith.constant 0 : i32
          %dma_wait3A_389 = arith.constant 0 : i32
          %dma_wait3A_390 = tpu.memref_slice %arg7[%dma_wait3A, %dma_wait3A_389] : memref<8x80xi32, #tpu.memory_space<vmem>> -> memref<1x80xi32, #tpu.memory_space<vmem>>
          %dma_wait3A_391 = tpu.memref_squeeze %dma_wait3A_390 : memref<1x80xi32, #tpu.memory_space<vmem>> -> memref<80xi32, #tpu.memory_space<vmem>>
          %dma_wait3A_392 = arith.constant 0 : i32
          %dma_wait3A_393 = arith.constant 0 : i32
          %dma_wait3A_394 = tpu.memref_slice %arg25[%dma_wait3A_392, %dma_wait3A_393] : memref<10000x128xf32, #tpu.memory_space<vmem_shared>> -> memref<10000x128xf32, #tpu.memory_space<vmem_shared>>
          tpu.wait_indirect_dma semaphore(%arg23 : memref<!tpu.dma_semaphore, #tpu.memory_space<semaphore_mem>>) src(%arg21 : memref<80x128xf32, #tpu.memory_space<vmem>>) dst(%dma_wait3A_394 : memref<10000x128xf32, #tpu.memory_space<vmem_shared>>)
        } else {
        }
        %lt3A_363 = arith.constant 4000 : i32
        %lt3A_364 = arith.cmpi slt, %add3A_353, %lt3A_363 : i32
        %convert_element_type3A_365 = arith.extui %lt3A_364 : i1 to i32
        %cond3A_366 = arith.constant 0 : i32
        %cond3A_367 = arith.cmpi ne, %convert_element_type3A_365, %cond3A_366 : i32
        scf.if %cond3A_367 {
          %dma_start3A = arith.constant 7 : i32
          %dma_start3A_389 = arith.constant 0 : i32
          %dma_start3A_390 = tpu.memref_slice %arg6[%dma_start3A, %dma_start3A_389] : memref<8x80xi32, #tpu.memory_space<vmem>> -> memref<1x80xi32, #tpu.memory_space<vmem>>
          %dma_start3A_391 = tpu.memref_squeeze %dma_start3A_390 : memref<1x80xi32, #tpu.memory_space<vmem>> -> memref<80xi32, #tpu.memory_space<vmem>>
          %dma_start3A_392 = arith.constant 0 : i32
          %dma_start3A_393 = arith.constant 0 : i32
          %dma_start3A_394 = tpu.memref_slice %arg2[%dma_start3A_392, %dma_start3A_393] : memref<10000x128xf32, #tpu.memory_space<hbm>> -> memref<10000x128xf32, #tpu.memory_space<hbm>>
          tpu.enqueue_indirect_dma source(%dma_start3A_394 : memref<10000x128xf32, #tpu.memory_space<hbm>>) target(%arg21 : memref<80x128xf32, #tpu.memory_space<vmem>>) offsets(%dma_start3A_391 : memref<80xi32, #tpu.memory_space<vmem>>) semaphore(%arg22 : memref<!tpu.dma_semaphore, #tpu.memory_space<semaphore_mem>>)
        } else {
        }
        %add3A_368 = arith.constant 5 : i32
        %add3A_369 = arith.addi %add3A_180, %add3A_368 : i32
        %lt3A_370 = arith.constant 4000 : i32
        %lt3A_371 = arith.cmpi slt, %add3A_369, %lt3A_370 : i32
        %convert_element_type3A_372 = arith.extui %lt3A_371 : i1 to i32
        %cond3A_373 = arith.constant 0 : i32
        %cond3A_374 = arith.cmpi ne, %convert_element_type3A_372, %cond3A_373 : i32
        scf.if %cond3A_374 {
          %dma_wait3A = arith.constant 5 : i32
          %dma_wait3A_389 = arith.constant 0 : i32
          %dma_wait3A_390 = tpu.memref_slice %arg6[%dma_wait3A, %dma_wait3A_389] : memref<8x80xi32, #tpu.memory_space<vmem>> -> memref<1x80xi32, #tpu.memory_space<vmem>>
          %dma_wait3A_391 = tpu.memref_squeeze %dma_wait3A_390 : memref<1x80xi32, #tpu.memory_space<vmem>> -> memref<80xi32, #tpu.memory_space<vmem>>
          %dma_wait3A_392 = arith.constant 0 : i32
          %dma_wait3A_393 = arith.constant 0 : i32
          %dma_wait3A_394 = tpu.memref_slice %arg2[%dma_wait3A_392, %dma_wait3A_393] : memref<10000x128xf32, #tpu.memory_space<hbm>> -> memref<10000x128xf32, #tpu.memory_space<hbm>>
          tpu.wait_indirect_dma semaphore(%arg16 : memref<!tpu.dma_semaphore, #tpu.memory_space<semaphore_mem>>) src(%dma_wait3A_394 : memref<10000x128xf32, #tpu.memory_space<hbm>>) dst(%arg15 : memref<80x128xf32, #tpu.memory_space<vmem>>)
          %dma_start3A = arith.constant 5 : i32
          %dma_start3A_395 = arith.constant 0 : i32
          %dma_start3A_396 = tpu.memref_slice %arg7[%dma_start3A, %dma_start3A_395] : memref<8x80xi32, #tpu.memory_space<vmem>> -> memref<1x80xi32, #tpu.memory_space<vmem>>
          %dma_start3A_397 = tpu.memref_squeeze %dma_start3A_396 : memref<1x80xi32, #tpu.memory_space<vmem>> -> memref<80xi32, #tpu.memory_space<vmem>>
          %dma_start3A_398 = arith.constant 0 : i32
          %dma_start3A_399 = arith.constant 0 : i32
          %dma_start3A_400 = tpu.memref_slice %arg25[%dma_start3A_398, %dma_start3A_399] : memref<10000x128xf32, #tpu.memory_space<vmem_shared>> -> memref<10000x128xf32, #tpu.memory_space<vmem_shared>>
          tpu.enqueue_indirect_dma source(%arg15 : memref<80x128xf32, #tpu.memory_space<vmem>>) target(%dma_start3A_400 : memref<10000x128xf32, #tpu.memory_space<vmem_shared>>) offsets(%dma_start3A_397 : memref<80xi32, #tpu.memory_space<vmem>>) semaphore(%arg17 : memref<!tpu.dma_semaphore, #tpu.memory_space<semaphore_mem>>) {add = true}
        } else {
        }
        %add3A_375 = arith.constant 6 : i32
        %add3A_376 = arith.addi %add3A_180, %add3A_375 : i32
        %lt3A_377 = arith.constant 4000 : i32
        %lt3A_378 = arith.cmpi slt, %add3A_376, %lt3A_377 : i32
        %convert_element_type3A_379 = arith.extui %lt3A_378 : i1 to i32
        %cond3A_380 = arith.constant 0 : i32
        %cond3A_381 = arith.cmpi ne, %convert_element_type3A_379, %cond3A_380 : i32
        scf.if %cond3A_381 {
          %dma_wait3A = arith.constant 6 : i32
          %dma_wait3A_389 = arith.constant 0 : i32
          %dma_wait3A_390 = tpu.memref_slice %arg6[%dma_wait3A, %dma_wait3A_389] : memref<8x80xi32, #tpu.memory_space<vmem>> -> memref<1x80xi32, #tpu.memory_space<vmem>>
          %dma_wait3A_391 = tpu.memref_squeeze %dma_wait3A_390 : memref<1x80xi32, #tpu.memory_space<vmem>> -> memref<80xi32, #tpu.memory_space<vmem>>
          %dma_wait3A_392 = arith.constant 0 : i32
          %dma_wait3A_393 = arith.constant 0 : i32
          %dma_wait3A_394 = tpu.memref_slice %arg2[%dma_wait3A_392, %dma_wait3A_393] : memref<10000x128xf32, #tpu.memory_space<hbm>> -> memref<10000x128xf32, #tpu.memory_space<hbm>>
          tpu.wait_indirect_dma semaphore(%arg19 : memref<!tpu.dma_semaphore, #tpu.memory_space<semaphore_mem>>) src(%dma_wait3A_394 : memref<10000x128xf32, #tpu.memory_space<hbm>>) dst(%arg18 : memref<80x128xf32, #tpu.memory_space<vmem>>)
          %dma_start3A = arith.constant 6 : i32
          %dma_start3A_395 = arith.constant 0 : i32
          %dma_start3A_396 = tpu.memref_slice %arg7[%dma_start3A, %dma_start3A_395] : memref<8x80xi32, #tpu.memory_space<vmem>> -> memref<1x80xi32, #tpu.memory_space<vmem>>
          %dma_start3A_397 = tpu.memref_squeeze %dma_start3A_396 : memref<1x80xi32, #tpu.memory_space<vmem>> -> memref<80xi32, #tpu.memory_space<vmem>>
          %dma_start3A_398 = arith.constant 0 : i32
          %dma_start3A_399 = arith.constant 0 : i32
          %dma_start3A_400 = tpu.memref_slice %arg25[%dma_start3A_398, %dma_start3A_399] : memref<10000x128xf32, #tpu.memory_space<vmem_shared>> -> memref<10000x128xf32, #tpu.memory_space<vmem_shared>>
          tpu.enqueue_indirect_dma source(%arg18 : memref<80x128xf32, #tpu.memory_space<vmem>>) target(%dma_start3A_400 : memref<10000x128xf32, #tpu.memory_space<vmem_shared>>) offsets(%dma_start3A_397 : memref<80xi32, #tpu.memory_space<vmem>>) semaphore(%arg20 : memref<!tpu.dma_semaphore, #tpu.memory_space<semaphore_mem>>) {add = true}
        } else {
        }
        %add3A_382 = arith.constant 7 : i32
        %add3A_383 = arith.addi %add3A_180, %add3A_382 : i32
        %lt3A_384 = arith.constant 4000 : i32
        %lt3A_385 = arith.cmpi slt, %add3A_383, %lt3A_384 : i32
        %convert_element_type3A_386 = arith.extui %lt3A_385 : i1 to i32
        %cond3A_387 = arith.constant 0 : i32
        %cond3A_388 = arith.cmpi ne, %convert_element_type3A_386, %cond3A_387 : i32
        scf.if %cond3A_388 {
          %dma_wait3A = arith.constant 7 : i32
          %dma_wait3A_389 = arith.constant 0 : i32
          %dma_wait3A_390 = tpu.memref_slice %arg6[%dma_wait3A, %dma_wait3A_389] : memref<8x80xi32, #tpu.memory_space<vmem>> -> memref<1x80xi32, #tpu.memory_space<vmem>>
          %dma_wait3A_391 = tpu.memref_squeeze %dma_wait3A_390 : memref<1x80xi32, #tpu.memory_space<vmem>> -> memref<80xi32, #tpu.memory_space<vmem>>
          %dma_wait3A_392 = arith.constant 0 : i32
          %dma_wait3A_393 = arith.constant 0 : i32
          %dma_wait3A_394 = tpu.memref_slice %arg2[%dma_wait3A_392, %dma_wait3A_393] : memref<10000x128xf32, #tpu.memory_space<hbm>> -> memref<10000x128xf32, #tpu.memory_space<hbm>>
          tpu.wait_indirect_dma semaphore(%arg22 : memref<!tpu.dma_semaphore, #tpu.memory_space<semaphore_mem>>) src(%dma_wait3A_394 : memref<10000x128xf32, #tpu.memory_space<hbm>>) dst(%arg21 : memref<80x128xf32, #tpu.memory_space<vmem>>)
          %dma_start3A = arith.constant 7 : i32
          %dma_start3A_395 = arith.constant 0 : i32
          %dma_start3A_396 = tpu.memref_slice %arg7[%dma_start3A, %dma_start3A_395] : memref<8x80xi32, #tpu.memory_space<vmem>> -> memref<1x80xi32, #tpu.memory_space<vmem>>
          %dma_start3A_397 = tpu.memref_squeeze %dma_start3A_396 : memref<1x80xi32, #tpu.memory_space<vmem>> -> memref<80xi32, #tpu.memory_space<vmem>>
          %dma_start3A_398 = arith.constant 0 : i32
          %dma_start3A_399 = arith.constant 0 : i32
          %dma_start3A_400 = tpu.memref_slice %arg25[%dma_start3A_398, %dma_start3A_399] : memref<10000x128xf32, #tpu.memory_space<vmem_shared>> -> memref<10000x128xf32, #tpu.memory_space<vmem_shared>>
          tpu.enqueue_indirect_dma source(%arg21 : memref<80x128xf32, #tpu.memory_space<vmem>>) target(%dma_start3A_400 : memref<10000x128xf32, #tpu.memory_space<vmem_shared>>) offsets(%dma_start3A_397 : memref<80xi32, #tpu.memory_space<vmem>>) semaphore(%arg23 : memref<!tpu.dma_semaphore, #tpu.memory_space<semaphore_mem>>) {add = true}
        } else {
        }
      } else {
      }
      %eq3A_173 = arith.constant 1 : i32
      %eq3A_174 = arith.cmpi eq, %rem3A_167, %eq3A_173 : i32
      %convert_element_type3A_175 = arith.extui %eq3A_174 : i1 to i32
      %cond3A_176 = arith.constant 0 : i32
      %cond3A_177 = arith.cmpi ne, %convert_element_type3A_175, %cond3A_176 : i32
      scf.if %cond3A_177 {
        %mul3A_178 = arith.constant 8 : i32
        %mul3A_179 = arith.muli %add3A_165, %mul3A_178 : i32
        %add3A_180 = arith.addi %mul3A_91, %mul3A_179 : i32
        %lt3A_181 = arith.constant 16 : i32
        %lt3A_182 = arith.cmpi slt, %add3A_165, %lt3A_181 : i32
        %mul3A_183 = arith.constant 8 : i32
        %mul3A_184 = arith.muli %add3A_165, %mul3A_183 : i32
        %add3A_185 = arith.addi %mul3A_91, %mul3A_184 : i32
        %lt3A_186 = arith.constant 4000 : i32
        %lt3A_187 = arith.cmpi slt, %add3A_185, %lt3A_186 : i32
        %and3A_188 = arith.andi %lt3A_182, %lt3A_187 : i1
        %convert_element_type3A_189 = arith.extui %and3A_188 : i1 to i32
        %cond3A_190 = arith.constant 0 : i32
        %cond3A_191 = arith.cmpi ne, %convert_element_type3A_189, %cond3A_190 : i32
        scf.if %cond3A_191 {
          %dma_wait3A = arith.constant 0 : i32
          %dma_wait3A_389 = arith.constant 0 : i32
          %dma_wait3A_390 = tpu.memref_slice %arg3[%dma_wait3A, %dma_wait3A_389] : memref<4096x80xi32, #tpu.memory_space<hbm>> -> memref<8x80xi32, #tpu.memory_space<hbm>>
          %dma_wait3A_391 = arith.constant 0 : i32
          %dma_wait3A_392 = arith.constant 0 : i32
          %dma_wait3A_393 = tpu.memref_slice %arg3[%dma_wait3A_391, %dma_wait3A_392] : memref<4096x80xi32, #tpu.memory_space<hbm>> -> memref<8x80xi32, #tpu.memory_space<hbm>>
          tpu.wait_dma2 semaphore(%arg11 : memref<!tpu.dma_semaphore, #tpu.memory_space<semaphore_mem>>) src(%dma_wait3A_393 : memref<8x80xi32, #tpu.memory_space<hbm>>) dst(%arg9 : memref<8x80xi32, #tpu.memory_space<vmem>>)
          %dma_wait3A_394 = arith.constant 0 : i32
          %dma_wait3A_395 = arith.constant 0 : i32
          %dma_wait3A_396 = tpu.memref_slice %arg4[%dma_wait3A_394, %dma_wait3A_395] : memref<4096x80xi32, #tpu.memory_space<hbm>> -> memref<8x80xi32, #tpu.memory_space<hbm>>
          %dma_wait3A_397 = arith.constant 0 : i32
          %dma_wait3A_398 = arith.constant 0 : i32
          %dma_wait3A_399 = tpu.memref_slice %arg4[%dma_wait3A_397, %dma_wait3A_398] : memref<4096x80xi32, #tpu.memory_space<hbm>> -> memref<8x80xi32, #tpu.memory_space<hbm>>
          tpu.wait_dma2 semaphore(%arg11 : memref<!tpu.dma_semaphore, #tpu.memory_space<semaphore_mem>>) src(%dma_wait3A_399 : memref<8x80xi32, #tpu.memory_space<hbm>>) dst(%arg10 : memref<8x80xi32, #tpu.memory_space<vmem>>)
        } else {
        }
        %add3A_192 = arith.constant 0 : i32
        %add3A_193 = arith.addi %add3A_180, %add3A_192 : i32
        %sub3A_194 = arith.constant 4 : i32
        %sub3A_195 = arith.subi %add3A_193, %sub3A_194 : i32
        %ge3A_196 = arith.cmpi sge, %sub3A_195, %mul3A_91 : i32
        %lt3A_197 = arith.constant 4000 : i32
        %lt3A_198 = arith.cmpi slt, %sub3A_195, %lt3A_197 : i32
        %and3A_199 = arith.andi %ge3A_196, %lt3A_198 : i1
        %convert_element_type3A_200 = arith.extui %and3A_199 : i1 to i32
        %cond3A_201 = arith.constant 0 : i32
        %cond3A_202 = arith.cmpi ne, %convert_element_type3A_200, %cond3A_201 : i32
        scf.if %cond3A_202 {
          %dma_wait3A = arith.constant 0 : i32
          %dma_wait3A_389 = arith.constant 0 : i32
          %dma_wait3A_390 = tpu.memref_slice %arg10[%dma_wait3A, %dma_wait3A_389] : memref<8x80xi32, #tpu.memory_space<vmem>> -> memref<1x80xi32, #tpu.memory_space<vmem>>
          %dma_wait3A_391 = tpu.memref_squeeze %dma_wait3A_390 : memref<1x80xi32, #tpu.memory_space<vmem>> -> memref<80xi32, #tpu.memory_space<vmem>>
          %dma_wait3A_392 = arith.constant 0 : i32
          %dma_wait3A_393 = arith.constant 0 : i32
          %dma_wait3A_394 = tpu.memref_slice %arg25[%dma_wait3A_392, %dma_wait3A_393] : memref<10000x128xf32, #tpu.memory_space<vmem_shared>> -> memref<10000x128xf32, #tpu.memory_space<vmem_shared>>
          tpu.wait_indirect_dma semaphore(%arg14 : memref<!tpu.dma_semaphore, #tpu.memory_space<semaphore_mem>>) src(%arg12 : memref<80x128xf32, #tpu.memory_space<vmem>>) dst(%dma_wait3A_394 : memref<10000x128xf32, #tpu.memory_space<vmem_shared>>)
        } else {
        }
        %lt3A_203 = arith.constant 4000 : i32
        %lt3A_204 = arith.cmpi slt, %add3A_193, %lt3A_203 : i32
        %convert_element_type3A_205 = arith.extui %lt3A_204 : i1 to i32
        %cond3A_206 = arith.constant 0 : i32
        %cond3A_207 = arith.cmpi ne, %convert_element_type3A_205, %cond3A_206 : i32
        scf.if %cond3A_207 {
          %dma_start3A = arith.constant 0 : i32
          %dma_start3A_389 = arith.constant 0 : i32
          %dma_start3A_390 = tpu.memref_slice %arg9[%dma_start3A, %dma_start3A_389] : memref<8x80xi32, #tpu.memory_space<vmem>> -> memref<1x80xi32, #tpu.memory_space<vmem>>
          %dma_start3A_391 = tpu.memref_squeeze %dma_start3A_390 : memref<1x80xi32, #tpu.memory_space<vmem>> -> memref<80xi32, #tpu.memory_space<vmem>>
          %dma_start3A_392 = arith.constant 0 : i32
          %dma_start3A_393 = arith.constant 0 : i32
          %dma_start3A_394 = tpu.memref_slice %arg2[%dma_start3A_392, %dma_start3A_393] : memref<10000x128xf32, #tpu.memory_space<hbm>> -> memref<10000x128xf32, #tpu.memory_space<hbm>>
          tpu.enqueue_indirect_dma source(%dma_start3A_394 : memref<10000x128xf32, #tpu.memory_space<hbm>>) target(%arg12 : memref<80x128xf32, #tpu.memory_space<vmem>>) offsets(%dma_start3A_391 : memref<80xi32, #tpu.memory_space<vmem>>) semaphore(%arg13 : memref<!tpu.dma_semaphore, #tpu.memory_space<semaphore_mem>>)
        } else {
        }
        %add3A_208 = arith.constant 1 : i32
        %add3A_209 = arith.addi %add3A_180, %add3A_208 : i32
        %sub3A_210 = arith.constant 4 : i32
        %sub3A_211 = arith.subi %add3A_209, %sub3A_210 : i32
        %ge3A_212 = arith.cmpi sge, %sub3A_211, %mul3A_91 : i32
        %lt3A_213 = arith.constant 4000 : i32
        %lt3A_214 = arith.cmpi slt, %sub3A_211, %lt3A_213 : i32
        %and3A_215 = arith.andi %ge3A_212, %lt3A_214 : i1
        %convert_element_type3A_216 = arith.extui %and3A_215 : i1 to i32
        %cond3A_217 = arith.constant 0 : i32
        %cond3A_218 = arith.cmpi ne, %convert_element_type3A_216, %cond3A_217 : i32
        scf.if %cond3A_218 {
          %dma_wait3A = arith.constant 0 : i32
          %dma_wait3A_389 = arith.constant 0 : i32
          %dma_wait3A_390 = tpu.memref_slice %arg10[%dma_wait3A, %dma_wait3A_389] : memref<8x80xi32, #tpu.memory_space<vmem>> -> memref<1x80xi32, #tpu.memory_space<vmem>>
          %dma_wait3A_391 = tpu.memref_squeeze %dma_wait3A_390 : memref<1x80xi32, #tpu.memory_space<vmem>> -> memref<80xi32, #tpu.memory_space<vmem>>
          %dma_wait3A_392 = arith.constant 0 : i32
          %dma_wait3A_393 = arith.constant 0 : i32
          %dma_wait3A_394 = tpu.memref_slice %arg25[%dma_wait3A_392, %dma_wait3A_393] : memref<10000x128xf32, #tpu.memory_space<vmem_shared>> -> memref<10000x128xf32, #tpu.memory_space<vmem_shared>>
          tpu.wait_indirect_dma semaphore(%arg17 : memref<!tpu.dma_semaphore, #tpu.memory_space<semaphore_mem>>) src(%arg15 : memref<80x128xf32, #tpu.memory_space<vmem>>) dst(%dma_wait3A_394 : memref<10000x128xf32, #tpu.memory_space<vmem_shared>>)
        } else {
        }
        %lt3A_219 = arith.constant 4000 : i32
        %lt3A_220 = arith.cmpi slt, %add3A_209, %lt3A_219 : i32
        %convert_element_type3A_221 = arith.extui %lt3A_220 : i1 to i32
        %cond3A_222 = arith.constant 0 : i32
        %cond3A_223 = arith.cmpi ne, %convert_element_type3A_221, %cond3A_222 : i32
        scf.if %cond3A_223 {
          %dma_start3A = arith.constant 1 : i32
          %dma_start3A_389 = arith.constant 0 : i32
          %dma_start3A_390 = tpu.memref_slice %arg9[%dma_start3A, %dma_start3A_389] : memref<8x80xi32, #tpu.memory_space<vmem>> -> memref<1x80xi32, #tpu.memory_space<vmem>>
          %dma_start3A_391 = tpu.memref_squeeze %dma_start3A_390 : memref<1x80xi32, #tpu.memory_space<vmem>> -> memref<80xi32, #tpu.memory_space<vmem>>
          %dma_start3A_392 = arith.constant 0 : i32
          %dma_start3A_393 = arith.constant 0 : i32
          %dma_start3A_394 = tpu.memref_slice %arg2[%dma_start3A_392, %dma_start3A_393] : memref<10000x128xf32, #tpu.memory_space<hbm>> -> memref<10000x128xf32, #tpu.memory_space<hbm>>
          tpu.enqueue_indirect_dma source(%dma_start3A_394 : memref<10000x128xf32, #tpu.memory_space<hbm>>) target(%arg15 : memref<80x128xf32, #tpu.memory_space<vmem>>) offsets(%dma_start3A_391 : memref<80xi32, #tpu.memory_space<vmem>>) semaphore(%arg16 : memref<!tpu.dma_semaphore, #tpu.memory_space<semaphore_mem>>)
        } else {
        }
        %add3A_224 = arith.constant 2 : i32
        %add3A_225 = arith.addi %add3A_180, %add3A_224 : i32
        %sub3A_226 = arith.constant 4 : i32
        %sub3A_227 = arith.subi %add3A_225, %sub3A_226 : i32
        %ge3A_228 = arith.cmpi sge, %sub3A_227, %mul3A_91 : i32
        %lt3A_229 = arith.constant 4000 : i32
        %lt3A_230 = arith.cmpi slt, %sub3A_227, %lt3A_229 : i32
        %and3A_231 = arith.andi %ge3A_228, %lt3A_230 : i1
        %convert_element_type3A_232 = arith.extui %and3A_231 : i1 to i32
        %cond3A_233 = arith.constant 0 : i32
        %cond3A_234 = arith.cmpi ne, %convert_element_type3A_232, %cond3A_233 : i32
        scf.if %cond3A_234 {
          %dma_wait3A = arith.constant 0 : i32
          %dma_wait3A_389 = arith.constant 0 : i32
          %dma_wait3A_390 = tpu.memref_slice %arg10[%dma_wait3A, %dma_wait3A_389] : memref<8x80xi32, #tpu.memory_space<vmem>> -> memref<1x80xi32, #tpu.memory_space<vmem>>
          %dma_wait3A_391 = tpu.memref_squeeze %dma_wait3A_390 : memref<1x80xi32, #tpu.memory_space<vmem>> -> memref<80xi32, #tpu.memory_space<vmem>>
          %dma_wait3A_392 = arith.constant 0 : i32
          %dma_wait3A_393 = arith.constant 0 : i32
          %dma_wait3A_394 = tpu.memref_slice %arg25[%dma_wait3A_392, %dma_wait3A_393] : memref<10000x128xf32, #tpu.memory_space<vmem_shared>> -> memref<10000x128xf32, #tpu.memory_space<vmem_shared>>
          tpu.wait_indirect_dma semaphore(%arg20 : memref<!tpu.dma_semaphore, #tpu.memory_space<semaphore_mem>>) src(%arg18 : memref<80x128xf32, #tpu.memory_space<vmem>>) dst(%dma_wait3A_394 : memref<10000x128xf32, #tpu.memory_space<vmem_shared>>)
        } else {
        }
        %lt3A_235 = arith.constant 4000 : i32
        %lt3A_236 = arith.cmpi slt, %add3A_225, %lt3A_235 : i32
        %convert_element_type3A_237 = arith.extui %lt3A_236 : i1 to i32
        %cond3A_238 = arith.constant 0 : i32
        %cond3A_239 = arith.cmpi ne, %convert_element_type3A_237, %cond3A_238 : i32
        scf.if %cond3A_239 {
          %dma_start3A = arith.constant 2 : i32
          %dma_start3A_389 = arith.constant 0 : i32
          %dma_start3A_390 = tpu.memref_slice %arg9[%dma_start3A, %dma_start3A_389] : memref<8x80xi32, #tpu.memory_space<vmem>> -> memref<1x80xi32, #tpu.memory_space<vmem>>
          %dma_start3A_391 = tpu.memref_squeeze %dma_start3A_390 : memref<1x80xi32, #tpu.memory_space<vmem>> -> memref<80xi32, #tpu.memory_space<vmem>>
          %dma_start3A_392 = arith.constant 0 : i32
          %dma_start3A_393 = arith.constant 0 : i32
          %dma_start3A_394 = tpu.memref_slice %arg2[%dma_start3A_392, %dma_start3A_393] : memref<10000x128xf32, #tpu.memory_space<hbm>> -> memref<10000x128xf32, #tpu.memory_space<hbm>>
          tpu.enqueue_indirect_dma source(%dma_start3A_394 : memref<10000x128xf32, #tpu.memory_space<hbm>>) target(%arg18 : memref<80x128xf32, #tpu.memory_space<vmem>>) offsets(%dma_start3A_391 : memref<80xi32, #tpu.memory_space<vmem>>) semaphore(%arg19 : memref<!tpu.dma_semaphore, #tpu.memory_space<semaphore_mem>>)
        } else {
        }
        %add3A_240 = arith.constant 0 : i32
        %add3A_241 = arith.addi %add3A_180, %add3A_240 : i32
        %lt3A_242 = arith.constant 4000 : i32
        %lt3A_243 = arith.cmpi slt, %add3A_241, %lt3A_242 : i32
        %convert_element_type3A_244 = arith.extui %lt3A_243 : i1 to i32
        %cond3A_245 = arith.constant 0 : i32
        %cond3A_246 = arith.cmpi ne, %convert_element_type3A_244, %cond3A_245 : i32
        scf.if %cond3A_246 {
          %dma_wait3A = arith.constant 0 : i32
          %dma_wait3A_389 = arith.constant 0 : i32
          %dma_wait3A_390 = tpu.memref_slice %arg9[%dma_wait3A, %dma_wait3A_389] : memref<8x80xi32, #tpu.memory_space<vmem>> -> memref<1x80xi32, #tpu.memory_space<vmem>>
          %dma_wait3A_391 = tpu.memref_squeeze %dma_wait3A_390 : memref<1x80xi32, #tpu.memory_space<vmem>> -> memref<80xi32, #tpu.memory_space<vmem>>
          %dma_wait3A_392 = arith.constant 0 : i32
          %dma_wait3A_393 = arith.constant 0 : i32
          %dma_wait3A_394 = tpu.memref_slice %arg2[%dma_wait3A_392, %dma_wait3A_393] : memref<10000x128xf32, #tpu.memory_space<hbm>> -> memref<10000x128xf32, #tpu.memory_space<hbm>>
          tpu.wait_indirect_dma semaphore(%arg13 : memref<!tpu.dma_semaphore, #tpu.memory_space<semaphore_mem>>) src(%dma_wait3A_394 : memref<10000x128xf32, #tpu.memory_space<hbm>>) dst(%arg12 : memref<80x128xf32, #tpu.memory_space<vmem>>)
          %dma_start3A = arith.constant 0 : i32
          %dma_start3A_395 = arith.constant 0 : i32
          %dma_start3A_396 = tpu.memref_slice %arg10[%dma_start3A, %dma_start3A_395] : memref<8x80xi32, #tpu.memory_space<vmem>> -> memref<1x80xi32, #tpu.memory_space<vmem>>
          %dma_start3A_397 = tpu.memref_squeeze %dma_start3A_396 : memref<1x80xi32, #tpu.memory_space<vmem>> -> memref<80xi32, #tpu.memory_space<vmem>>
          %dma_start3A_398 = arith.constant 0 : i32
          %dma_start3A_399 = arith.constant 0 : i32
          %dma_start3A_400 = tpu.memref_slice %arg25[%dma_start3A_398, %dma_start3A_399] : memref<10000x128xf32, #tpu.memory_space<vmem_shared>> -> memref<10000x128xf32, #tpu.memory_space<vmem_shared>>
          tpu.enqueue_indirect_dma source(%arg12 : memref<80x128xf32, #tpu.memory_space<vmem>>) target(%dma_start3A_400 : memref<10000x128xf32, #tpu.memory_space<vmem_shared>>) offsets(%dma_start3A_397 : memref<80xi32, #tpu.memory_space<vmem>>) semaphore(%arg14 : memref<!tpu.dma_semaphore, #tpu.memory_space<semaphore_mem>>) {add = true}
        } else {
        }
        %add3A_247 = arith.constant 3 : i32
        %add3A_248 = arith.addi %add3A_180, %add3A_247 : i32
        %sub3A_249 = arith.constant 4 : i32
        %sub3A_250 = arith.subi %add3A_248, %sub3A_249 : i32
        %ge3A_251 = arith.cmpi sge, %sub3A_250, %mul3A_91 : i32
        %lt3A_252 = arith.constant 4000 : i32
        %lt3A_253 = arith.cmpi slt, %sub3A_250, %lt3A_252 : i32
        %and3A_254 = arith.andi %ge3A_251, %lt3A_253 : i1
        %convert_element_type3A_255 = arith.extui %and3A_254 : i1 to i32
        %cond3A_256 = arith.constant 0 : i32
        %cond3A_257 = arith.cmpi ne, %convert_element_type3A_255, %cond3A_256 : i32
        scf.if %cond3A_257 {
          %dma_wait3A = arith.constant 0 : i32
          %dma_wait3A_389 = arith.constant 0 : i32
          %dma_wait3A_390 = tpu.memref_slice %arg10[%dma_wait3A, %dma_wait3A_389] : memref<8x80xi32, #tpu.memory_space<vmem>> -> memref<1x80xi32, #tpu.memory_space<vmem>>
          %dma_wait3A_391 = tpu.memref_squeeze %dma_wait3A_390 : memref<1x80xi32, #tpu.memory_space<vmem>> -> memref<80xi32, #tpu.memory_space<vmem>>
          %dma_wait3A_392 = arith.constant 0 : i32
          %dma_wait3A_393 = arith.constant 0 : i32
          %dma_wait3A_394 = tpu.memref_slice %arg25[%dma_wait3A_392, %dma_wait3A_393] : memref<10000x128xf32, #tpu.memory_space<vmem_shared>> -> memref<10000x128xf32, #tpu.memory_space<vmem_shared>>
          tpu.wait_indirect_dma semaphore(%arg23 : memref<!tpu.dma_semaphore, #tpu.memory_space<semaphore_mem>>) src(%arg21 : memref<80x128xf32, #tpu.memory_space<vmem>>) dst(%dma_wait3A_394 : memref<10000x128xf32, #tpu.memory_space<vmem_shared>>)
        } else {
        }
        %lt3A_258 = arith.constant 4000 : i32
        %lt3A_259 = arith.cmpi slt, %add3A_248, %lt3A_258 : i32
        %convert_element_type3A_260 = arith.extui %lt3A_259 : i1 to i32
        %cond3A_261 = arith.constant 0 : i32
        %cond3A_262 = arith.cmpi ne, %convert_element_type3A_260, %cond3A_261 : i32
        scf.if %cond3A_262 {
          %dma_start3A = arith.constant 3 : i32
          %dma_start3A_389 = arith.constant 0 : i32
          %dma_start3A_390 = tpu.memref_slice %arg9[%dma_start3A, %dma_start3A_389] : memref<8x80xi32, #tpu.memory_space<vmem>> -> memref<1x80xi32, #tpu.memory_space<vmem>>
          %dma_start3A_391 = tpu.memref_squeeze %dma_start3A_390 : memref<1x80xi32, #tpu.memory_space<vmem>> -> memref<80xi32, #tpu.memory_space<vmem>>
          %dma_start3A_392 = arith.constant 0 : i32
          %dma_start3A_393 = arith.constant 0 : i32
          %dma_start3A_394 = tpu.memref_slice %arg2[%dma_start3A_392, %dma_start3A_393] : memref<10000x128xf32, #tpu.memory_space<hbm>> -> memref<10000x128xf32, #tpu.memory_space<hbm>>
          tpu.enqueue_indirect_dma source(%dma_start3A_394 : memref<10000x128xf32, #tpu.memory_space<hbm>>) target(%arg21 : memref<80x128xf32, #tpu.memory_space<vmem>>) offsets(%dma_start3A_391 : memref<80xi32, #tpu.memory_space<vmem>>) semaphore(%arg22 : memref<!tpu.dma_semaphore, #tpu.memory_space<semaphore_mem>>)
        } else {
        }
        %add3A_263 = arith.constant 1 : i32
        %add3A_264 = arith.addi %add3A_180, %add3A_263 : i32
        %lt3A_265 = arith.constant 4000 : i32
        %lt3A_266 = arith.cmpi slt, %add3A_264, %lt3A_265 : i32
        %convert_element_type3A_267 = arith.extui %lt3A_266 : i1 to i32
        %cond3A_268 = arith.constant 0 : i32
        %cond3A_269 = arith.cmpi ne, %convert_element_type3A_267, %cond3A_268 : i32
        scf.if %cond3A_269 {
          %dma_wait3A = arith.constant 1 : i32
          %dma_wait3A_389 = arith.constant 0 : i32
          %dma_wait3A_390 = tpu.memref_slice %arg9[%dma_wait3A, %dma_wait3A_389] : memref<8x80xi32, #tpu.memory_space<vmem>> -> memref<1x80xi32, #tpu.memory_space<vmem>>
          %dma_wait3A_391 = tpu.memref_squeeze %dma_wait3A_390 : memref<1x80xi32, #tpu.memory_space<vmem>> -> memref<80xi32, #tpu.memory_space<vmem>>
          %dma_wait3A_392 = arith.constant 0 : i32
          %dma_wait3A_393 = arith.constant 0 : i32
          %dma_wait3A_394 = tpu.memref_slice %arg2[%dma_wait3A_392, %dma_wait3A_393] : memref<10000x128xf32, #tpu.memory_space<hbm>> -> memref<10000x128xf32, #tpu.memory_space<hbm>>
          tpu.wait_indirect_dma semaphore(%arg16 : memref<!tpu.dma_semaphore, #tpu.memory_space<semaphore_mem>>) src(%dma_wait3A_394 : memref<10000x128xf32, #tpu.memory_space<hbm>>) dst(%arg15 : memref<80x128xf32, #tpu.memory_space<vmem>>)
          %dma_start3A = arith.constant 1 : i32
          %dma_start3A_395 = arith.constant 0 : i32
          %dma_start3A_396 = tpu.memref_slice %arg10[%dma_start3A, %dma_start3A_395] : memref<8x80xi32, #tpu.memory_space<vmem>> -> memref<1x80xi32, #tpu.memory_space<vmem>>
          %dma_start3A_397 = tpu.memref_squeeze %dma_start3A_396 : memref<1x80xi32, #tpu.memory_space<vmem>> -> memref<80xi32, #tpu.memory_space<vmem>>
          %dma_start3A_398 = arith.constant 0 : i32
          %dma_start3A_399 = arith.constant 0 : i32
          %dma_start3A_400 = tpu.memref_slice %arg25[%dma_start3A_398, %dma_start3A_399] : memref<10000x128xf32, #tpu.memory_space<vmem_shared>> -> memref<10000x128xf32, #tpu.memory_space<vmem_shared>>
          tpu.enqueue_indirect_dma source(%arg15 : memref<80x128xf32, #tpu.memory_space<vmem>>) target(%dma_start3A_400 : memref<10000x128xf32, #tpu.memory_space<vmem_shared>>) offsets(%dma_start3A_397 : memref<80xi32, #tpu.memory_space<vmem>>) semaphore(%arg17 : memref<!tpu.dma_semaphore, #tpu.memory_space<semaphore_mem>>) {add = true}
        } else {
        }
        %add3A_270 = arith.constant 1 : i32
        %add3A_271 = arith.addi %add3A_165, %add3A_270 : i32
        %lt3A_272 = arith.constant 16 : i32
        %lt3A_273 = arith.cmpi slt, %add3A_271, %lt3A_272 : i32
        %mul3A_274 = arith.constant 8 : i32
        %mul3A_275 = arith.muli %add3A_271, %mul3A_274 : i32
        %add3A_276 = arith.addi %mul3A_91, %mul3A_275 : i32
        %lt3A_277 = arith.constant 4000 : i32
        %lt3A_278 = arith.cmpi slt, %add3A_276, %lt3A_277 : i32
        %and3A_279 = arith.andi %lt3A_273, %lt3A_278 : i1
        %convert_element_type3A_280 = arith.extui %and3A_279 : i1 to i32
        %cond3A_281 = arith.constant 0 : i32
        %cond3A_282 = arith.cmpi ne, %convert_element_type3A_280, %cond3A_281 : i32
        scf.if %cond3A_282 {
          %mul3A_389 = arith.constant 8 : i32
          %mul3A_390 = arith.muli %add3A_271, %mul3A_389 : i32
          %add3A_391 = arith.addi %mul3A_91, %mul3A_390 : i32
          %dma_start3A = arith.constant 0 : i32
          %dma_start3A_392 = tpu.memref_slice %arg3[%add3A_391, %dma_start3A] : memref<4096x80xi32, #tpu.memory_space<hbm>> -> memref<8x80xi32, #tpu.memory_space<hbm>>
          %dma_start3A_393 = arith.constant 0 : i32
          %dma_start3A_394 = tpu.memref_slice %arg3[%add3A_391, %dma_start3A_393] : memref<4096x80xi32, #tpu.memory_space<hbm>> -> memref<8x80xi32, #tpu.memory_space<hbm>>
          tpu.enqueue_dma source(%dma_start3A_394 : memref<8x80xi32, #tpu.memory_space<hbm>>) target(%arg6 : memref<8x80xi32, #tpu.memory_space<vmem>>) target_semaphore(%arg8 : memref<!tpu.dma_semaphore, #tpu.memory_space<semaphore_mem>>)
          %mul3A_395 = arith.constant 8 : i32
          %mul3A_396 = arith.muli %add3A_271, %mul3A_395 : i32
          %add3A_397 = arith.addi %mul3A_91, %mul3A_396 : i32
          %dma_start3A_398 = arith.constant 0 : i32
          %dma_start3A_399 = tpu.memref_slice %arg4[%add3A_397, %dma_start3A_398] : memref<4096x80xi32, #tpu.memory_space<hbm>> -> memref<8x80xi32, #tpu.memory_space<hbm>>
          %dma_start3A_400 = arith.constant 0 : i32
          %dma_start3A_401 = tpu.memref_slice %arg4[%add3A_397, %dma_start3A_400] : memref<4096x80xi32, #tpu.memory_space<hbm>> -> memref<8x80xi32, #tpu.memory_space<hbm>>
          tpu.enqueue_dma source(%dma_start3A_401 : memref<8x80xi32, #tpu.memory_space<hbm>>) target(%arg7 : memref<8x80xi32, #tpu.memory_space<vmem>>) target_semaphore(%arg8 : memref<!tpu.dma_semaphore, #tpu.memory_space<semaphore_mem>>)
        } else {
        }
        %add3A_283 = arith.constant 4 : i32
        %add3A_284 = arith.addi %add3A_180, %add3A_283 : i32
        %sub3A_285 = arith.constant 4 : i32
        %sub3A_286 = arith.subi %add3A_284, %sub3A_285 : i32
        %ge3A_287 = arith.cmpi sge, %sub3A_286, %mul3A_91 : i32
        %lt3A_288 = arith.constant 4000 : i32
        %lt3A_289 = arith.cmpi slt, %sub3A_286, %lt3A_288 : i32
        %and3A_290 = arith.andi %ge3A_287, %lt3A_289 : i1
        %convert_element_type3A_291 = arith.extui %and3A_290 : i1 to i32
        %cond3A_292 = arith.constant 0 : i32
        %cond3A_293 = arith.cmpi ne, %convert_element_type3A_291, %cond3A_292 : i32
        scf.if %cond3A_293 {
          %dma_wait3A = arith.constant 0 : i32
          %dma_wait3A_389 = arith.constant 0 : i32
          %dma_wait3A_390 = tpu.memref_slice %arg10[%dma_wait3A, %dma_wait3A_389] : memref<8x80xi32, #tpu.memory_space<vmem>> -> memref<1x80xi32, #tpu.memory_space<vmem>>
          %dma_wait3A_391 = tpu.memref_squeeze %dma_wait3A_390 : memref<1x80xi32, #tpu.memory_space<vmem>> -> memref<80xi32, #tpu.memory_space<vmem>>
          %dma_wait3A_392 = arith.constant 0 : i32
          %dma_wait3A_393 = arith.constant 0 : i32
          %dma_wait3A_394 = tpu.memref_slice %arg25[%dma_wait3A_392, %dma_wait3A_393] : memref<10000x128xf32, #tpu.memory_space<vmem_shared>> -> memref<10000x128xf32, #tpu.memory_space<vmem_shared>>
          tpu.wait_indirect_dma semaphore(%arg14 : memref<!tpu.dma_semaphore, #tpu.memory_space<semaphore_mem>>) src(%arg12 : memref<80x128xf32, #tpu.memory_space<vmem>>) dst(%dma_wait3A_394 : memref<10000x128xf32, #tpu.memory_space<vmem_shared>>)
        } else {
        }
        %lt3A_294 = arith.constant 4000 : i32
        %lt3A_295 = arith.cmpi slt, %add3A_284, %lt3A_294 : i32
        %convert_element_type3A_296 = arith.extui %lt3A_295 : i1 to i32
        %cond3A_297 = arith.constant 0 : i32
        %cond3A_298 = arith.cmpi ne, %convert_element_type3A_296, %cond3A_297 : i32
        scf.if %cond3A_298 {
          %dma_start3A = arith.constant 4 : i32
          %dma_start3A_389 = arith.constant 0 : i32
          %dma_start3A_390 = tpu.memref_slice %arg9[%dma_start3A, %dma_start3A_389] : memref<8x80xi32, #tpu.memory_space<vmem>> -> memref<1x80xi32, #tpu.memory_space<vmem>>
          %dma_start3A_391 = tpu.memref_squeeze %dma_start3A_390 : memref<1x80xi32, #tpu.memory_space<vmem>> -> memref<80xi32, #tpu.memory_space<vmem>>
          %dma_start3A_392 = arith.constant 0 : i32
          %dma_start3A_393 = arith.constant 0 : i32
          %dma_start3A_394 = tpu.memref_slice %arg2[%dma_start3A_392, %dma_start3A_393] : memref<10000x128xf32, #tpu.memory_space<hbm>> -> memref<10000x128xf32, #tpu.memory_space<hbm>>
          tpu.enqueue_indirect_dma source(%dma_start3A_394 : memref<10000x128xf32, #tpu.memory_space<hbm>>) target(%arg12 : memref<80x128xf32, #tpu.memory_space<vmem>>) offsets(%dma_start3A_391 : memref<80xi32, #tpu.memory_space<vmem>>) semaphore(%arg13 : memref<!tpu.dma_semaphore, #tpu.memory_space<semaphore_mem>>)
        } else {
        }
        %add3A_299 = arith.constant 2 : i32
        %add3A_300 = arith.addi %add3A_180, %add3A_299 : i32
        %lt3A_301 = arith.constant 4000 : i32
        %lt3A_302 = arith.cmpi slt, %add3A_300, %lt3A_301 : i32
        %convert_element_type3A_303 = arith.extui %lt3A_302 : i1 to i32
        %cond3A_304 = arith.constant 0 : i32
        %cond3A_305 = arith.cmpi ne, %convert_element_type3A_303, %cond3A_304 : i32
        scf.if %cond3A_305 {
          %dma_wait3A = arith.constant 2 : i32
          %dma_wait3A_389 = arith.constant 0 : i32
          %dma_wait3A_390 = tpu.memref_slice %arg9[%dma_wait3A, %dma_wait3A_389] : memref<8x80xi32, #tpu.memory_space<vmem>> -> memref<1x80xi32, #tpu.memory_space<vmem>>
          %dma_wait3A_391 = tpu.memref_squeeze %dma_wait3A_390 : memref<1x80xi32, #tpu.memory_space<vmem>> -> memref<80xi32, #tpu.memory_space<vmem>>
          %dma_wait3A_392 = arith.constant 0 : i32
          %dma_wait3A_393 = arith.constant 0 : i32
          %dma_wait3A_394 = tpu.memref_slice %arg2[%dma_wait3A_392, %dma_wait3A_393] : memref<10000x128xf32, #tpu.memory_space<hbm>> -> memref<10000x128xf32, #tpu.memory_space<hbm>>
          tpu.wait_indirect_dma semaphore(%arg19 : memref<!tpu.dma_semaphore, #tpu.memory_space<semaphore_mem>>) src(%dma_wait3A_394 : memref<10000x128xf32, #tpu.memory_space<hbm>>) dst(%arg18 : memref<80x128xf32, #tpu.memory_space<vmem>>)
          %dma_start3A = arith.constant 2 : i32
          %dma_start3A_395 = arith.constant 0 : i32
          %dma_start3A_396 = tpu.memref_slice %arg10[%dma_start3A, %dma_start3A_395] : memref<8x80xi32, #tpu.memory_space<vmem>> -> memref<1x80xi32, #tpu.memory_space<vmem>>
          %dma_start3A_397 = tpu.memref_squeeze %dma_start3A_396 : memref<1x80xi32, #tpu.memory_space<vmem>> -> memref<80xi32, #tpu.memory_space<vmem>>
          %dma_start3A_398 = arith.constant 0 : i32
          %dma_start3A_399 = arith.constant 0 : i32
          %dma_start3A_400 = tpu.memref_slice %arg25[%dma_start3A_398, %dma_start3A_399] : memref<10000x128xf32, #tpu.memory_space<vmem_shared>> -> memref<10000x128xf32, #tpu.memory_space<vmem_shared>>
          tpu.enqueue_indirect_dma source(%arg18 : memref<80x128xf32, #tpu.memory_space<vmem>>) target(%dma_start3A_400 : memref<10000x128xf32, #tpu.memory_space<vmem_shared>>) offsets(%dma_start3A_397 : memref<80xi32, #tpu.memory_space<vmem>>) semaphore(%arg20 : memref<!tpu.dma_semaphore, #tpu.memory_space<semaphore_mem>>) {add = true}
        } else {
        }
        %add3A_306 = arith.constant 5 : i32
        %add3A_307 = arith.addi %add3A_180, %add3A_306 : i32
        %sub3A_308 = arith.constant 4 : i32
        %sub3A_309 = arith.subi %add3A_307, %sub3A_308 : i32
        %ge3A_310 = arith.cmpi sge, %sub3A_309, %mul3A_91 : i32
        %lt3A_311 = arith.constant 4000 : i32
        %lt3A_312 = arith.cmpi slt, %sub3A_309, %lt3A_311 : i32
        %and3A_313 = arith.andi %ge3A_310, %lt3A_312 : i1
        %convert_element_type3A_314 = arith.extui %and3A_313 : i1 to i32
        %cond3A_315 = arith.constant 0 : i32
        %cond3A_316 = arith.cmpi ne, %convert_element_type3A_314, %cond3A_315 : i32
        scf.if %cond3A_316 {
          %dma_wait3A = arith.constant 0 : i32
          %dma_wait3A_389 = arith.constant 0 : i32
          %dma_wait3A_390 = tpu.memref_slice %arg10[%dma_wait3A, %dma_wait3A_389] : memref<8x80xi32, #tpu.memory_space<vmem>> -> memref<1x80xi32, #tpu.memory_space<vmem>>
          %dma_wait3A_391 = tpu.memref_squeeze %dma_wait3A_390 : memref<1x80xi32, #tpu.memory_space<vmem>> -> memref<80xi32, #tpu.memory_space<vmem>>
          %dma_wait3A_392 = arith.constant 0 : i32
          %dma_wait3A_393 = arith.constant 0 : i32
          %dma_wait3A_394 = tpu.memref_slice %arg25[%dma_wait3A_392, %dma_wait3A_393] : memref<10000x128xf32, #tpu.memory_space<vmem_shared>> -> memref<10000x128xf32, #tpu.memory_space<vmem_shared>>
          tpu.wait_indirect_dma semaphore(%arg17 : memref<!tpu.dma_semaphore, #tpu.memory_space<semaphore_mem>>) src(%arg15 : memref<80x128xf32, #tpu.memory_space<vmem>>) dst(%dma_wait3A_394 : memref<10000x128xf32, #tpu.memory_space<vmem_shared>>)
        } else {
        }
        %lt3A_317 = arith.constant 4000 : i32
        %lt3A_318 = arith.cmpi slt, %add3A_307, %lt3A_317 : i32
        %convert_element_type3A_319 = arith.extui %lt3A_318 : i1 to i32
        %cond3A_320 = arith.constant 0 : i32
        %cond3A_321 = arith.cmpi ne, %convert_element_type3A_319, %cond3A_320 : i32
        scf.if %cond3A_321 {
          %dma_start3A = arith.constant 5 : i32
          %dma_start3A_389 = arith.constant 0 : i32
          %dma_start3A_390 = tpu.memref_slice %arg9[%dma_start3A, %dma_start3A_389] : memref<8x80xi32, #tpu.memory_space<vmem>> -> memref<1x80xi32, #tpu.memory_space<vmem>>
          %dma_start3A_391 = tpu.memref_squeeze %dma_start3A_390 : memref<1x80xi32, #tpu.memory_space<vmem>> -> memref<80xi32, #tpu.memory_space<vmem>>
          %dma_start3A_392 = arith.constant 0 : i32
          %dma_start3A_393 = arith.constant 0 : i32
          %dma_start3A_394 = tpu.memref_slice %arg2[%dma_start3A_392, %dma_start3A_393] : memref<10000x128xf32, #tpu.memory_space<hbm>> -> memref<10000x128xf32, #tpu.memory_space<hbm>>
          tpu.enqueue_indirect_dma source(%dma_start3A_394 : memref<10000x128xf32, #tpu.memory_space<hbm>>) target(%arg15 : memref<80x128xf32, #tpu.memory_space<vmem>>) offsets(%dma_start3A_391 : memref<80xi32, #tpu.memory_space<vmem>>) semaphore(%arg16 : memref<!tpu.dma_semaphore, #tpu.memory_space<semaphore_mem>>)
        } else {
        }
        %add3A_322 = arith.constant 3 : i32
        %add3A_323 = arith.addi %add3A_180, %add3A_322 : i32
        %lt3A_324 = arith.constant 4000 : i32
        %lt3A_325 = arith.cmpi slt, %add3A_323, %lt3A_324 : i32
        %convert_element_type3A_326 = arith.extui %lt3A_325 : i1 to i32
        %cond3A_327 = arith.constant 0 : i32
        %cond3A_328 = arith.cmpi ne, %convert_element_type3A_326, %cond3A_327 : i32
        scf.if %cond3A_328 {
          %dma_wait3A = arith.constant 3 : i32
          %dma_wait3A_389 = arith.constant 0 : i32
          %dma_wait3A_390 = tpu.memref_slice %arg9[%dma_wait3A, %dma_wait3A_389] : memref<8x80xi32, #tpu.memory_space<vmem>> -> memref<1x80xi32, #tpu.memory_space<vmem>>
          %dma_wait3A_391 = tpu.memref_squeeze %dma_wait3A_390 : memref<1x80xi32, #tpu.memory_space<vmem>> -> memref<80xi32, #tpu.memory_space<vmem>>
          %dma_wait3A_392 = arith.constant 0 : i32
          %dma_wait3A_393 = arith.constant 0 : i32
          %dma_wait3A_394 = tpu.memref_slice %arg2[%dma_wait3A_392, %dma_wait3A_393] : memref<10000x128xf32, #tpu.memory_space<hbm>> -> memref<10000x128xf32, #tpu.memory_space<hbm>>
          tpu.wait_indirect_dma semaphore(%arg22 : memref<!tpu.dma_semaphore, #tpu.memory_space<semaphore_mem>>) src(%dma_wait3A_394 : memref<10000x128xf32, #tpu.memory_space<hbm>>) dst(%arg21 : memref<80x128xf32, #tpu.memory_space<vmem>>)
          %dma_start3A = arith.constant 3 : i32
          %dma_start3A_395 = arith.constant 0 : i32
          %dma_start3A_396 = tpu.memref_slice %arg10[%dma_start3A, %dma_start3A_395] : memref<8x80xi32, #tpu.memory_space<vmem>> -> memref<1x80xi32, #tpu.memory_space<vmem>>
          %dma_start3A_397 = tpu.memref_squeeze %dma_start3A_396 : memref<1x80xi32, #tpu.memory_space<vmem>> -> memref<80xi32, #tpu.memory_space<vmem>>
          %dma_start3A_398 = arith.constant 0 : i32
          %dma_start3A_399 = arith.constant 0 : i32
          %dma_start3A_400 = tpu.memref_slice %arg25[%dma_start3A_398, %dma_start3A_399] : memref<10000x128xf32, #tpu.memory_space<vmem_shared>> -> memref<10000x128xf32, #tpu.memory_space<vmem_shared>>
          tpu.enqueue_indirect_dma source(%arg21 : memref<80x128xf32, #tpu.memory_space<vmem>>) target(%dma_start3A_400 : memref<10000x128xf32, #tpu.memory_space<vmem_shared>>) offsets(%dma_start3A_397 : memref<80xi32, #tpu.memory_space<vmem>>) semaphore(%arg23 : memref<!tpu.dma_semaphore, #tpu.memory_space<semaphore_mem>>) {add = true}
        } else {
        }
        %add3A_329 = arith.constant 6 : i32
        %add3A_330 = arith.addi %add3A_180, %add3A_329 : i32
        %sub3A_331 = arith.constant 4 : i32
        %sub3A_332 = arith.subi %add3A_330, %sub3A_331 : i32
        %ge3A_333 = arith.cmpi sge, %sub3A_332, %mul3A_91 : i32
        %lt3A_334 = arith.constant 4000 : i32
        %lt3A_335 = arith.cmpi slt, %sub3A_332, %lt3A_334 : i32
        %and3A_336 = arith.andi %ge3A_333, %lt3A_335 : i1
        %convert_element_type3A_337 = arith.extui %and3A_336 : i1 to i32
        %cond3A_338 = arith.constant 0 : i32
        %cond3A_339 = arith.cmpi ne, %convert_element_type3A_337, %cond3A_338 : i32
        scf.if %cond3A_339 {
          %dma_wait3A = arith.constant 0 : i32
          %dma_wait3A_389 = arith.constant 0 : i32
          %dma_wait3A_390 = tpu.memref_slice %arg10[%dma_wait3A, %dma_wait3A_389] : memref<8x80xi32, #tpu.memory_space<vmem>> -> memref<1x80xi32, #tpu.memory_space<vmem>>
          %dma_wait3A_391 = tpu.memref_squeeze %dma_wait3A_390 : memref<1x80xi32, #tpu.memory_space<vmem>> -> memref<80xi32, #tpu.memory_space<vmem>>
          %dma_wait3A_392 = arith.constant 0 : i32
          %dma_wait3A_393 = arith.constant 0 : i32
          %dma_wait3A_394 = tpu.memref_slice %arg25[%dma_wait3A_392, %dma_wait3A_393] : memref<10000x128xf32, #tpu.memory_space<vmem_shared>> -> memref<10000x128xf32, #tpu.memory_space<vmem_shared>>
          tpu.wait_indirect_dma semaphore(%arg20 : memref<!tpu.dma_semaphore, #tpu.memory_space<semaphore_mem>>) src(%arg18 : memref<80x128xf32, #tpu.memory_space<vmem>>) dst(%dma_wait3A_394 : memref<10000x128xf32, #tpu.memory_space<vmem_shared>>)
        } else {
        }
        %lt3A_340 = arith.constant 4000 : i32
        %lt3A_341 = arith.cmpi slt, %add3A_330, %lt3A_340 : i32
        %convert_element_type3A_342 = arith.extui %lt3A_341 : i1 to i32
        %cond3A_343 = arith.constant 0 : i32
        %cond3A_344 = arith.cmpi ne, %convert_element_type3A_342, %cond3A_343 : i32
        scf.if %cond3A_344 {
          %dma_start3A = arith.constant 6 : i32
          %dma_start3A_389 = arith.constant 0 : i32
          %dma_start3A_390 = tpu.memref_slice %arg9[%dma_start3A, %dma_start3A_389] : memref<8x80xi32, #tpu.memory_space<vmem>> -> memref<1x80xi32, #tpu.memory_space<vmem>>
          %dma_start3A_391 = tpu.memref_squeeze %dma_start3A_390 : memref<1x80xi32, #tpu.memory_space<vmem>> -> memref<80xi32, #tpu.memory_space<vmem>>
          %dma_start3A_392 = arith.constant 0 : i32
          %dma_start3A_393 = arith.constant 0 : i32
          %dma_start3A_394 = tpu.memref_slice %arg2[%dma_start3A_392, %dma_start3A_393] : memref<10000x128xf32, #tpu.memory_space<hbm>> -> memref<10000x128xf32, #tpu.memory_space<hbm>>
          tpu.enqueue_indirect_dma source(%dma_start3A_394 : memref<10000x128xf32, #tpu.memory_space<hbm>>) target(%arg18 : memref<80x128xf32, #tpu.memory_space<vmem>>) offsets(%dma_start3A_391 : memref<80xi32, #tpu.memory_space<vmem>>) semaphore(%arg19 : memref<!tpu.dma_semaphore, #tpu.memory_space<semaphore_mem>>)
        } else {
        }
        %add3A_345 = arith.constant 4 : i32
        %add3A_346 = arith.addi %add3A_180, %add3A_345 : i32
        %lt3A_347 = arith.constant 4000 : i32
        %lt3A_348 = arith.cmpi slt, %add3A_346, %lt3A_347 : i32
        %convert_element_type3A_349 = arith.extui %lt3A_348 : i1 to i32
        %cond3A_350 = arith.constant 0 : i32
        %cond3A_351 = arith.cmpi ne, %convert_element_type3A_349, %cond3A_350 : i32
        scf.if %cond3A_351 {
          %dma_wait3A = arith.constant 4 : i32
          %dma_wait3A_389 = arith.constant 0 : i32
          %dma_wait3A_390 = tpu.memref_slice %arg9[%dma_wait3A, %dma_wait3A_389] : memref<8x80xi32, #tpu.memory_space<vmem>> -> memref<1x80xi32, #tpu.memory_space<vmem>>
          %dma_wait3A_391 = tpu.memref_squeeze %dma_wait3A_390 : memref<1x80xi32, #tpu.memory_space<vmem>> -> memref<80xi32, #tpu.memory_space<vmem>>
          %dma_wait3A_392 = arith.constant 0 : i32
          %dma_wait3A_393 = arith.constant 0 : i32
          %dma_wait3A_394 = tpu.memref_slice %arg2[%dma_wait3A_392, %dma_wait3A_393] : memref<10000x128xf32, #tpu.memory_space<hbm>> -> memref<10000x128xf32, #tpu.memory_space<hbm>>
          tpu.wait_indirect_dma semaphore(%arg13 : memref<!tpu.dma_semaphore, #tpu.memory_space<semaphore_mem>>) src(%dma_wait3A_394 : memref<10000x128xf32, #tpu.memory_space<hbm>>) dst(%arg12 : memref<80x128xf32, #tpu.memory_space<vmem>>)
          %dma_start3A = arith.constant 4 : i32
          %dma_start3A_395 = arith.constant 0 : i32
          %dma_start3A_396 = tpu.memref_slice %arg10[%dma_start3A, %dma_start3A_395] : memref<8x80xi32, #tpu.memory_space<vmem>> -> memref<1x80xi32, #tpu.memory_space<vmem>>
          %dma_start3A_397 = tpu.memref_squeeze %dma_start3A_396 : memref<1x80xi32, #tpu.memory_space<vmem>> -> memref<80xi32, #tpu.memory_space<vmem>>
          %dma_start3A_398 = arith.constant 0 : i32
          %dma_start3A_399 = arith.constant 0 : i32
          %dma_start3A_400 = tpu.memref_slice %arg25[%dma_start3A_398, %dma_start3A_399] : memref<10000x128xf32, #tpu.memory_space<vmem_shared>> -> memref<10000x128xf32, #tpu.memory_space<vmem_shared>>
          tpu.enqueue_indirect_dma source(%arg12 : memref<80x128xf32, #tpu.memory_space<vmem>>) target(%dma_start3A_400 : memref<10000x128xf32, #tpu.memory_space<vmem_shared>>) offsets(%dma_start3A_397 : memref<80xi32, #tpu.memory_space<vmem>>) semaphore(%arg14 : memref<!tpu.dma_semaphore, #tpu.memory_space<semaphore_mem>>) {add = true}
        } else {
        }
        %add3A_352 = arith.constant 7 : i32
        %add3A_353 = arith.addi %add3A_180, %add3A_352 : i32
        %sub3A_354 = arith.constant 4 : i32
        %sub3A_355 = arith.subi %add3A_353, %sub3A_354 : i32
        %ge3A_356 = arith.cmpi sge, %sub3A_355, %mul3A_91 : i32
        %lt3A_357 = arith.constant 4000 : i32
        %lt3A_358 = arith.cmpi slt, %sub3A_355, %lt3A_357 : i32
        %and3A_359 = arith.andi %ge3A_356, %lt3A_358 : i1
        %convert_element_type3A_360 = arith.extui %and3A_359 : i1 to i32
        %cond3A_361 = arith.constant 0 : i32
        %cond3A_362 = arith.cmpi ne, %convert_element_type3A_360, %cond3A_361 : i32
        scf.if %cond3A_362 {
          %dma_wait3A = arith.constant 0 : i32
          %dma_wait3A_389 = arith.constant 0 : i32
          %dma_wait3A_390 = tpu.memref_slice %arg10[%dma_wait3A, %dma_wait3A_389] : memref<8x80xi32, #tpu.memory_space<vmem>> -> memref<1x80xi32, #tpu.memory_space<vmem>>
          %dma_wait3A_391 = tpu.memref_squeeze %dma_wait3A_390 : memref<1x80xi32, #tpu.memory_space<vmem>> -> memref<80xi32, #tpu.memory_space<vmem>>
          %dma_wait3A_392 = arith.constant 0 : i32
          %dma_wait3A_393 = arith.constant 0 : i32
          %dma_wait3A_394 = tpu.memref_slice %arg25[%dma_wait3A_392, %dma_wait3A_393] : memref<10000x128xf32, #tpu.memory_space<vmem_shared>> -> memref<10000x128xf32, #tpu.memory_space<vmem_shared>>
          tpu.wait_indirect_dma semaphore(%arg23 : memref<!tpu.dma_semaphore, #tpu.memory_space<semaphore_mem>>) src(%arg21 : memref<80x128xf32, #tpu.memory_space<vmem>>) dst(%dma_wait3A_394 : memref<10000x128xf32, #tpu.memory_space<vmem_shared>>)
        } else {
        }
        %lt3A_363 = arith.constant 4000 : i32
        %lt3A_364 = arith.cmpi slt, %add3A_353, %lt3A_363 : i32
        %convert_element_type3A_365 = arith.extui %lt3A_364 : i1 to i32
        %cond3A_366 = arith.constant 0 : i32
        %cond3A_367 = arith.cmpi ne, %convert_element_type3A_365, %cond3A_366 : i32
        scf.if %cond3A_367 {
          %dma_start3A = arith.constant 7 : i32
          %dma_start3A_389 = arith.constant 0 : i32
          %dma_start3A_390 = tpu.memref_slice %arg9[%dma_start3A, %dma_start3A_389] : memref<8x80xi32, #tpu.memory_space<vmem>> -> memref<1x80xi32, #tpu.memory_space<vmem>>
          %dma_start3A_391 = tpu.memref_squeeze %dma_start3A_390 : memref<1x80xi32, #tpu.memory_space<vmem>> -> memref<80xi32, #tpu.memory_space<vmem>>
          %dma_start3A_392 = arith.constant 0 : i32
          %dma_start3A_393 = arith.constant 0 : i32
          %dma_start3A_394 = tpu.memref_slice %arg2[%dma_start3A_392, %dma_start3A_393] : memref<10000x128xf32, #tpu.memory_space<hbm>> -> memref<10000x128xf32, #tpu.memory_space<hbm>>
          tpu.enqueue_indirect_dma source(%dma_start3A_394 : memref<10000x128xf32, #tpu.memory_space<hbm>>) target(%arg21 : memref<80x128xf32, #tpu.memory_space<vmem>>) offsets(%dma_start3A_391 : memref<80xi32, #tpu.memory_space<vmem>>) semaphore(%arg22 : memref<!tpu.dma_semaphore, #tpu.memory_space<semaphore_mem>>)
        } else {
        }
        %add3A_368 = arith.constant 5 : i32
        %add3A_369 = arith.addi %add3A_180, %add3A_368 : i32
        %lt3A_370 = arith.constant 4000 : i32
        %lt3A_371 = arith.cmpi slt, %add3A_369, %lt3A_370 : i32
        %convert_element_type3A_372 = arith.extui %lt3A_371 : i1 to i32
        %cond3A_373 = arith.constant 0 : i32
        %cond3A_374 = arith.cmpi ne, %convert_element_type3A_372, %cond3A_373 : i32
        scf.if %cond3A_374 {
          %dma_wait3A = arith.constant 5 : i32
          %dma_wait3A_389 = arith.constant 0 : i32
          %dma_wait3A_390 = tpu.memref_slice %arg9[%dma_wait3A, %dma_wait3A_389] : memref<8x80xi32, #tpu.memory_space<vmem>> -> memref<1x80xi32, #tpu.memory_space<vmem>>
          %dma_wait3A_391 = tpu.memref_squeeze %dma_wait3A_390 : memref<1x80xi32, #tpu.memory_space<vmem>> -> memref<80xi32, #tpu.memory_space<vmem>>
          %dma_wait3A_392 = arith.constant 0 : i32
          %dma_wait3A_393 = arith.constant 0 : i32
          %dma_wait3A_394 = tpu.memref_slice %arg2[%dma_wait3A_392, %dma_wait3A_393] : memref<10000x128xf32, #tpu.memory_space<hbm>> -> memref<10000x128xf32, #tpu.memory_space<hbm>>
          tpu.wait_indirect_dma semaphore(%arg16 : memref<!tpu.dma_semaphore, #tpu.memory_space<semaphore_mem>>) src(%dma_wait3A_394 : memref<10000x128xf32, #tpu.memory_space<hbm>>) dst(%arg15 : memref<80x128xf32, #tpu.memory_space<vmem>>)
          %dma_start3A = arith.constant 5 : i32
          %dma_start3A_395 = arith.constant 0 : i32
          %dma_start3A_396 = tpu.memref_slice %arg10[%dma_start3A, %dma_start3A_395] : memref<8x80xi32, #tpu.memory_space<vmem>> -> memref<1x80xi32, #tpu.memory_space<vmem>>
          %dma_start3A_397 = tpu.memref_squeeze %dma_start3A_396 : memref<1x80xi32, #tpu.memory_space<vmem>> -> memref<80xi32, #tpu.memory_space<vmem>>
          %dma_start3A_398 = arith.constant 0 : i32
          %dma_start3A_399 = arith.constant 0 : i32
          %dma_start3A_400 = tpu.memref_slice %arg25[%dma_start3A_398, %dma_start3A_399] : memref<10000x128xf32, #tpu.memory_space<vmem_shared>> -> memref<10000x128xf32, #tpu.memory_space<vmem_shared>>
          tpu.enqueue_indirect_dma source(%arg15 : memref<80x128xf32, #tpu.memory_space<vmem>>) target(%dma_start3A_400 : memref<10000x128xf32, #tpu.memory_space<vmem_shared>>) offsets(%dma_start3A_397 : memref<80xi32, #tpu.memory_space<vmem>>) semaphore(%arg17 : memref<!tpu.dma_semaphore, #tpu.memory_space<semaphore_mem>>) {add = true}
        } else {
        }
        %add3A_375 = arith.constant 6 : i32
        %add3A_376 = arith.addi %add3A_180, %add3A_375 : i32
        %lt3A_377 = arith.constant 4000 : i32
        %lt3A_378 = arith.cmpi slt, %add3A_376, %lt3A_377 : i32
        %convert_element_type3A_379 = arith.extui %lt3A_378 : i1 to i32
        %cond3A_380 = arith.constant 0 : i32
        %cond3A_381 = arith.cmpi ne, %convert_element_type3A_379, %cond3A_380 : i32
        scf.if %cond3A_381 {
          %dma_wait3A = arith.constant 6 : i32
          %dma_wait3A_389 = arith.constant 0 : i32
          %dma_wait3A_390 = tpu.memref_slice %arg9[%dma_wait3A, %dma_wait3A_389] : memref<8x80xi32, #tpu.memory_space<vmem>> -> memref<1x80xi32, #tpu.memory_space<vmem>>
          %dma_wait3A_391 = tpu.memref_squeeze %dma_wait3A_390 : memref<1x80xi32, #tpu.memory_space<vmem>> -> memref<80xi32, #tpu.memory_space<vmem>>
          %dma_wait3A_392 = arith.constant 0 : i32
          %dma_wait3A_393 = arith.constant 0 : i32
          %dma_wait3A_394 = tpu.memref_slice %arg2[%dma_wait3A_392, %dma_wait3A_393] : memref<10000x128xf32, #tpu.memory_space<hbm>> -> memref<10000x128xf32, #tpu.memory_space<hbm>>
          tpu.wait_indirect_dma semaphore(%arg19 : memref<!tpu.dma_semaphore, #tpu.memory_space<semaphore_mem>>) src(%dma_wait3A_394 : memref<10000x128xf32, #tpu.memory_space<hbm>>) dst(%arg18 : memref<80x128xf32, #tpu.memory_space<vmem>>)
          %dma_start3A = arith.constant 6 : i32
          %dma_start3A_395 = arith.constant 0 : i32
          %dma_start3A_396 = tpu.memref_slice %arg10[%dma_start3A, %dma_start3A_395] : memref<8x80xi32, #tpu.memory_space<vmem>> -> memref<1x80xi32, #tpu.memory_space<vmem>>
          %dma_start3A_397 = tpu.memref_squeeze %dma_start3A_396 : memref<1x80xi32, #tpu.memory_space<vmem>> -> memref<80xi32, #tpu.memory_space<vmem>>
          %dma_start3A_398 = arith.constant 0 : i32
          %dma_start3A_399 = arith.constant 0 : i32
          %dma_start3A_400 = tpu.memref_slice %arg25[%dma_start3A_398, %dma_start3A_399] : memref<10000x128xf32, #tpu.memory_space<vmem_shared>> -> memref<10000x128xf32, #tpu.memory_space<vmem_shared>>
          tpu.enqueue_indirect_dma source(%arg18 : memref<80x128xf32, #tpu.memory_space<vmem>>) target(%dma_start3A_400 : memref<10000x128xf32, #tpu.memory_space<vmem_shared>>) offsets(%dma_start3A_397 : memref<80xi32, #tpu.memory_space<vmem>>) semaphore(%arg20 : memref<!tpu.dma_semaphore, #tpu.memory_space<semaphore_mem>>) {add = true}
        } else {
        }
        %add3A_382 = arith.constant 7 : i32
        %add3A_383 = arith.addi %add3A_180, %add3A_382 : i32
        %lt3A_384 = arith.constant 4000 : i32
        %lt3A_385 = arith.cmpi slt, %add3A_383, %lt3A_384 : i32
        %convert_element_type3A_386 = arith.extui %lt3A_385 : i1 to i32
        %cond3A_387 = arith.constant 0 : i32
        %cond3A_388 = arith.cmpi ne, %convert_element_type3A_386, %cond3A_387 : i32
        scf.if %cond3A_388 {
          %dma_wait3A = arith.constant 7 : i32
          %dma_wait3A_389 = arith.constant 0 : i32
          %dma_wait3A_390 = tpu.memref_slice %arg9[%dma_wait3A, %dma_wait3A_389] : memref<8x80xi32, #tpu.memory_space<vmem>> -> memref<1x80xi32, #tpu.memory_space<vmem>>
          %dma_wait3A_391 = tpu.memref_squeeze %dma_wait3A_390 : memref<1x80xi32, #tpu.memory_space<vmem>> -> memref<80xi32, #tpu.memory_space<vmem>>
          %dma_wait3A_392 = arith.constant 0 : i32
          %dma_wait3A_393 = arith.constant 0 : i32
          %dma_wait3A_394 = tpu.memref_slice %arg2[%dma_wait3A_392, %dma_wait3A_393] : memref<10000x128xf32, #tpu.memory_space<hbm>> -> memref<10000x128xf32, #tpu.memory_space<hbm>>
          tpu.wait_indirect_dma semaphore(%arg22 : memref<!tpu.dma_semaphore, #tpu.memory_space<semaphore_mem>>) src(%dma_wait3A_394 : memref<10000x128xf32, #tpu.memory_space<hbm>>) dst(%arg21 : memref<80x128xf32, #tpu.memory_space<vmem>>)
          %dma_start3A = arith.constant 7 : i32
          %dma_start3A_395 = arith.constant 0 : i32
          %dma_start3A_396 = tpu.memref_slice %arg10[%dma_start3A, %dma_start3A_395] : memref<8x80xi32, #tpu.memory_space<vmem>> -> memref<1x80xi32, #tpu.memory_space<vmem>>
          %dma_start3A_397 = tpu.memref_squeeze %dma_start3A_396 : memref<1x80xi32, #tpu.memory_space<vmem>> -> memref<80xi32, #tpu.memory_space<vmem>>
          %dma_start3A_398 = arith.constant 0 : i32
          %dma_start3A_399 = arith.constant 0 : i32
          %dma_start3A_400 = tpu.memref_slice %arg25[%dma_start3A_398, %dma_start3A_399] : memref<10000x128xf32, #tpu.memory_space<vmem_shared>> -> memref<10000x128xf32, #tpu.memory_space<vmem_shared>>
          tpu.enqueue_indirect_dma source(%arg21 : memref<80x128xf32, #tpu.memory_space<vmem>>) target(%dma_start3A_400 : memref<10000x128xf32, #tpu.memory_space<vmem_shared>>) offsets(%dma_start3A_397 : memref<80xi32, #tpu.memory_space<vmem>>) semaphore(%arg23 : memref<!tpu.dma_semaphore, #tpu.memory_space<semaphore_mem>>) {add = true}
        } else {
        }
      } else {
      }
    }
    %scan3A_103 = arith.constant 16 : i32
    %add3A_104 = arith.constant 128 : i32
    %add3A_105 = arith.addi %mul3A_91, %add3A_104 : i32
    %sub3A_106 = arith.constant 4 : i32
    %sub3A_107 = arith.subi %add3A_105, %sub3A_106 : i32
    %add3A_108 = arith.constant 0 : i32
    %add3A_109 = arith.addi %sub3A_107, %add3A_108 : i32
    %ge3A = arith.cmpi sge, %add3A_109, %mul3A_91 : i32
    %lt3A_110 = arith.constant 4000 : i32
    %lt3A_111 = arith.cmpi slt, %add3A_109, %lt3A_110 : i32
    %and3A_112 = arith.andi %ge3A, %lt3A_111 : i1
    %convert_element_type3A_113 = arith.extui %and3A_112 : i1 to i32
    %cond3A_114 = arith.constant 0 : i32
    %cond3A_115 = arith.cmpi ne, %convert_element_type3A_113, %cond3A_114 : i32
    scf.if %cond3A_115 {
      %dma_wait3A = arith.constant 0 : i32
      %dma_wait3A_161 = arith.constant 0 : i32
      %dma_wait3A_162 = tpu.memref_slice %arg7[%dma_wait3A, %dma_wait3A_161] : memref<8x80xi32, #tpu.memory_space<vmem>> -> memref<1x80xi32, #tpu.memory_space<vmem>>
      %dma_wait3A_163 = tpu.memref_squeeze %dma_wait3A_162 : memref<1x80xi32, #tpu.memory_space<vmem>> -> memref<80xi32, #tpu.memory_space<vmem>>
      %dma_wait3A_164 = arith.constant 0 : i32
      %dma_wait3A_165 = arith.constant 0 : i32
      %dma_wait3A_166 = tpu.memref_slice %arg25[%dma_wait3A_164, %dma_wait3A_165] : memref<10000x128xf32, #tpu.memory_space<vmem_shared>> -> memref<10000x128xf32, #tpu.memory_space<vmem_shared>>
      tpu.wait_indirect_dma semaphore(%arg14 : memref<!tpu.dma_semaphore, #tpu.memory_space<semaphore_mem>>) src(%arg12 : memref<80x128xf32, #tpu.memory_space<vmem>>) dst(%dma_wait3A_166 : memref<10000x128xf32, #tpu.memory_space<vmem_shared>>)
    } else {
    }
    %add3A_116 = arith.constant 128 : i32
    %add3A_117 = arith.addi %mul3A_91, %add3A_116 : i32
    %sub3A_118 = arith.constant 4 : i32
    %sub3A_119 = arith.subi %add3A_117, %sub3A_118 : i32
    %add3A_120 = arith.constant 1 : i32
    %add3A_121 = arith.addi %sub3A_119, %add3A_120 : i32
    %ge3A_122 = arith.cmpi sge, %add3A_121, %mul3A_91 : i32
    %lt3A_123 = arith.constant 4000 : i32
    %lt3A_124 = arith.cmpi slt, %add3A_121, %lt3A_123 : i32
    %and3A_125 = arith.andi %ge3A_122, %lt3A_124 : i1
    %convert_element_type3A_126 = arith.extui %and3A_125 : i1 to i32
    %cond3A_127 = arith.constant 0 : i32
    %cond3A_128 = arith.cmpi ne, %convert_element_type3A_126, %cond3A_127 : i32
    scf.if %cond3A_128 {
      %dma_wait3A = arith.constant 0 : i32
      %dma_wait3A_161 = arith.constant 0 : i32
      %dma_wait3A_162 = tpu.memref_slice %arg7[%dma_wait3A, %dma_wait3A_161] : memref<8x80xi32, #tpu.memory_space<vmem>> -> memref<1x80xi32, #tpu.memory_space<vmem>>
      %dma_wait3A_163 = tpu.memref_squeeze %dma_wait3A_162 : memref<1x80xi32, #tpu.memory_space<vmem>> -> memref<80xi32, #tpu.memory_space<vmem>>
      %dma_wait3A_164 = arith.constant 0 : i32
      %dma_wait3A_165 = arith.constant 0 : i32
      %dma_wait3A_166 = tpu.memref_slice %arg25[%dma_wait3A_164, %dma_wait3A_165] : memref<10000x128xf32, #tpu.memory_space<vmem_shared>> -> memref<10000x128xf32, #tpu.memory_space<vmem_shared>>
      tpu.wait_indirect_dma semaphore(%arg17 : memref<!tpu.dma_semaphore, #tpu.memory_space<semaphore_mem>>) src(%arg15 : memref<80x128xf32, #tpu.memory_space<vmem>>) dst(%dma_wait3A_166 : memref<10000x128xf32, #tpu.memory_space<vmem_shared>>)
    } else {
    }
    %add3A_129 = arith.constant 128 : i32
    %add3A_130 = arith.addi %mul3A_91, %add3A_129 : i32
    %sub3A_131 = arith.constant 4 : i32
    %sub3A_132 = arith.subi %add3A_130, %sub3A_131 : i32
    %add3A_133 = arith.constant 2 : i32
    %add3A_134 = arith.addi %sub3A_132, %add3A_133 : i32
    %ge3A_135 = arith.cmpi sge, %add3A_134, %mul3A_91 : i32
    %lt3A_136 = arith.constant 4000 : i32
    %lt3A_137 = arith.cmpi slt, %add3A_134, %lt3A_136 : i32
    %and3A_138 = arith.andi %ge3A_135, %lt3A_137 : i1
    %convert_element_type3A_139 = arith.extui %and3A_138 : i1 to i32
    %cond3A_140 = arith.constant 0 : i32
    %cond3A_141 = arith.cmpi ne, %convert_element_type3A_139, %cond3A_140 : i32
    scf.if %cond3A_141 {
      %dma_wait3A = arith.constant 0 : i32
      %dma_wait3A_161 = arith.constant 0 : i32
      %dma_wait3A_162 = tpu.memref_slice %arg7[%dma_wait3A, %dma_wait3A_161] : memref<8x80xi32, #tpu.memory_space<vmem>> -> memref<1x80xi32, #tpu.memory_space<vmem>>
      %dma_wait3A_163 = tpu.memref_squeeze %dma_wait3A_162 : memref<1x80xi32, #tpu.memory_space<vmem>> -> memref<80xi32, #tpu.memory_space<vmem>>
      %dma_wait3A_164 = arith.constant 0 : i32
      %dma_wait3A_165 = arith.constant 0 : i32
      %dma_wait3A_166 = tpu.memref_slice %arg25[%dma_wait3A_164, %dma_wait3A_165] : memref<10000x128xf32, #tpu.memory_space<vmem_shared>> -> memref<10000x128xf32, #tpu.memory_space<vmem_shared>>
      tpu.wait_indirect_dma semaphore(%arg20 : memref<!tpu.dma_semaphore, #tpu.memory_space<semaphore_mem>>) src(%arg18 : memref<80x128xf32, #tpu.memory_space<vmem>>) dst(%dma_wait3A_166 : memref<10000x128xf32, #tpu.memory_space<vmem_shared>>)
    } else {
    }
    %add3A_142 = arith.constant 128 : i32
    %add3A_143 = arith.addi %mul3A_91, %add3A_142 : i32
    %sub3A_144 = arith.constant 4 : i32
    %sub3A_145 = arith.subi %add3A_143, %sub3A_144 : i32
    %add3A_146 = arith.constant 3 : i32
    %add3A_147 = arith.addi %sub3A_145, %add3A_146 : i32
    %ge3A_148 = arith.cmpi sge, %add3A_147, %mul3A_91 : i32
    %lt3A_149 = arith.constant 4000 : i32
    %lt3A_150 = arith.cmpi slt, %add3A_147, %lt3A_149 : i32
    %and3A_151 = arith.andi %ge3A_148, %lt3A_150 : i1
    %convert_element_type3A_152 = arith.extui %and3A_151 : i1 to i32
    %cond3A_153 = arith.constant 0 : i32
    %cond3A_154 = arith.cmpi ne, %convert_element_type3A_152, %cond3A_153 : i32
    scf.if %cond3A_154 {
      %dma_wait3A = arith.constant 0 : i32
      %dma_wait3A_161 = arith.constant 0 : i32
      %dma_wait3A_162 = tpu.memref_slice %arg7[%dma_wait3A, %dma_wait3A_161] : memref<8x80xi32, #tpu.memory_space<vmem>> -> memref<1x80xi32, #tpu.memory_space<vmem>>
      %dma_wait3A_163 = tpu.memref_squeeze %dma_wait3A_162 : memref<1x80xi32, #tpu.memory_space<vmem>> -> memref<80xi32, #tpu.memory_space<vmem>>
      %dma_wait3A_164 = arith.constant 0 : i32
      %dma_wait3A_165 = arith.constant 0 : i32
      %dma_wait3A_166 = tpu.memref_slice %arg25[%dma_wait3A_164, %dma_wait3A_165] : memref<10000x128xf32, #tpu.memory_space<vmem_shared>> -> memref<10000x128xf32, #tpu.memory_space<vmem_shared>>
      tpu.wait_indirect_dma semaphore(%arg23 : memref<!tpu.dma_semaphore, #tpu.memory_space<semaphore_mem>>) src(%arg21 : memref<80x128xf32, #tpu.memory_space<vmem>>) dst(%dma_wait3A_166 : memref<10000x128xf32, #tpu.memory_space<vmem_shared>>)
    } else {
    }
    %barrier3A_155 = arith.constant 0 : index
    tpu.barrier barrier_id(%barrier3A_155)
    "tpu.region"() ({
      %run_scoped3A = tpu.sem_alloc : memref<!tpu.dma_semaphore, #tpu.memory_space<semaphore_mem>>
      %dma_start3A = arith.constant 0 : i32
      %dma_start3A_161 = tpu.memref_slice %arg5[%arg0, %mul3A_7, %dma_start3A] : memref<2x10000x128xf32, #tpu.memory_space<hbm>> -> memref<1x624x128xf32, #tpu.memory_space<hbm>>
      %dma_start3A_162 = tpu.memref_squeeze %dma_start3A_161 : memref<1x624x128xf32, #tpu.memory_space<hbm>> -> memref<624x128xf32, #tpu.memory_space<hbm>>
      %dma_start3A_163 = arith.constant 0 : i32
      %dma_start3A_164 = tpu.memref_slice %arg25[%mul3A_7, %dma_start3A_163] : memref<10000x128xf32, #tpu.memory_space<vmem_shared>> -> memref<624x128xf32, #tpu.memory_space<vmem_shared>>
      tpu.enqueue_dma source(%dma_start3A_164 : memref<624x128xf32, #tpu.memory_space<vmem_shared>>) target(%dma_start3A_162 : memref<624x128xf32, #tpu.memory_space<hbm>>) target_semaphore(%run_scoped3A : memref<!tpu.dma_semaphore, #tpu.memory_space<semaphore_mem>>)
      %dma_wait3A = arith.constant 0 : i32
      %dma_wait3A_165 = tpu.memref_slice %arg5[%arg0, %mul3A_7, %dma_wait3A] : memref<2x10000x128xf32, #tpu.memory_space<hbm>> -> memref<1x624x128xf32, #tpu.memory_space<hbm>>
      %dma_wait3A_166 = tpu.memref_squeeze %dma_wait3A_165 : memref<1x624x128xf32, #tpu.memory_space<hbm>> -> memref<624x128xf32, #tpu.memory_space<hbm>>
      %dma_wait3A_167 = arith.constant 0 : i32
      %dma_wait3A_168 = tpu.memref_slice %arg25[%mul3A_7, %dma_wait3A_167] : memref<10000x128xf32, #tpu.memory_space<vmem_shared>> -> memref<624x128xf32, #tpu.memory_space<vmem_shared>>
      tpu.wait_dma2 semaphore(%run_scoped3A : memref<!tpu.dma_semaphore, #tpu.memory_space<semaphore_mem>>) src(%dma_wait3A_168 : memref<624x128xf32, #tpu.memory_space<vmem_shared>>) dst(%dma_wait3A_166 : memref<624x128xf32, #tpu.memory_space<hbm>>)
      tpu.yield
    }) : () -> ()
    %eq3A_156 = arith.constant 15 : i32
    %eq3A_157 = arith.cmpi eq, %arg1, %eq3A_156 : i32
    %convert_element_type3A_158 = arith.extui %eq3A_157 : i1 to i32
    %cond3A_159 = arith.constant 0 : i32
    %cond3A_160 = arith.cmpi ne, %convert_element_type3A_158, %cond3A_159 : i32
    scf.if %cond3A_160 {
      "tpu.region"() ({
        %run_scoped3A = tpu.sem_alloc : memref<!tpu.dma_semaphore, #tpu.memory_space<semaphore_mem>>
        %dma_start3A = arith.constant 9984 : i32
        %dma_start3A_161 = arith.constant 0 : i32
        %dma_start3A_162 = tpu.memref_slice %arg5[%arg0, %dma_start3A, %dma_start3A_161] : memref<2x10000x128xf32, #tpu.memory_space<hbm>> -> memref<1x16x128xf32, #tpu.memory_space<hbm>>
        %dma_start3A_163 = tpu.memref_squeeze %dma_start3A_162 : memref<1x16x128xf32, #tpu.memory_space<hbm>> -> memref<16x128xf32, #tpu.memory_space<hbm>>
        %dma_start3A_164 = arith.constant 9984 : i32
        %dma_start3A_165 = arith.constant 0 : i32
        %dma_start3A_166 = tpu.memref_slice %arg25[%dma_start3A_164, %dma_start3A_165] : memref<10000x128xf32, #tpu.memory_space<vmem_shared>> -> memref<16x128xf32, #tpu.memory_space<vmem_shared>>
        tpu.enqueue_dma source(%dma_start3A_166 : memref<16x128xf32, #tpu.memory_space<vmem_shared>>) target(%dma_start3A_163 : memref<16x128xf32, #tpu.memory_space<hbm>>) target_semaphore(%run_scoped3A : memref<!tpu.dma_semaphore, #tpu.memory_space<semaphore_mem>>)
        %dma_wait3A = arith.constant 9984 : i32
        %dma_wait3A_167 = arith.constant 0 : i32
        %dma_wait3A_168 = tpu.memref_slice %arg5[%arg0, %dma_wait3A, %dma_wait3A_167] : memref<2x10000x128xf32, #tpu.memory_space<hbm>> -> memref<1x16x128xf32, #tpu.memory_space<hbm>>
        %dma_wait3A_169 = tpu.memref_squeeze %dma_wait3A_168 : memref<1x16x128xf32, #tpu.memory_space<hbm>> -> memref<16x128xf32, #tpu.memory_space<hbm>>
        %dma_wait3A_170 = arith.constant 9984 : i32
        %dma_wait3A_171 = arith.constant 0 : i32
        %dma_wait3A_172 = tpu.memref_slice %arg25[%dma_wait3A_170, %dma_wait3A_171] : memref<10000x128xf32, #tpu.memory_space<vmem_shared>> -> memref<16x128xf32, #tpu.memory_space<vmem_shared>>
        tpu.wait_dma2 semaphore(%run_scoped3A : memref<!tpu.dma_semaphore, #tpu.memory_space<semaphore_mem>>) src(%dma_wait3A_172 : memref<16x128xf32, #tpu.memory_space<vmem_shared>>) dst(%dma_wait3A_169 : memref<16x128xf32, #tpu.memory_space<hbm>>)
        tpu.yield
      }) : () -> ()
    } else {
    }
    return
  }
}

#map = affine_map<(d0, d1) -> (0, 0)>
#map1 = affine_map<(d0, d1) -> (0, 0, 0)>
module attributes {stable_mosaic.version = 14 : i64} {
  func.func @body(%arg0: i32, %arg1: i32, %arg2: memref<4096x80xi32, #tpu.memory_space<hbm>>, %arg3: memref<2x10000x128xf32, #tpu.memory_space<hbm>>, %arg4: memref<8x80xi32, #tpu.memory_space<vmem>>, %arg5: memref<!tpu.dma_semaphore, #tpu.memory_space<semaphore_mem>>, %arg6: memref<8x80xi32, #tpu.memory_space<vmem>>, %arg7: memref<!tpu.dma_semaphore, #tpu.memory_space<semaphore_mem>>, %arg8: memref<80x128xf32, #tpu.memory_space<vmem>>, %arg9: memref<16x128xf32, #tpu.memory_space<vmem>>, %arg10: memref<10000x128xf32, #tpu.memory_space<vmem_shared>>, %arg11: memref<!tpu.dma_semaphore, #tpu.memory_space<semaphore_mem>>) attributes {dimension_semantics = [#tpu.dimension_semantics<core_parallel>, #tpu.dimension_semantics<subcore_parallel>], iteration_bounds = array<i64: 2, 16>, scalar_prefetch = 0 : i64, scratch_operands = 8 : i64, tpu.core_type = #tpu.core_type<sc_vector_subcore>, window_params = [{transform_indices = #map}, {transform_indices = #map1}]} {
    %mul3A = arith.constant 16 : i32
    %mul3A_0 = arith.muli %arg0, %mul3A : i32
    %add3A = arith.addi %mul3A_0, %arg1 : i32
    %broadcast_in_dim3A = arith.constant 1.000000e+00 : f32
    %broadcast_in_dim3A_1 = vector.broadcast %broadcast_in_dim3A : f32 to vector<16xf32>
    %scan3A = arith.constant 0 : i32
    %scan3A_2 = arith.constant 80 : i32
    %scan3A_3 = arith.addi %scan3A, %scan3A_2 : i32
    %scan3A_4 = arith.constant 1 : i32
    scf.for %scan3A_117 = %scan3A to %scan3A_3 step %scan3A_4  : i32 {
      %mul3A_118 = arith.constant 1 : i32
      %mul3A_119 = arith.muli %scan3A_117, %mul3A_118 : i32
      %add3A_120 = arith.constant 0 : i32
      %add3A_121 = arith.addi %add3A_120, %mul3A_119 : i32
      %scan3A_122 = arith.constant 0 : i32
      %scan3A_123 = arith.constant 8 : i32
      %scan3A_124 = arith.addi %scan3A_122, %scan3A_123 : i32
      %scan3A_125 = arith.constant 1 : i32
      scf.for %scan3A_127 = %scan3A_122 to %scan3A_124 step %scan3A_125  : i32 {
        %mul3A_128 = arith.constant 1 : i32
        %mul3A_129 = arith.muli %scan3A_127, %mul3A_128 : i32
        %add3A_130 = arith.constant 0 : i32
        %add3A_131 = arith.addi %add3A_130, %mul3A_129 : i32
        %mul3A_132 = arith.constant 16 : i32
        %mul3A_133 = arith.muli %add3A_131, %mul3A_132 : i32
        %swap3A = arith.index_cast %add3A_121 : i32 to index
        %swap3A_134 = arith.index_cast %mul3A_133 : i32 to index
        %swap3A_135 = tpu.vector_load %arg8[%swap3A, %swap3A_134] {strides = array<i32>} : memref<80x128xf32, #tpu.memory_space<vmem>>, vector<1x16xf32>,
        %swap3A_136 = vector.shape_cast %swap3A_135 : vector<1x16xf32> to vector<16xf32>
        %swap3A_137 = vector.shape_cast %broadcast_in_dim3A_1 : vector<16xf32> to vector<1x16xf32>
        tpu.vector_store %arg8[%swap3A, %swap3A_134], %swap3A_137 {strides = array<i32>} : memref<80x128xf32, #tpu.memory_space<vmem>>, vector<1x16xf32>,
      }
      %scan3A_126 = arith.constant 8 : i32
    }
    %scan3A_5 = arith.constant 80 : i32
    %broadcast_in_dim3A_6 = arith.constant 0.000000e+00 : f32
    %broadcast_in_dim3A_7 = vector.broadcast %broadcast_in_dim3A_6 : f32 to vector<16xf32>
    %scan3A_8 = arith.constant 0 : i32
    %scan3A_9 = arith.constant 16 : i32
    %scan3A_10 = arith.addi %scan3A_8, %scan3A_9 : i32
    %scan3A_11 = arith.constant 1 : i32
    scf.for %scan3A_117 = %scan3A_8 to %scan3A_10 step %scan3A_11  : i32 {
      %mul3A_118 = arith.constant 1 : i32
      %mul3A_119 = arith.muli %scan3A_117, %mul3A_118 : i32
      %add3A_120 = arith.constant 0 : i32
      %add3A_121 = arith.addi %add3A_120, %mul3A_119 : i32
      %scan3A_122 = arith.constant 0 : i32
      %scan3A_123 = arith.constant 8 : i32
      %scan3A_124 = arith.addi %scan3A_122, %scan3A_123 : i32
      %scan3A_125 = arith.constant 1 : i32
      scf.for %scan3A_127 = %scan3A_122 to %scan3A_124 step %scan3A_125  : i32 {
        %mul3A_128 = arith.constant 1 : i32
        %mul3A_129 = arith.muli %scan3A_127, %mul3A_128 : i32
        %add3A_130 = arith.constant 0 : i32
        %add3A_131 = arith.addi %add3A_130, %mul3A_129 : i32
        %mul3A_132 = arith.constant 16 : i32
        %mul3A_133 = arith.muli %add3A_131, %mul3A_132 : i32
        %swap3A = arith.index_cast %add3A_121 : i32 to index
        %swap3A_134 = arith.index_cast %mul3A_133 : i32 to index
        %swap3A_135 = tpu.vector_load %arg9[%swap3A, %swap3A_134] {strides = array<i32>} : memref<16x128xf32, #tpu.memory_space<vmem>>, vector<1x16xf32>,
        %swap3A_136 = vector.shape_cast %swap3A_135 : vector<1x16xf32> to vector<16xf32>
        %swap3A_137 = vector.shape_cast %broadcast_in_dim3A_7 : vector<16xf32> to vector<1x16xf32>
        tpu.vector_store %arg9[%swap3A, %swap3A_134], %swap3A_137 {strides = array<i32>} : memref<16x128xf32, #tpu.memory_space<vmem>>, vector<1x16xf32>,
      }
      %scan3A_126 = arith.constant 8 : i32
    }
    %scan3A_12 = arith.constant 16 : i32
    %mul3A_13 = arith.constant 624 : i32
    %mul3A_14 = arith.muli %arg1, %mul3A_13 : i32
    %eq3A = arith.constant 15 : i32
    %eq3A_15 = arith.cmpi eq, %arg1, %eq3A : i32
    %convert_element_type3A = arith.extui %eq3A_15 : i1 to i32
    %mul3A_16 = arith.constant 16 : i32
    %mul3A_17 = arith.muli %mul3A_16, %convert_element_type3A : i32
    %add3A_18 = arith.constant 624 : i32
    %add3A_19 = arith.addi %add3A_18, %mul3A_17 : i32
    %jit3A = arith.constant 16 : i32
    %div3A = arith.divsi %add3A_19, %jit3A : i32
    %sign3A = arith.constant 0 : i32
    %sign3A_20 = arith.cmpi sgt, %add3A_19, %sign3A : i32
    %sign3A_21 = arith.extui %sign3A_20 : i1 to i32
    %sign3A_22 = arith.constant 0 : i32
    %sign3A_23 = arith.cmpi slt, %add3A_19, %sign3A_22 : i32
    %sign3A_24 = arith.extui %sign3A_23 : i1 to i32
    %sign3A_25 = arith.subi %sign3A_21, %sign3A_24 : i32
    %sign3A_26 = arith.constant 0 : i32
    %sign3A_27 = arith.cmpi sgt, %jit3A, %sign3A_26 : i32
    %sign3A_28 = arith.extui %sign3A_27 : i1 to i32
    %sign3A_29 = arith.constant 0 : i32
    %sign3A_30 = arith.cmpi slt, %jit3A, %sign3A_29 : i32
    %sign3A_31 = arith.extui %sign3A_30 : i1 to i32
    %sign3A_32 = arith.subi %sign3A_28, %sign3A_31 : i32
    %ne3A = arith.cmpi ne, %sign3A_25, %sign3A_32 : i32
    %rem3A = arith.remsi %add3A_19, %jit3A : i32
    %ne3A_33 = arith.constant 0 : i32
    %ne3A_34 = arith.cmpi ne, %rem3A, %ne3A_33 : i32
    %and3A = arith.andi %ne3A, %ne3A_34 : i1
    %sub3A = arith.constant 1 : i32
    %sub3A_35 = arith.subi %div3A, %sub3A : i32
    %select_n3A = arith.select %and3A, %sub3A_35, %div3A : i32
    %sub3A_36 = arith.constant 0 : i32
    %sub3A_37 = arith.subi %select_n3A, %sub3A_36 : i32
    %sub3A_38 = arith.constant 1 : i32
    %sub3A_39 = arith.constant 1 : i32
    %sub3A_40 = arith.subi %sub3A_38, %sub3A_39 : i32
    %add3A_41 = arith.addi %sub3A_37, %sub3A_40 : i32
    %div3A_42 = arith.constant 1 : i32
    %div3A_43 = arith.divsi %add3A_41, %div3A_42 : i32
    %while3A = arith.constant 1 : i32
    %while3A_44 = arith.constant 0 : i32
    %while3A_45 = arith.constant 0 : i32
    %while3A_46 = arith.subi %div3A_43, %while3A_45 : i32
    %while3A_47 = arith.addi %while3A_45, %while3A_46 : i32
    %while3A_48 = arith.constant 1 : i32
    %while3A_49 = arith.divsi %while3A_46, %while3A_48 : i32
    %while3A_50 = arith.muli %while3A_49, %while3A_48 : i32
    %while3A_51 = arith.addi %while3A_45, %while3A_50 : i32
    %while3A_52 = arith.constant 1 : i32
    scf.for %while3A_117 = %while3A_45 to %while3A_51 step %while3A_52  : i32 {
      %mul3A_118 = arith.muli %while3A_117, %while3A : i32
      %add3A_119 = arith.addi %while3A_44, %mul3A_118 : i32
      %mul3A_120 = arith.constant 16 : i32
      %mul3A_121 = arith.muli %add3A_119, %mul3A_120 : i32
      %add3A_122 = arith.addi %mul3A_14, %mul3A_121 : i32
      %dma_start3A = arith.constant 0 : i32
      %dma_start3A_123 = tpu.memref_slice %arg10[%add3A_122, %dma_start3A] : memref<10000x128xf32, #tpu.memory_space<vmem_shared>> -> memref<16x128xf32, #tpu.memory_space<vmem_shared>>
      %dma_start3A_124 = arith.constant 0 : i32
      %dma_start3A_125 = tpu.memref_slice %arg10[%add3A_122, %dma_start3A_124] : memref<10000x128xf32, #tpu.memory_space<vmem_shared>> -> memref<16x128xf32, #tpu.memory_space<vmem_shared>>
      tpu.enqueue_dma source(%arg9 : memref<16x128xf32, #tpu.memory_space<vmem>>) target(%dma_start3A_125 : memref<16x128xf32, #tpu.memory_space<vmem_shared>>) target_semaphore(%arg11 : memref<!tpu.dma_semaphore, #tpu.memory_space<semaphore_mem>>)
    }
    %while3A_53 = arith.constant 1 : i32
    scf.for %while3A_117 = %while3A_51 to %while3A_47 step %while3A_53  : i32 {
      %mul3A_118 = arith.muli %while3A_117, %while3A : i32
      %add3A_119 = arith.addi %while3A_44, %mul3A_118 : i32
      %mul3A_120 = arith.constant 16 : i32
      %mul3A_121 = arith.muli %add3A_119, %mul3A_120 : i32
      %add3A_122 = arith.addi %mul3A_14, %mul3A_121 : i32
      %dma_start3A = arith.constant 0 : i32
      %dma_start3A_123 = tpu.memref_slice %arg10[%add3A_122, %dma_start3A] : memref<10000x128xf32, #tpu.memory_space<vmem_shared>> -> memref<16x128xf32, #tpu.memory_space<vmem_shared>>
      %dma_start3A_124 = arith.constant 0 : i32
      %dma_start3A_125 = tpu.memref_slice %arg10[%add3A_122, %dma_start3A_124] : memref<10000x128xf32, #tpu.memory_space<vmem_shared>> -> memref<16x128xf32, #tpu.memory_space<vmem_shared>>
      tpu.enqueue_dma source(%arg9 : memref<16x128xf32, #tpu.memory_space<vmem>>) target(%dma_start3A_125 : memref<16x128xf32, #tpu.memory_space<vmem_shared>>) target_semaphore(%arg11 : memref<!tpu.dma_semaphore, #tpu.memory_space<semaphore_mem>>)
    }
    %jit3A_54 = arith.constant 16 : i32
    %div3A_55 = arith.divsi %add3A_19, %jit3A_54 : i32
    %sign3A_56 = arith.constant 0 : i32
    %sign3A_57 = arith.cmpi sgt, %add3A_19, %sign3A_56 : i32
    %sign3A_58 = arith.extui %sign3A_57 : i1 to i32
    %sign3A_59 = arith.constant 0 : i32
    %sign3A_60 = arith.cmpi slt, %add3A_19, %sign3A_59 : i32
    %sign3A_61 = arith.extui %sign3A_60 : i1 to i32
    %sign3A_62 = arith.subi %sign3A_58, %sign3A_61 : i32
    %sign3A_63 = arith.constant 0 : i32
    %sign3A_64 = arith.cmpi sgt, %jit3A_54, %sign3A_63 : i32
    %sign3A_65 = arith.extui %sign3A_64 : i1 to i32
    %sign3A_66 = arith.constant 0 : i32
    %sign3A_67 = arith.cmpi slt, %jit3A_54, %sign3A_66 : i32
    %sign3A_68 = arith.extui %sign3A_67 : i1 to i32
    %sign3A_69 = arith.subi %sign3A_65, %sign3A_68 : i32
    %ne3A_70 = arith.cmpi ne, %sign3A_62, %sign3A_69 : i32
    %rem3A_71 = arith.remsi %add3A_19, %jit3A_54 : i32
    %ne3A_72 = arith.constant 0 : i32
    %ne3A_73 = arith.cmpi ne, %rem3A_71, %ne3A_72 : i32
    %and3A_74 = arith.andi %ne3A_70, %ne3A_73 : i1
    %sub3A_75 = arith.constant 1 : i32
    %sub3A_76 = arith.subi %div3A_55, %sub3A_75 : i32
    %select_n3A_77 = arith.select %and3A_74, %sub3A_76, %div3A_55 : i32
    %sub3A_78 = arith.constant 0 : i32
    %sub3A_79 = arith.subi %select_n3A_77, %sub3A_78 : i32
    %sub3A_80 = arith.constant 1 : i32
    %sub3A_81 = arith.constant 1 : i32
    %sub3A_82 = arith.subi %sub3A_80, %sub3A_81 : i32
    %add3A_83 = arith.addi %sub3A_79, %sub3A_82 : i32
    %div3A_84 = arith.constant 1 : i32
    %div3A_85 = arith.divsi %add3A_83, %div3A_84 : i32
    %while3A_86 = arith.constant 1 : i32
    %while3A_87 = arith.constant 0 : i32
    %while3A_88 = arith.constant 0 : i32
    %while3A_89 = arith.subi %div3A_85, %while3A_88 : i32
    %while3A_90 = arith.addi %while3A_88, %while3A_89 : i32
    %while3A_91 = arith.constant 1 : i32
    %while3A_92 = arith.divsi %while3A_89, %while3A_91 : i32
    %while3A_93 = arith.muli %while3A_92, %while3A_91 : i32
    %while3A_94 = arith.addi %while3A_88, %while3A_93 : i32
    %while3A_95 = arith.constant 1 : i32
    scf.for %while3A_117 = %while3A_88 to %while3A_94 step %while3A_95  : i32 {
      %mul3A_118 = arith.muli %while3A_117, %while3A_86 : i32
      %add3A_119 = arith.addi %while3A_87, %mul3A_118 : i32
      %dma_wait3A = arith.constant 0 : i32
      %dma_wait3A_120 = tpu.memref_slice %arg10[%mul3A_14, %dma_wait3A] : memref<10000x128xf32, #tpu.memory_space<vmem_shared>> -> memref<16x128xf32, #tpu.memory_space<vmem_shared>>
      %dma_wait3A_121 = arith.constant 0 : i32
      %dma_wait3A_122 = tpu.memref_slice %arg10[%mul3A_14, %dma_wait3A_121] : memref<10000x128xf32, #tpu.memory_space<vmem_shared>> -> memref<16x128xf32, #tpu.memory_space<vmem_shared>>
      tpu.wait_dma2 semaphore(%arg11 : memref<!tpu.dma_semaphore, #tpu.memory_space<semaphore_mem>>) src(%arg9 : memref<16x128xf32, #tpu.memory_space<vmem>>) dst(%dma_wait3A_122 : memref<16x128xf32, #tpu.memory_space<vmem_shared>>)
    }
    %while3A_96 = arith.constant 1 : i32
    scf.for %while3A_117 = %while3A_94 to %while3A_90 step %while3A_96  : i32 {
      %mul3A_118 = arith.muli %while3A_117, %while3A_86 : i32
      %add3A_119 = arith.addi %while3A_87, %mul3A_118 : i32
      %dma_wait3A = arith.constant 0 : i32
      %dma_wait3A_120 = tpu.memref_slice %arg10[%mul3A_14, %dma_wait3A] : memref<10000x128xf32, #tpu.memory_space<vmem_shared>> -> memref<16x128xf32, #tpu.memory_space<vmem_shared>>
      %dma_wait3A_121 = arith.constant 0 : i32
      %dma_wait3A_122 = tpu.memref_slice %arg10[%mul3A_14, %dma_wait3A_121] : memref<10000x128xf32, #tpu.memory_space<vmem_shared>> -> memref<16x128xf32, #tpu.memory_space<vmem_shared>>
      tpu.wait_dma2 semaphore(%arg11 : memref<!tpu.dma_semaphore, #tpu.memory_space<semaphore_mem>>) src(%arg9 : memref<16x128xf32, #tpu.memory_space<vmem>>) dst(%dma_wait3A_122 : memref<16x128xf32, #tpu.memory_space<vmem_shared>>)
    }
    %barrier3A = arith.constant 0 : index
    tpu.barrier barrier_id(%barrier3A)
    %mul3A_97 = arith.constant 128 : i32
    %mul3A_98 = arith.muli %add3A, %mul3A_97 : i32
    %add3A_99 = arith.constant 0 : i32
    %add3A_100 = arith.addi %mul3A_98, %add3A_99 : i32
    %lt3A = arith.constant 4000 : i32
    %lt3A_101 = arith.cmpi slt, %add3A_100, %lt3A : i32
    %and3A_102 = arith.constant true
    %and3A_103 = arith.andi %and3A_102, %lt3A_101 : i1
    %convert_element_type3A_104 = arith.extui %and3A_103 : i1 to i32
    %cond3A = arith.constant 0 : i32
    %cond3A_105 = arith.cmpi ne, %convert_element_type3A_104, %cond3A : i32
    scf.if %cond3A_105 {
      %add3A_117 = arith.constant 0 : i32
      %add3A_118 = arith.addi %mul3A_98, %add3A_117 : i32
      %dma_start3A = arith.constant 0 : i32
      %dma_start3A_119 = tpu.memref_slice %arg2[%add3A_118, %dma_start3A] : memref<4096x80xi32, #tpu.memory_space<hbm>> -> memref<8x80xi32, #tpu.memory_space<hbm>>
      %dma_start3A_120 = arith.constant 0 : i32
      %dma_start3A_121 = tpu.memref_slice %arg2[%add3A_118, %dma_start3A_120] : memref<4096x80xi32, #tpu.memory_space<hbm>> -> memref<8x80xi32, #tpu.memory_space<hbm>>
      tpu.enqueue_dma source(%dma_start3A_121 : memref<8x80xi32, #tpu.memory_space<hbm>>) target(%arg4 : memref<8x80xi32, #tpu.memory_space<vmem>>) target_semaphore(%arg5 : memref<!tpu.dma_semaphore, #tpu.memory_space<semaphore_mem>>)
    } else {
    }
    %scan3A_106 = arith.constant 0 : i32
    %scan3A_107 = arith.constant 16 : i32
    %scan3A_108 = arith.addi %scan3A_106, %scan3A_107 : i32
    %scan3A_109 = arith.constant 1 : i32
    scf.for %scan3A_117 = %scan3A_106 to %scan3A_108 step %scan3A_109  : i32 {
      %mul3A_118 = arith.constant 1 : i32
      %mul3A_119 = arith.muli %scan3A_117, %mul3A_118 : i32
      %add3A_120 = arith.constant 0 : i32
      %add3A_121 = arith.addi %add3A_120, %mul3A_119 : i32
      %rem3A_122 = arith.constant 2 : i32
      %rem3A_123 = arith.remsi %add3A_121, %rem3A_122 : i32
      %eq3A_124 = arith.constant 0 : i32
      %eq3A_125 = arith.cmpi eq, %rem3A_123, %eq3A_124 : i32
      %convert_element_type3A_126 = arith.extui %eq3A_125 : i1 to i32
      %cond3A_127 = arith.constant 0 : i32
      %cond3A_128 = arith.cmpi ne, %convert_element_type3A_126, %cond3A_127 : i32
      scf.if %cond3A_128 {
        %lt3A_134 = arith.constant 16 : i32
        %lt3A_135 = arith.cmpi slt, %add3A_121, %lt3A_134 : i32
        %mul3A_136 = arith.constant 8 : i32
        %mul3A_137 = arith.muli %add3A_121, %mul3A_136 : i32
        %add3A_138 = arith.addi %mul3A_98, %mul3A_137 : i32
        %lt3A_139 = arith.constant 4000 : i32
        %lt3A_140 = arith.cmpi slt, %add3A_138, %lt3A_139 : i32
        %and3A_141 = arith.andi %lt3A_135, %lt3A_140 : i1
        %convert_element_type3A_142 = arith.extui %and3A_141 : i1 to i32
        %cond3A_143 = arith.constant 0 : i32
        %cond3A_144 = arith.cmpi ne, %convert_element_type3A_142, %cond3A_143 : i32
        scf.if %cond3A_144 {
          %dma_wait3A = arith.constant 0 : i32
          %dma_wait3A_318 = arith.constant 0 : i32
          %dma_wait3A_319 = tpu.memref_slice %arg2[%dma_wait3A, %dma_wait3A_318] : memref<4096x80xi32, #tpu.memory_space<hbm>> -> memref<8x80xi32, #tpu.memory_space<hbm>>
          %dma_wait3A_320 = arith.constant 0 : i32
          %dma_wait3A_321 = arith.constant 0 : i32
          %dma_wait3A_322 = tpu.memref_slice %arg2[%dma_wait3A_320, %dma_wait3A_321] : memref<4096x80xi32, #tpu.memory_space<hbm>> -> memref<8x80xi32, #tpu.memory_space<hbm>>
          tpu.wait_dma2 semaphore(%arg5 : memref<!tpu.dma_semaphore, #tpu.memory_space<semaphore_mem>>) src(%dma_wait3A_322 : memref<8x80xi32, #tpu.memory_space<hbm>>) dst(%arg4 : memref<8x80xi32, #tpu.memory_space<vmem>>)
        } else {
        }
        %add3A_145 = arith.constant 1 : i32
        %add3A_146 = arith.addi %add3A_121, %add3A_145 : i32
        %lt3A_147 = arith.constant 16 : i32
        %lt3A_148 = arith.cmpi slt, %add3A_146, %lt3A_147 : i32
        %mul3A_149 = arith.constant 8 : i32
        %mul3A_150 = arith.muli %add3A_146, %mul3A_149 : i32
        %add3A_151 = arith.addi %mul3A_98, %mul3A_150 : i32
        %lt3A_152 = arith.constant 4000 : i32
        %lt3A_153 = arith.cmpi slt, %add3A_151, %lt3A_152 : i32
        %and3A_154 = arith.andi %lt3A_148, %lt3A_153 : i1
        %convert_element_type3A_155 = arith.extui %and3A_154 : i1 to i32
        %cond3A_156 = arith.constant 0 : i32
        %cond3A_157 = arith.cmpi ne, %convert_element_type3A_155, %cond3A_156 : i32
        scf.if %cond3A_157 {
          %mul3A_318 = arith.constant 8 : i32
          %mul3A_319 = arith.muli %add3A_146, %mul3A_318 : i32
          %add3A_320 = arith.addi %mul3A_98, %mul3A_319 : i32
          %dma_start3A = arith.constant 0 : i32
          %dma_start3A_321 = tpu.memref_slice %arg2[%add3A_320, %dma_start3A] : memref<4096x80xi32, #tpu.memory_space<hbm>> -> memref<8x80xi32, #tpu.memory_space<hbm>>
          %dma_start3A_322 = arith.constant 0 : i32
          %dma_start3A_323 = tpu.memref_slice %arg2[%add3A_320, %dma_start3A_322] : memref<4096x80xi32, #tpu.memory_space<hbm>> -> memref<8x80xi32, #tpu.memory_space<hbm>>
          tpu.enqueue_dma source(%dma_start3A_323 : memref<8x80xi32, #tpu.memory_space<hbm>>) target(%arg6 : memref<8x80xi32, #tpu.memory_space<vmem>>) target_semaphore(%arg7 : memref<!tpu.dma_semaphore, #tpu.memory_space<semaphore_mem>>)
        } else {
        }
        %mul3A_158 = arith.constant 8 : i32
        %mul3A_159 = arith.muli %add3A_121, %mul3A_158 : i32
        %add3A_160 = arith.addi %mul3A_98, %mul3A_159 : i32
        %add3A_161 = arith.constant 0 : i32
        %add3A_162 = arith.addi %add3A_160, %add3A_161 : i32
        %lt3A_163 = arith.constant 4000 : i32
        %lt3A_164 = arith.cmpi slt, %add3A_162, %lt3A_163 : i32
        %convert_element_type3A_165 = arith.extui %lt3A_164 : i1 to i32
        %cond3A_166 = arith.constant 0 : i32
        %cond3A_167 = arith.cmpi ne, %convert_element_type3A_165, %cond3A_166 : i32
        scf.if %cond3A_167 {
          %dma_start3A = arith.constant 0 : i32
          %dma_start3A_318 = arith.constant 0 : i32
          %dma_start3A_319 = tpu.memref_slice %arg4[%dma_start3A, %dma_start3A_318] : memref<8x80xi32, #tpu.memory_space<vmem>> -> memref<1x80xi32, #tpu.memory_space<vmem>>
          %dma_start3A_320 = tpu.memref_squeeze %dma_start3A_319 : memref<1x80xi32, #tpu.memory_space<vmem>> -> memref<80xi32, #tpu.memory_space<vmem>>
          %dma_start3A_321 = arith.constant 0 : i32
          %dma_start3A_322 = arith.constant 0 : i32
          %dma_start3A_323 = tpu.memref_slice %arg10[%dma_start3A_321, %dma_start3A_322] : memref<10000x128xf32, #tpu.memory_space<vmem_shared>> -> memref<10000x128xf32, #tpu.memory_space<vmem_shared>>
          tpu.enqueue_indirect_dma source(%arg8 : memref<80x128xf32, #tpu.memory_space<vmem>>) target(%dma_start3A_323 : memref<10000x128xf32, #tpu.memory_space<vmem_shared>>) offsets(%dma_start3A_320 : memref<80xi32, #tpu.memory_space<vmem>>) semaphore(%arg11 : memref<!tpu.dma_semaphore, #tpu.memory_space<semaphore_mem>>) {add = true}
        } else {
        }
        %mul3A_168 = arith.constant 8 : i32
        %mul3A_169 = arith.muli %add3A_121, %mul3A_168 : i32
        %add3A_170 = arith.addi %mul3A_98, %mul3A_169 : i32
        %add3A_171 = arith.constant 1 : i32
        %add3A_172 = arith.addi %add3A_170, %add3A_171 : i32
        %lt3A_173 = arith.constant 4000 : i32
        %lt3A_174 = arith.cmpi slt, %add3A_172, %lt3A_173 : i32
        %convert_element_type3A_175 = arith.extui %lt3A_174 : i1 to i32
        %cond3A_176 = arith.constant 0 : i32
        %cond3A_177 = arith.cmpi ne, %convert_element_type3A_175, %cond3A_176 : i32
        scf.if %cond3A_177 {
          %dma_start3A = arith.constant 1 : i32
          %dma_start3A_318 = arith.constant 0 : i32
          %dma_start3A_319 = tpu.memref_slice %arg4[%dma_start3A, %dma_start3A_318] : memref<8x80xi32, #tpu.memory_space<vmem>> -> memref<1x80xi32, #tpu.memory_space<vmem>>
          %dma_start3A_320 = tpu.memref_squeeze %dma_start3A_319 : memref<1x80xi32, #tpu.memory_space<vmem>> -> memref<80xi32, #tpu.memory_space<vmem>>
          %dma_start3A_321 = arith.constant 0 : i32
          %dma_start3A_322 = arith.constant 0 : i32
          %dma_start3A_323 = tpu.memref_slice %arg10[%dma_start3A_321, %dma_start3A_322] : memref<10000x128xf32, #tpu.memory_space<vmem_shared>> -> memref<10000x128xf32, #tpu.memory_space<vmem_shared>>
          tpu.enqueue_indirect_dma source(%arg8 : memref<80x128xf32, #tpu.memory_space<vmem>>) target(%dma_start3A_323 : memref<10000x128xf32, #tpu.memory_space<vmem_shared>>) offsets(%dma_start3A_320 : memref<80xi32, #tpu.memory_space<vmem>>) semaphore(%arg11 : memref<!tpu.dma_semaphore, #tpu.memory_space<semaphore_mem>>) {add = true}
        } else {
        }
        %mul3A_178 = arith.constant 8 : i32
        %mul3A_179 = arith.muli %add3A_121, %mul3A_178 : i32
        %add3A_180 = arith.addi %mul3A_98, %mul3A_179 : i32
        %add3A_181 = arith.constant 2 : i32
        %add3A_182 = arith.addi %add3A_180, %add3A_181 : i32
        %lt3A_183 = arith.constant 4000 : i32
        %lt3A_184 = arith.cmpi slt, %add3A_182, %lt3A_183 : i32
        %convert_element_type3A_185 = arith.extui %lt3A_184 : i1 to i32
        %cond3A_186 = arith.constant 0 : i32
        %cond3A_187 = arith.cmpi ne, %convert_element_type3A_185, %cond3A_186 : i32
        scf.if %cond3A_187 {
          %dma_start3A = arith.constant 2 : i32
          %dma_start3A_318 = arith.constant 0 : i32
          %dma_start3A_319 = tpu.memref_slice %arg4[%dma_start3A, %dma_start3A_318] : memref<8x80xi32, #tpu.memory_space<vmem>> -> memref<1x80xi32, #tpu.memory_space<vmem>>
          %dma_start3A_320 = tpu.memref_squeeze %dma_start3A_319 : memref<1x80xi32, #tpu.memory_space<vmem>> -> memref<80xi32, #tpu.memory_space<vmem>>
          %dma_start3A_321 = arith.constant 0 : i32
          %dma_start3A_322 = arith.constant 0 : i32
          %dma_start3A_323 = tpu.memref_slice %arg10[%dma_start3A_321, %dma_start3A_322] : memref<10000x128xf32, #tpu.memory_space<vmem_shared>> -> memref<10000x128xf32, #tpu.memory_space<vmem_shared>>
          tpu.enqueue_indirect_dma source(%arg8 : memref<80x128xf32, #tpu.memory_space<vmem>>) target(%dma_start3A_323 : memref<10000x128xf32, #tpu.memory_space<vmem_shared>>) offsets(%dma_start3A_320 : memref<80xi32, #tpu.memory_space<vmem>>) semaphore(%arg11 : memref<!tpu.dma_semaphore, #tpu.memory_space<semaphore_mem>>) {add = true}
        } else {
        }
        %mul3A_188 = arith.constant 8 : i32
        %mul3A_189 = arith.muli %add3A_121, %mul3A_188 : i32
        %add3A_190 = arith.addi %mul3A_98, %mul3A_189 : i32
        %add3A_191 = arith.constant 3 : i32
        %add3A_192 = arith.addi %add3A_190, %add3A_191 : i32
        %lt3A_193 = arith.constant 4000 : i32
        %lt3A_194 = arith.cmpi slt, %add3A_192, %lt3A_193 : i32
        %convert_element_type3A_195 = arith.extui %lt3A_194 : i1 to i32
        %cond3A_196 = arith.constant 0 : i32
        %cond3A_197 = arith.cmpi ne, %convert_element_type3A_195, %cond3A_196 : i32
        scf.if %cond3A_197 {
          %dma_start3A = arith.constant 3 : i32
          %dma_start3A_318 = arith.constant 0 : i32
          %dma_start3A_319 = tpu.memref_slice %arg4[%dma_start3A, %dma_start3A_318] : memref<8x80xi32, #tpu.memory_space<vmem>> -> memref<1x80xi32, #tpu.memory_space<vmem>>
          %dma_start3A_320 = tpu.memref_squeeze %dma_start3A_319 : memref<1x80xi32, #tpu.memory_space<vmem>> -> memref<80xi32, #tpu.memory_space<vmem>>
          %dma_start3A_321 = arith.constant 0 : i32
          %dma_start3A_322 = arith.constant 0 : i32
          %dma_start3A_323 = tpu.memref_slice %arg10[%dma_start3A_321, %dma_start3A_322] : memref<10000x128xf32, #tpu.memory_space<vmem_shared>> -> memref<10000x128xf32, #tpu.memory_space<vmem_shared>>
          tpu.enqueue_indirect_dma source(%arg8 : memref<80x128xf32, #tpu.memory_space<vmem>>) target(%dma_start3A_323 : memref<10000x128xf32, #tpu.memory_space<vmem_shared>>) offsets(%dma_start3A_320 : memref<80xi32, #tpu.memory_space<vmem>>) semaphore(%arg11 : memref<!tpu.dma_semaphore, #tpu.memory_space<semaphore_mem>>) {add = true}
        } else {
        }
        %mul3A_198 = arith.constant 8 : i32
        %mul3A_199 = arith.muli %add3A_121, %mul3A_198 : i32
        %add3A_200 = arith.addi %mul3A_98, %mul3A_199 : i32
        %add3A_201 = arith.constant 4 : i32
        %add3A_202 = arith.addi %add3A_200, %add3A_201 : i32
        %lt3A_203 = arith.constant 4000 : i32
        %lt3A_204 = arith.cmpi slt, %add3A_202, %lt3A_203 : i32
        %convert_element_type3A_205 = arith.extui %lt3A_204 : i1 to i32
        %cond3A_206 = arith.constant 0 : i32
        %cond3A_207 = arith.cmpi ne, %convert_element_type3A_205, %cond3A_206 : i32
        scf.if %cond3A_207 {
          %dma_start3A = arith.constant 4 : i32
          %dma_start3A_318 = arith.constant 0 : i32
          %dma_start3A_319 = tpu.memref_slice %arg4[%dma_start3A, %dma_start3A_318] : memref<8x80xi32, #tpu.memory_space<vmem>> -> memref<1x80xi32, #tpu.memory_space<vmem>>
          %dma_start3A_320 = tpu.memref_squeeze %dma_start3A_319 : memref<1x80xi32, #tpu.memory_space<vmem>> -> memref<80xi32, #tpu.memory_space<vmem>>
          %dma_start3A_321 = arith.constant 0 : i32
          %dma_start3A_322 = arith.constant 0 : i32
          %dma_start3A_323 = tpu.memref_slice %arg10[%dma_start3A_321, %dma_start3A_322] : memref<10000x128xf32, #tpu.memory_space<vmem_shared>> -> memref<10000x128xf32, #tpu.memory_space<vmem_shared>>
          tpu.enqueue_indirect_dma source(%arg8 : memref<80x128xf32, #tpu.memory_space<vmem>>) target(%dma_start3A_323 : memref<10000x128xf32, #tpu.memory_space<vmem_shared>>) offsets(%dma_start3A_320 : memref<80xi32, #tpu.memory_space<vmem>>) semaphore(%arg11 : memref<!tpu.dma_semaphore, #tpu.memory_space<semaphore_mem>>) {add = true}
        } else {
        }
        %mul3A_208 = arith.constant 8 : i32
        %mul3A_209 = arith.muli %add3A_121, %mul3A_208 : i32
        %add3A_210 = arith.addi %mul3A_98, %mul3A_209 : i32
        %add3A_211 = arith.constant 5 : i32
        %add3A_212 = arith.addi %add3A_210, %add3A_211 : i32
        %lt3A_213 = arith.constant 4000 : i32
        %lt3A_214 = arith.cmpi slt, %add3A_212, %lt3A_213 : i32
        %convert_element_type3A_215 = arith.extui %lt3A_214 : i1 to i32
        %cond3A_216 = arith.constant 0 : i32
        %cond3A_217 = arith.cmpi ne, %convert_element_type3A_215, %cond3A_216 : i32
        scf.if %cond3A_217 {
          %dma_start3A = arith.constant 5 : i32
          %dma_start3A_318 = arith.constant 0 : i32
          %dma_start3A_319 = tpu.memref_slice %arg4[%dma_start3A, %dma_start3A_318] : memref<8x80xi32, #tpu.memory_space<vmem>> -> memref<1x80xi32, #tpu.memory_space<vmem>>
          %dma_start3A_320 = tpu.memref_squeeze %dma_start3A_319 : memref<1x80xi32, #tpu.memory_space<vmem>> -> memref<80xi32, #tpu.memory_space<vmem>>
          %dma_start3A_321 = arith.constant 0 : i32
          %dma_start3A_322 = arith.constant 0 : i32
          %dma_start3A_323 = tpu.memref_slice %arg10[%dma_start3A_321, %dma_start3A_322] : memref<10000x128xf32, #tpu.memory_space<vmem_shared>> -> memref<10000x128xf32, #tpu.memory_space<vmem_shared>>
          tpu.enqueue_indirect_dma source(%arg8 : memref<80x128xf32, #tpu.memory_space<vmem>>) target(%dma_start3A_323 : memref<10000x128xf32, #tpu.memory_space<vmem_shared>>) offsets(%dma_start3A_320 : memref<80xi32, #tpu.memory_space<vmem>>) semaphore(%arg11 : memref<!tpu.dma_semaphore, #tpu.memory_space<semaphore_mem>>) {add = true}
        } else {
        }
        %mul3A_218 = arith.constant 8 : i32
        %mul3A_219 = arith.muli %add3A_121, %mul3A_218 : i32
        %add3A_220 = arith.addi %mul3A_98, %mul3A_219 : i32
        %add3A_221 = arith.constant 6 : i32
        %add3A_222 = arith.addi %add3A_220, %add3A_221 : i32
        %lt3A_223 = arith.constant 4000 : i32
        %lt3A_224 = arith.cmpi slt, %add3A_222, %lt3A_223 : i32
        %convert_element_type3A_225 = arith.extui %lt3A_224 : i1 to i32
        %cond3A_226 = arith.constant 0 : i32
        %cond3A_227 = arith.cmpi ne, %convert_element_type3A_225, %cond3A_226 : i32
        scf.if %cond3A_227 {
          %dma_start3A = arith.constant 6 : i32
          %dma_start3A_318 = arith.constant 0 : i32
          %dma_start3A_319 = tpu.memref_slice %arg4[%dma_start3A, %dma_start3A_318] : memref<8x80xi32, #tpu.memory_space<vmem>> -> memref<1x80xi32, #tpu.memory_space<vmem>>
          %dma_start3A_320 = tpu.memref_squeeze %dma_start3A_319 : memref<1x80xi32, #tpu.memory_space<vmem>> -> memref<80xi32, #tpu.memory_space<vmem>>
          %dma_start3A_321 = arith.constant 0 : i32
          %dma_start3A_322 = arith.constant 0 : i32
          %dma_start3A_323 = tpu.memref_slice %arg10[%dma_start3A_321, %dma_start3A_322] : memref<10000x128xf32, #tpu.memory_space<vmem_shared>> -> memref<10000x128xf32, #tpu.memory_space<vmem_shared>>
          tpu.enqueue_indirect_dma source(%arg8 : memref<80x128xf32, #tpu.memory_space<vmem>>) target(%dma_start3A_323 : memref<10000x128xf32, #tpu.memory_space<vmem_shared>>) offsets(%dma_start3A_320 : memref<80xi32, #tpu.memory_space<vmem>>) semaphore(%arg11 : memref<!tpu.dma_semaphore, #tpu.memory_space<semaphore_mem>>) {add = true}
        } else {
        }
        %mul3A_228 = arith.constant 8 : i32
        %mul3A_229 = arith.muli %add3A_121, %mul3A_228 : i32
        %add3A_230 = arith.addi %mul3A_98, %mul3A_229 : i32
        %add3A_231 = arith.constant 7 : i32
        %add3A_232 = arith.addi %add3A_230, %add3A_231 : i32
        %lt3A_233 = arith.constant 4000 : i32
        %lt3A_234 = arith.cmpi slt, %add3A_232, %lt3A_233 : i32
        %convert_element_type3A_235 = arith.extui %lt3A_234 : i1 to i32
        %cond3A_236 = arith.constant 0 : i32
        %cond3A_237 = arith.cmpi ne, %convert_element_type3A_235, %cond3A_236 : i32
        scf.if %cond3A_237 {
          %dma_start3A = arith.constant 7 : i32
          %dma_start3A_318 = arith.constant 0 : i32
          %dma_start3A_319 = tpu.memref_slice %arg4[%dma_start3A, %dma_start3A_318] : memref<8x80xi32, #tpu.memory_space<vmem>> -> memref<1x80xi32, #tpu.memory_space<vmem>>
          %dma_start3A_320 = tpu.memref_squeeze %dma_start3A_319 : memref<1x80xi32, #tpu.memory_space<vmem>> -> memref<80xi32, #tpu.memory_space<vmem>>
          %dma_start3A_321 = arith.constant 0 : i32
          %dma_start3A_322 = arith.constant 0 : i32
          %dma_start3A_323 = tpu.memref_slice %arg10[%dma_start3A_321, %dma_start3A_322] : memref<10000x128xf32, #tpu.memory_space<vmem_shared>> -> memref<10000x128xf32, #tpu.memory_space<vmem_shared>>
          tpu.enqueue_indirect_dma source(%arg8 : memref<80x128xf32, #tpu.memory_space<vmem>>) target(%dma_start3A_323 : memref<10000x128xf32, #tpu.memory_space<vmem_shared>>) offsets(%dma_start3A_320 : memref<80xi32, #tpu.memory_space<vmem>>) semaphore(%arg11 : memref<!tpu.dma_semaphore, #tpu.memory_space<semaphore_mem>>) {add = true}
        } else {
        }
        %mul3A_238 = arith.constant 8 : i32
        %mul3A_239 = arith.muli %add3A_121, %mul3A_238 : i32
        %add3A_240 = arith.addi %mul3A_98, %mul3A_239 : i32
        %add3A_241 = arith.constant 0 : i32
        %add3A_242 = arith.addi %add3A_240, %add3A_241 : i32
        %lt3A_243 = arith.constant 4000 : i32
        %lt3A_244 = arith.cmpi slt, %add3A_242, %lt3A_243 : i32
        %convert_element_type3A_245 = arith.extui %lt3A_244 : i1 to i32
        %cond3A_246 = arith.constant 0 : i32
        %cond3A_247 = arith.cmpi ne, %convert_element_type3A_245, %cond3A_246 : i32
        scf.if %cond3A_247 {
          %dma_wait3A = arith.constant 0 : i32
          %dma_wait3A_318 = arith.constant 0 : i32
          %dma_wait3A_319 = tpu.memref_slice %arg4[%dma_wait3A, %dma_wait3A_318] : memref<8x80xi32, #tpu.memory_space<vmem>> -> memref<1x80xi32, #tpu.memory_space<vmem>>
          %dma_wait3A_320 = tpu.memref_squeeze %dma_wait3A_319 : memref<1x80xi32, #tpu.memory_space<vmem>> -> memref<80xi32, #tpu.memory_space<vmem>>
          %dma_wait3A_321 = arith.constant 0 : i32
          %dma_wait3A_322 = arith.constant 0 : i32
          %dma_wait3A_323 = tpu.memref_slice %arg10[%dma_wait3A_321, %dma_wait3A_322] : memref<10000x128xf32, #tpu.memory_space<vmem_shared>> -> memref<10000x128xf32, #tpu.memory_space<vmem_shared>>
          tpu.wait_indirect_dma semaphore(%arg11 : memref<!tpu.dma_semaphore, #tpu.memory_space<semaphore_mem>>) src(%arg8 : memref<80x128xf32, #tpu.memory_space<vmem>>) dst(%dma_wait3A_323 : memref<10000x128xf32, #tpu.memory_space<vmem_shared>>)
        } else {
        }
        %mul3A_248 = arith.constant 8 : i32
        %mul3A_249 = arith.muli %add3A_121, %mul3A_248 : i32
        %add3A_250 = arith.addi %mul3A_98, %mul3A_249 : i32
        %add3A_251 = arith.constant 1 : i32
        %add3A_252 = arith.addi %add3A_250, %add3A_251 : i32
        %lt3A_253 = arith.constant 4000 : i32
        %lt3A_254 = arith.cmpi slt, %add3A_252, %lt3A_253 : i32
        %convert_element_type3A_255 = arith.extui %lt3A_254 : i1 to i32
        %cond3A_256 = arith.constant 0 : i32
        %cond3A_257 = arith.cmpi ne, %convert_element_type3A_255, %cond3A_256 : i32
        scf.if %cond3A_257 {
          %dma_wait3A = arith.constant 1 : i32
          %dma_wait3A_318 = arith.constant 0 : i32
          %dma_wait3A_319 = tpu.memref_slice %arg4[%dma_wait3A, %dma_wait3A_318] : memref<8x80xi32, #tpu.memory_space<vmem>> -> memref<1x80xi32, #tpu.memory_space<vmem>>
          %dma_wait3A_320 = tpu.memref_squeeze %dma_wait3A_319 : memref<1x80xi32, #tpu.memory_space<vmem>> -> memref<80xi32, #tpu.memory_space<vmem>>
          %dma_wait3A_321 = arith.constant 0 : i32
          %dma_wait3A_322 = arith.constant 0 : i32
          %dma_wait3A_323 = tpu.memref_slice %arg10[%dma_wait3A_321, %dma_wait3A_322] : memref<10000x128xf32, #tpu.memory_space<vmem_shared>> -> memref<10000x128xf32, #tpu.memory_space<vmem_shared>>
          tpu.wait_indirect_dma semaphore(%arg11 : memref<!tpu.dma_semaphore, #tpu.memory_space<semaphore_mem>>) src(%arg8 : memref<80x128xf32, #tpu.memory_space<vmem>>) dst(%dma_wait3A_323 : memref<10000x128xf32, #tpu.memory_space<vmem_shared>>)
        } else {
        }
        %mul3A_258 = arith.constant 8 : i32
        %mul3A_259 = arith.muli %add3A_121, %mul3A_258 : i32
        %add3A_260 = arith.addi %mul3A_98, %mul3A_259 : i32
        %add3A_261 = arith.constant 2 : i32
        %add3A_262 = arith.addi %add3A_260, %add3A_261 : i32
        %lt3A_263 = arith.constant 4000 : i32
        %lt3A_264 = arith.cmpi slt, %add3A_262, %lt3A_263 : i32
        %convert_element_type3A_265 = arith.extui %lt3A_264 : i1 to i32
        %cond3A_266 = arith.constant 0 : i32
        %cond3A_267 = arith.cmpi ne, %convert_element_type3A_265, %cond3A_266 : i32
        scf.if %cond3A_267 {
          %dma_wait3A = arith.constant 2 : i32
          %dma_wait3A_318 = arith.constant 0 : i32
          %dma_wait3A_319 = tpu.memref_slice %arg4[%dma_wait3A, %dma_wait3A_318] : memref<8x80xi32, #tpu.memory_space<vmem>> -> memref<1x80xi32, #tpu.memory_space<vmem>>
          %dma_wait3A_320 = tpu.memref_squeeze %dma_wait3A_319 : memref<1x80xi32, #tpu.memory_space<vmem>> -> memref<80xi32, #tpu.memory_space<vmem>>
          %dma_wait3A_321 = arith.constant 0 : i32
          %dma_wait3A_322 = arith.constant 0 : i32
          %dma_wait3A_323 = tpu.memref_slice %arg10[%dma_wait3A_321, %dma_wait3A_322] : memref<10000x128xf32, #tpu.memory_space<vmem_shared>> -> memref<10000x128xf32, #tpu.memory_space<vmem_shared>>
          tpu.wait_indirect_dma semaphore(%arg11 : memref<!tpu.dma_semaphore, #tpu.memory_space<semaphore_mem>>) src(%arg8 : memref<80x128xf32, #tpu.memory_space<vmem>>) dst(%dma_wait3A_323 : memref<10000x128xf32, #tpu.memory_space<vmem_shared>>)
        } else {
        }
        %mul3A_268 = arith.constant 8 : i32
        %mul3A_269 = arith.muli %add3A_121, %mul3A_268 : i32
        %add3A_270 = arith.addi %mul3A_98, %mul3A_269 : i32
        %add3A_271 = arith.constant 3 : i32
        %add3A_272 = arith.addi %add3A_270, %add3A_271 : i32
        %lt3A_273 = arith.constant 4000 : i32
        %lt3A_274 = arith.cmpi slt, %add3A_272, %lt3A_273 : i32
        %convert_element_type3A_275 = arith.extui %lt3A_274 : i1 to i32
        %cond3A_276 = arith.constant 0 : i32
        %cond3A_277 = arith.cmpi ne, %convert_element_type3A_275, %cond3A_276 : i32
        scf.if %cond3A_277 {
          %dma_wait3A = arith.constant 3 : i32
          %dma_wait3A_318 = arith.constant 0 : i32
          %dma_wait3A_319 = tpu.memref_slice %arg4[%dma_wait3A, %dma_wait3A_318] : memref<8x80xi32, #tpu.memory_space<vmem>> -> memref<1x80xi32, #tpu.memory_space<vmem>>
          %dma_wait3A_320 = tpu.memref_squeeze %dma_wait3A_319 : memref<1x80xi32, #tpu.memory_space<vmem>> -> memref<80xi32, #tpu.memory_space<vmem>>
          %dma_wait3A_321 = arith.constant 0 : i32
          %dma_wait3A_322 = arith.constant 0 : i32
          %dma_wait3A_323 = tpu.memref_slice %arg10[%dma_wait3A_321, %dma_wait3A_322] : memref<10000x128xf32, #tpu.memory_space<vmem_shared>> -> memref<10000x128xf32, #tpu.memory_space<vmem_shared>>
          tpu.wait_indirect_dma semaphore(%arg11 : memref<!tpu.dma_semaphore, #tpu.memory_space<semaphore_mem>>) src(%arg8 : memref<80x128xf32, #tpu.memory_space<vmem>>) dst(%dma_wait3A_323 : memref<10000x128xf32, #tpu.memory_space<vmem_shared>>)
        } else {
        }
        %mul3A_278 = arith.constant 8 : i32
        %mul3A_279 = arith.muli %add3A_121, %mul3A_278 : i32
        %add3A_280 = arith.addi %mul3A_98, %mul3A_279 : i32
        %add3A_281 = arith.constant 4 : i32
        %add3A_282 = arith.addi %add3A_280, %add3A_281 : i32
        %lt3A_283 = arith.constant 4000 : i32
        %lt3A_284 = arith.cmpi slt, %add3A_282, %lt3A_283 : i32
        %convert_element_type3A_285 = arith.extui %lt3A_284 : i1 to i32
        %cond3A_286 = arith.constant 0 : i32
        %cond3A_287 = arith.cmpi ne, %convert_element_type3A_285, %cond3A_286 : i32
        scf.if %cond3A_287 {
          %dma_wait3A = arith.constant 4 : i32
          %dma_wait3A_318 = arith.constant 0 : i32
          %dma_wait3A_319 = tpu.memref_slice %arg4[%dma_wait3A, %dma_wait3A_318] : memref<8x80xi32, #tpu.memory_space<vmem>> -> memref<1x80xi32, #tpu.memory_space<vmem>>
          %dma_wait3A_320 = tpu.memref_squeeze %dma_wait3A_319 : memref<1x80xi32, #tpu.memory_space<vmem>> -> memref<80xi32, #tpu.memory_space<vmem>>
          %dma_wait3A_321 = arith.constant 0 : i32
          %dma_wait3A_322 = arith.constant 0 : i32
          %dma_wait3A_323 = tpu.memref_slice %arg10[%dma_wait3A_321, %dma_wait3A_322] : memref<10000x128xf32, #tpu.memory_space<vmem_shared>> -> memref<10000x128xf32, #tpu.memory_space<vmem_shared>>
          tpu.wait_indirect_dma semaphore(%arg11 : memref<!tpu.dma_semaphore, #tpu.memory_space<semaphore_mem>>) src(%arg8 : memref<80x128xf32, #tpu.memory_space<vmem>>) dst(%dma_wait3A_323 : memref<10000x128xf32, #tpu.memory_space<vmem_shared>>)
        } else {
        }
        %mul3A_288 = arith.constant 8 : i32
        %mul3A_289 = arith.muli %add3A_121, %mul3A_288 : i32
        %add3A_290 = arith.addi %mul3A_98, %mul3A_289 : i32
        %add3A_291 = arith.constant 5 : i32
        %add3A_292 = arith.addi %add3A_290, %add3A_291 : i32
        %lt3A_293 = arith.constant 4000 : i32
        %lt3A_294 = arith.cmpi slt, %add3A_292, %lt3A_293 : i32
        %convert_element_type3A_295 = arith.extui %lt3A_294 : i1 to i32
        %cond3A_296 = arith.constant 0 : i32
        %cond3A_297 = arith.cmpi ne, %convert_element_type3A_295, %cond3A_296 : i32
        scf.if %cond3A_297 {
          %dma_wait3A = arith.constant 5 : i32
          %dma_wait3A_318 = arith.constant 0 : i32
          %dma_wait3A_319 = tpu.memref_slice %arg4[%dma_wait3A, %dma_wait3A_318] : memref<8x80xi32, #tpu.memory_space<vmem>> -> memref<1x80xi32, #tpu.memory_space<vmem>>
          %dma_wait3A_320 = tpu.memref_squeeze %dma_wait3A_319 : memref<1x80xi32, #tpu.memory_space<vmem>> -> memref<80xi32, #tpu.memory_space<vmem>>
          %dma_wait3A_321 = arith.constant 0 : i32
          %dma_wait3A_322 = arith.constant 0 : i32
          %dma_wait3A_323 = tpu.memref_slice %arg10[%dma_wait3A_321, %dma_wait3A_322] : memref<10000x128xf32, #tpu.memory_space<vmem_shared>> -> memref<10000x128xf32, #tpu.memory_space<vmem_shared>>
          tpu.wait_indirect_dma semaphore(%arg11 : memref<!tpu.dma_semaphore, #tpu.memory_space<semaphore_mem>>) src(%arg8 : memref<80x128xf32, #tpu.memory_space<vmem>>) dst(%dma_wait3A_323 : memref<10000x128xf32, #tpu.memory_space<vmem_shared>>)
        } else {
        }
        %mul3A_298 = arith.constant 8 : i32
        %mul3A_299 = arith.muli %add3A_121, %mul3A_298 : i32
        %add3A_300 = arith.addi %mul3A_98, %mul3A_299 : i32
        %add3A_301 = arith.constant 6 : i32
        %add3A_302 = arith.addi %add3A_300, %add3A_301 : i32
        %lt3A_303 = arith.constant 4000 : i32
        %lt3A_304 = arith.cmpi slt, %add3A_302, %lt3A_303 : i32
        %convert_element_type3A_305 = arith.extui %lt3A_304 : i1 to i32
        %cond3A_306 = arith.constant 0 : i32
        %cond3A_307 = arith.cmpi ne, %convert_element_type3A_305, %cond3A_306 : i32
        scf.if %cond3A_307 {
          %dma_wait3A = arith.constant 6 : i32
          %dma_wait3A_318 = arith.constant 0 : i32
          %dma_wait3A_319 = tpu.memref_slice %arg4[%dma_wait3A, %dma_wait3A_318] : memref<8x80xi32, #tpu.memory_space<vmem>> -> memref<1x80xi32, #tpu.memory_space<vmem>>
          %dma_wait3A_320 = tpu.memref_squeeze %dma_wait3A_319 : memref<1x80xi32, #tpu.memory_space<vmem>> -> memref<80xi32, #tpu.memory_space<vmem>>
          %dma_wait3A_321 = arith.constant 0 : i32
          %dma_wait3A_322 = arith.constant 0 : i32
          %dma_wait3A_323 = tpu.memref_slice %arg10[%dma_wait3A_321, %dma_wait3A_322] : memref<10000x128xf32, #tpu.memory_space<vmem_shared>> -> memref<10000x128xf32, #tpu.memory_space<vmem_shared>>
          tpu.wait_indirect_dma semaphore(%arg11 : memref<!tpu.dma_semaphore, #tpu.memory_space<semaphore_mem>>) src(%arg8 : memref<80x128xf32, #tpu.memory_space<vmem>>) dst(%dma_wait3A_323 : memref<10000x128xf32, #tpu.memory_space<vmem_shared>>)
        } else {
        }
        %mul3A_308 = arith.constant 8 : i32
        %mul3A_309 = arith.muli %add3A_121, %mul3A_308 : i32
        %add3A_310 = arith.addi %mul3A_98, %mul3A_309 : i32
        %add3A_311 = arith.constant 7 : i32
        %add3A_312 = arith.addi %add3A_310, %add3A_311 : i32
        %lt3A_313 = arith.constant 4000 : i32
        %lt3A_314 = arith.cmpi slt, %add3A_312, %lt3A_313 : i32
        %convert_element_type3A_315 = arith.extui %lt3A_314 : i1 to i32
        %cond3A_316 = arith.constant 0 : i32
        %cond3A_317 = arith.cmpi ne, %convert_element_type3A_315, %cond3A_316 : i32
        scf.if %cond3A_317 {
          %dma_wait3A = arith.constant 7 : i32
          %dma_wait3A_318 = arith.constant 0 : i32
          %dma_wait3A_319 = tpu.memref_slice %arg4[%dma_wait3A, %dma_wait3A_318] : memref<8x80xi32, #tpu.memory_space<vmem>> -> memref<1x80xi32, #tpu.memory_space<vmem>>
          %dma_wait3A_320 = tpu.memref_squeeze %dma_wait3A_319 : memref<1x80xi32, #tpu.memory_space<vmem>> -> memref<80xi32, #tpu.memory_space<vmem>>
          %dma_wait3A_321 = arith.constant 0 : i32
          %dma_wait3A_322 = arith.constant 0 : i32
          %dma_wait3A_323 = tpu.memref_slice %arg10[%dma_wait3A_321, %dma_wait3A_322] : memref<10000x128xf32, #tpu.memory_space<vmem_shared>> -> memref<10000x128xf32, #tpu.memory_space<vmem_shared>>
          tpu.wait_indirect_dma semaphore(%arg11 : memref<!tpu.dma_semaphore, #tpu.memory_space<semaphore_mem>>) src(%arg8 : memref<80x128xf32, #tpu.memory_space<vmem>>) dst(%dma_wait3A_323 : memref<10000x128xf32, #tpu.memory_space<vmem_shared>>)
        } else {
        }
      } else {
      }
      %eq3A_129 = arith.constant 1 : i32
      %eq3A_130 = arith.cmpi eq, %rem3A_123, %eq3A_129 : i32
      %convert_element_type3A_131 = arith.extui %eq3A_130 : i1 to i32
      %cond3A_132 = arith.constant 0 : i32
      %cond3A_133 = arith.cmpi ne, %convert_element_type3A_131, %cond3A_132 : i32
      scf.if %cond3A_133 {
        %lt3A_134 = arith.constant 16 : i32
        %lt3A_135 = arith.cmpi slt, %add3A_121, %lt3A_134 : i32
        %mul3A_136 = arith.constant 8 : i32
        %mul3A_137 = arith.muli %add3A_121, %mul3A_136 : i32
        %add3A_138 = arith.addi %mul3A_98, %mul3A_137 : i32
        %lt3A_139 = arith.constant 4000 : i32
        %lt3A_140 = arith.cmpi slt, %add3A_138, %lt3A_139 : i32
        %and3A_141 = arith.andi %lt3A_135, %lt3A_140 : i1
        %convert_element_type3A_142 = arith.extui %and3A_141 : i1 to i32
        %cond3A_143 = arith.constant 0 : i32
        %cond3A_144 = arith.cmpi ne, %convert_element_type3A_142, %cond3A_143 : i32
        scf.if %cond3A_144 {
          %dma_wait3A = arith.constant 0 : i32
          %dma_wait3A_318 = arith.constant 0 : i32
          %dma_wait3A_319 = tpu.memref_slice %arg2[%dma_wait3A, %dma_wait3A_318] : memref<4096x80xi32, #tpu.memory_space<hbm>> -> memref<8x80xi32, #tpu.memory_space<hbm>>
          %dma_wait3A_320 = arith.constant 0 : i32
          %dma_wait3A_321 = arith.constant 0 : i32
          %dma_wait3A_322 = tpu.memref_slice %arg2[%dma_wait3A_320, %dma_wait3A_321] : memref<4096x80xi32, #tpu.memory_space<hbm>> -> memref<8x80xi32, #tpu.memory_space<hbm>>
          tpu.wait_dma2 semaphore(%arg7 : memref<!tpu.dma_semaphore, #tpu.memory_space<semaphore_mem>>) src(%dma_wait3A_322 : memref<8x80xi32, #tpu.memory_space<hbm>>) dst(%arg6 : memref<8x80xi32, #tpu.memory_space<vmem>>)
        } else {
        }
        %add3A_145 = arith.constant 1 : i32
        %add3A_146 = arith.addi %add3A_121, %add3A_145 : i32
        %lt3A_147 = arith.constant 16 : i32
        %lt3A_148 = arith.cmpi slt, %add3A_146, %lt3A_147 : i32
        %mul3A_149 = arith.constant 8 : i32
        %mul3A_150 = arith.muli %add3A_146, %mul3A_149 : i32
        %add3A_151 = arith.addi %mul3A_98, %mul3A_150 : i32
        %lt3A_152 = arith.constant 4000 : i32
        %lt3A_153 = arith.cmpi slt, %add3A_151, %lt3A_152 : i32
        %and3A_154 = arith.andi %lt3A_148, %lt3A_153 : i1
        %convert_element_type3A_155 = arith.extui %and3A_154 : i1 to i32
        %cond3A_156 = arith.constant 0 : i32
        %cond3A_157 = arith.cmpi ne, %convert_element_type3A_155, %cond3A_156 : i32
        scf.if %cond3A_157 {
          %mul3A_318 = arith.constant 8 : i32
          %mul3A_319 = arith.muli %add3A_146, %mul3A_318 : i32
          %add3A_320 = arith.addi %mul3A_98, %mul3A_319 : i32
          %dma_start3A = arith.constant 0 : i32
          %dma_start3A_321 = tpu.memref_slice %arg2[%add3A_320, %dma_start3A] : memref<4096x80xi32, #tpu.memory_space<hbm>> -> memref<8x80xi32, #tpu.memory_space<hbm>>
          %dma_start3A_322 = arith.constant 0 : i32
          %dma_start3A_323 = tpu.memref_slice %arg2[%add3A_320, %dma_start3A_322] : memref<4096x80xi32, #tpu.memory_space<hbm>> -> memref<8x80xi32, #tpu.memory_space<hbm>>
          tpu.enqueue_dma source(%dma_start3A_323 : memref<8x80xi32, #tpu.memory_space<hbm>>) target(%arg4 : memref<8x80xi32, #tpu.memory_space<vmem>>) target_semaphore(%arg5 : memref<!tpu.dma_semaphore, #tpu.memory_space<semaphore_mem>>)
        } else {
        }
        %mul3A_158 = arith.constant 8 : i32
        %mul3A_159 = arith.muli %add3A_121, %mul3A_158 : i32
        %add3A_160 = arith.addi %mul3A_98, %mul3A_159 : i32
        %add3A_161 = arith.constant 0 : i32
        %add3A_162 = arith.addi %add3A_160, %add3A_161 : i32
        %lt3A_163 = arith.constant 4000 : i32
        %lt3A_164 = arith.cmpi slt, %add3A_162, %lt3A_163 : i32
        %convert_element_type3A_165 = arith.extui %lt3A_164 : i1 to i32
        %cond3A_166 = arith.constant 0 : i32
        %cond3A_167 = arith.cmpi ne, %convert_element_type3A_165, %cond3A_166 : i32
        scf.if %cond3A_167 {
          %dma_start3A = arith.constant 0 : i32
          %dma_start3A_318 = arith.constant 0 : i32
          %dma_start3A_319 = tpu.memref_slice %arg6[%dma_start3A, %dma_start3A_318] : memref<8x80xi32, #tpu.memory_space<vmem>> -> memref<1x80xi32, #tpu.memory_space<vmem>>
          %dma_start3A_320 = tpu.memref_squeeze %dma_start3A_319 : memref<1x80xi32, #tpu.memory_space<vmem>> -> memref<80xi32, #tpu.memory_space<vmem>>
          %dma_start3A_321 = arith.constant 0 : i32
          %dma_start3A_322 = arith.constant 0 : i32
          %dma_start3A_323 = tpu.memref_slice %arg10[%dma_start3A_321, %dma_start3A_322] : memref<10000x128xf32, #tpu.memory_space<vmem_shared>> -> memref<10000x128xf32, #tpu.memory_space<vmem_shared>>
          tpu.enqueue_indirect_dma source(%arg8 : memref<80x128xf32, #tpu.memory_space<vmem>>) target(%dma_start3A_323 : memref<10000x128xf32, #tpu.memory_space<vmem_shared>>) offsets(%dma_start3A_320 : memref<80xi32, #tpu.memory_space<vmem>>) semaphore(%arg11 : memref<!tpu.dma_semaphore, #tpu.memory_space<semaphore_mem>>) {add = true}
        } else {
        }
        %mul3A_168 = arith.constant 8 : i32
        %mul3A_169 = arith.muli %add3A_121, %mul3A_168 : i32
        %add3A_170 = arith.addi %mul3A_98, %mul3A_169 : i32
        %add3A_171 = arith.constant 1 : i32
        %add3A_172 = arith.addi %add3A_170, %add3A_171 : i32
        %lt3A_173 = arith.constant 4000 : i32
        %lt3A_174 = arith.cmpi slt, %add3A_172, %lt3A_173 : i32
        %convert_element_type3A_175 = arith.extui %lt3A_174 : i1 to i32
        %cond3A_176 = arith.constant 0 : i32
        %cond3A_177 = arith.cmpi ne, %convert_element_type3A_175, %cond3A_176 : i32
        scf.if %cond3A_177 {
          %dma_start3A = arith.constant 1 : i32
          %dma_start3A_318 = arith.constant 0 : i32
          %dma_start3A_319 = tpu.memref_slice %arg6[%dma_start3A, %dma_start3A_318] : memref<8x80xi32, #tpu.memory_space<vmem>> -> memref<1x80xi32, #tpu.memory_space<vmem>>
          %dma_start3A_320 = tpu.memref_squeeze %dma_start3A_319 : memref<1x80xi32, #tpu.memory_space<vmem>> -> memref<80xi32, #tpu.memory_space<vmem>>
          %dma_start3A_321 = arith.constant 0 : i32
          %dma_start3A_322 = arith.constant 0 : i32
          %dma_start3A_323 = tpu.memref_slice %arg10[%dma_start3A_321, %dma_start3A_322] : memref<10000x128xf32, #tpu.memory_space<vmem_shared>> -> memref<10000x128xf32, #tpu.memory_space<vmem_shared>>
          tpu.enqueue_indirect_dma source(%arg8 : memref<80x128xf32, #tpu.memory_space<vmem>>) target(%dma_start3A_323 : memref<10000x128xf32, #tpu.memory_space<vmem_shared>>) offsets(%dma_start3A_320 : memref<80xi32, #tpu.memory_space<vmem>>) semaphore(%arg11 : memref<!tpu.dma_semaphore, #tpu.memory_space<semaphore_mem>>) {add = true}
        } else {
        }
        %mul3A_178 = arith.constant 8 : i32
        %mul3A_179 = arith.muli %add3A_121, %mul3A_178 : i32
        %add3A_180 = arith.addi %mul3A_98, %mul3A_179 : i32
        %add3A_181 = arith.constant 2 : i32
        %add3A_182 = arith.addi %add3A_180, %add3A_181 : i32
        %lt3A_183 = arith.constant 4000 : i32
        %lt3A_184 = arith.cmpi slt, %add3A_182, %lt3A_183 : i32
        %convert_element_type3A_185 = arith.extui %lt3A_184 : i1 to i32
        %cond3A_186 = arith.constant 0 : i32
        %cond3A_187 = arith.cmpi ne, %convert_element_type3A_185, %cond3A_186 : i32
        scf.if %cond3A_187 {
          %dma_start3A = arith.constant 2 : i32
          %dma_start3A_318 = arith.constant 0 : i32
          %dma_start3A_319 = tpu.memref_slice %arg6[%dma_start3A, %dma_start3A_318] : memref<8x80xi32, #tpu.memory_space<vmem>> -> memref<1x80xi32, #tpu.memory_space<vmem>>
          %dma_start3A_320 = tpu.memref_squeeze %dma_start3A_319 : memref<1x80xi32, #tpu.memory_space<vmem>> -> memref<80xi32, #tpu.memory_space<vmem>>
          %dma_start3A_321 = arith.constant 0 : i32
          %dma_start3A_322 = arith.constant 0 : i32
          %dma_start3A_323 = tpu.memref_slice %arg10[%dma_start3A_321, %dma_start3A_322] : memref<10000x128xf32, #tpu.memory_space<vmem_shared>> -> memref<10000x128xf32, #tpu.memory_space<vmem_shared>>
          tpu.enqueue_indirect_dma source(%arg8 : memref<80x128xf32, #tpu.memory_space<vmem>>) target(%dma_start3A_323 : memref<10000x128xf32, #tpu.memory_space<vmem_shared>>) offsets(%dma_start3A_320 : memref<80xi32, #tpu.memory_space<vmem>>) semaphore(%arg11 : memref<!tpu.dma_semaphore, #tpu.memory_space<semaphore_mem>>) {add = true}
        } else {
        }
        %mul3A_188 = arith.constant 8 : i32
        %mul3A_189 = arith.muli %add3A_121, %mul3A_188 : i32
        %add3A_190 = arith.addi %mul3A_98, %mul3A_189 : i32
        %add3A_191 = arith.constant 3 : i32
        %add3A_192 = arith.addi %add3A_190, %add3A_191 : i32
        %lt3A_193 = arith.constant 4000 : i32
        %lt3A_194 = arith.cmpi slt, %add3A_192, %lt3A_193 : i32
        %convert_element_type3A_195 = arith.extui %lt3A_194 : i1 to i32
        %cond3A_196 = arith.constant 0 : i32
        %cond3A_197 = arith.cmpi ne, %convert_element_type3A_195, %cond3A_196 : i32
        scf.if %cond3A_197 {
          %dma_start3A = arith.constant 3 : i32
          %dma_start3A_318 = arith.constant 0 : i32
          %dma_start3A_319 = tpu.memref_slice %arg6[%dma_start3A, %dma_start3A_318] : memref<8x80xi32, #tpu.memory_space<vmem>> -> memref<1x80xi32, #tpu.memory_space<vmem>>
          %dma_start3A_320 = tpu.memref_squeeze %dma_start3A_319 : memref<1x80xi32, #tpu.memory_space<vmem>> -> memref<80xi32, #tpu.memory_space<vmem>>
          %dma_start3A_321 = arith.constant 0 : i32
          %dma_start3A_322 = arith.constant 0 : i32
          %dma_start3A_323 = tpu.memref_slice %arg10[%dma_start3A_321, %dma_start3A_322] : memref<10000x128xf32, #tpu.memory_space<vmem_shared>> -> memref<10000x128xf32, #tpu.memory_space<vmem_shared>>
          tpu.enqueue_indirect_dma source(%arg8 : memref<80x128xf32, #tpu.memory_space<vmem>>) target(%dma_start3A_323 : memref<10000x128xf32, #tpu.memory_space<vmem_shared>>) offsets(%dma_start3A_320 : memref<80xi32, #tpu.memory_space<vmem>>) semaphore(%arg11 : memref<!tpu.dma_semaphore, #tpu.memory_space<semaphore_mem>>) {add = true}
        } else {
        }
        %mul3A_198 = arith.constant 8 : i32
        %mul3A_199 = arith.muli %add3A_121, %mul3A_198 : i32
        %add3A_200 = arith.addi %mul3A_98, %mul3A_199 : i32
        %add3A_201 = arith.constant 4 : i32
        %add3A_202 = arith.addi %add3A_200, %add3A_201 : i32
        %lt3A_203 = arith.constant 4000 : i32
        %lt3A_204 = arith.cmpi slt, %add3A_202, %lt3A_203 : i32
        %convert_element_type3A_205 = arith.extui %lt3A_204 : i1 to i32
        %cond3A_206 = arith.constant 0 : i32
        %cond3A_207 = arith.cmpi ne, %convert_element_type3A_205, %cond3A_206 : i32
        scf.if %cond3A_207 {
          %dma_start3A = arith.constant 4 : i32
          %dma_start3A_318 = arith.constant 0 : i32
          %dma_start3A_319 = tpu.memref_slice %arg6[%dma_start3A, %dma_start3A_318] : memref<8x80xi32, #tpu.memory_space<vmem>> -> memref<1x80xi32, #tpu.memory_space<vmem>>
          %dma_start3A_320 = tpu.memref_squeeze %dma_start3A_319 : memref<1x80xi32, #tpu.memory_space<vmem>> -> memref<80xi32, #tpu.memory_space<vmem>>
          %dma_start3A_321 = arith.constant 0 : i32
          %dma_start3A_322 = arith.constant 0 : i32
          %dma_start3A_323 = tpu.memref_slice %arg10[%dma_start3A_321, %dma_start3A_322] : memref<10000x128xf32, #tpu.memory_space<vmem_shared>> -> memref<10000x128xf32, #tpu.memory_space<vmem_shared>>
          tpu.enqueue_indirect_dma source(%arg8 : memref<80x128xf32, #tpu.memory_space<vmem>>) target(%dma_start3A_323 : memref<10000x128xf32, #tpu.memory_space<vmem_shared>>) offsets(%dma_start3A_320 : memref<80xi32, #tpu.memory_space<vmem>>) semaphore(%arg11 : memref<!tpu.dma_semaphore, #tpu.memory_space<semaphore_mem>>) {add = true}
        } else {
        }
        %mul3A_208 = arith.constant 8 : i32
        %mul3A_209 = arith.muli %add3A_121, %mul3A_208 : i32
        %add3A_210 = arith.addi %mul3A_98, %mul3A_209 : i32
        %add3A_211 = arith.constant 5 : i32
        %add3A_212 = arith.addi %add3A_210, %add3A_211 : i32
        %lt3A_213 = arith.constant 4000 : i32
        %lt3A_214 = arith.cmpi slt, %add3A_212, %lt3A_213 : i32
        %convert_element_type3A_215 = arith.extui %lt3A_214 : i1 to i32
        %cond3A_216 = arith.constant 0 : i32
        %cond3A_217 = arith.cmpi ne, %convert_element_type3A_215, %cond3A_216 : i32
        scf.if %cond3A_217 {
          %dma_start3A = arith.constant 5 : i32
          %dma_start3A_318 = arith.constant 0 : i32
          %dma_start3A_319 = tpu.memref_slice %arg6[%dma_start3A, %dma_start3A_318] : memref<8x80xi32, #tpu.memory_space<vmem>> -> memref<1x80xi32, #tpu.memory_space<vmem>>
          %dma_start3A_320 = tpu.memref_squeeze %dma_start3A_319 : memref<1x80xi32, #tpu.memory_space<vmem>> -> memref<80xi32, #tpu.memory_space<vmem>>
          %dma_start3A_321 = arith.constant 0 : i32
          %dma_start3A_322 = arith.constant 0 : i32
          %dma_start3A_323 = tpu.memref_slice %arg10[%dma_start3A_321, %dma_start3A_322] : memref<10000x128xf32, #tpu.memory_space<vmem_shared>> -> memref<10000x128xf32, #tpu.memory_space<vmem_shared>>
          tpu.enqueue_indirect_dma source(%arg8 : memref<80x128xf32, #tpu.memory_space<vmem>>) target(%dma_start3A_323 : memref<10000x128xf32, #tpu.memory_space<vmem_shared>>) offsets(%dma_start3A_320 : memref<80xi32, #tpu.memory_space<vmem>>) semaphore(%arg11 : memref<!tpu.dma_semaphore, #tpu.memory_space<semaphore_mem>>) {add = true}
        } else {
        }
        %mul3A_218 = arith.constant 8 : i32
        %mul3A_219 = arith.muli %add3A_121, %mul3A_218 : i32
        %add3A_220 = arith.addi %mul3A_98, %mul3A_219 : i32
        %add3A_221 = arith.constant 6 : i32
        %add3A_222 = arith.addi %add3A_220, %add3A_221 : i32
        %lt3A_223 = arith.constant 4000 : i32
        %lt3A_224 = arith.cmpi slt, %add3A_222, %lt3A_223 : i32
        %convert_element_type3A_225 = arith.extui %lt3A_224 : i1 to i32
        %cond3A_226 = arith.constant 0 : i32
        %cond3A_227 = arith.cmpi ne, %convert_element_type3A_225, %cond3A_226 : i32
        scf.if %cond3A_227 {
          %dma_start3A = arith.constant 6 : i32
          %dma_start3A_318 = arith.constant 0 : i32
          %dma_start3A_319 = tpu.memref_slice %arg6[%dma_start3A, %dma_start3A_318] : memref<8x80xi32, #tpu.memory_space<vmem>> -> memref<1x80xi32, #tpu.memory_space<vmem>>
          %dma_start3A_320 = tpu.memref_squeeze %dma_start3A_319 : memref<1x80xi32, #tpu.memory_space<vmem>> -> memref<80xi32, #tpu.memory_space<vmem>>
          %dma_start3A_321 = arith.constant 0 : i32
          %dma_start3A_322 = arith.constant 0 : i32
          %dma_start3A_323 = tpu.memref_slice %arg10[%dma_start3A_321, %dma_start3A_322] : memref<10000x128xf32, #tpu.memory_space<vmem_shared>> -> memref<10000x128xf32, #tpu.memory_space<vmem_shared>>
          tpu.enqueue_indirect_dma source(%arg8 : memref<80x128xf32, #tpu.memory_space<vmem>>) target(%dma_start3A_323 : memref<10000x128xf32, #tpu.memory_space<vmem_shared>>) offsets(%dma_start3A_320 : memref<80xi32, #tpu.memory_space<vmem>>) semaphore(%arg11 : memref<!tpu.dma_semaphore, #tpu.memory_space<semaphore_mem>>) {add = true}
        } else {
        }
        %mul3A_228 = arith.constant 8 : i32
        %mul3A_229 = arith.muli %add3A_121, %mul3A_228 : i32
        %add3A_230 = arith.addi %mul3A_98, %mul3A_229 : i32
        %add3A_231 = arith.constant 7 : i32
        %add3A_232 = arith.addi %add3A_230, %add3A_231 : i32
        %lt3A_233 = arith.constant 4000 : i32
        %lt3A_234 = arith.cmpi slt, %add3A_232, %lt3A_233 : i32
        %convert_element_type3A_235 = arith.extui %lt3A_234 : i1 to i32
        %cond3A_236 = arith.constant 0 : i32
        %cond3A_237 = arith.cmpi ne, %convert_element_type3A_235, %cond3A_236 : i32
        scf.if %cond3A_237 {
          %dma_start3A = arith.constant 7 : i32
          %dma_start3A_318 = arith.constant 0 : i32
          %dma_start3A_319 = tpu.memref_slice %arg6[%dma_start3A, %dma_start3A_318] : memref<8x80xi32, #tpu.memory_space<vmem>> -> memref<1x80xi32, #tpu.memory_space<vmem>>
          %dma_start3A_320 = tpu.memref_squeeze %dma_start3A_319 : memref<1x80xi32, #tpu.memory_space<vmem>> -> memref<80xi32, #tpu.memory_space<vmem>>
          %dma_start3A_321 = arith.constant 0 : i32
          %dma_start3A_322 = arith.constant 0 : i32
          %dma_start3A_323 = tpu.memref_slice %arg10[%dma_start3A_321, %dma_start3A_322] : memref<10000x128xf32, #tpu.memory_space<vmem_shared>> -> memref<10000x128xf32, #tpu.memory_space<vmem_shared>>
          tpu.enqueue_indirect_dma source(%arg8 : memref<80x128xf32, #tpu.memory_space<vmem>>) target(%dma_start3A_323 : memref<10000x128xf32, #tpu.memory_space<vmem_shared>>) offsets(%dma_start3A_320 : memref<80xi32, #tpu.memory_space<vmem>>) semaphore(%arg11 : memref<!tpu.dma_semaphore, #tpu.memory_space<semaphore_mem>>) {add = true}
        } else {
        }
        %mul3A_238 = arith.constant 8 : i32
        %mul3A_239 = arith.muli %add3A_121, %mul3A_238 : i32
        %add3A_240 = arith.addi %mul3A_98, %mul3A_239 : i32
        %add3A_241 = arith.constant 0 : i32
        %add3A_242 = arith.addi %add3A_240, %add3A_241 : i32
        %lt3A_243 = arith.constant 4000 : i32
        %lt3A_244 = arith.cmpi slt, %add3A_242, %lt3A_243 : i32
        %convert_element_type3A_245 = arith.extui %lt3A_244 : i1 to i32
        %cond3A_246 = arith.constant 0 : i32
        %cond3A_247 = arith.cmpi ne, %convert_element_type3A_245, %cond3A_246 : i32
        scf.if %cond3A_247 {
          %dma_wait3A = arith.constant 0 : i32
          %dma_wait3A_318 = arith.constant 0 : i32
          %dma_wait3A_319 = tpu.memref_slice %arg6[%dma_wait3A, %dma_wait3A_318] : memref<8x80xi32, #tpu.memory_space<vmem>> -> memref<1x80xi32, #tpu.memory_space<vmem>>
          %dma_wait3A_320 = tpu.memref_squeeze %dma_wait3A_319 : memref<1x80xi32, #tpu.memory_space<vmem>> -> memref<80xi32, #tpu.memory_space<vmem>>
          %dma_wait3A_321 = arith.constant 0 : i32
          %dma_wait3A_322 = arith.constant 0 : i32
          %dma_wait3A_323 = tpu.memref_slice %arg10[%dma_wait3A_321, %dma_wait3A_322] : memref<10000x128xf32, #tpu.memory_space<vmem_shared>> -> memref<10000x128xf32, #tpu.memory_space<vmem_shared>>
          tpu.wait_indirect_dma semaphore(%arg11 : memref<!tpu.dma_semaphore, #tpu.memory_space<semaphore_mem>>) src(%arg8 : memref<80x128xf32, #tpu.memory_space<vmem>>) dst(%dma_wait3A_323 : memref<10000x128xf32, #tpu.memory_space<vmem_shared>>)
        } else {
        }
        %mul3A_248 = arith.constant 8 : i32
        %mul3A_249 = arith.muli %add3A_121, %mul3A_248 : i32
        %add3A_250 = arith.addi %mul3A_98, %mul3A_249 : i32
        %add3A_251 = arith.constant 1 : i32
        %add3A_252 = arith.addi %add3A_250, %add3A_251 : i32
        %lt3A_253 = arith.constant 4000 : i32
        %lt3A_254 = arith.cmpi slt, %add3A_252, %lt3A_253 : i32
        %convert_element_type3A_255 = arith.extui %lt3A_254 : i1 to i32
        %cond3A_256 = arith.constant 0 : i32
        %cond3A_257 = arith.cmpi ne, %convert_element_type3A_255, %cond3A_256 : i32
        scf.if %cond3A_257 {
          %dma_wait3A = arith.constant 1 : i32
          %dma_wait3A_318 = arith.constant 0 : i32
          %dma_wait3A_319 = tpu.memref_slice %arg6[%dma_wait3A, %dma_wait3A_318] : memref<8x80xi32, #tpu.memory_space<vmem>> -> memref<1x80xi32, #tpu.memory_space<vmem>>
          %dma_wait3A_320 = tpu.memref_squeeze %dma_wait3A_319 : memref<1x80xi32, #tpu.memory_space<vmem>> -> memref<80xi32, #tpu.memory_space<vmem>>
          %dma_wait3A_321 = arith.constant 0 : i32
          %dma_wait3A_322 = arith.constant 0 : i32
          %dma_wait3A_323 = tpu.memref_slice %arg10[%dma_wait3A_321, %dma_wait3A_322] : memref<10000x128xf32, #tpu.memory_space<vmem_shared>> -> memref<10000x128xf32, #tpu.memory_space<vmem_shared>>
          tpu.wait_indirect_dma semaphore(%arg11 : memref<!tpu.dma_semaphore, #tpu.memory_space<semaphore_mem>>) src(%arg8 : memref<80x128xf32, #tpu.memory_space<vmem>>) dst(%dma_wait3A_323 : memref<10000x128xf32, #tpu.memory_space<vmem_shared>>)
        } else {
        }
        %mul3A_258 = arith.constant 8 : i32
        %mul3A_259 = arith.muli %add3A_121, %mul3A_258 : i32
        %add3A_260 = arith.addi %mul3A_98, %mul3A_259 : i32
        %add3A_261 = arith.constant 2 : i32
        %add3A_262 = arith.addi %add3A_260, %add3A_261 : i32
        %lt3A_263 = arith.constant 4000 : i32
        %lt3A_264 = arith.cmpi slt, %add3A_262, %lt3A_263 : i32
        %convert_element_type3A_265 = arith.extui %lt3A_264 : i1 to i32
        %cond3A_266 = arith.constant 0 : i32
        %cond3A_267 = arith.cmpi ne, %convert_element_type3A_265, %cond3A_266 : i32
        scf.if %cond3A_267 {
          %dma_wait3A = arith.constant 2 : i32
          %dma_wait3A_318 = arith.constant 0 : i32
          %dma_wait3A_319 = tpu.memref_slice %arg6[%dma_wait3A, %dma_wait3A_318] : memref<8x80xi32, #tpu.memory_space<vmem>> -> memref<1x80xi32, #tpu.memory_space<vmem>>
          %dma_wait3A_320 = tpu.memref_squeeze %dma_wait3A_319 : memref<1x80xi32, #tpu.memory_space<vmem>> -> memref<80xi32, #tpu.memory_space<vmem>>
          %dma_wait3A_321 = arith.constant 0 : i32
          %dma_wait3A_322 = arith.constant 0 : i32
          %dma_wait3A_323 = tpu.memref_slice %arg10[%dma_wait3A_321, %dma_wait3A_322] : memref<10000x128xf32, #tpu.memory_space<vmem_shared>> -> memref<10000x128xf32, #tpu.memory_space<vmem_shared>>
          tpu.wait_indirect_dma semaphore(%arg11 : memref<!tpu.dma_semaphore, #tpu.memory_space<semaphore_mem>>) src(%arg8 : memref<80x128xf32, #tpu.memory_space<vmem>>) dst(%dma_wait3A_323 : memref<10000x128xf32, #tpu.memory_space<vmem_shared>>)
        } else {
        }
        %mul3A_268 = arith.constant 8 : i32
        %mul3A_269 = arith.muli %add3A_121, %mul3A_268 : i32
        %add3A_270 = arith.addi %mul3A_98, %mul3A_269 : i32
        %add3A_271 = arith.constant 3 : i32
        %add3A_272 = arith.addi %add3A_270, %add3A_271 : i32
        %lt3A_273 = arith.constant 4000 : i32
        %lt3A_274 = arith.cmpi slt, %add3A_272, %lt3A_273 : i32
        %convert_element_type3A_275 = arith.extui %lt3A_274 : i1 to i32
        %cond3A_276 = arith.constant 0 : i32
        %cond3A_277 = arith.cmpi ne, %convert_element_type3A_275, %cond3A_276 : i32
        scf.if %cond3A_277 {
          %dma_wait3A = arith.constant 3 : i32
          %dma_wait3A_318 = arith.constant 0 : i32
          %dma_wait3A_319 = tpu.memref_slice %arg6[%dma_wait3A, %dma_wait3A_318] : memref<8x80xi32, #tpu.memory_space<vmem>> -> memref<1x80xi32, #tpu.memory_space<vmem>>
          %dma_wait3A_320 = tpu.memref_squeeze %dma_wait3A_319 : memref<1x80xi32, #tpu.memory_space<vmem>> -> memref<80xi32, #tpu.memory_space<vmem>>
          %dma_wait3A_321 = arith.constant 0 : i32
          %dma_wait3A_322 = arith.constant 0 : i32
          %dma_wait3A_323 = tpu.memref_slice %arg10[%dma_wait3A_321, %dma_wait3A_322] : memref<10000x128xf32, #tpu.memory_space<vmem_shared>> -> memref<10000x128xf32, #tpu.memory_space<vmem_shared>>
          tpu.wait_indirect_dma semaphore(%arg11 : memref<!tpu.dma_semaphore, #tpu.memory_space<semaphore_mem>>) src(%arg8 : memref<80x128xf32, #tpu.memory_space<vmem>>) dst(%dma_wait3A_323 : memref<10000x128xf32, #tpu.memory_space<vmem_shared>>)
        } else {
        }
        %mul3A_278 = arith.constant 8 : i32
        %mul3A_279 = arith.muli %add3A_121, %mul3A_278 : i32
        %add3A_280 = arith.addi %mul3A_98, %mul3A_279 : i32
        %add3A_281 = arith.constant 4 : i32
        %add3A_282 = arith.addi %add3A_280, %add3A_281 : i32
        %lt3A_283 = arith.constant 4000 : i32
        %lt3A_284 = arith.cmpi slt, %add3A_282, %lt3A_283 : i32
        %convert_element_type3A_285 = arith.extui %lt3A_284 : i1 to i32
        %cond3A_286 = arith.constant 0 : i32
        %cond3A_287 = arith.cmpi ne, %convert_element_type3A_285, %cond3A_286 : i32
        scf.if %cond3A_287 {
          %dma_wait3A = arith.constant 4 : i32
          %dma_wait3A_318 = arith.constant 0 : i32
          %dma_wait3A_319 = tpu.memref_slice %arg6[%dma_wait3A, %dma_wait3A_318] : memref<8x80xi32, #tpu.memory_space<vmem>> -> memref<1x80xi32, #tpu.memory_space<vmem>>
          %dma_wait3A_320 = tpu.memref_squeeze %dma_wait3A_319 : memref<1x80xi32, #tpu.memory_space<vmem>> -> memref<80xi32, #tpu.memory_space<vmem>>
          %dma_wait3A_321 = arith.constant 0 : i32
          %dma_wait3A_322 = arith.constant 0 : i32
          %dma_wait3A_323 = tpu.memref_slice %arg10[%dma_wait3A_321, %dma_wait3A_322] : memref<10000x128xf32, #tpu.memory_space<vmem_shared>> -> memref<10000x128xf32, #tpu.memory_space<vmem_shared>>
          tpu.wait_indirect_dma semaphore(%arg11 : memref<!tpu.dma_semaphore, #tpu.memory_space<semaphore_mem>>) src(%arg8 : memref<80x128xf32, #tpu.memory_space<vmem>>) dst(%dma_wait3A_323 : memref<10000x128xf32, #tpu.memory_space<vmem_shared>>)
        } else {
        }
        %mul3A_288 = arith.constant 8 : i32
        %mul3A_289 = arith.muli %add3A_121, %mul3A_288 : i32
        %add3A_290 = arith.addi %mul3A_98, %mul3A_289 : i32
        %add3A_291 = arith.constant 5 : i32
        %add3A_292 = arith.addi %add3A_290, %add3A_291 : i32
        %lt3A_293 = arith.constant 4000 : i32
        %lt3A_294 = arith.cmpi slt, %add3A_292, %lt3A_293 : i32
        %convert_element_type3A_295 = arith.extui %lt3A_294 : i1 to i32
        %cond3A_296 = arith.constant 0 : i32
        %cond3A_297 = arith.cmpi ne, %convert_element_type3A_295, %cond3A_296 : i32
        scf.if %cond3A_297 {
          %dma_wait3A = arith.constant 5 : i32
          %dma_wait3A_318 = arith.constant 0 : i32
          %dma_wait3A_319 = tpu.memref_slice %arg6[%dma_wait3A, %dma_wait3A_318] : memref<8x80xi32, #tpu.memory_space<vmem>> -> memref<1x80xi32, #tpu.memory_space<vmem>>
          %dma_wait3A_320 = tpu.memref_squeeze %dma_wait3A_319 : memref<1x80xi32, #tpu.memory_space<vmem>> -> memref<80xi32, #tpu.memory_space<vmem>>
          %dma_wait3A_321 = arith.constant 0 : i32
          %dma_wait3A_322 = arith.constant 0 : i32
          %dma_wait3A_323 = tpu.memref_slice %arg10[%dma_wait3A_321, %dma_wait3A_322] : memref<10000x128xf32, #tpu.memory_space<vmem_shared>> -> memref<10000x128xf32, #tpu.memory_space<vmem_shared>>
          tpu.wait_indirect_dma semaphore(%arg11 : memref<!tpu.dma_semaphore, #tpu.memory_space<semaphore_mem>>) src(%arg8 : memref<80x128xf32, #tpu.memory_space<vmem>>) dst(%dma_wait3A_323 : memref<10000x128xf32, #tpu.memory_space<vmem_shared>>)
        } else {
        }
        %mul3A_298 = arith.constant 8 : i32
        %mul3A_299 = arith.muli %add3A_121, %mul3A_298 : i32
        %add3A_300 = arith.addi %mul3A_98, %mul3A_299 : i32
        %add3A_301 = arith.constant 6 : i32
        %add3A_302 = arith.addi %add3A_300, %add3A_301 : i32
        %lt3A_303 = arith.constant 4000 : i32
        %lt3A_304 = arith.cmpi slt, %add3A_302, %lt3A_303 : i32
        %convert_element_type3A_305 = arith.extui %lt3A_304 : i1 to i32
        %cond3A_306 = arith.constant 0 : i32
        %cond3A_307 = arith.cmpi ne, %convert_element_type3A_305, %cond3A_306 : i32
        scf.if %cond3A_307 {
          %dma_wait3A = arith.constant 6 : i32
          %dma_wait3A_318 = arith.constant 0 : i32
          %dma_wait3A_319 = tpu.memref_slice %arg6[%dma_wait3A, %dma_wait3A_318] : memref<8x80xi32, #tpu.memory_space<vmem>> -> memref<1x80xi32, #tpu.memory_space<vmem>>
          %dma_wait3A_320 = tpu.memref_squeeze %dma_wait3A_319 : memref<1x80xi32, #tpu.memory_space<vmem>> -> memref<80xi32, #tpu.memory_space<vmem>>
          %dma_wait3A_321 = arith.constant 0 : i32
          %dma_wait3A_322 = arith.constant 0 : i32
          %dma_wait3A_323 = tpu.memref_slice %arg10[%dma_wait3A_321, %dma_wait3A_322] : memref<10000x128xf32, #tpu.memory_space<vmem_shared>> -> memref<10000x128xf32, #tpu.memory_space<vmem_shared>>
          tpu.wait_indirect_dma semaphore(%arg11 : memref<!tpu.dma_semaphore, #tpu.memory_space<semaphore_mem>>) src(%arg8 : memref<80x128xf32, #tpu.memory_space<vmem>>) dst(%dma_wait3A_323 : memref<10000x128xf32, #tpu.memory_space<vmem_shared>>)
        } else {
        }
        %mul3A_308 = arith.constant 8 : i32
        %mul3A_309 = arith.muli %add3A_121, %mul3A_308 : i32
        %add3A_310 = arith.addi %mul3A_98, %mul3A_309 : i32
        %add3A_311 = arith.constant 7 : i32
        %add3A_312 = arith.addi %add3A_310, %add3A_311 : i32
        %lt3A_313 = arith.constant 4000 : i32
        %lt3A_314 = arith.cmpi slt, %add3A_312, %lt3A_313 : i32
        %convert_element_type3A_315 = arith.extui %lt3A_314 : i1 to i32
        %cond3A_316 = arith.constant 0 : i32
        %cond3A_317 = arith.cmpi ne, %convert_element_type3A_315, %cond3A_316 : i32
        scf.if %cond3A_317 {
          %dma_wait3A = arith.constant 7 : i32
          %dma_wait3A_318 = arith.constant 0 : i32
          %dma_wait3A_319 = tpu.memref_slice %arg6[%dma_wait3A, %dma_wait3A_318] : memref<8x80xi32, #tpu.memory_space<vmem>> -> memref<1x80xi32, #tpu.memory_space<vmem>>
          %dma_wait3A_320 = tpu.memref_squeeze %dma_wait3A_319 : memref<1x80xi32, #tpu.memory_space<vmem>> -> memref<80xi32, #tpu.memory_space<vmem>>
          %dma_wait3A_321 = arith.constant 0 : i32
          %dma_wait3A_322 = arith.constant 0 : i32
          %dma_wait3A_323 = tpu.memref_slice %arg10[%dma_wait3A_321, %dma_wait3A_322] : memref<10000x128xf32, #tpu.memory_space<vmem_shared>> -> memref<10000x128xf32, #tpu.memory_space<vmem_shared>>
          tpu.wait_indirect_dma semaphore(%arg11 : memref<!tpu.dma_semaphore, #tpu.memory_space<semaphore_mem>>) src(%arg8 : memref<80x128xf32, #tpu.memory_space<vmem>>) dst(%dma_wait3A_323 : memref<10000x128xf32, #tpu.memory_space<vmem_shared>>)
        } else {
        }
      } else {
      }
    }
    %scan3A_110 = arith.constant 16 : i32
    %barrier3A_111 = arith.constant 0 : index
    tpu.barrier barrier_id(%barrier3A_111)
    "tpu.region"() ({
      %run_scoped3A = tpu.sem_alloc : memref<!tpu.dma_semaphore, #tpu.memory_space<semaphore_mem>>
      %dma_start3A = arith.constant 0 : i32
      %dma_start3A_117 = tpu.memref_slice %arg3[%arg0, %mul3A_14, %dma_start3A] : memref<2x10000x128xf32, #tpu.memory_space<hbm>> -> memref<1x624x128xf32, #tpu.memory_space<hbm>>
      %dma_start3A_118 = tpu.memref_squeeze %dma_start3A_117 : memref<1x624x128xf32, #tpu.memory_space<hbm>> -> memref<624x128xf32, #tpu.memory_space<hbm>>
      %dma_start3A_119 = arith.constant 0 : i32
      %dma_start3A_120 = tpu.memref_slice %arg10[%mul3A_14, %dma_start3A_119] : memref<10000x128xf32, #tpu.memory_space<vmem_shared>> -> memref<624x128xf32, #tpu.memory_space<vmem_shared>>
      tpu.enqueue_dma source(%dma_start3A_120 : memref<624x128xf32, #tpu.memory_space<vmem_shared>>) target(%dma_start3A_118 : memref<624x128xf32, #tpu.memory_space<hbm>>) target_semaphore(%run_scoped3A : memref<!tpu.dma_semaphore, #tpu.memory_space<semaphore_mem>>)
      %dma_wait3A = arith.constant 0 : i32
      %dma_wait3A_121 = tpu.memref_slice %arg3[%arg0, %mul3A_14, %dma_wait3A] : memref<2x10000x128xf32, #tpu.memory_space<hbm>> -> memref<1x624x128xf32, #tpu.memory_space<hbm>>
      %dma_wait3A_122 = tpu.memref_squeeze %dma_wait3A_121 : memref<1x624x128xf32, #tpu.memory_space<hbm>> -> memref<624x128xf32, #tpu.memory_space<hbm>>
      %dma_wait3A_123 = arith.constant 0 : i32
      %dma_wait3A_124 = tpu.memref_slice %arg10[%mul3A_14, %dma_wait3A_123] : memref<10000x128xf32, #tpu.memory_space<vmem_shared>> -> memref<624x128xf32, #tpu.memory_space<vmem_shared>>
      tpu.wait_dma2 semaphore(%run_scoped3A : memref<!tpu.dma_semaphore, #tpu.memory_space<semaphore_mem>>) src(%dma_wait3A_124 : memref<624x128xf32, #tpu.memory_space<vmem_shared>>) dst(%dma_wait3A_122 : memref<624x128xf32, #tpu.memory_space<hbm>>)
      tpu.yield
    }) : () -> ()
    %eq3A_112 = arith.constant 15 : i32
    %eq3A_113 = arith.cmpi eq, %arg1, %eq3A_112 : i32
    %convert_element_type3A_114 = arith.extui %eq3A_113 : i1 to i32
    %cond3A_115 = arith.constant 0 : i32
    %cond3A_116 = arith.cmpi ne, %convert_element_type3A_114, %cond3A_115 : i32
    scf.if %cond3A_116 {
      "tpu.region"() ({
        %run_scoped3A = tpu.sem_alloc : memref<!tpu.dma_semaphore, #tpu.memory_space<semaphore_mem>>
        %dma_start3A = arith.constant 9984 : i32
        %dma_start3A_117 = arith.constant 0 : i32
        %dma_start3A_118 = tpu.memref_slice %arg3[%arg0, %dma_start3A, %dma_start3A_117] : memref<2x10000x128xf32, #tpu.memory_space<hbm>> -> memref<1x16x128xf32, #tpu.memory_space<hbm>>
        %dma_start3A_119 = tpu.memref_squeeze %dma_start3A_118 : memref<1x16x128xf32, #tpu.memory_space<hbm>> -> memref<16x128xf32, #tpu.memory_space<hbm>>
        %dma_start3A_120 = arith.constant 9984 : i32
        %dma_start3A_121 = arith.constant 0 : i32
        %dma_start3A_122 = tpu.memref_slice %arg10[%dma_start3A_120, %dma_start3A_121] : memref<10000x128xf32, #tpu.memory_space<vmem_shared>> -> memref<16x128xf32, #tpu.memory_space<vmem_shared>>
        tpu.enqueue_dma source(%dma_start3A_122 : memref<16x128xf32, #tpu.memory_space<vmem_shared>>) target(%dma_start3A_119 : memref<16x128xf32, #tpu.memory_space<hbm>>) target_semaphore(%run_scoped3A : memref<!tpu.dma_semaphore, #tpu.memory_space<semaphore_mem>>)
        %dma_wait3A = arith.constant 9984 : i32
        %dma_wait3A_123 = arith.constant 0 : i32
        %dma_wait3A_124 = tpu.memref_slice %arg3[%arg0, %dma_wait3A, %dma_wait3A_123] : memref<2x10000x128xf32, #tpu.memory_space<hbm>> -> memref<1x16x128xf32, #tpu.memory_space<hbm>>
        %dma_wait3A_125 = tpu.memref_squeeze %dma_wait3A_124 : memref<1x16x128xf32, #tpu.memory_space<hbm>> -> memref<16x128xf32, #tpu.memory_space<hbm>>
        %dma_wait3A_126 = arith.constant 9984 : i32
        %dma_wait3A_127 = arith.constant 0 : i32
        %dma_wait3A_128 = tpu.memref_slice %arg10[%dma_wait3A_126, %dma_wait3A_127] : memref<10000x128xf32, #tpu.memory_space<vmem_shared>> -> memref<16x128xf32, #tpu.memory_space<vmem_shared>>
        tpu.wait_dma2 semaphore(%run_scoped3A : memref<!tpu.dma_semaphore, #tpu.memory_space<semaphore_mem>>) src(%dma_wait3A_128 : memref<16x128xf32, #tpu.memory_space<vmem_shared>>) dst(%dma_wait3A_125 : memref<16x128xf32, #tpu.memory_space<hbm>>)
        tpu.yield
      }) : () -> ()
    } else {
    }
    return
  }
}

module attributes {stable_mosaic.version = 14 : i64} {
  func.func @body(%arg0: i32, %arg1: memref<1000x128xf32, #tpu.memory_space<vmem>>, %arg2: memref<128x128xf32, #tpu.memory_space<vmem>>, %arg3: memref<1000x128xf32, #tpu.memory_space<vmem>>) attributes {dimension_semantics = [#tpu.dimension_semantics<arbitrary>], iteration_bounds = array<i64: 10>, scalar_prefetch = 0 : i64, scratch_operands = 0 : i64, tpu.core_type = #tpu.core_type<tc>, window_params = [{transform_indices = @transform_0, window_bounds = array<i64: 1000, 128>}, {pipeline_mode = #tpu.pipeline_mode<synchronous>, transform_indices = @transform_1, window_bounds = array<i64: 128, 128>}, {transform_indices = @transform_2, window_bounds = array<i64: 1000, 128>}]} {
    %get3A = arith.constant 0 : index
    %get3A_0 = arith.constant 0 : index
    %get3A_1 = vector.load %arg1[%get3A, %get3A_0] : memref<1000x128xf32, #tpu.memory_space<vmem>>, vector<1000x128xf32>
    %get3A_2 = arith.constant 0 : index
    %get3A_3 = arith.constant 0 : index
    %get3A_4 = vector.load %arg2[%get3A_2, %get3A_3] : memref<128x128xf32, #tpu.memory_space<vmem>>, vector<128x128xf32>
    %dot_general3A = arith.constant dense<0.000000e+00> : vector<1000x128xf32>
    %dot_general3A_5 = tpu.matmul %get3A_1, %get3A_4, %dot_general3A {dimension_numbers = #tpu.dot_dimension_numbers<[1], [0], [0], [1], [0, 0, 1, 1], [], []>, transpose_lhs_hint = false} : vector<1000x128xf32>, vector<128x128xf32>, vector<1000x128xf32> -> vector<1000x128xf32>
    %swap3A = arith.constant 0 : index
    %swap3A_6 = arith.constant 0 : index
    %swap3A_7 = vector.load %arg3[%swap3A, %swap3A_6] : memref<1000x128xf32, #tpu.memory_space<vmem>>, vector<1000x128xf32>
    tpu.vector_store %arg3[%swap3A, %swap3A_6], %dot_general3A_5 {strides = array<i32>} : memref<1000x128xf32, #tpu.memory_space<vmem>>, vector<1000x128xf32>,
    return
  }
  func.func @transform_0(%arg0: i32) -> (i32, i32) {
    %c0_i32 = arith.constant 0 : i32
    %c0_i32_0 = arith.constant 0 : i32
    return %arg0, %c0_i32 : i32, i32
  }
  func.func @transform_1(%arg0: i32) -> (i32, i32) {
    %c0_i32 = arith.constant 0 : i32
    %c0_i32_0 = arith.constant 0 : i32
    %c0_i32_1 = arith.constant 0 : i32
    return %c0_i32, %c0_i32_0 : i32, i32
  }
  func.func @transform_2(%arg0: i32) -> (i32, i32) {
    %c0_i32 = arith.constant 0 : i32
    %c0_i32_0 = arith.constant 0 : i32
    return %arg0, %c0_i32 : i32, i32
  }
}

module attributes {stable_mosaic.version = 14 : i64} {
  func.func @body(%arg0: i32, %arg1: memref<1000x128xf32, #tpu.memory_space<vmem>>, %arg2: memref<1000x128xf32, #tpu.memory_space<vmem>>, %arg3: memref<1000x128xf32, #tpu.memory_space<vmem>>, %arg4: memref<1000x128xf32, #tpu.memory_space<vmem>>, %arg5: memref<1000x8xf32, #tpu.memory_space<vmem>>) attributes {dimension_semantics = [#tpu.dimension_semantics<arbitrary>], iteration_bounds = array<i64: 10>, scalar_prefetch = 0 : i64, scratch_operands = 0 : i64, tpu.core_type = #tpu.core_type<tc>, window_params = [{transform_indices = @transform_0, window_bounds = array<i64: 1000, 128>}, {transform_indices = @transform_1, window_bounds = array<i64: 1000, 128>}, {transform_indices = @transform_2, window_bounds = array<i64: 1000, 128>}, {transform_indices = @transform_3, window_bounds = array<i64: 1000, 128>}, {transform_indices = @transform_4, window_bounds = array<i64: 1000, 8>}]} {
    %get3A = arith.constant 0 : index
    %get3A_0 = arith.constant 0 : index
    %get3A_1 = vector.load %arg2[%get3A, %get3A_0] : memref<1000x128xf32, #tpu.memory_space<vmem>>, vector<1000x1xf32>
    %get3A_2 = arith.constant 0 : index
    %get3A_3 = arith.constant 0 : index
    %get3A_4 = vector.load %arg3[%get3A_2, %get3A_3] : memref<1000x128xf32, #tpu.memory_space<vmem>>, vector<1000x1xf32>
    %add3A = arith.addf %get3A_1, %get3A_4 : vector<1000x1xf32>
    %add3A_5 = arith.constant 1.000000e+00 : f32
    %add3A_6 = vector.broadcast %add3A_5 : f32 to vector<1000x1xf32>
    %add3A_7 = arith.addf %add3A, %add3A_6 : vector<1000x1xf32>
    %rsqrt3A = math.rsqrt %add3A_7 : vector<1000x1xf32>
    %get3A_8 = arith.constant 0 : index
    %get3A_9 = arith.constant 0 : index
    %get3A_10 = vector.load %arg1[%get3A_8, %get3A_9] : memref<1000x128xf32, #tpu.memory_space<vmem>>, vector<1000x128xf32>
    %mul3A = vector.broadcast %rsqrt3A : vector<1000x1xf32> to vector<1000x128xf32>
    %mul3A_11 = arith.mulf %get3A_10, %mul3A : vector<1000x128xf32>
    %swap3A = arith.constant 0 : index
    %swap3A_12 = arith.constant 0 : index
    %swap3A_13 = vector.load %arg4[%swap3A, %swap3A_12] : memref<1000x128xf32, #tpu.memory_space<vmem>>, vector<1000x128xf32>
    tpu.vector_store %arg4[%swap3A, %swap3A_12], %mul3A_11 {strides = array<i32>} : memref<1000x128xf32, #tpu.memory_space<vmem>>, vector<1000x128xf32>,
    %broadcast_in_dim3A = vector.shape_cast %rsqrt3A : vector<1000x1xf32> to vector<1000x1xf32>
    %broadcast_in_dim3A_14 = vector.broadcast %broadcast_in_dim3A : vector<1000x1xf32> to vector<1000x8xf32>
    %swap3A_15 = arith.constant 0 : index
    %swap3A_16 = arith.constant 0 : index
    %swap3A_17 = vector.load %arg5[%swap3A_15, %swap3A_16] : memref<1000x8xf32, #tpu.memory_space<vmem>>, vector<1000x8xf32>
    tpu.vector_store %arg5[%swap3A_15, %swap3A_16], %broadcast_in_dim3A_14 {strides = array<i32>} : memref<1000x8xf32, #tpu.memory_space<vmem>>, vector<1000x8xf32>,
    return
  }
  func.func @transform_0(%arg0: i32) -> (i32, i32) {
    %c0_i32 = arith.constant 0 : i32
    %c0_i32_0 = arith.constant 0 : i32
    return %arg0, %c0_i32 : i32, i32
  }
  func.func @transform_1(%arg0: i32) -> (i32, i32) {
    %c0_i32 = arith.constant 0 : i32
    %c0_i32_0 = arith.constant 0 : i32
    return %arg0, %c0_i32 : i32, i32
  }
  func.func @transform_2(%arg0: i32) -> (i32, i32) {
    %c0_i32 = arith.constant 0 : i32
    %c0_i32_0 = arith.constant 0 : i32
    return %arg0, %c0_i32 : i32, i32
  }
  func.func @transform_3(%arg0: i32) -> (i32, i32) {
    %c0_i32 = arith.constant 0 : i32
    %c0_i32_0 = arith.constant 0 : i32
    return %arg0, %c0_i32 : i32, i32
  }
  func.func @transform_4(%arg0: i32) -> (i32, i32) {
    %c0_i32 = arith.constant 0 : i32
    %c0_i32_0 = arith.constant 0 : i32
    return %arg0, %c0_i32 : i32, i32
  }
}

module attributes {stable_mosaic.version = 14 : i64} {
  func.func @body(%arg0: i32, %arg1: memref<1000x128xf32, #tpu.memory_space<vmem>>, %arg2: memref<1000x128xf32, #tpu.memory_space<vmem>>, %arg3: memref<1000x128xf32, #tpu.memory_space<vmem>>, %arg4: memref<1000x8xf32, #tpu.memory_space<vmem>>, %arg5: memref<1x128xf32, #tpu.memory_space<vmem>>, %arg6: memref<1000x128xf32, #tpu.memory_space<vmem>>) attributes {dimension_semantics = [#tpu.dimension_semantics<arbitrary>], iteration_bounds = array<i64: 10>, scalar_prefetch = 0 : i64, scratch_operands = 0 : i64, tpu.core_type = #tpu.core_type<tc>, window_params = [{transform_indices = @transform_0, window_bounds = array<i64: 1000, 128>}, {transform_indices = @transform_1, window_bounds = array<i64: 1000, 128>}, {transform_indices = @transform_2, window_bounds = array<i64: 1000, 128>}, {transform_indices = @transform_3, window_bounds = array<i64: 1000, 8>}, {pipeline_mode = #tpu.pipeline_mode<synchronous>, transform_indices = @transform_4, window_bounds = array<i64: 1, 128>}, {transform_indices = @transform_5, window_bounds = array<i64: 1000, 128>}]} {
    %get3A = arith.constant 0 : index
    %get3A_0 = arith.constant 0 : index
    %get3A_1 = vector.load %arg4[%get3A, %get3A_0] : memref<1000x8xf32, #tpu.memory_space<vmem>>, vector<1000x1xf32>
    %get3A_2 = arith.constant 0 : index
    %get3A_3 = arith.constant 0 : index
    %get3A_4 = vector.load %arg1[%get3A_2, %get3A_3] : memref<1000x128xf32, #tpu.memory_space<vmem>>, vector<1000x128xf32>
    %get3A_5 = arith.constant 0 : index
    %get3A_6 = arith.constant 0 : index
    %get3A_7 = vector.load %arg2[%get3A_5, %get3A_6] : memref<1000x128xf32, #tpu.memory_space<vmem>>, vector<1000x128xf32>
    %add3A = arith.addf %get3A_4, %get3A_7 : vector<1000x128xf32>
    %get3A_8 = arith.constant 0 : index
    %get3A_9 = arith.constant 0 : index
    %get3A_10 = vector.load %arg3[%get3A_8, %get3A_9] : memref<1000x128xf32, #tpu.memory_space<vmem>>, vector<1000x128xf32>
    %add3A_11 = arith.addf %add3A, %get3A_10 : vector<1000x128xf32>
    %mul3A = vector.broadcast %get3A_1 : vector<1000x1xf32> to vector<1000x128xf32>
    %mul3A_12 = arith.mulf %add3A_11, %mul3A : vector<1000x128xf32>
    %get3A_13 = arith.constant 0 : index
    %get3A_14 = arith.constant 0 : index
    %get3A_15 = vector.load %arg5[%get3A_13, %get3A_14] : memref<1x128xf32, #tpu.memory_space<vmem>>, vector<1x128xf32>
    %add3A_16 = vector.broadcast %get3A_15 : vector<1x128xf32> to vector<1000x128xf32>
    %add3A_17 = arith.addf %mul3A_12, %add3A_16 : vector<1000x128xf32>
    %max3A = arith.constant 0.000000e+00 : f32
    %max3A_18 = vector.broadcast %max3A : f32 to vector<1000x128xf32>
    %max3A_19 = arith.maximumf %add3A_17, %max3A_18 : vector<1000x128xf32>
    %mul3A_20 = vector.broadcast %get3A_1 : vector<1000x1xf32> to vector<1000x128xf32>
    %mul3A_21 = arith.mulf %max3A_19, %mul3A_20 : vector<1000x128xf32>
    %swap3A = arith.constant 0 : index
    %swap3A_22 = arith.constant 0 : index
    %swap3A_23 = vector.load %arg6[%swap3A, %swap3A_22] : memref<1000x128xf32, #tpu.memory_space<vmem>>, vector<1000x128xf32>
    tpu.vector_store %arg6[%swap3A, %swap3A_22], %mul3A_21 {strides = array<i32>} : memref<1000x128xf32, #tpu.memory_space<vmem>>, vector<1000x128xf32>,
    return
  }
  func.func @transform_0(%arg0: i32) -> (i32, i32) {
    %c0_i32 = arith.constant 0 : i32
    %c0_i32_0 = arith.constant 0 : i32
    return %arg0, %c0_i32 : i32, i32
  }
  func.func @transform_1(%arg0: i32) -> (i32, i32) {
    %c0_i32 = arith.constant 0 : i32
    %c0_i32_0 = arith.constant 0 : i32
    return %arg0, %c0_i32 : i32, i32
  }
  func.func @transform_2(%arg0: i32) -> (i32, i32) {
    %c0_i32 = arith.constant 0 : i32
    %c0_i32_0 = arith.constant 0 : i32
    return %arg0, %c0_i32 : i32, i32
  }
  func.func @transform_3(%arg0: i32) -> (i32, i32) {
    %c0_i32 = arith.constant 0 : i32
    %c0_i32_0 = arith.constant 0 : i32
    return %arg0, %c0_i32 : i32, i32
  }
  func.func @transform_4(%arg0: i32) -> (i32, i32) {
    %c0_i32 = arith.constant 0 : i32
    %c0_i32_0 = arith.constant 0 : i32
    %c0_i32_1 = arith.constant 0 : i32
    return %c0_i32, %c0_i32_0 : i32, i32
  }
  func.func @transform_5(%arg0: i32) -> (i32, i32) {
    %c0_i32 = arith.constant 0 : i32
    %c0_i32_0 = arith.constant 0 : i32
    return %arg0, %c0_i32 : i32, i32
  }
}

module attributes {stable_mosaic.version = 14 : i64} {
  func.func @body(%arg0: i32, %arg1: memref<1000x128xf32, #tpu.memory_space<vmem>>, %arg2: memref<1000x128xf32, #tpu.memory_space<vmem>>, %arg3: memref<1000x128xf32, #tpu.memory_space<vmem>>, %arg4: memref<1000x8xf32, #tpu.memory_space<vmem>>, %arg5: memref<128x16xf32, #tpu.memory_space<vmem>>, %arg6: memref<1x16xf32, #tpu.memory_space<vmem>>, %arg7: memref<1000x16xf32, #tpu.memory_space<vmem>>) attributes {dimension_semantics = [#tpu.dimension_semantics<arbitrary>], iteration_bounds = array<i64: 10>, scalar_prefetch = 0 : i64, scratch_operands = 0 : i64, tpu.core_type = #tpu.core_type<tc>, window_params = [{transform_indices = @transform_0, window_bounds = array<i64: 1000, 128>}, {transform_indices = @transform_1, window_bounds = array<i64: 1000, 128>}, {transform_indices = @transform_2, window_bounds = array<i64: 1000, 128>}, {transform_indices = @transform_3, window_bounds = array<i64: 1000, 8>}, {pipeline_mode = #tpu.pipeline_mode<synchronous>, transform_indices = @transform_4, window_bounds = array<i64: 128, 16>}, {pipeline_mode = #tpu.pipeline_mode<synchronous>, transform_indices = @transform_5, window_bounds = array<i64: 1, 16>}, {transform_indices = @transform_6, window_bounds = array<i64: 1000, 16>}]} {
    %get3A = arith.constant 0 : index
    %get3A_0 = arith.constant 0 : index
    %get3A_1 = vector.load %arg4[%get3A, %get3A_0] : memref<1000x8xf32, #tpu.memory_space<vmem>>, vector<1000x1xf32>
    %get3A_2 = arith.constant 0 : index
    %get3A_3 = arith.constant 0 : index
    %get3A_4 = vector.load %arg1[%get3A_2, %get3A_3] : memref<1000x128xf32, #tpu.memory_space<vmem>>, vector<1000x128xf32>
    %get3A_5 = arith.constant 0 : index
    %get3A_6 = arith.constant 0 : index
    %get3A_7 = vector.load %arg2[%get3A_5, %get3A_6] : memref<1000x128xf32, #tpu.memory_space<vmem>>, vector<1000x128xf32>
    %add3A = arith.addf %get3A_4, %get3A_7 : vector<1000x128xf32>
    %get3A_8 = arith.constant 0 : index
    %get3A_9 = arith.constant 0 : index
    %get3A_10 = vector.load %arg3[%get3A_8, %get3A_9] : memref<1000x128xf32, #tpu.memory_space<vmem>>, vector<1000x128xf32>
    %add3A_11 = arith.addf %add3A, %get3A_10 : vector<1000x128xf32>
    %get3A_12 = arith.constant 0 : index
    %get3A_13 = arith.constant 0 : index
    %get3A_14 = vector.load %arg5[%get3A_12, %get3A_13] : memref<128x16xf32, #tpu.memory_space<vmem>>, vector<128x16xf32>
    %dot_general3A = arith.constant dense<0.000000e+00> : vector<1000x16xf32>
    %dot_general3A_15 = tpu.matmul %add3A_11, %get3A_14, %dot_general3A {dimension_numbers = #tpu.dot_dimension_numbers<[1], [0], [0], [1], [0, 0, 1, 1], [], []>, transpose_lhs_hint = false} : vector<1000x128xf32>, vector<128x16xf32>, vector<1000x16xf32> -> vector<1000x16xf32>
    %mul3A = vector.broadcast %get3A_1 : vector<1000x1xf32> to vector<1000x16xf32>
    %mul3A_16 = arith.mulf %dot_general3A_15, %mul3A : vector<1000x16xf32>
    %get3A_17 = arith.constant 0 : index
    %get3A_18 = arith.constant 0 : index
    %get3A_19 = vector.load %arg6[%get3A_17, %get3A_18] : memref<1x16xf32, #tpu.memory_space<vmem>>, vector<1x16xf32>
    %add3A_20 = vector.broadcast %get3A_19 : vector<1x16xf32> to vector<1000x16xf32>
    %add3A_21 = arith.addf %mul3A_16, %add3A_20 : vector<1000x16xf32>
    %swap3A = arith.constant 0 : index
    %swap3A_22 = arith.constant 0 : index
    %swap3A_23 = vector.load %arg7[%swap3A, %swap3A_22] : memref<1000x16xf32, #tpu.memory_space<vmem>>, vector<1000x16xf32>
    tpu.vector_store %arg7[%swap3A, %swap3A_22], %add3A_21 {strides = array<i32>} : memref<1000x16xf32, #tpu.memory_space<vmem>>, vector<1000x16xf32>,
    return
  }
  func.func @transform_0(%arg0: i32) -> (i32, i32) {
    %c0_i32 = arith.constant 0 : i32
    %c0_i32_0 = arith.constant 0 : i32
    return %arg0, %c0_i32 : i32, i32
  }
  func.func @transform_1(%arg0: i32) -> (i32, i32) {
    %c0_i32 = arith.constant 0 : i32
    %c0_i32_0 = arith.constant 0 : i32
    return %arg0, %c0_i32 : i32, i32
  }
  func.func @transform_2(%arg0: i32) -> (i32, i32) {
    %c0_i32 = arith.constant 0 : i32
    %c0_i32_0 = arith.constant 0 : i32
    return %arg0, %c0_i32 : i32, i32
  }
  func.func @transform_3(%arg0: i32) -> (i32, i32) {
    %c0_i32 = arith.constant 0 : i32
    %c0_i32_0 = arith.constant 0 : i32
    return %arg0, %c0_i32 : i32, i32
  }
  func.func @transform_4(%arg0: i32) -> (i32, i32) {
    %c0_i32 = arith.constant 0 : i32
    %c0_i32_0 = arith.constant 0 : i32
    %c0_i32_1 = arith.constant 0 : i32
    return %c0_i32, %c0_i32_0 : i32, i32
  }
  func.func @transform_5(%arg0: i32) -> (i32, i32) {
    %c0_i32 = arith.constant 0 : i32
    %c0_i32_0 = arith.constant 0 : i32
    %c0_i32_1 = arith.constant 0 : i32
    return %c0_i32, %c0_i32_0 : i32, i32
  }
  func.func @transform_6(%arg0: i32) -> (i32, i32) {
    %c0_i32 = arith.constant 0 : i32
    %c0_i32_0 = arith.constant 0 : i32
    return %arg0, %c0_i32 : i32, i32
  }
}

</mosaic_0001>

<sc_bundles>
// kernel: kernel.12.cloned.1.call-start
scs
__scs_entry_jumppad:
0x0: {  	(pc) =	sbr.rel $0x88, $3  }
0x1: {  	(tag) =	ssettag $0x0;
	lr =	simm.s32 $0x1  }
0x2: {  	[smem:$0x3F9B] =	sst lr;
	_ =	strace $0xD0000000  }
0x3: {  	_ = 	snop  }
0x4: {  	_ = 	snop  }
0x5: {  	_ = 	snop  }
0x6: {  	_ = 	snop  }
0x7: {  	_ = 	snop  }
__scs_overlays_trampoline_lowered:
0x8: {  	[smem:$0x3FAA] =	sst s0  }
0x9: {  	[smem:$0x3FAB] =	sst s1  }
0xa: {  	[smem:$0x3FAC] =	sst s2  }
0xb: {  	[smem:$0x3FAD] =	sst s3  }
0xc: {  	[smem:$0x3FAE] =	sst s4  }
0xd: {  	[smem:$0x3FAF] =	sst s5  }
0xe: {  	[smem:$0x3FB0] =	sst s6  }
0xf: {  	[smem:$0x3FB1] =	sst s7  }
0x10: {  	[smem:$0x3FB2] =	sst s8  }
0x11: {  	[smem:$0x3FB3] =	sst s9;
	s0 =	simm.s32 @!p0 $0x0  }
0x12: {  	s1 =	sld [smem:$0x3F99];
	s0 =	simm.s32 @p0 $0x1  }
0x13: {  	[smem:$0x3FB4] =	sst s0;
	s0 =	simm.s32 @!p1 $0x0  }
0x14: {  	s2 =	sld [smem:$0x3F98];
	s0 =	simm.s32 @p1 $0x1  }
0x15: {  	[smem:$0x3FB5] =	sst s0;
	s0 =	simm.s32 @!p2 $0x0  }
0x16: {  	s3 =	sld [smem:$0x3FDB];
	s0 =	simm.s32 @p2 $0x1  }
0x17: {  	s4 =	simm.s32 $0x1BF5;
	[smem:$0x3FB7] =	sst s0  }
0x18: {  	s0 =	sld [smem:$0x3F9A];
	_ =	swait.ge [sflag:s4], $0x0  }
0x19: {  	s7 =	sld [smem:$0x3F9B]  }
0x1a: {  	s8 =	sadd.s32 $0xFFFFE003, lr  }
0x1b: {  	s9 =	sadd.s32 $0xFFFFFEF7, lr;
	s5 =	simm.s32 $0xFFFFFFFF;
	p2 =	slt.u32 s8, $0xFFFFF086  }
0x1c: {  	p1 =	slt.u32 s9, $0xF7A;
	s5 =	simm.s32 @!p2 $0x0  }
0x1d: {  	s5 =	simm.s32 @p1 $0x1;
	p0 =	seq.s32 s7, s2  }
0x1e: {  	s7 =	smul.u32 @!p0 $0xF7A, s2;
	p2 =	seq.s32 @!p0 s5, $0x0  }
0x1f: {  	s9 =	smul.u32 $0xF7A, s1;
	s8 =	simm.s32 @!p0 $0x1BF5;
	p2 =	por !p2, p0  }
0x20: {  	[sflag:s8] =	ssyncset.s32 @!p0 $0xFFFFF086;
	s6 =	sadd.s32 @!p0 s3, s7;
	s7 =	simm.s32 @!p0 $0x108  }
0x21: {  	s3 =	sadd.s32 s3, s9;
	s6 =	sadd.s32 @!p0 $0x88, s6;
	s7 =	simm.s32 @p2 $0x1082  }
0x22: {  	[simem:s7], [sflag:s8] =	dma.local @!p0 [hbm:s6], $0xF7A  }
0x23: {  	s9 =	sor.u32 $0xD0000000, s2;
	s6 =	simm.s32 $0x108;
	_ =	swait.ge @!p0 [sflag:s8], $0x0  }
0x24: {  	s3 =	sadd.s32 $0x88, s3;
	s6 =	simm.s32 @!p1 $0x1082;
	[sflag:s4] =	ssyncset.s32 $0xFFFFF086  }
0x25: {  	[simem:s6], [sflag:s4] =	dma.local [hbm:s3], $0xF7A  }
0x26: {  	[smem:$0x3F9B] =	sst s1;
	(tag) =	ssettag s2;
	_ =	strace s9  }
0x27: {  	s1 =	sld [smem:$0x3FAB]  }
0x28: {  	s2 =	sld [smem:$0x3FAC]  }
0x29: {  	s4 =	sld [smem:$0x3FAE]  }
0x2a: {  	p0 =	seq.s32 s5, $0x0;
	s5 =	sld [smem:$0x3FAF]  }
0x2b: {  	s6 =	sld [smem:$0x3FB0]  }
0x2c: {  	s7 =	sld [smem:$0x3FB1]  }
0x2d: {  	s3 =	simm.s32 $0x108;
	s8 =	sld [smem:$0x3FB2]  }
0x2e: {  	s3 =	simm.s32 @!p0 $0x1082;
	s9 =	sld [smem:$0x3FB3]  }
0x2f: {  	lr =	sadd.s32 s0, s3;
	s0 =	sld [smem:$0x3FAA]  }
0x30: {  	s3 =	sld [smem:$0x3FAD]  }
0x31: {  	[smem:$0x3FB6] =	sst s10  }
0x32: {  	s10 =	sld [smem:$0x3FB4];
	_ =	sdelay $0x3  }
0x33: {  	p0 =	seq.s32 s10, $0x1;
	s10 =	sld [smem:$0x3FB6];
	_ =	sdelay $0x3  }
0x34: {  	[smem:$0x3FB6] =	sst s10  }
0x35: {  	s10 =	sld [smem:$0x3FB5];
	_ =	sdelay $0x3  }
0x36: {  	p1 =	seq.s32 s10, $0x1;
	s10 =	sld [smem:$0x3FB6];
	_ =	sdelay $0x3  }
0x37: {  	[smem:$0x3FB6] =	sst s10  }
0x38: {  	s10 =	sld [smem:$0x3FB7]  }
0x39: {  	_ = 	snop;
	(pc) =	sbr.ind lr, $3  }
0x3a: {  	_ = 	snop  }
0x3b: {  	_ = 	snop  }
0x3c: {  	p2 =	seq.s32 s10, $0x1;
	s10 =	sld [smem:$0x3FB6]  }
0x3d: {  	_ =	shalt  }
0x3e: {  	_ =	shalt  }
0x3f: {  	_ =	shalt  }
0x40: {  	_ =	shalt  }
0x41: {  	_ =	shalt  }
0x42: {  	_ =	shalt  }
0x43: {  	_ =	shalt  }
0x44: {  	_ =	shalt  }
0x45: {  	_ =	shalt  }
0x46: {  	_ =	shalt  }
0x47: {  	_ =	shalt  }
0x48: {  	_ =	shalt  }
0x49: {  	_ =	shalt  }
0x4a: {  	_ =	shalt  }
0x4b: {  	_ =	shalt  }
0x4c: {  	_ =	shalt  }
0x4d: {  	_ =	shalt  }
0x4e: {  	_ =	shalt  }
0x4f: {  	_ =	shalt  }
0x50: {  	_ =	shalt  }
0x51: {  	_ =	shalt  }
0x52: {  	_ =	shalt  }
0x53: {  	_ =	shalt  }
0x54: {  	_ =	shalt  }
0x55: {  	_ =	shalt  }
0x56: {  	_ =	shalt  }
0x57: {  	_ =	shalt  }
0x58: {  	_ =	shalt  }
0x59: {  	_ =	shalt  }
0x5a: {  	_ =	shalt  }
0x5b: {  	_ =	shalt  }
0x5c: {  	_ =	shalt  }
0x5d: {  	_ =	shalt  }
0x5e: {  	_ =	shalt  }
0x5f: {  	_ =	shalt  }
0x60: {  	_ =	shalt  }
0x61: {  	_ =	shalt  }
0x62: {  	_ =	shalt  }
0x63: {  	_ =	shalt  }
0x64: {  	_ =	shalt  }
0x65: {  	_ =	shalt  }
0x66: {  	_ =	shalt  }
0x67: {  	_ =	shalt  }
0x68: {  	_ =	shalt  }
0x69: {  	_ =	shalt  }
0x6a: {  	_ =	shalt  }
0x6b: {  	_ =	shalt  }
0x6c: {  	_ =	shalt  }
0x6d: {  	_ =	shalt  }
0x6e: {  	_ =	shalt  }
0x6f: {  	_ =	shalt  }
0x70: {  	_ =	shalt  }
0x71: {  	_ =	shalt  }
0x72: {  	_ =	shalt  }
0x73: {  	_ =	shalt  }
0x74: {  	_ =	shalt  }
0x75: {  	_ =	shalt  }
0x76: {  	_ =	shalt  }
0x77: {  	_ =	shalt  }
0x78: {  	_ =	shalt  }
0x79: {  	_ =	shalt  }
0x7a: {  	_ =	shalt  }
0x7b: {  	_ =	shalt  }
0x7c: {  	_ =	shalt  }
0x7d: {  	_ =	shalt  }
0x7e: {  	_ =	shalt  }
0x7f: {  	_ =	shalt  }
0x80: {  	_ =	shalt  }
0x81: {  	_ =	shalt  }
0x82: {  	_ =	shalt  }
0x83: {  	_ =	shalt  }
0x84: {  	_ =	shalt  }
0x85: {  	_ =	shalt  }
0x86: {  	_ =	shalt  }
0x87: {  	_ =	shalt  }
.Lfunc_end0:
.L_simem_size_0:
called_computation.1_lowered:
.L_overlay_start_0:
0x88: {  	s2 =	sld [smem:$0x3FD9]  }
0x89: {  	s3 =	sld [smem:$0x3FFE];
	_ =	sdelay $0x1  }
0x8a: {  	s1 =	srdreg.scid  }
0x8b: {  	s0 =	sand.u32 $0x1, s1  }
0x8c: {  	s16 =	sshll.u32 s0, $0xA;
	s2 =	sadd.s32 s3, s2  }
0x8d: {  	s2 =	sadd.s32 s2, s16  }
0x8e: {  	[smem:$0x3FC2] =	sst s2  }
0x8f: {  	_ = 	snop  }
0x90: {  	(tm) =	ssettm $0x1  }
0x91: {  	s17 =	sld [smem:$0x3FFB];
	_ =	sdelay $0x3  }
0x92: {  	_ =	strace s17  }
0x93: {  	s2 =	sld [smem:$0x3FFC];
	_ =	sdelay $0x3  }
0x94: {  	_ =	strace s2  }
0x95: {  	s2 =	sld [smem:$0x3FFD];
	_ =	sdelay $0x3  }
0x96: {  	_ =	strace s2  }
0x97: {  	_ =	strace $0x8FFFFFFF  }
0x98: {  	s18 =	sld [smem:$0x3FDB];
	_ =	sdelay $0x1  }
0x99: {  	s19 =	simm.s32 $_scs_section_size  }
0x9a: {  	s4 =	simm.s32 $_size__tile_overlayer_lowered;
	s5 =	simm.s32 $_tile_overlayer_lowered  }
0x9b: {  	s22 =	simm.s32 $0x1BFF;
	s21 =	sshll.u32 s5, $0x1;
	s2 =	sadd.s32 s19, s18  }
0x9c: {  	s6 =	simm.s32 $0x0;
	s20 =	sshll.u32 s4, $0x1;
	s4 =	sadd.s32 s21, s2  }
0x9d: {  	[timem:s6], [sflag:s22] =	dma.local [hbm:s4], s20  }
0x9e: {  	_ =	swait.ge [sflag:s22], s20  }
0x9f: {  	s3 =	ssub.s32 $0x0, s20;
	[sflag:s22] =	ssyncset.done $0x0  }
0xa0: {  	[sflag:s22] =	ssyncadd.s32 s3;
	_ =	sdelay $0x1  }
0xa1: {  	s23 =	simm.s32 $0x1B8B  }
0xa2: {  	_ =	swait.ge [sflag:s23], $0x1  }
0xa3: {  	[sflag:s23] =	ssyncset.done $0x0  }
0xa4: {  	s25 =	simm.s32 $0x1B8E;
	s24 =	sld [smem:$0x3FFE];
	[sflag:s23] =	ssyncadd.s32 $0xFFFFFFFF  }
0xa5: {  	s26 =	simm.s32 $execute0_lowered;
	[smem:$0x3FD2] =	sst s25  }
0xa6: {  	s4 =	sshll.u32 s26, $0x1;
	_ =	strace $0x80000049;
	[dreg:$0x1] =	wrdreg $0xFFFFFFFF  }
0xa7: {  	s28 =	simm.s32 $_size_execute0_lowered;
	s2 =	sadd.s32 s2, s4;
	[dreg:$0x0] =	wrdreg $0x0  }
0xa8: {  	s4 =	sshll.u32 s28, $0x1;
	[dreg:$0x2] =	wrdreg s2  }
0xa9: {  	[dreg:$0x3] =	wrdreg s4  }
0xaa: {  	[dreg:$0x4] =	wrdreg $0xC0  }
0xab: {  	_ =	task [dreg:s6], $0x5FFFF  }
0xac: {  	[dreg:$0x1] =	wrdreg $0xFFFFFFFF  }
0xad: {  	[dreg:$0x0] =	wrdreg $0x60  }
0xae: {  	[dreg:$0x2] =	wrdreg s24  }
0xaf: {  	[dreg:$0x3] =	wrdreg $0xB8000  }
0xb0: {  	[dreg:$0x4] =	wrdreg $0x9  }
0xb1: {  	_ =	task.clear_ibuf [dreg:s6], $0x5FFFF;
	_ =	strace $0x90000049  }
0xb2: {  	s29 =	simm.s32 $0x9;
	_ =	strace $0x8000004B  }
0xb3: {  	_ =	swait.ge [sflag:s29], $0x1  }
0xb4: {  	[sflag:s29] =	ssyncadd.s32 $0xFFFFFFFF  }
0xb5: {  	_ =	strace $0x9000004B  }
0xb6: {  	_ =	sfence  }
0xb7: {  	s30 =	sld [smem:$0x0];
	_ =	sdelay $0x2  }
0xb8: {  	s31 =	sshll.u32 s1, $0xD;
	s1 =	sshrl.u32 s1, $0x2  }
0xb9: {  	s3 =	sand.u32 $0x4000, s31;
	s1 =	sadd.s32 s1, s30  }
0xba: {  	s0 =	sor.u32 s3, s0;
	s1 =	sshll.u32 s1, $0x11  }
0xbb: {  	s0 =	sor.u32 s1, s0  }
0xbc: {  	s0 =	sadd.s32 $0x8F2B, s0  }
0xbd: {  	[sflag:s0] =	ssyncadd.remote.s32 $0x1  }
0xbe: {  	_ =	sfence.sel $0xFFFF  }
0xbf: {  	[dreg:$0x0] =	wrdreg $0xFFFFFFFF;
	(pc) =	sbr.abs _section_cstart, $3  }
0xc0: {  	[dreg:$0x1] =	wrdreg $0xFFFFFFFF  }
0xc1: {  	_ =	task.clear_ibuf [dreg:s6], $0x2FFFF;
	_ =	strace $0x9FFFFFFF  }
0xc2: {  	(tm) =	ssettm $0x7FFFFFFF  }
0xc3: {  	_ =	shalt  }
tec
execute0_lowered:
.L_overlay_start_1:
0x0: {  	(tag) =	ssettag $0x1  }
0x1: {  	s0 =	rddreg [dreg:$0x0]  }
0x2: {  	s1 =	rddreg [dreg:$0x1];
	s2 =	simm.s32 $0x0  }
0x3: {  	s3 =	srdreg.scid;
	s13 =	stileid.u32;
	s14 =	simm.s32 $0x28  }
0x4: {  	s16 =	simm.s32 $0x3;
	s18 =	simm.s32 $0x4;
	s19 =	simm.s32 $0x50  }
0x5: {  	s21 =	simm.s32 $0x1000;
	s28 =	simm.s32 $0x3800;
	s29 =	simm.s32 $0x9  }
0x6: {  	s31 =	simm.s32 $0x8800;
	s20 =	simm.s32 $0x600;
	[smem:$0x7FF] =	sst s2  }
0x7: {  	s4 =	sand.u32 $0x1, s3;
	s3 =	sadd.s32 $0x13200, s0;
	s7 =	sadd.s32 $0x61400, s0  }
0x8: {  	s8 =	sadd.s32 $0x3200, s0;
	s0 =	sadd.s32 $0x98600, s0;
	s22 =	smul.u32 $0x4E000, s13  }
0x9: {  	p0 =	seq.s32 s13, $0xF;
	s10 =	sshll.u32 s13, $0x7;
	s23 =	smul.u32 $0x13800, s13  }
0xa: {  	s30 =	sshll.u32 s13, $0xB;
	p1 =	sne.s32 s13, $0xF;
	_ =	strace $0x8000004A  }
0xb: {  	s5 =	ssub.s32 $0x2, s4;
	s9 =	sshll.u32 s4, $0xB;
	s11 =	smul.u32 $0x138800, s4  }
0xc: {  	s14 =	simm.s32 @!p0 $0x27;
	s26 =	sshll.u32 s4, $0xF;
	s6 =	sshrl.u32 s5, $0x1  }
0xd: {  	s12 =	sshrl.u32 s22, $0x2;
	s4 =	sadd.s32 s26, s7;
	s22 =	simm.s32 $0x7  }
0xe: {  	[dreg:$0x3] =	wrdreg s14;
	s5 =	ssub.s32 s5, s6;
	s6 =	sor.u32 s10, s9  }
0xf: {  	s12 =	sadd.s32 s12, s1;
	s9 =	sadd.s32 s23, s11;
	s11 =	sshrl.u32 s11, $0x3  }
0x10: {  	s4 =	sadd.s32 s30, s4;
	s23 =	simm.s32 $0x0;
	s10 =	sshll.u32 s6, $0x4  }
0x11: {  	s9 =	sshrl.u32 s9, $0x3;
	s24 =	sadd.s32 s0, s11;
	s5 =	smax.u32 s5, $0x1  }
0x12: {  	s4 =	sadd.s32 $0x80, s4;
	p0 =	sgt.u32 s6, $0xF23;
	[dreg:$0x4] =	wrdreg s12  }
0x13: {  	s15 =	sadd.s32 s7, s10;
	s10 =	sadd.s32 s8, s10;
	[dreg:$0x9] =	wrdreg s5  }
0x14: {  	s0 =	sadd.s32 s0, s9;
	s25 =	sadd.s32 $0x27000, s24;
	[dreg:$0xa] =	wrdreg s4  }
0x15: {  	p2 =	sgt.u32 @!p0 s6, $0xF21;
	s24 =	simm.s32 $0x6000;
	s4 =	simm.s32 $0x5  }
0x16: {  	s9 =	simm.s32 $0xA;
	s5 =	simm.s32 $0x580;
	[dreg:$0x5] =	wrdreg s15  }
.Ltmp0:
0x17: {  	[dreg:$0x7] =	wrdreg s0;
	s0 =	sadd.s32 s26, s8;
	(pc) =	sbr.rel .LBB2_1-.Ltmp0, $4  }
0x18: {  	s7 =	simm.s32 $0x300;
	[dreg:$0x6] =	wrdreg s10;
	s0 =	sadd.s32 s30, s0  }
0x19: {  	[dreg:$0x8] =	wrdreg s25;
	s8 =	sadd.s32 $0x138000, s1;
	s0 =	sadd.s32 $0x80, s0  }
0x1a: {  	s15 =	simm.s32 $0xB000;
	[dreg:$0xb] =	wrdreg s0;
	s0 =	sshrl.u32 @!p1 s8, $0x3  }
0x1b: {  	v0 =	vimm.f32 $0.0e+00;
	p2 =	por p2, p0;
	s8 =	simm.s32 $0x280;
	[dreg:$0xc] =	wrdreg s0  }
.LBB2_16:
0x1c: {  	s0 =	simm.s32 @!p0 $0x4  }
0x1d: {  	_ =	swait.ge @!p0 [sflag:s0], $0x2800  }
0x1e: {  	[sflag:s0] =	ssyncset.done @!p0 $0x0  }
0x1f: {  	[sflag:s0] =	ssyncadd.s32 @!p0 $0xFFFFD800;
	s0 =	simm.s32 @!p0 $0x6  }
0x20: {  	_ =	swait.ge @!p0 [sflag:s0], $0x2800  }
0x21: {  	[sflag:s0] =	ssyncset.done @!p0 $0x0  }
0x22: {  	[sflag:s0] =	ssyncadd.s32 @!p0 $0xFFFFD800;
	s0 =	simm.s32 @!p2 $0x8  }
0x23: {  	_ =	swait.ge @!p2 [sflag:s0], $0x2800  }
0x24: {  	[sflag:s0] =	ssyncset.done @!p2 $0x0  }
0x25: {  	[sflag:s0] =	ssyncadd.s32 @!p2 $0xFFFFD800;
	s0 =	simm.s32 @!p2 $0xA  }
0x26: {  	_ =	swait.ge @!p2 [sflag:s0], $0x2800  }
0x27: {  	[sflag:s0] =	ssyncset.done @!p2 $0x0  }
0x28: {  	[sflag:s0] =	ssyncadd.s32 @!p2 $0xFFFFD800  }
0x29: {  	s25 =	stileid.u32;
	[bflag:$0x0] =	sbarrier.arrive $0xFFFF  }
0x2a: {  	s26 =	simm.s32 $0xB;
	s0 =	sshll.u32 s25, $0x6;
	s12 =	rddreg [dreg:$0x4]  }
0x2b: {  	s0 =	sor.u32 $0x1C0B, s0;
	s11 =	rddreg [dreg:$0x7];
	s10 =	sshrl.u32 s12, $0x3  }
0x2c: {  	[hbm:s11], [sflag:s0] =	dma.local [spmem:s10], $0x2700  }
0x2d: {  	_ =	swait.ge [sflag:s26], $0x2700  }
0x2e: {  	[sflag:s26] =	ssyncset.done $0x0;
	s10 =	rddreg [dreg:$0x8]  }
0x2f: {  	s11 =	rddreg [dreg:$0xc];
	[sflag:s26] =	ssyncadd.s32 $0xFFFFD900  }
0x30: {  	[hbm:s10], [sflag:s0] =	dma.local @!p1 [spmem:s11], $0x100  }
0x31: {  	s0 =	simm.s32 @!p1 $0xB  }
0x32: {  	_ =	swait.ge @!p1 [sflag:s0], $0x100  }
0x33: {  	s23 =	sadd.s32 $0x1, s23;
	s30 =	rddreg [dreg:$0x9]  }
0x34: {  	p3 =	sne.s32 s23, s30  }
.Ltmp1:
0x35: {  	_ = 	snop;
	(pc) =	sbr.rel @!p3 .LBB2_17-.Ltmp1, $3  }
0x36: {  	_ =	sdelay $0x1  }
0x37: {  	[sflag:s0] =	ssyncset.done @!p1 $0x0  }
0x38: {  	s14 =	rddreg [dreg:$0x3];
	[sflag:s0] =	ssyncadd.s32 @!p1 $0xFFFFFF00  }
.LBB2_1:
0x39: {  	s0 =	simm.s32 $0x0;
	s10 =	simm.s32 $0x200  }
.LBB2_2:
0x3a: {  	p3 =	sne.s32 s10, $0x1E00;
	[tilespmem:s0+$0xB070] =	vst v0  }
0x3b: {  	[tilespmem:s0+$0xB000] =	vst v0  }
0x3c: {  	[tilespmem:s0+$0xB010] =	vst v0  }
.Ltmp2:
0x3d: {  	[tilespmem:s0+$0xB020] =	vst v0;
	(pc) =	sbr.rel @p3 .LBB2_2-.Ltmp2, $4  }
0x3e: {  	[tilespmem:s0+$0xB030] =	vst v0  }
0x3f: {  	[tilespmem:s0+$0xB040] =	vst v0  }
0x40: {  	[tilespmem:s0+$0xB050] =	vst v0  }
0x41: {  	[tilespmem:s0+$0xB060] =	vst v0;
	s0 =	sshra.s32 s10, $0x2;
	s10 =	sadd.s32 $0x200, s10  }
0x42: {  	[tilespmem:s0+$0xB070] =	vst v0  }
0x43: {  	[tilespmem:s0+$0xB000] =	vst v0  }
0x44: {  	[tilespmem:s0+$0xB010] =	vst v0  }
0x45: {  	[tilespmem:s0+$0xB020] =	vst v0;
	p3 =	sne.s32 s14, $0x1  }
.Ltmp3:
0x46: {  	[tilespmem:s0+$0xB030] =	vst v0;
	(pc) =	sbr.rel @!p3 .LBB2_5-.Ltmp3, $4  }
0x47: {  	[tilespmem:s0+$0xB040] =	vst v0  }
0x48: {  	[tilespmem:s0+$0xB050] =	vst v0  }
0x49: {  	[tilespmem:s0+$0xB060] =	vst v0;
	s0 =	sadd.s32 $0xFFFFFFFF, s14;
	s10 =	smov.u32 s12  }
0x4a: {  	[spmem:s12] =	stream.linear.scatter [tilespmem:s15], [sflag:$0x3], $0x800, $0x38;
	[tilespmem:$0x1F080] =	vst v63  }
.LBB2_4:
0x4b: {  	p4 =	sne.s32 s0, $0x1  }
.Ltmp4:
0x4c: {  	_ = 	snop;
	(pc) =	sbr.rel @p4 .LBB2_4-.Ltmp4, $3  }
0x4d: {  	_ = 	snop  }
0x4e: {  	s0 =	sadd.s32 $0xFFFFFFFF, s0;
	s10 =	sadd.s32 $0x800, s10;
	_ =	sdelay $0x1  }
0x4f: {  	[spmem:s10] =	stream.linear.scatter [tilespmem:s15], [sflag:$0x3], $0x800, $0x38;
	[tilespmem:$0x1F080] =	vst v63  }
.LBB2_5:
.Ltmp5:
0x50: {  	(pc) =	sbr.rel @!p3 .LBB2_7-.Ltmp5, $3  }
0x51: {  	_ =	sdelay $0x1  }
0x52: {  	_ =	swait.ge [sflag:s16], $0x800  }
0x53: {  	s0 =	sadd.s32 $0xFFFFFFFF, s14;
	[sflag:s16] =	ssyncset.done $0x0  }
.LBB2_6:
0x54: {  	p3 =	sne.s32 s0, $0x1;
	s0 =	sadd.s32 $0xFFFFFFFF, s0;
	[sflag:s16] =	ssyncadd.s32 $0xFFFFF800  }
.Ltmp6:
0x55: {  	(pc) =	sbr.rel @p3 .LBB2_6-.Ltmp6, $3  }
0x56: {  	_ =	sdelay $0x1  }
0x57: {  	_ =	swait.ge [sflag:s16], $0x800  }
0x58: {  	[sflag:s16] =	ssyncset.done $0x0  }
.LBB2_7:
0x59: {  	[sflag:s16] =	ssyncadd.s32 $0xFFFFF800  }
0x5a: {  	[bflag:$0x0] =	sbarrier.arrive $0xFFFF  }
0x5b: {  	s0 =	rddreg [dreg:$0x5]  }
.Ltmp7:
0x5c: {  	s25 =	rddreg [dreg:$0x6];
	(pc) =	sbr.rel .LBB2_8-.Ltmp7, $4  }
0x5d: {  	s26 =	simm.s32 $0x0;
	s30 =	rddreg [dreg:$0xb]  }
0x5e: {  	[tilespmem:s26], [sflag:$0x1] =	stream.linear.gather [hbm4b:s0+s26], $0x400, $0x38;
	[tilespmem:$0x1F080] =	vst v63  }
0x5f: {  	s10 =	simm.s32 $0x400;
	s17 =	simm.s32 $0x0;
	s0 =	rddreg [dreg:$0xa]  }
0x60: {  	[tilespmem:s10], [sflag:$0x1] =	stream.linear.gather [hbm4b:s25+s26], $0x400, $0x38;
	[tilespmem:$0x1F080] =	vst v63  }
.LBB2_13:
0x61: {  	_ =	swait.ge [sflag:s9], $0x2800  }
0x62: {  	[sflag:s9] =	ssyncset.done $0x0  }
0x63: {  	[sflag:s9] =	ssyncadd.s32 $0xFFFFD800  }
.LBB2_14:
0x64: {  	[tilespmem:s31], [sflag:$0x9] =	stream.indirect.gather [hbm4b:s3+s19], $0x80, s13, s19, $0xb8;
	[tilespmem:$0x1F080] =	vst v63  }
0x65: {  	_ =	swait.ge [sflag:s4], $0x2800  }
0x66: {  	[sflag:s4] =	ssyncset.done $0x0  }
0x67: {  	[sflag:s4] =	ssyncadd.s32 $0xFFFFD800  }
0x68: {  	[spmem:s1] =	stream.indirect.scatter.add.f32 [tilespmem:s28], [sflag:$0x6], $0x80, s12, s19, $0xb8;
	[tilespmem:$0x1F080] =	vst v63  }
0x69: {  	_ =	swait.ge [sflag:s22], $0x2800  }
0x6a: {  	[sflag:s22] =	ssyncset.done $0x0  }
0x6b: {  	[sflag:s22] =	ssyncadd.s32 $0xFFFFD800  }
0x6c: {  	[spmem:s1] =	stream.indirect.scatter.add.f32 [tilespmem:s24], [sflag:$0x8], $0x80, s11, s19, $0xb8;
	[tilespmem:$0x1F080] =	vst v63  }
0x6d: {  	_ =	swait.ge [sflag:s29], $0x2800  }
0x6e: {  	[sflag:s29] =	ssyncset.done $0x0  }
0x6f: {  	[sflag:s29] =	ssyncadd.s32 $0xFFFFD800  }
0x70: {  	[spmem:s1] =	stream.indirect.scatter.add.f32 [tilespmem:s31], [sflag:$0xA], $0x80, s10, s19, $0xb8;
	[tilespmem:$0x1F080] =	vst v63  }
.LBB2_15:
0x71: {  	s26 =	sadd.s32 $0x8, s26  }
0x72: {  	p3 =	sne.s32 s26, $0x80  }
.Ltmp8:
0x73: {  	_ = 	snop;
	(pc) =	sbr.rel @!p3 .LBB2_16-.Ltmp8, $2  }
0x74: {  	_ =	sdelay $0x2  }
0x75: {  	s17 =	sadd.s32 $0x1, s17;
	s0 =	sadd.s32 $0x80, s0;
	s30 =	sadd.s32 $0x80, s30  }
.LBB2_8:
0x76: {  	s10 =	sand.u32 $0x1, s17  }
0x77: {  	p4 =	seq.s32 s10, $0x1  }
.Ltmp9:
0x78: {  	_ = 	snop;
	(pc) =	sbr.rel @!p4 .LBB2_9-.Ltmp9, $3  }
0x79: {  	_ =	sdelay $0x1  }
0x7a: {  	s10 =	sadd.s32 s26, s6  }
0x7b: {  	p3 =	sgt.u32 s10, $0xF9F  }
0x7c: {  	s11 =	simm.s32 @!p3 $0x2  }
0x7d: {  	_ =	swait.ge @!p3 [sflag:s11], $0x400  }
0x7e: {  	[sflag:s11] =	ssyncset.done @!p3 $0x0  }
0x7f: {  	[sflag:s11] =	ssyncadd.s32 @!p3 $0xFFFFFC00  }
0x80: {  	_ =	swait.ge @!p3 [sflag:s11], $0x400  }
0x81: {  	[sflag:s11] =	ssyncset.done @!p3 $0x0  }
0x82: {  	[sflag:s11] =	ssyncadd.s32 @!p3 $0xFFFFFC00;
	s11 =	simm.s32 @!p3 $0x4  }
0x83: {  	_ =	swait.ge @!p3 [sflag:s11], $0x2800  }
0x84: {  	s12 =	simm.s32 @!p3 $0x800;
	s13 =	simm.s32 @!p3 $0x1000;
	[sflag:s11] =	ssyncset.done @!p3 $0x0  }
0x85: {  	p4 =	sgt.u32 s10, $0xFA2;
	[sflag:s11] =	ssyncadd.s32 @!p3 $0xFFFFD800;
	s11 =	simm.s32 @!p3 $0x50  }
0x86: {  	[tilespmem:s13], [sflag:$0x3] =	stream.indirect.gather @!p3 [hbm4b:s3+s11], $0x80, s12, s11, $0xb8;
	[tilespmem:$0x1F080] =	vst v63  }
0x87: {  	s12 =	simm.s32 @!p4 $0x6  }
0x88: {  	_ =	swait.ge @!p4 [sflag:s12], $0x2800  }
0x89: {  	[sflag:s12] =	ssyncset.done @!p4 $0x0  }
0x8a: {  	s14 =	simm.s32 @!p3 $0x3800;
	[sflag:s12] =	ssyncadd.s32 @!p4 $0xFFFFD800;
	s12 =	simm.s32 @!p3 $0x880  }
0x8b: {  	[tilespmem:s14], [sflag:$0x5] =	stream.indirect.gather @!p3 [hbm4b:s3+s11], $0x80, s12, s11, $0xb8;
	[tilespmem:$0x1F080] =	vst v63  }
0x8c: {  	s12 =	simm.s32 @!p3 $0x8  }
0x8d: {  	_ =	swait.ge @!p3 [sflag:s12], $0x2800  }
0x8e: {  	[sflag:s12] =	ssyncset.done @!p3 $0x0  }
0x8f: {  	s25 =	simm.s32 @!p3 $0x6000;
	[sflag:s12] =	ssyncadd.s32 @!p3 $0xFFFFD800;
	s12 =	simm.s32 @!p3 $0x900  }
0x90: {  	[tilespmem:s25], [sflag:$0x7] =	stream.indirect.gather @!p3 [hbm4b:s3+s11], $0x80, s12, s11, $0xb8;
	[tilespmem:$0x1F080] =	vst v63  }
0x91: {  	s12 =	simm.s32 @!p3 $0x3  }
0x92: {  	_ =	swait.ge @!p3 [sflag:s12], $0x2800  }
0x93: {  	[sflag:s12] =	ssyncset.done @!p3 $0x0  }
0x94: {  	[sflag:s12] =	ssyncadd.s32 @!p3 $0xFFFFD800;
	s12 =	simm.s32 @!p3 $0xC00  }
0x95: {  	[spmem:s1] =	stream.indirect.scatter.add.f32 @!p3 [tilespmem:s13], [sflag:$0x4], $0x80, s12, s11, $0xb8;
	[tilespmem:$0x1F080] =	vst v63  }
0x96: {  	s12 =	simm.s32 @!p3 $0xA  }
0x97: {  	_ =	swait.ge @!p3 [sflag:s12], $0x2800  }
0x98: {  	[sflag:s12] =	ssyncset.done @!p3 $0x0  }
0x99: {  	s13 =	simm.s32 @!p3 $0x8800;
	[sflag:s12] =	ssyncadd.s32 @!p3 $0xFFFFD800;
	s12 =	simm.s32 @!p3 $0x980  }
0x9a: {  	[tilespmem:s13], [sflag:$0x9] =	stream.indirect.gather @!p3 [hbm4b:s3+s11], $0x80, s12, s11, $0xb8;
	[tilespmem:$0x1F080] =	vst v63  }
0x9b: {  	s12 =	simm.s32 @!p3 $0x5  }
0x9c: {  	_ =	swait.ge @!p3 [sflag:s12], $0x2800  }
0x9d: {  	[sflag:s12] =	ssyncset.done @!p3 $0x0  }
0x9e: {  	[sflag:s12] =	ssyncadd.s32 @!p3 $0xFFFFD800;
	s12 =	simm.s32 @!p3 $0xC80  }
0x9f: {  	[spmem:s1] =	stream.indirect.scatter.add.f32 @!p3 [tilespmem:s14], [sflag:$0x6], $0x80, s12, s11, $0xb8;
	[tilespmem:$0x1F080] =	vst v63  }
0xa0: {  	p4 =	seq.s32 s26, $0x78;
	s11 =	sadd.s32 $0x8, s10  }
0xa1: {  	p5 =	sgt.u32 @!p4 s11, $0xF9F  }
.Ltmp10:
0xa2: {  	p4 =	por p5, p4;
	(pc) =	sbr.rel @p3 .LBB2_15-.Ltmp10, $4  }
0xa3: {  	s11 =	simm.s32 @!p4 $0x0  }
0xa4: {  	[tilespmem:s11], [sflag:$0x1] =	stream.linear.gather @!p4 [hbm4b:s0+s11], $0x400, $0x38;
	[tilespmem:$0x1F080] =	vst v63  }
0xa5: {  	s12 =	simm.s32 @!p4 $0x400  }
0xa6: {  	[tilespmem:s12], [sflag:$0x1] =	stream.linear.gather @!p4 [hbm4b:s30+s11], $0x400, $0x38;
	[tilespmem:$0x1F080] =	vst v63  }
0xa7: {  	_ =	swait.ge [sflag:s18], $0x2800  }
0xa8: {  	[sflag:s18] =	ssyncset.done $0x0  }
0xa9: {  	s11 =	simm.s32 $0xA00;
	[sflag:s18] =	ssyncadd.s32 $0xFFFFD800  }
0xaa: {  	[tilespmem:s21], [sflag:$0x3] =	stream.indirect.gather [hbm4b:s3+s19], $0x80, s11, s19, $0xb8;
	[tilespmem:$0x1F080] =	vst v63  }
0xab: {  	s25 =	sadd.s32 $0x1, s10;
	_ =	swait.ge [sflag:s22], $0x2800  }
0xac: {  	p3 =	slt.u32 s25, s6;
	[sflag:s22] =	ssyncset.done $0x0  }
0xad: {  	s12 =	simm.s32 $0xD00;
	s11 =	simm.s32 @!p3 $0x6;
	[sflag:s22] =	ssyncadd.s32 $0xFFFFD800  }
0xae: {  	[spmem:s1] =	stream.indirect.scatter.add.f32 [tilespmem:s24], [sflag:$0x8], $0x80, s12, s19, $0xb8;
	[tilespmem:$0x1F080] =	vst v63  }
0xaf: {  	_ =	swait.ge @!p3 [sflag:s11], $0x2800  }
0xb0: {  	[sflag:s11] =	ssyncset.done @!p3 $0x0  }
0xb1: {  	s13 =	simm.s32 $0xA80;
	[sflag:s11] =	ssyncadd.s32 @!p3 $0xFFFFD800  }
0xb2: {  	[tilespmem:s28], [sflag:$0x5] =	stream.indirect.gather [hbm4b:s3+s19], $0x80, s13, s19, $0xb8;
	[tilespmem:$0x1F080] =	vst v63  }
0xb3: {  	s14 =	sadd.s32 $0x2, s10;
	_ =	swait.ge [sflag:s29], $0x2800  }
0xb4: {  	p3 =	slt.u32 s14, s6;
	[sflag:s29] =	ssyncset.done $0x0  }
0xb5: {  	s25 =	simm.s32 $0xD80;
	s11 =	simm.s32 @!p3 $0x8;
	[sflag:s29] =	ssyncadd.s32 $0xFFFFD800  }
0xb6: {  	[spmem:s1] =	stream.indirect.scatter.add.f32 [tilespmem:s31], [sflag:$0xA], $0x80, s25, s19, $0xb8;
	[tilespmem:$0x1F080] =	vst v63  }
0xb7: {  	_ =	swait.ge @!p3 [sflag:s11], $0x2800  }
0xb8: {  	s14 =	sadd.s32 $0x3, s10;
	[sflag:s11] =	ssyncset.done @!p3 $0x0  }
0xb9: {  	s13 =	simm.s32 $0xB00;
	[sflag:s11] =	ssyncadd.s32 @!p3 $0xFFFFD800;
	p3 =	slt.u32 s14, s6  }
0xba: {  	[tilespmem:s24], [sflag:$0x7] =	stream.indirect.gather [hbm4b:s3+s19], $0x80, s13, s19, $0xb8;
	[tilespmem:$0x1F080] =	vst v63  }
.Ltmp11:
0xbb: {  	_ = 	snop;
	(pc) =	sbr.rel @p3 .LBB2_14-.Ltmp11, $4  }
.Ltmp12:
0xbc: {  	s12 =	simm.s32 $0xE80;
	_ =	swait.ge [sflag:s16], $0x2800;
	(pc) =	sbr.rel @!p3 .LBB2_13-.Ltmp12, $4  }
0xbd: {  	s10 =	simm.s32 $0xF80;
	s25 =	simm.s32 $0xE00;
	[sflag:s16] =	ssyncset.done $0x0  }
0xbe: {  	s11 =	simm.s32 $0xF00;
	s13 =	simm.s32 $0xB80;
	[sflag:s16] =	ssyncadd.s32 $0xFFFFD800  }
0xbf: {  	[spmem:s1] =	stream.indirect.scatter.add.f32 [tilespmem:s21], [sflag:$0x4], $0x80, s25, s19, $0xb8;
	[tilespmem:$0x1F080] =	vst v63  }
0xc0: {  	_ = 	snop  }
.LBB2_9:
0xc1: {  	s11 =	simm.s32 @!p3 $0x1  }
0xc2: {  	_ =	swait.ge @!p3 [sflag:s11], $0x400  }
0xc3: {  	[sflag:s11] =	ssyncset.done @!p3 $0x0  }
0xc4: {  	p4 =	sne.s32 s26, $0x0;
	p5 =	slt.u32 s10, $0xFA1;
	[sflag:s11] =	ssyncadd.s32 @!p3 $0xFFFFFC00  }
0xc5: {  	p4 =	por !p4, !p5;
	_ =	swait.ge @!p3 [sflag:s11], $0x400  }
0xc6: {  	p4 =	por !p4, !p4;
	[sflag:s11] =	ssyncset.done @!p3 $0x0  }
0xc7: {  	[sflag:s11] =	ssyncadd.s32 @!p3 $0xFFFFFC00;
	s11 =	simm.s32 @p4 $0x4  }
0xc8: {  	s12 =	simm.s32 @!p3 $0x0;
	p5 =	sgt.u32 s10, $0xFA2;
	_ =	swait.ge @p4 [sflag:s11], $0x2800  }
0xc9: {  	s13 =	simm.s32 @!p3 $0x1000;
	p6 =	seq.s32 @!p5 s26, $0x0;
	[sflag:s11] =	ssyncset.done @p4 $0x0  }
0xca: {  	p5 =	por p6, p5;
	[sflag:s11] =	ssyncadd.s32 @p4 $0xFFFFD800;
	s11 =	simm.s32 @!p3 $0x50  }
0xcb: {  	[tilespmem:s13], [sflag:$0x3] =	stream.indirect.gather @!p3 [hbm4b:s3+s11], $0x80, s12, s11, $0xb8;
	[tilespmem:$0x1F080] =	vst v63  }
0xcc: {  	s12 =	simm.s32 @!p5 $0x6  }
0xcd: {  	_ =	swait.ge @!p5 [sflag:s12], $0x2800  }
0xce: {  	[sflag:s12] =	ssyncset.done @!p5 $0x0  }
0xcf: {  	s14 =	simm.s32 @!p3 $0x3800;
	[sflag:s12] =	ssyncadd.s32 @!p5 $0xFFFFD800;
	s12 =	simm.s32 @!p3 $0x80  }
0xd0: {  	[tilespmem:s14], [sflag:$0x5] =	stream.indirect.gather @!p3 [hbm4b:s3+s11], $0x80, s12, s11, $0xb8;
	[tilespmem:$0x1F080] =	vst v63  }
0xd1: {  	s12 =	simm.s32 @p4 $0x8  }
0xd2: {  	_ =	swait.ge @p4 [sflag:s12], $0x2800  }
0xd3: {  	[sflag:s12] =	ssyncset.done @p4 $0x0  }
0xd4: {  	s14 =	simm.s32 @!p3 $0x6000;
	[sflag:s12] =	ssyncadd.s32 @p4 $0xFFFFD800;
	s12 =	simm.s32 @!p3 $0x100  }
0xd5: {  	[tilespmem:s14], [sflag:$0x7] =	stream.indirect.gather @!p3 [hbm4b:s3+s11], $0x80, s12, s11, $0xb8;
	[tilespmem:$0x1F080] =	vst v63  }
0xd6: {  	s12 =	simm.s32 @!p3 $0x3  }
0xd7: {  	_ =	swait.ge @!p3 [sflag:s12], $0x2800  }
0xd8: {  	[sflag:s12] =	ssyncset.done @!p3 $0x0  }
0xd9: {  	[sflag:s12] =	ssyncadd.s32 @!p3 $0xFFFFD800;
	s12 =	simm.s32 @!p3 $0x400  }
0xda: {  	[spmem:s1] =	stream.indirect.scatter.add.f32 @!p3 [tilespmem:s13], [sflag:$0x4], $0x80, s12, s11, $0xb8;
	[tilespmem:$0x1F080] =	vst v63  }
.Ltmp13:
0xdb: {  	_ = 	snop;
	(pc) =	sbr.rel @p3 .LBB2_15-.Ltmp13, $4  }
0xdc: {  	s11 =	simm.s32 @p4 $0xA  }
0xdd: {  	_ =	swait.ge @p4 [sflag:s11], $0x2800  }
0xde: {  	[sflag:s11] =	ssyncset.done @p4 $0x0  }
0xdf: {  	[sflag:s11] =	ssyncadd.s32 @p4 $0xFFFFD800  }
0xe0: {  	s11 =	simm.s32 $0x180  }
0xe1: {  	[tilespmem:s31], [sflag:$0x9] =	stream.indirect.gather [hbm4b:s3+s19], $0x80, s11, s19, $0xb8;
	[tilespmem:$0x1F080] =	vst v63  }
0xe2: {  	_ =	swait.ge [sflag:s4], $0x2800  }
0xe3: {  	[sflag:s4] =	ssyncset.done $0x0  }
0xe4: {  	s13 =	simm.s32 $0x480;
	[sflag:s4] =	ssyncadd.s32 $0xFFFFD800  }
0xe5: {  	[spmem:s1] =	stream.indirect.scatter.add.f32 [tilespmem:s28], [sflag:$0x6], $0x80, s13, s19, $0xb8;
	[tilespmem:$0x1F080] =	vst v63  }
0xe6: {  	s14 =	simm.s32 $0x800  }
0xe7: {  	[tilespmem:s14], [sflag:$0x2] =	stream.linear.gather [hbm4b:s0+s2], $0x400, $0x38;
	[tilespmem:$0x1F080] =	vst v63  }
0xe8: {  	s25 =	simm.s32 $0xC00  }
0xe9: {  	[tilespmem:s25], [sflag:$0x2] =	stream.linear.gather [hbm4b:s30+s2], $0x400, $0x38;
	[tilespmem:$0x1F080] =	vst v63  }
0xea: {  	_ =	swait.ge [sflag:s18], $0x2800  }
0xeb: {  	[sflag:s18] =	ssyncset.done $0x0  }
0xec: {  	s12 =	simm.s32 $0x200;
	[sflag:s18] =	ssyncadd.s32 $0xFFFFD800  }
0xed: {  	[tilespmem:s21], [sflag:$0x3] =	stream.indirect.gather [hbm4b:s3+s19], $0x80, s12, s19, $0xb8;
	[tilespmem:$0x1F080] =	vst v63  }
0xee: {  	s13 =	sadd.s32 $0x1, s10;
	_ =	swait.ge [sflag:s22], $0x2800  }
0xef: {  	p3 =	slt.u32 s13, s6;
	[sflag:s22] =	ssyncset.done $0x0  }
0xf0: {  	s11 =	simm.s32 @!p3 $0x6;
	s12 =	simm.s32 $0x500;
	[sflag:s22] =	ssyncadd.s32 $0xFFFFD800  }
0xf1: {  	[spmem:s1] =	stream.indirect.scatter.add.f32 [tilespmem:s24], [sflag:$0x8], $0x80, s12, s19, $0xb8;
	[tilespmem:$0x1F080] =	vst v63  }
0xf2: {  	_ =	swait.ge @!p3 [sflag:s11], $0x2800  }
0xf3: {  	[sflag:s11] =	ssyncset.done @!p3 $0x0  }
0xf4: {  	[sflag:s11] =	ssyncadd.s32 @!p3 $0xFFFFD800  }
0xf5: {  	[tilespmem:s28], [sflag:$0x5] =	stream.indirect.gather [hbm4b:s3+s19], $0x80, s8, s19, $0xb8;
	[tilespmem:$0x1F080] =	vst v63  }
0xf6: {  	s14 =	sadd.s32 $0x2, s10;
	_ =	swait.ge [sflag:s29], $0x2800  }
0xf7: {  	p3 =	slt.u32 s14, s6;
	[sflag:s29] =	ssyncset.done $0x0  }
0xf8: {  	s11 =	simm.s32 @!p3 $0x8;
	[sflag:s29] =	ssyncadd.s32 $0xFFFFD800  }
0xf9: {  	[spmem:s1] =	stream.indirect.scatter.add.f32 [tilespmem:s31], [sflag:$0xA], $0x80, s5, s19, $0xb8;
	[tilespmem:$0x1F080] =	vst v63  }
0xfa: {  	_ =	swait.ge @!p3 [sflag:s11], $0x2800  }
0xfb: {  	s25 =	sadd.s32 $0x3, s10;
	[sflag:s11] =	ssyncset.done @!p3 $0x0  }
0xfc: {  	[sflag:s11] =	ssyncadd.s32 @!p3 $0xFFFFD800;
	p3 =	slt.u32 s25, s6  }
0xfd: {  	[tilespmem:s24], [sflag:$0x7] =	stream.indirect.gather [hbm4b:s3+s19], $0x80, s7, s19, $0xb8;
	[tilespmem:$0x1F080] =	vst v63  }
.Ltmp14:
0xfe: {  	_ = 	snop;
	(pc) =	sbr.rel @p3 .LBB2_14-.Ltmp14, $4  }
.Ltmp15:
0xff: {  	_ =	swait.ge [sflag:s16], $0x2800;
	(pc) =	sbr.rel @!p3 .LBB2_13-.Ltmp15, $4  }
0x100: {  	s13 =	simm.s32 $0x380;
	s10 =	simm.s32 $0x780;
	[sflag:s16] =	ssyncset.done $0x0  }
0x101: {  	s12 =	simm.s32 $0x680;
	s11 =	simm.s32 $0x700;
	[sflag:s16] =	ssyncadd.s32 $0xFFFFD800  }
0x102: {  	[spmem:s1] =	stream.indirect.scatter.add.f32 [tilespmem:s21], [sflag:$0x4], $0x80, s20, s19, $0xb8;
	[tilespmem:$0x1F080] =	vst v63  }
0x103: {  	_ = 	snop  }
.LBB2_17:
0x104: {  	_ =	sfence.sel $0x180000  }
0x105: {  	[bflag:$0x0] =	sbarrier.arrive $0xFFFF  }
0x106: {  	_ =	strace $0x9000004A  }
0x107: {  	s0 =	stileid.u32;
	[bflag:$0x2] =	sbarrier.arrive $0xFFFF  }
0x108: {  	p0 =	sne.s32 s0, $0x0;
	s0 =	rddreg [dreg:$0x2]  }
0x109: {  	s0 =	sadd.s32 @!p0 $0x100000, s0  }
0x10a: {  	[sflag:s0] =	ssyncadd.tile.s32 @!p0 $0x1;
	_ =	shalt  }
.Lfunc_end2:
_tile_overlayer_lowered:
.L_overlay_start_2:
0x10b: {  	(tag) =	ssettag $0x2  }
0x10c: {  	s0 =	rddreg [dreg:$0x0];
	s2 =	stileid.u32  }
0x10d: {  	s1 =	rddreg [dreg:$0x1];
	p0 =	sne.s32 s2, $0x0  }
0x10e: {  	s3 =	rddreg [dreg:$0x2];
	[bflag:$0x3] =	sbarrier.arrive $0xFFFF;
	s2 =	simm.s32 @!p0 $0x1C0B  }
0x10f: {  	[timem:s3], [sflag:s2] =	dma.local @!p0 [hbm:s0], s1  }
0x110: {  	s0 =	simm.s32 @!p0 $0xB  }
0x111: {  	_ =	swait.ge @!p0 [sflag:s0], s1  }
0x112: {  	s1 =	ssub.s32 @!p0 $0x0, s1;
	[sflag:s0] =	ssyncset.done @!p0 $0x0  }
0x113: {  	[sflag:s0] =	ssyncadd.s32 @!p0 s1  }
0x114: {  	[bflag:$0x3] =	sbarrier.arrive $0xFFFF  }
0x115: {  	_ =	shalt  }

// kernel: kernel.15.cloned.1.call-start
scs
__scs_entry_jumppad:
0x0: {  	(pc) =	sbr.rel $0x88, $3  }
0x1: {  	(tag) =	ssettag $0x0;
	lr =	simm.s32 $0x1  }
0x2: {  	[smem:$0x3F9B] =	sst lr;
	_ =	strace $0xD0000000  }
0x3: {  	_ = 	snop  }
0x4: {  	_ = 	snop  }
0x5: {  	_ = 	snop  }
0x6: {  	_ = 	snop  }
0x7: {  	_ = 	snop  }
__scs_overlays_trampoline_lowered:
0x8: {  	[smem:$0x3FAA] =	sst s0  }
0x9: {  	[smem:$0x3FAB] =	sst s1  }
0xa: {  	[smem:$0x3FAC] =	sst s2  }
0xb: {  	[smem:$0x3FAD] =	sst s3  }
0xc: {  	[smem:$0x3FAE] =	sst s4  }
0xd: {  	[smem:$0x3FAF] =	sst s5  }
0xe: {  	[smem:$0x3FB0] =	sst s6  }
0xf: {  	[smem:$0x3FB1] =	sst s7  }
0x10: {  	[smem:$0x3FB2] =	sst s8  }
0x11: {  	[smem:$0x3FB3] =	sst s9;
	s0 =	simm.s32 @!p0 $0x0  }
0x12: {  	s1 =	sld [smem:$0x3F99];
	s0 =	simm.s32 @p0 $0x1  }
0x13: {  	[smem:$0x3FB4] =	sst s0;
	s0 =	simm.s32 @!p1 $0x0  }
0x14: {  	s2 =	sld [smem:$0x3F98];
	s0 =	simm.s32 @p1 $0x1  }
0x15: {  	[smem:$0x3FB5] =	sst s0;
	s0 =	simm.s32 @!p2 $0x0  }
0x16: {  	s3 =	sld [smem:$0x3FDB];
	s0 =	simm.s32 @p2 $0x1  }
0x17: {  	s4 =	simm.s32 $0x1BF5;
	[smem:$0x3FB7] =	sst s0  }
0x18: {  	s0 =	sld [smem:$0x3F9A];
	_ =	swait.ge [sflag:s4], $0x0  }
0x19: {  	s7 =	sld [smem:$0x3F9B]  }
0x1a: {  	s8 =	sadd.s32 $0xFFFFE003, lr  }
0x1b: {  	s9 =	sadd.s32 $0xFFFFFEF7, lr;
	s5 =	simm.s32 $0xFFFFFFFF;
	p2 =	slt.u32 s8, $0xFFFFF086  }
0x1c: {  	p1 =	slt.u32 s9, $0xF7A;
	s5 =	simm.s32 @!p2 $0x0  }
0x1d: {  	s5 =	simm.s32 @p1 $0x1;
	p0 =	seq.s32 s7, s2  }
0x1e: {  	s7 =	smul.u32 @!p0 $0xF7A, s2;
	p2 =	seq.s32 @!p0 s5, $0x0  }
0x1f: {  	s9 =	smul.u32 $0xF7A, s1;
	s8 =	simm.s32 @!p0 $0x1BF5;
	p2 =	por !p2, p0  }
0x20: {  	[sflag:s8] =	ssyncset.s32 @!p0 $0xFFFFF086;
	s6 =	sadd.s32 @!p0 s3, s7;
	s7 =	simm.s32 @!p0 $0x108  }
0x21: {  	s3 =	sadd.s32 s3, s9;
	s6 =	sadd.s32 @!p0 $0x88, s6;
	s7 =	simm.s32 @p2 $0x1082  }
0x22: {  	[simem:s7], [sflag:s8] =	dma.local @!p0 [hbm:s6], $0xF7A  }
0x23: {  	s9 =	sor.u32 $0xD0000000, s2;
	s6 =	simm.s32 $0x108;
	_ =	swait.ge @!p0 [sflag:s8], $0x0  }
0x24: {  	s3 =	sadd.s32 $0x88, s3;
	s6 =	simm.s32 @!p1 $0x1082;
	[sflag:s4] =	ssyncset.s32 $0xFFFFF086  }
0x25: {  	[simem:s6], [sflag:s4] =	dma.local [hbm:s3], $0xF7A  }
0x26: {  	[smem:$0x3F9B] =	sst s1;
	(tag) =	ssettag s2;
	_ =	strace s9  }
0x27: {  	s1 =	sld [smem:$0x3FAB]  }
0x28: {  	s2 =	sld [smem:$0x3FAC]  }
0x29: {  	s4 =	sld [smem:$0x3FAE]  }
0x2a: {  	p0 =	seq.s32 s5, $0x0;
	s5 =	sld [smem:$0x3FAF]  }
0x2b: {  	s6 =	sld [smem:$0x3FB0]  }
0x2c: {  	s7 =	sld [smem:$0x3FB1]  }
0x2d: {  	s3 =	simm.s32 $0x108;
	s8 =	sld [smem:$0x3FB2]  }
0x2e: {  	s3 =	simm.s32 @!p0 $0x1082;
	s9 =	sld [smem:$0x3FB3]  }
0x2f: {  	lr =	sadd.s32 s0, s3;
	s0 =	sld [smem:$0x3FAA]  }
0x30: {  	s3 =	sld [smem:$0x3FAD]  }
0x31: {  	[smem:$0x3FB6] =	sst s10  }
0x32: {  	s10 =	sld [smem:$0x3FB4];
	_ =	sdelay $0x3  }
0x33: {  	p0 =	seq.s32 s10, $0x1;
	s10 =	sld [smem:$0x3FB6];
	_ =	sdelay $0x3  }
0x34: {  	[smem:$0x3FB6] =	sst s10  }
0x35: {  	s10 =	sld [smem:$0x3FB5];
	_ =	sdelay $0x3  }
0x36: {  	p1 =	seq.s32 s10, $0x1;
	s10 =	sld [smem:$0x3FB6];
	_ =	sdelay $0x3  }
0x37: {  	[smem:$0x3FB6] =	sst s10  }
0x38: {  	s10 =	sld [smem:$0x3FB7]  }
0x39: {  	_ = 	snop;
	(pc) =	sbr.ind lr, $3  }
0x3a: {  	_ = 	snop  }
0x3b: {  	_ = 	snop  }
0x3c: {  	p2 =	seq.s32 s10, $0x1;
	s10 =	sld [smem:$0x3FB6]  }
0x3d: {  	_ =	shalt  }
0x3e: {  	_ =	shalt  }
0x3f: {  	_ =	shalt  }
0x40: {  	_ =	shalt  }
0x41: {  	_ =	shalt  }
0x42: {  	_ =	shalt  }
0x43: {  	_ =	shalt  }
0x44: {  	_ =	shalt  }
0x45: {  	_ =	shalt  }
0x46: {  	_ =	shalt  }
0x47: {  	_ =	shalt  }
0x48: {  	_ =	shalt  }
0x49: {  	_ =	shalt  }
0x4a: {  	_ =	shalt  }
0x4b: {  	_ =	shalt  }
0x4c: {  	_ =	shalt  }
0x4d: {  	_ =	shalt  }
0x4e: {  	_ =	shalt  }
0x4f: {  	_ =	shalt  }
0x50: {  	_ =	shalt  }
0x51: {  	_ =	shalt  }
0x52: {  	_ =	shalt  }
0x53: {  	_ =	shalt  }
0x54: {  	_ =	shalt  }
0x55: {  	_ =	shalt  }
0x56: {  	_ =	shalt  }
0x57: {  	_ =	shalt  }
0x58: {  	_ =	shalt  }
0x59: {  	_ =	shalt  }
0x5a: {  	_ =	shalt  }
0x5b: {  	_ =	shalt  }
0x5c: {  	_ =	shalt  }
0x5d: {  	_ =	shalt  }
0x5e: {  	_ =	shalt  }
0x5f: {  	_ =	shalt  }
0x60: {  	_ =	shalt  }
0x61: {  	_ =	shalt  }
0x62: {  	_ =	shalt  }
0x63: {  	_ =	shalt  }
0x64: {  	_ =	shalt  }
0x65: {  	_ =	shalt  }
0x66: {  	_ =	shalt  }
0x67: {  	_ =	shalt  }
0x68: {  	_ =	shalt  }
0x69: {  	_ =	shalt  }
0x6a: {  	_ =	shalt  }
0x6b: {  	_ =	shalt  }
0x6c: {  	_ =	shalt  }
0x6d: {  	_ =	shalt  }
0x6e: {  	_ =	shalt  }
0x6f: {  	_ =	shalt  }
0x70: {  	_ =	shalt  }
0x71: {  	_ =	shalt  }
0x72: {  	_ =	shalt  }
0x73: {  	_ =	shalt  }
0x74: {  	_ =	shalt  }
0x75: {  	_ =	shalt  }
0x76: {  	_ =	shalt  }
0x77: {  	_ =	shalt  }
0x78: {  	_ =	shalt  }
0x79: {  	_ =	shalt  }
0x7a: {  	_ =	shalt  }
0x7b: {  	_ =	shalt  }
0x7c: {  	_ =	shalt  }
0x7d: {  	_ =	shalt  }
0x7e: {  	_ =	shalt  }
0x7f: {  	_ =	shalt  }
0x80: {  	_ =	shalt  }
0x81: {  	_ =	shalt  }
0x82: {  	_ =	shalt  }
0x83: {  	_ =	shalt  }
0x84: {  	_ =	shalt  }
0x85: {  	_ =	shalt  }
0x86: {  	_ =	shalt  }
0x87: {  	_ =	shalt  }
.Lfunc_end0:
.L_simem_size_0:
called_computation.2_lowered:
.L_overlay_start_0:
0x88: {  	s2 =	sld [smem:$0x3FD9]  }
0x89: {  	s3 =	sld [smem:$0x3FFE];
	_ =	sdelay $0x1  }
0x8a: {  	s1 =	srdreg.scid  }
0x8b: {  	s0 =	sand.u32 $0x1, s1  }
0x8c: {  	s16 =	sshll.u32 s0, $0xA;
	s2 =	sadd.s32 s3, s2  }
0x8d: {  	s2 =	sadd.s32 s2, s16  }
0x8e: {  	[smem:$0x3FC2] =	sst s2  }
0x8f: {  	_ = 	snop  }
0x90: {  	(tm) =	ssettm $0x1  }
0x91: {  	s17 =	sld [smem:$0x3FFB];
	_ =	sdelay $0x3  }
0x92: {  	_ =	strace s17  }
0x93: {  	s2 =	sld [smem:$0x3FFC];
	_ =	sdelay $0x3  }
0x94: {  	_ =	strace s2  }
0x95: {  	s2 =	sld [smem:$0x3FFD];
	_ =	sdelay $0x3  }
0x96: {  	_ =	strace s2  }
0x97: {  	_ =	strace $0x8FFFFFFF  }
0x98: {  	s18 =	sld [smem:$0x3FDB];
	_ =	sdelay $0x1  }
0x99: {  	s19 =	simm.s32 $_scs_section_size  }
0x9a: {  	s4 =	simm.s32 $_size__tile_overlayer_lowered;
	s5 =	simm.s32 $_tile_overlayer_lowered  }
0x9b: {  	s22 =	simm.s32 $0x1BFF;
	s21 =	sshll.u32 s5, $0x1;
	s2 =	sadd.s32 s19, s18  }
0x9c: {  	s6 =	simm.s32 $0x0;
	s20 =	sshll.u32 s4, $0x1;
	s4 =	sadd.s32 s21, s2  }
0x9d: {  	[timem:s6], [sflag:s22] =	dma.local [hbm:s4], s20  }
0x9e: {  	_ =	swait.ge [sflag:s22], s20  }
0x9f: {  	s3 =	ssub.s32 $0x0, s20;
	[sflag:s22] =	ssyncset.done $0x0  }
0xa0: {  	[sflag:s22] =	ssyncadd.s32 s3;
	_ =	sdelay $0x1  }
0xa1: {  	s23 =	simm.s32 $0x1B8B  }
0xa2: {  	_ =	swait.ge [sflag:s23], $0x1  }
0xa3: {  	[sflag:s23] =	ssyncset.done $0x0  }
0xa4: {  	s25 =	simm.s32 $0x1B8E;
	s24 =	sld [smem:$0x3FFE];
	[sflag:s23] =	ssyncadd.s32 $0xFFFFFFFF  }
0xa5: {  	s26 =	simm.s32 $execute0_lowered;
	[smem:$0x3FD2] =	sst s25  }
0xa6: {  	s4 =	sshll.u32 s26, $0x1;
	_ =	strace $0x8000004C;
	[dreg:$0x1] =	wrdreg $0xFFFFFFFF  }
0xa7: {  	s28 =	simm.s32 $_size_execute0_lowered;
	s2 =	sadd.s32 s2, s4;
	[dreg:$0x0] =	wrdreg $0x0  }
0xa8: {  	s4 =	sshll.u32 s28, $0x1;
	[dreg:$0x2] =	wrdreg s2  }
0xa9: {  	[dreg:$0x3] =	wrdreg s4  }
0xaa: {  	[dreg:$0x4] =	wrdreg $0xC0  }
0xab: {  	_ =	task [dreg:s6], $0x5FFFF  }
0xac: {  	[dreg:$0x1] =	wrdreg $0xFFFFFFFF  }
0xad: {  	[dreg:$0x0] =	wrdreg $0x60  }
0xae: {  	[dreg:$0x2] =	wrdreg s24  }
0xaf: {  	[dreg:$0x3] =	wrdreg $0xB8000  }
0xb0: {  	[dreg:$0x4] =	wrdreg $0x9  }
0xb1: {  	_ =	task.clear_ibuf [dreg:s6], $0x5FFFF;
	_ =	strace $0x9000004C  }
0xb2: {  	s29 =	simm.s32 $0x9;
	_ =	strace $0x8000004E  }
0xb3: {  	_ =	swait.ge [sflag:s29], $0x1  }
0xb4: {  	[sflag:s29] =	ssyncadd.s32 $0xFFFFFFFF  }
0xb5: {  	_ =	strace $0x9000004E  }
0xb6: {  	_ =	sfence  }
0xb7: {  	s30 =	sld [smem:$0x0];
	_ =	sdelay $0x2  }
0xb8: {  	s31 =	sshll.u32 s1, $0xD;
	s1 =	sshrl.u32 s1, $0x2  }
0xb9: {  	s3 =	sand.u32 $0x4000, s31;
	s1 =	sadd.s32 s1, s30  }
0xba: {  	s0 =	sor.u32 s3, s0;
	s1 =	sshll.u32 s1, $0x11  }
0xbb: {  	s0 =	sor.u32 s1, s0  }
0xbc: {  	s0 =	sadd.s32 $0x8F2B, s0  }
0xbd: {  	[sflag:s0] =	ssyncadd.remote.s32 $0x1  }
0xbe: {  	_ =	sfence.sel $0xFFFF  }
0xbf: {  	[dreg:$0x0] =	wrdreg $0xFFFFFFFF;
	(pc) =	sbr.abs _section_cstart, $3  }
0xc0: {  	[dreg:$0x1] =	wrdreg $0xFFFFFFFF  }
0xc1: {  	_ =	task.clear_ibuf [dreg:s6], $0x2FFFF;
	_ =	strace $0x9FFFFFFF  }
0xc2: {  	(tm) =	ssettm $0x7FFFFFFF  }
0xc3: {  	_ =	shalt  }
tec
execute0_lowered:
.L_overlay_start_1:
0x0: {  	(tag) =	ssettag $0x1  }
0x1: {  	s0 =	rddreg [dreg:$0x0]  }
0x2: {  	s1 =	rddreg [dreg:$0x1];
	s2 =	simm.s32 $0x0  }
0x3: {  	s3 =	srdreg.scid;
	s13 =	stileid.u32;
	s14 =	simm.s32 $0x28  }
0x4: {  	s16 =	simm.s32 $0x3;
	s18 =	simm.s32 $0x4;
	s19 =	simm.s32 $0x50  }
0x5: {  	s21 =	simm.s32 $0x1000;
	s28 =	simm.s32 $0x3800;
	s29 =	simm.s32 $0x9  }
0x6: {  	s31 =	simm.s32 $0x8800;
	s20 =	simm.s32 $0x600;
	[smem:$0x7FF] =	sst s2  }
0x7: {  	s4 =	sand.u32 $0x1, s3;
	s3 =	sadd.s32 $0x13200, s0;
	s7 =	sadd.s32 $0x61400, s0  }
0x8: {  	s8 =	sadd.s32 $0x3200, s0;
	s0 =	sadd.s32 $0x98600, s0;
	s22 =	smul.u32 $0x4E000, s13  }
0x9: {  	p0 =	seq.s32 s13, $0xF;
	s10 =	sshll.u32 s13, $0x7;
	s23 =	smul.u32 $0x13800, s13  }
0xa: {  	s30 =	sshll.u32 s13, $0xB;
	p1 =	sne.s32 s13, $0xF;
	_ =	strace $0x8000004D  }
0xb: {  	s5 =	ssub.s32 $0x2, s4;
	s9 =	sshll.u32 s4, $0xB;
	s11 =	smul.u32 $0x138800, s4  }
0xc: {  	s14 =	simm.s32 @!p0 $0x27;
	s26 =	sshll.u32 s4, $0xF;
	s6 =	sshrl.u32 s5, $0x1  }
0xd: {  	s12 =	sshrl.u32 s22, $0x2;
	s4 =	sadd.s32 s26, s7;
	s22 =	simm.s32 $0x7  }
0xe: {  	[dreg:$0x3] =	wrdreg s14;
	s5 =	ssub.s32 s5, s6;
	s6 =	sor.u32 s10, s9  }
0xf: {  	s12 =	sadd.s32 s12, s1;
	s9 =	sadd.s32 s23, s11;
	s11 =	sshrl.u32 s11, $0x3  }
0x10: {  	s4 =	sadd.s32 s30, s4;
	s23 =	simm.s32 $0x0;
	s10 =	sshll.u32 s6, $0x4  }
0x11: {  	s9 =	sshrl.u32 s9, $0x3;
	s24 =	sadd.s32 s0, s11;
	s5 =	smax.u32 s5, $0x1  }
0x12: {  	s4 =	sadd.s32 $0x80, s4;
	p0 =	sgt.u32 s6, $0xF23;
	[dreg:$0x4] =	wrdreg s12  }
0x13: {  	s15 =	sadd.s32 s7, s10;
	s10 =	sadd.s32 s8, s10;
	[dreg:$0x9] =	wrdreg s5  }
0x14: {  	s0 =	sadd.s32 s0, s9;
	s25 =	sadd.s32 $0x27000, s24;
	[dreg:$0xa] =	wrdreg s4  }
0x15: {  	p2 =	sgt.u32 @!p0 s6, $0xF21;
	s24 =	simm.s32 $0x6000;
	s4 =	simm.s32 $0x5  }
0x16: {  	s9 =	simm.s32 $0xA;
	s5 =	simm.s32 $0x580;
	[dreg:$0x5] =	wrdreg s15  }
.Ltmp0:
0x17: {  	[dreg:$0x7] =	wrdreg s0;
	s0 =	sadd.s32 s26, s8;
	(pc) =	sbr.rel .LBB2_1-.Ltmp0, $4  }
0x18: {  	s7 =	simm.s32 $0x300;
	[dreg:$0x6] =	wrdreg s10;
	s0 =	sadd.s32 s30, s0  }
0x19: {  	[dreg:$0x8] =	wrdreg s25;
	s8 =	sadd.s32 $0x138000, s1;
	s0 =	sadd.s32 $0x80, s0  }
0x1a: {  	s15 =	simm.s32 $0xB000;
	[dreg:$0xb] =	wrdreg s0;
	s0 =	sshrl.u32 @!p1 s8, $0x3  }
0x1b: {  	v0 =	vimm.f32 $0.0e+00;
	p2 =	por p2, p0;
	s8 =	simm.s32 $0x280;
	[dreg:$0xc] =	wrdreg s0  }
.LBB2_16:
0x1c: {  	s0 =	simm.s32 @!p0 $0x4  }
0x1d: {  	_ =	swait.ge @!p0 [sflag:s0], $0x2800  }
0x1e: {  	[sflag:s0] =	ssyncset.done @!p0 $0x0  }
0x1f: {  	[sflag:s0] =	ssyncadd.s32 @!p0 $0xFFFFD800;
	s0 =	simm.s32 @!p0 $0x6  }
0x20: {  	_ =	swait.ge @!p0 [sflag:s0], $0x2800  }
0x21: {  	[sflag:s0] =	ssyncset.done @!p0 $0x0  }
0x22: {  	[sflag:s0] =	ssyncadd.s32 @!p0 $0xFFFFD800;
	s0 =	simm.s32 @!p2 $0x8  }
0x23: {  	_ =	swait.ge @!p2 [sflag:s0], $0x2800  }
0x24: {  	[sflag:s0] =	ssyncset.done @!p2 $0x0  }
0x25: {  	[sflag:s0] =	ssyncadd.s32 @!p2 $0xFFFFD800;
	s0 =	simm.s32 @!p2 $0xA  }
0x26: {  	_ =	swait.ge @!p2 [sflag:s0], $0x2800  }
0x27: {  	[sflag:s0] =	ssyncset.done @!p2 $0x0  }
0x28: {  	[sflag:s0] =	ssyncadd.s32 @!p2 $0xFFFFD800  }
0x29: {  	s25 =	stileid.u32;
	[bflag:$0x0] =	sbarrier.arrive $0xFFFF  }
0x2a: {  	s26 =	simm.s32 $0xB;
	s0 =	sshll.u32 s25, $0x6;
	s12 =	rddreg [dreg:$0x4]  }
0x2b: {  	s0 =	sor.u32 $0x1C0B, s0;
	s11 =	rddreg [dreg:$0x7];
	s10 =	sshrl.u32 s12, $0x3  }
0x2c: {  	[hbm:s11], [sflag:s0] =	dma.local [spmem:s10], $0x2700  }
0x2d: {  	_ =	swait.ge [sflag:s26], $0x2700  }
0x2e: {  	[sflag:s26] =	ssyncset.done $0x0;
	s10 =	rddreg [dreg:$0x8]  }
0x2f: {  	s11 =	rddreg [dreg:$0xc];
	[sflag:s26] =	ssyncadd.s32 $0xFFFFD900  }
0x30: {  	[hbm:s10], [sflag:s0] =	dma.local @!p1 [spmem:s11], $0x100  }
0x31: {  	s0 =	simm.s32 @!p1 $0xB  }
0x32: {  	_ =	swait.ge @!p1 [sflag:s0], $0x100  }
0x33: {  	s23 =	sadd.s32 $0x1, s23;
	s30 =	rddreg [dreg:$0x9]  }
0x34: {  	p3 =	sne.s32 s23, s30  }
.Ltmp1:
0x35: {  	_ = 	snop;
	(pc) =	sbr.rel @!p3 .LBB2_17-.Ltmp1, $3  }
0x36: {  	_ =	sdelay $0x1  }
0x37: {  	[sflag:s0] =	ssyncset.done @!p1 $0x0  }
0x38: {  	s14 =	rddreg [dreg:$0x3];
	[sflag:s0] =	ssyncadd.s32 @!p1 $0xFFFFFF00  }
.LBB2_1:
0x39: {  	s0 =	simm.s32 $0x0;
	s10 =	simm.s32 $0x200  }
.LBB2_2:
0x3a: {  	p3 =	sne.s32 s10, $0x1E00;
	[tilespmem:s0+$0xB070] =	vst v0  }
0x3b: {  	[tilespmem:s0+$0xB000] =	vst v0  }
0x3c: {  	[tilespmem:s0+$0xB010] =	vst v0  }
.Ltmp2:
0x3d: {  	[tilespmem:s0+$0xB020] =	vst v0;
	(pc) =	sbr.rel @p3 .LBB2_2-.Ltmp2, $4  }
0x3e: {  	[tilespmem:s0+$0xB030] =	vst v0  }
0x3f: {  	[tilespmem:s0+$0xB040] =	vst v0  }
0x40: {  	[tilespmem:s0+$0xB050] =	vst v0  }
0x41: {  	[tilespmem:s0+$0xB060] =	vst v0;
	s0 =	sshra.s32 s10, $0x2;
	s10 =	sadd.s32 $0x200, s10  }
0x42: {  	[tilespmem:s0+$0xB070] =	vst v0  }
0x43: {  	[tilespmem:s0+$0xB000] =	vst v0  }
0x44: {  	[tilespmem:s0+$0xB010] =	vst v0  }
0x45: {  	[tilespmem:s0+$0xB020] =	vst v0;
	p3 =	sne.s32 s14, $0x1  }
.Ltmp3:
0x46: {  	[tilespmem:s0+$0xB030] =	vst v0;
	(pc) =	sbr.rel @!p3 .LBB2_5-.Ltmp3, $4  }
0x47: {  	[tilespmem:s0+$0xB040] =	vst v0  }
0x48: {  	[tilespmem:s0+$0xB050] =	vst v0  }
0x49: {  	[tilespmem:s0+$0xB060] =	vst v0;
	s0 =	sadd.s32 $0xFFFFFFFF, s14;
	s10 =	smov.u32 s12  }
0x4a: {  	[spmem:s12] =	stream.linear.scatter [tilespmem:s15], [sflag:$0x3], $0x800, $0x38;
	[tilespmem:$0x1F080] =	vst v63  }
.LBB2_4:
0x4b: {  	p4 =	sne.s32 s0, $0x1  }
.Ltmp4:
0x4c: {  	_ = 	snop;
	(pc) =	sbr.rel @p4 .LBB2_4-.Ltmp4, $3  }
0x4d: {  	_ = 	snop  }
0x4e: {  	s0 =	sadd.s32 $0xFFFFFFFF, s0;
	s10 =	sadd.s32 $0x800, s10;
	_ =	sdelay $0x1  }
0x4f: {  	[spmem:s10] =	stream.linear.scatter [tilespmem:s15], [sflag:$0x3], $0x800, $0x38;
	[tilespmem:$0x1F080] =	vst v63  }
.LBB2_5:
.Ltmp5:
0x50: {  	(pc) =	sbr.rel @!p3 .LBB2_7-.Ltmp5, $3  }
0x51: {  	_ =	sdelay $0x1  }
0x52: {  	_ =	swait.ge [sflag:s16], $0x800  }
0x53: {  	s0 =	sadd.s32 $0xFFFFFFFF, s14;
	[sflag:s16] =	ssyncset.done $0x0  }
.LBB2_6:
0x54: {  	p3 =	sne.s32 s0, $0x1;
	s0 =	sadd.s32 $0xFFFFFFFF, s0;
	[sflag:s16] =	ssyncadd.s32 $0xFFFFF800  }
.Ltmp6:
0x55: {  	(pc) =	sbr.rel @p3 .LBB2_6-.Ltmp6, $3  }
0x56: {  	_ =	sdelay $0x1  }
0x57: {  	_ =	swait.ge [sflag:s16], $0x800  }
0x58: {  	[sflag:s16] =	ssyncset.done $0x0  }
.LBB2_7:
0x59: {  	[sflag:s16] =	ssyncadd.s32 $0xFFFFF800  }
0x5a: {  	[bflag:$0x0] =	sbarrier.arrive $0xFFFF  }
0x5b: {  	s0 =	rddreg [dreg:$0x5]  }
.Ltmp7:
0x5c: {  	s25 =	rddreg [dreg:$0x6];
	(pc) =	sbr.rel .LBB2_8-.Ltmp7, $4  }
0x5d: {  	s26 =	simm.s32 $0x0;
	s30 =	rddreg [dreg:$0xb]  }
0x5e: {  	[tilespmem:s26], [sflag:$0x1] =	stream.linear.gather [hbm4b:s0+s26], $0x400, $0x38;
	[tilespmem:$0x1F080] =	vst v63  }
0x5f: {  	s10 =	simm.s32 $0x400;
	s17 =	simm.s32 $0x0;
	s0 =	rddreg [dreg:$0xa]  }
0x60: {  	[tilespmem:s10], [sflag:$0x1] =	stream.linear.gather [hbm4b:s25+s26], $0x400, $0x38;
	[tilespmem:$0x1F080] =	vst v63  }
.LBB2_13:
0x61: {  	_ =	swait.ge [sflag:s9], $0x2800  }
0x62: {  	[sflag:s9] =	ssyncset.done $0x0  }
0x63: {  	[sflag:s9] =	ssyncadd.s32 $0xFFFFD800  }
.LBB2_14:
0x64: {  	[tilespmem:s31], [sflag:$0x9] =	stream.indirect.gather [hbm4b:s3+s19], $0x80, s13, s19, $0xb8;
	[tilespmem:$0x1F080] =	vst v63  }
0x65: {  	_ =	swait.ge [sflag:s4], $0x2800  }
0x66: {  	[sflag:s4] =	ssyncset.done $0x0  }
0x67: {  	[sflag:s4] =	ssyncadd.s32 $0xFFFFD800  }
0x68: {  	[spmem:s1] =	stream.indirect.scatter.add.f32 [tilespmem:s28], [sflag:$0x6], $0x80, s12, s19, $0xb8;
	[tilespmem:$0x1F080] =	vst v63  }
0x69: {  	_ =	swait.ge [sflag:s22], $0x2800  }
0x6a: {  	[sflag:s22] =	ssyncset.done $0x0  }
0x6b: {  	[sflag:s22] =	ssyncadd.s32 $0xFFFFD800  }
0x6c: {  	[spmem:s1] =	stream.indirect.scatter.add.f32 [tilespmem:s24], [sflag:$0x8], $0x80, s11, s19, $0xb8;
	[tilespmem:$0x1F080] =	vst v63  }
0x6d: {  	_ =	swait.ge [sflag:s29], $0x2800  }
0x6e: {  	[sflag:s29] =	ssyncset.done $0x0  }
0x6f: {  	[sflag:s29] =	ssyncadd.s32 $0xFFFFD800  }
0x70: {  	[spmem:s1] =	stream.indirect.scatter.add.f32 [tilespmem:s31], [sflag:$0xA], $0x80, s10, s19, $0xb8;
	[tilespmem:$0x1F080] =	vst v63  }
.LBB2_15:
0x71: {  	s26 =	sadd.s32 $0x8, s26  }
0x72: {  	p3 =	sne.s32 s26, $0x80  }
.Ltmp8:
0x73: {  	_ = 	snop;
	(pc) =	sbr.rel @!p3 .LBB2_16-.Ltmp8, $2  }
0x74: {  	_ =	sdelay $0x2  }
0x75: {  	s17 =	sadd.s32 $0x1, s17;
	s0 =	sadd.s32 $0x80, s0;
	s30 =	sadd.s32 $0x80, s30  }
.LBB2_8:
0x76: {  	s10 =	sand.u32 $0x1, s17  }
0x77: {  	p4 =	seq.s32 s10, $0x1  }
.Ltmp9:
0x78: {  	_ = 	snop;
	(pc) =	sbr.rel @!p4 .LBB2_9-.Ltmp9, $3  }
0x79: {  	_ =	sdelay $0x1  }
0x7a: {  	s10 =	sadd.s32 s26, s6  }
0x7b: {  	p3 =	sgt.u32 s10, $0xF9F  }
0x7c: {  	s11 =	simm.s32 @!p3 $0x2  }
0x7d: {  	_ =	swait.ge @!p3 [sflag:s11], $0x400  }
0x7e: {  	[sflag:s11] =	ssyncset.done @!p3 $0x0  }
0x7f: {  	[sflag:s11] =	ssyncadd.s32 @!p3 $0xFFFFFC00  }
0x80: {  	_ =	swait.ge @!p3 [sflag:s11], $0x400  }
0x81: {  	[sflag:s11] =	ssyncset.done @!p3 $0x0  }
0x82: {  	[sflag:s11] =	ssyncadd.s32 @!p3 $0xFFFFFC00;
	s11 =	simm.s32 @!p3 $0x4  }
0x83: {  	_ =	swait.ge @!p3 [sflag:s11], $0x2800  }
0x84: {  	s12 =	simm.s32 @!p3 $0x800;
	s13 =	simm.s32 @!p3 $0x1000;
	[sflag:s11] =	ssyncset.done @!p3 $0x0  }
0x85: {  	p4 =	sgt.u32 s10, $0xFA2;
	[sflag:s11] =	ssyncadd.s32 @!p3 $0xFFFFD800;
	s11 =	simm.s32 @!p3 $0x50  }
0x86: {  	[tilespmem:s13], [sflag:$0x3] =	stream.indirect.gather @!p3 [hbm4b:s3+s11], $0x80, s12, s11, $0xb8;
	[tilespmem:$0x1F080] =	vst v63  }
0x87: {  	s12 =	simm.s32 @!p4 $0x6  }
0x88: {  	_ =	swait.ge @!p4 [sflag:s12], $0x2800  }
0x89: {  	[sflag:s12] =	ssyncset.done @!p4 $0x0  }
0x8a: {  	s14 =	simm.s32 @!p3 $0x3800;
	[sflag:s12] =	ssyncadd.s32 @!p4 $0xFFFFD800;
	s12 =	simm.s32 @!p3 $0x880  }
0x8b: {  	[tilespmem:s14], [sflag:$0x5] =	stream.indirect.gather @!p3 [hbm4b:s3+s11], $0x80, s12, s11, $0xb8;
	[tilespmem:$0x1F080] =	vst v63  }
0x8c: {  	s12 =	simm.s32 @!p3 $0x8  }
0x8d: {  	_ =	swait.ge @!p3 [sflag:s12], $0x2800  }
0x8e: {  	[sflag:s12] =	ssyncset.done @!p3 $0x0  }
0x8f: {  	s25 =	simm.s32 @!p3 $0x6000;
	[sflag:s12] =	ssyncadd.s32 @!p3 $0xFFFFD800;
	s12 =	simm.s32 @!p3 $0x900  }
0x90: {  	[tilespmem:s25], [sflag:$0x7] =	stream.indirect.gather @!p3 [hbm4b:s3+s11], $0x80, s12, s11, $0xb8;
	[tilespmem:$0x1F080] =	vst v63  }
0x91: {  	s12 =	simm.s32 @!p3 $0x3  }
0x92: {  	_ =	swait.ge @!p3 [sflag:s12], $0x2800  }
0x93: {  	[sflag:s12] =	ssyncset.done @!p3 $0x0  }
0x94: {  	[sflag:s12] =	ssyncadd.s32 @!p3 $0xFFFFD800;
	s12 =	simm.s32 @!p3 $0xC00  }
0x95: {  	[spmem:s1] =	stream.indirect.scatter.add.f32 @!p3 [tilespmem:s13], [sflag:$0x4], $0x80, s12, s11, $0xb8;
	[tilespmem:$0x1F080] =	vst v63  }
0x96: {  	s12 =	simm.s32 @!p3 $0xA  }
0x97: {  	_ =	swait.ge @!p3 [sflag:s12], $0x2800  }
0x98: {  	[sflag:s12] =	ssyncset.done @!p3 $0x0  }
0x99: {  	s13 =	simm.s32 @!p3 $0x8800;
	[sflag:s12] =	ssyncadd.s32 @!p3 $0xFFFFD800;
	s12 =	simm.s32 @!p3 $0x980  }
0x9a: {  	[tilespmem:s13], [sflag:$0x9] =	stream.indirect.gather @!p3 [hbm4b:s3+s11], $0x80, s12, s11, $0xb8;
	[tilespmem:$0x1F080] =	vst v63  }
0x9b: {  	s12 =	simm.s32 @!p3 $0x5  }
0x9c: {  	_ =	swait.ge @!p3 [sflag:s12], $0x2800  }
0x9d: {  	[sflag:s12] =	ssyncset.done @!p3 $0x0  }
0x9e: {  	[sflag:s12] =	ssyncadd.s32 @!p3 $0xFFFFD800;
	s12 =	simm.s32 @!p3 $0xC80  }
0x9f: {  	[spmem:s1] =	stream.indirect.scatter.add.f32 @!p3 [tilespmem:s14], [sflag:$0x6], $0x80, s12, s11, $0xb8;
	[tilespmem:$0x1F080] =	vst v63  }
0xa0: {  	p4 =	seq.s32 s26, $0x78;
	s11 =	sadd.s32 $0x8, s10  }
0xa1: {  	p5 =	sgt.u32 @!p4 s11, $0xF9F  }
.Ltmp10:
0xa2: {  	p4 =	por p5, p4;
	(pc) =	sbr.rel @p3 .LBB2_15-.Ltmp10, $4  }
0xa3: {  	s11 =	simm.s32 @!p4 $0x0  }
0xa4: {  	[tilespmem:s11], [sflag:$0x1] =	stream.linear.gather @!p4 [hbm4b:s0+s11], $0x400, $0x38;
	[tilespmem:$0x1F080] =	vst v63  }
0xa5: {  	s12 =	simm.s32 @!p4 $0x400  }
0xa6: {  	[tilespmem:s12], [sflag:$0x1] =	stream.linear.gather @!p4 [hbm4b:s30+s11], $0x400, $0x38;
	[tilespmem:$0x1F080] =	vst v63  }
0xa7: {  	_ =	swait.ge [sflag:s18], $0x2800  }
0xa8: {  	[sflag:s18] =	ssyncset.done $0x0  }
0xa9: {  	s11 =	simm.s32 $0xA00;
	[sflag:s18] =	ssyncadd.s32 $0xFFFFD800  }
0xaa: {  	[tilespmem:s21], [sflag:$0x3] =	stream.indirect.gather [hbm4b:s3+s19], $0x80, s11, s19, $0xb8;
	[tilespmem:$0x1F080] =	vst v63  }
0xab: {  	s25 =	sadd.s32 $0x1, s10;
	_ =	swait.ge [sflag:s22], $0x2800  }
0xac: {  	p3 =	slt.u32 s25, s6;
	[sflag:s22] =	ssyncset.done $0x0  }
0xad: {  	s12 =	simm.s32 $0xD00;
	s11 =	simm.s32 @!p3 $0x6;
	[sflag:s22] =	ssyncadd.s32 $0xFFFFD800  }
0xae: {  	[spmem:s1] =	stream.indirect.scatter.add.f32 [tilespmem:s24], [sflag:$0x8], $0x80, s12, s19, $0xb8;
	[tilespmem:$0x1F080] =	vst v63  }
0xaf: {  	_ =	swait.ge @!p3 [sflag:s11], $0x2800  }
0xb0: {  	[sflag:s11] =	ssyncset.done @!p3 $0x0  }
0xb1: {  	s13 =	simm.s32 $0xA80;
	[sflag:s11] =	ssyncadd.s32 @!p3 $0xFFFFD800  }
0xb2: {  	[tilespmem:s28], [sflag:$0x5] =	stream.indirect.gather [hbm4b:s3+s19], $0x80, s13, s19, $0xb8;
	[tilespmem:$0x1F080] =	vst v63  }
0xb3: {  	s14 =	sadd.s32 $0x2, s10;
	_ =	swait.ge [sflag:s29], $0x2800  }
0xb4: {  	p3 =	slt.u32 s14, s6;
	[sflag:s29] =	ssyncset.done $0x0  }
0xb5: {  	s25 =	simm.s32 $0xD80;
	s11 =	simm.s32 @!p3 $0x8;
	[sflag:s29] =	ssyncadd.s32 $0xFFFFD800  }
0xb6: {  	[spmem:s1] =	stream.indirect.scatter.add.f32 [tilespmem:s31], [sflag:$0xA], $0x80, s25, s19, $0xb8;
	[tilespmem:$0x1F080] =	vst v63  }
0xb7: {  	_ =	swait.ge @!p3 [sflag:s11], $0x2800  }
0xb8: {  	s14 =	sadd.s32 $0x3, s10;
	[sflag:s11] =	ssyncset.done @!p3 $0x0  }
0xb9: {  	s13 =	simm.s32 $0xB00;
	[sflag:s11] =	ssyncadd.s32 @!p3 $0xFFFFD800;
	p3 =	slt.u32 s14, s6  }
0xba: {  	[tilespmem:s24], [sflag:$0x7] =	stream.indirect.gather [hbm4b:s3+s19], $0x80, s13, s19, $0xb8;
	[tilespmem:$0x1F080] =	vst v63  }
.Ltmp11:
0xbb: {  	_ = 	snop;
	(pc) =	sbr.rel @p3 .LBB2_14-.Ltmp11, $4  }
.Ltmp12:
0xbc: {  	s12 =	simm.s32 $0xE80;
	_ =	swait.ge [sflag:s16], $0x2800;
	(pc) =	sbr.rel @!p3 .LBB2_13-.Ltmp12, $4  }
0xbd: {  	s10 =	simm.s32 $0xF80;
	s25 =	simm.s32 $0xE00;
	[sflag:s16] =	ssyncset.done $0x0  }
0xbe: {  	s11 =	simm.s32 $0xF00;
	s13 =	simm.s32 $0xB80;
	[sflag:s16] =	ssyncadd.s32 $0xFFFFD800  }
0xbf: {  	[spmem:s1] =	stream.indirect.scatter.add.f32 [tilespmem:s21], [sflag:$0x4], $0x80, s25, s19, $0xb8;
	[tilespmem:$0x1F080] =	vst v63  }
0xc0: {  	_ = 	snop  }
.LBB2_9:
0xc1: {  	s11 =	simm.s32 @!p3 $0x1  }
0xc2: {  	_ =	swait.ge @!p3 [sflag:s11], $0x400  }
0xc3: {  	[sflag:s11] =	ssyncset.done @!p3 $0x0  }
0xc4: {  	p4 =	sne.s32 s26, $0x0;
	p5 =	slt.u32 s10, $0xFA1;
	[sflag:s11] =	ssyncadd.s32 @!p3 $0xFFFFFC00  }
0xc5: {  	p4 =	por !p4, !p5;
	_ =	swait.ge @!p3 [sflag:s11], $0x400  }
0xc6: {  	p4 =	por !p4, !p4;
	[sflag:s11] =	ssyncset.done @!p3 $0x0  }
0xc7: {  	[sflag:s11] =	ssyncadd.s32 @!p3 $0xFFFFFC00;
	s11 =	simm.s32 @p4 $0x4  }
0xc8: {  	s12 =	simm.s32 @!p3 $0x0;
	p5 =	sgt.u32 s10, $0xFA2;
	_ =	swait.ge @p4 [sflag:s11], $0x2800  }
0xc9: {  	s13 =	simm.s32 @!p3 $0x1000;
	p6 =	seq.s32 @!p5 s26, $0x0;
	[sflag:s11] =	ssyncset.done @p4 $0x0  }
0xca: {  	p5 =	por p6, p5;
	[sflag:s11] =	ssyncadd.s32 @p4 $0xFFFFD800;
	s11 =	simm.s32 @!p3 $0x50  }
0xcb: {  	[tilespmem:s13], [sflag:$0x3] =	stream.indirect.gather @!p3 [hbm4b:s3+s11], $0x80, s12, s11, $0xb8;
	[tilespmem:$0x1F080] =	vst v63  }
0xcc: {  	s12 =	simm.s32 @!p5 $0x6  }
0xcd: {  	_ =	swait.ge @!p5 [sflag:s12], $0x2800  }
0xce: {  	[sflag:s12] =	ssyncset.done @!p5 $0x0  }
0xcf: {  	s14 =	simm.s32 @!p3 $0x3800;
	[sflag:s12] =	ssyncadd.s32 @!p5 $0xFFFFD800;
	s12 =	simm.s32 @!p3 $0x80  }
0xd0: {  	[tilespmem:s14], [sflag:$0x5] =	stream.indirect.gather @!p3 [hbm4b:s3+s11], $0x80, s12, s11, $0xb8;
	[tilespmem:$0x1F080] =	vst v63  }
0xd1: {  	s12 =	simm.s32 @p4 $0x8  }
0xd2: {  	_ =	swait.ge @p4 [sflag:s12], $0x2800  }
0xd3: {  	[sflag:s12] =	ssyncset.done @p4 $0x0  }
0xd4: {  	s14 =	simm.s32 @!p3 $0x6000;
	[sflag:s12] =	ssyncadd.s32 @p4 $0xFFFFD800;
	s12 =	simm.s32 @!p3 $0x100  }
0xd5: {  	[tilespmem:s14], [sflag:$0x7] =	stream.indirect.gather @!p3 [hbm4b:s3+s11], $0x80, s12, s11, $0xb8;
	[tilespmem:$0x1F080] =	vst v63  }
0xd6: {  	s12 =	simm.s32 @!p3 $0x3  }
0xd7: {  	_ =	swait.ge @!p3 [sflag:s12], $0x2800  }
0xd8: {  	[sflag:s12] =	ssyncset.done @!p3 $0x0  }
0xd9: {  	[sflag:s12] =	ssyncadd.s32 @!p3 $0xFFFFD800;
	s12 =	simm.s32 @!p3 $0x400  }
0xda: {  	[spmem:s1] =	stream.indirect.scatter.add.f32 @!p3 [tilespmem:s13], [sflag:$0x4], $0x80, s12, s11, $0xb8;
	[tilespmem:$0x1F080] =	vst v63  }
.Ltmp13:
0xdb: {  	_ = 	snop;
	(pc) =	sbr.rel @p3 .LBB2_15-.Ltmp13, $4  }
0xdc: {  	s11 =	simm.s32 @p4 $0xA  }
0xdd: {  	_ =	swait.ge @p4 [sflag:s11], $0x2800  }
0xde: {  	[sflag:s11] =	ssyncset.done @p4 $0x0  }
0xdf: {  	[sflag:s11] =	ssyncadd.s32 @p4 $0xFFFFD800  }
0xe0: {  	s11 =	simm.s32 $0x180  }
0xe1: {  	[tilespmem:s31], [sflag:$0x9] =	stream.indirect.gather [hbm4b:s3+s19], $0x80, s11, s19, $0xb8;
	[tilespmem:$0x1F080] =	vst v63  }
0xe2: {  	_ =	swait.ge [sflag:s4], $0x2800  }
0xe3: {  	[sflag:s4] =	ssyncset.done $0x0  }
0xe4: {  	s13 =	simm.s32 $0x480;
	[sflag:s4] =	ssyncadd.s32 $0xFFFFD800  }
0xe5: {  	[spmem:s1] =	stream.indirect.scatter.add.f32 [tilespmem:s28], [sflag:$0x6], $0x80, s13, s19, $0xb8;
	[tilespmem:$0x1F080] =	vst v63  }
0xe6: {  	s14 =	simm.s32 $0x800  }
0xe7: {  	[tilespmem:s14], [sflag:$0x2] =	stream.linear.gather [hbm4b:s0+s2], $0x400, $0x38;
	[tilespmem:$0x1F080] =	vst v63  }
0xe8: {  	s25 =	simm.s32 $0xC00  }
0xe9: {  	[tilespmem:s25], [sflag:$0x2] =	stream.linear.gather [hbm4b:s30+s2], $0x400, $0x38;
	[tilespmem:$0x1F080] =	vst v63  }
0xea: {  	_ =	swait.ge [sflag:s18], $0x2800  }
0xeb: {  	[sflag:s18] =	ssyncset.done $0x0  }
0xec: {  	s12 =	simm.s32 $0x200;
	[sflag:s18] =	ssyncadd.s32 $0xFFFFD800  }
0xed: {  	[tilespmem:s21], [sflag:$0x3] =	stream.indirect.gather [hbm4b:s3+s19], $0x80, s12, s19, $0xb8;
	[tilespmem:$0x1F080] =	vst v63  }
0xee: {  	s13 =	sadd.s32 $0x1, s10;
	_ =	swait.ge [sflag:s22], $0x2800  }
0xef: {  	p3 =	slt.u32 s13, s6;
	[sflag:s22] =	ssyncset.done $0x0  }
0xf0: {  	s11 =	simm.s32 @!p3 $0x6;
	s12 =	simm.s32 $0x500;
	[sflag:s22] =	ssyncadd.s32 $0xFFFFD800  }
0xf1: {  	[spmem:s1] =	stream.indirect.scatter.add.f32 [tilespmem:s24], [sflag:$0x8], $0x80, s12, s19, $0xb8;
	[tilespmem:$0x1F080] =	vst v63  }
0xf2: {  	_ =	swait.ge @!p3 [sflag:s11], $0x2800  }
0xf3: {  	[sflag:s11] =	ssyncset.done @!p3 $0x0  }
0xf4: {  	[sflag:s11] =	ssyncadd.s32 @!p3 $0xFFFFD800  }
0xf5: {  	[tilespmem:s28], [sflag:$0x5] =	stream.indirect.gather [hbm4b:s3+s19], $0x80, s8, s19, $0xb8;
	[tilespmem:$0x1F080] =	vst v63  }
0xf6: {  	s14 =	sadd.s32 $0x2, s10;
	_ =	swait.ge [sflag:s29], $0x2800  }
0xf7: {  	p3 =	slt.u32 s14, s6;
	[sflag:s29] =	ssyncset.done $0x0  }
0xf8: {  	s11 =	simm.s32 @!p3 $0x8;
	[sflag:s29] =	ssyncadd.s32 $0xFFFFD800  }
0xf9: {  	[spmem:s1] =	stream.indirect.scatter.add.f32 [tilespmem:s31], [sflag:$0xA], $0x80, s5, s19, $0xb8;
	[tilespmem:$0x1F080] =	vst v63  }
0xfa: {  	_ =	swait.ge @!p3 [sflag:s11], $0x2800  }
0xfb: {  	s25 =	sadd.s32 $0x3, s10;
	[sflag:s11] =	ssyncset.done @!p3 $0x0  }
0xfc: {  	[sflag:s11] =	ssyncadd.s32 @!p3 $0xFFFFD800;
	p3 =	slt.u32 s25, s6  }
0xfd: {  	[tilespmem:s24], [sflag:$0x7] =	stream.indirect.gather [hbm4b:s3+s19], $0x80, s7, s19, $0xb8;
	[tilespmem:$0x1F080] =	vst v63  }
.Ltmp14:
0xfe: {  	_ = 	snop;
	(pc) =	sbr.rel @p3 .LBB2_14-.Ltmp14, $4  }
.Ltmp15:
0xff: {  	_ =	swait.ge [sflag:s16], $0x2800;
	(pc) =	sbr.rel @!p3 .LBB2_13-.Ltmp15, $4  }
0x100: {  	s13 =	simm.s32 $0x380;
	s10 =	simm.s32 $0x780;
	[sflag:s16] =	ssyncset.done $0x0  }
0x101: {  	s12 =	simm.s32 $0x680;
	s11 =	simm.s32 $0x700;
	[sflag:s16] =	ssyncadd.s32 $0xFFFFD800  }
0x102: {  	[spmem:s1] =	stream.indirect.scatter.add.f32 [tilespmem:s21], [sflag:$0x4], $0x80, s20, s19, $0xb8;
	[tilespmem:$0x1F080] =	vst v63  }
0x103: {  	_ = 	snop  }
.LBB2_17:
0x104: {  	_ =	sfence.sel $0x180000  }
0x105: {  	[bflag:$0x0] =	sbarrier.arrive $0xFFFF  }
0x106: {  	_ =	strace $0x9000004D  }
0x107: {  	s0 =	stileid.u32;
	[bflag:$0x2] =	sbarrier.arrive $0xFFFF  }
0x108: {  	p0 =	sne.s32 s0, $0x0;
	s0 =	rddreg [dreg:$0x2]  }
0x109: {  	s0 =	sadd.s32 @!p0 $0x100000, s0  }
0x10a: {  	[sflag:s0] =	ssyncadd.tile.s32 @!p0 $0x1;
	_ =	shalt  }
.Lfunc_end2:
_tile_overlayer_lowered:
.L_overlay_start_2:
0x10b: {  	(tag) =	ssettag $0x2  }
0x10c: {  	s0 =	rddreg [dreg:$0x0];
	s2 =	stileid.u32  }
0x10d: {  	s1 =	rddreg [dreg:$0x1];
	p0 =	sne.s32 s2, $0x0  }
0x10e: {  	s3 =	rddreg [dreg:$0x2];
	[bflag:$0x3] =	sbarrier.arrive $0xFFFF;
	s2 =	simm.s32 @!p0 $0x1C0B  }
0x10f: {  	[timem:s3], [sflag:s2] =	dma.local @!p0 [hbm:s0], s1  }
0x110: {  	s0 =	simm.s32 @!p0 $0xB  }
0x111: {  	_ =	swait.ge @!p0 [sflag:s0], s1  }
0x112: {  	s1 =	ssub.s32 @!p0 $0x0, s1;
	[sflag:s0] =	ssyncset.done @!p0 $0x0  }
0x113: {  	[sflag:s0] =	ssyncadd.s32 @!p0 s1  }
0x114: {  	[bflag:$0x3] =	sbarrier.arrive $0xFFFF  }
0x115: {  	_ =	shalt  }

// kernel: kernel.9.cloned.1.call-start
scs
__scs_entry_jumppad:
0x0: {  	(pc) =	sbr.rel $0x88, $3  }
0x1: {  	(tag) =	ssettag $0x0;
	lr =	simm.s32 $0x1  }
0x2: {  	[smem:$0x3F9B] =	sst lr;
	_ =	strace $0xD0000000  }
0x3: {  	_ = 	snop  }
0x4: {  	_ = 	snop  }
0x5: {  	_ = 	snop  }
0x6: {  	_ = 	snop  }
0x7: {  	_ = 	snop  }
__scs_overlays_trampoline_lowered:
0x8: {  	[smem:$0x3FAA] =	sst s0  }
0x9: {  	[smem:$0x3FAB] =	sst s1  }
0xa: {  	[smem:$0x3FAC] =	sst s2  }
0xb: {  	[smem:$0x3FAD] =	sst s3  }
0xc: {  	[smem:$0x3FAE] =	sst s4  }
0xd: {  	[smem:$0x3FAF] =	sst s5  }
0xe: {  	[smem:$0x3FB0] =	sst s6  }
0xf: {  	[smem:$0x3FB1] =	sst s7  }
0x10: {  	[smem:$0x3FB2] =	sst s8  }
0x11: {  	[smem:$0x3FB3] =	sst s9;
	s0 =	simm.s32 @!p0 $0x0  }
0x12: {  	s1 =	sld [smem:$0x3F99];
	s0 =	simm.s32 @p0 $0x1  }
0x13: {  	[smem:$0x3FB4] =	sst s0;
	s0 =	simm.s32 @!p1 $0x0  }
0x14: {  	s2 =	sld [smem:$0x3F98];
	s0 =	simm.s32 @p1 $0x1  }
0x15: {  	[smem:$0x3FB5] =	sst s0;
	s0 =	simm.s32 @!p2 $0x0  }
0x16: {  	s3 =	sld [smem:$0x3FDB];
	s0 =	simm.s32 @p2 $0x1  }
0x17: {  	s4 =	simm.s32 $0x1BF5;
	[smem:$0x3FB7] =	sst s0  }
0x18: {  	s0 =	sld [smem:$0x3F9A];
	_ =	swait.ge [sflag:s4], $0x0  }
0x19: {  	s7 =	sld [smem:$0x3F9B]  }
0x1a: {  	s8 =	sadd.s32 $0xFFFFE003, lr  }
0x1b: {  	s9 =	sadd.s32 $0xFFFFFEF7, lr;
	s5 =	simm.s32 $0xFFFFFFFF;
	p2 =	slt.u32 s8, $0xFFFFF086  }
0x1c: {  	p1 =	slt.u32 s9, $0xF7A;
	s5 =	simm.s32 @!p2 $0x0  }
0x1d: {  	s5 =	simm.s32 @p1 $0x1;
	p0 =	seq.s32 s7, s2  }
0x1e: {  	s7 =	smul.u32 @!p0 $0xF7A, s2;
	p2 =	seq.s32 @!p0 s5, $0x0  }
0x1f: {  	s9 =	smul.u32 $0xF7A, s1;
	s8 =	simm.s32 @!p0 $0x1BF5;
	p2 =	por !p2, p0  }
0x20: {  	[sflag:s8] =	ssyncset.s32 @!p0 $0xFFFFF086;
	s6 =	sadd.s32 @!p0 s3, s7;
	s7 =	simm.s32 @!p0 $0x108  }
0x21: {  	s3 =	sadd.s32 s3, s9;
	s6 =	sadd.s32 @!p0 $0x88, s6;
	s7 =	simm.s32 @p2 $0x1082  }
0x22: {  	[simem:s7], [sflag:s8] =	dma.local @!p0 [hbm:s6], $0xF7A  }
0x23: {  	s9 =	sor.u32 $0xD0000000, s2;
	s6 =	simm.s32 $0x108;
	_ =	swait.ge @!p0 [sflag:s8], $0x0  }
0x24: {  	s3 =	sadd.s32 $0x88, s3;
	s6 =	simm.s32 @!p1 $0x1082;
	[sflag:s4] =	ssyncset.s32 $0xFFFFF086  }
0x25: {  	[simem:s6], [sflag:s4] =	dma.local [hbm:s3], $0xF7A  }
0x26: {  	[smem:$0x3F9B] =	sst s1;
	(tag) =	ssettag s2;
	_ =	strace s9  }
0x27: {  	s1 =	sld [smem:$0x3FAB]  }
0x28: {  	s2 =	sld [smem:$0x3FAC]  }
0x29: {  	s4 =	sld [smem:$0x3FAE]  }
0x2a: {  	p0 =	seq.s32 s5, $0x0;
	s5 =	sld [smem:$0x3FAF]  }
0x2b: {  	s6 =	sld [smem:$0x3FB0]  }
0x2c: {  	s7 =	sld [smem:$0x3FB1]  }
0x2d: {  	s3 =	simm.s32 $0x108;
	s8 =	sld [smem:$0x3FB2]  }
0x2e: {  	s3 =	simm.s32 @!p0 $0x1082;
	s9 =	sld [smem:$0x3FB3]  }
0x2f: {  	lr =	sadd.s32 s0, s3;
	s0 =	sld [smem:$0x3FAA]  }
0x30: {  	s3 =	sld [smem:$0x3FAD]  }
0x31: {  	[smem:$0x3FB6] =	sst s10  }
0x32: {  	s10 =	sld [smem:$0x3FB4];
	_ =	sdelay $0x3  }
0x33: {  	p0 =	seq.s32 s10, $0x1;
	s10 =	sld [smem:$0x3FB6];
	_ =	sdelay $0x3  }
0x34: {  	[smem:$0x3FB6] =	sst s10  }
0x35: {  	s10 =	sld [smem:$0x3FB5];
	_ =	sdelay $0x3  }
0x36: {  	p1 =	seq.s32 s10, $0x1;
	s10 =	sld [smem:$0x3FB6];
	_ =	sdelay $0x3  }
0x37: {  	[smem:$0x3FB6] =	sst s10  }
0x38: {  	s10 =	sld [smem:$0x3FB7]  }
0x39: {  	_ = 	snop;
	(pc) =	sbr.ind lr, $3  }
0x3a: {  	_ = 	snop  }
0x3b: {  	_ = 	snop  }
0x3c: {  	p2 =	seq.s32 s10, $0x1;
	s10 =	sld [smem:$0x3FB6]  }
0x3d: {  	_ =	shalt  }
0x3e: {  	_ =	shalt  }
0x3f: {  	_ =	shalt  }
0x40: {  	_ =	shalt  }
0x41: {  	_ =	shalt  }
0x42: {  	_ =	shalt  }
0x43: {  	_ =	shalt  }
0x44: {  	_ =	shalt  }
0x45: {  	_ =	shalt  }
0x46: {  	_ =	shalt  }
0x47: {  	_ =	shalt  }
0x48: {  	_ =	shalt  }
0x49: {  	_ =	shalt  }
0x4a: {  	_ =	shalt  }
0x4b: {  	_ =	shalt  }
0x4c: {  	_ =	shalt  }
0x4d: {  	_ =	shalt  }
0x4e: {  	_ =	shalt  }
0x4f: {  	_ =	shalt  }
0x50: {  	_ =	shalt  }
0x51: {  	_ =	shalt  }
0x52: {  	_ =	shalt  }
0x53: {  	_ =	shalt  }
0x54: {  	_ =	shalt  }
0x55: {  	_ =	shalt  }
0x56: {  	_ =	shalt  }
0x57: {  	_ =	shalt  }
0x58: {  	_ =	shalt  }
0x59: {  	_ =	shalt  }
0x5a: {  	_ =	shalt  }
0x5b: {  	_ =	shalt  }
0x5c: {  	_ =	shalt  }
0x5d: {  	_ =	shalt  }
0x5e: {  	_ =	shalt  }
0x5f: {  	_ =	shalt  }
0x60: {  	_ =	shalt  }
0x61: {  	_ =	shalt  }
0x62: {  	_ =	shalt  }
0x63: {  	_ =	shalt  }
0x64: {  	_ =	shalt  }
0x65: {  	_ =	shalt  }
0x66: {  	_ =	shalt  }
0x67: {  	_ =	shalt  }
0x68: {  	_ =	shalt  }
0x69: {  	_ =	shalt  }
0x6a: {  	_ =	shalt  }
0x6b: {  	_ =	shalt  }
0x6c: {  	_ =	shalt  }
0x6d: {  	_ =	shalt  }
0x6e: {  	_ =	shalt  }
0x6f: {  	_ =	shalt  }
0x70: {  	_ =	shalt  }
0x71: {  	_ =	shalt  }
0x72: {  	_ =	shalt  }
0x73: {  	_ =	shalt  }
0x74: {  	_ =	shalt  }
0x75: {  	_ =	shalt  }
0x76: {  	_ =	shalt  }
0x77: {  	_ =	shalt  }
0x78: {  	_ =	shalt  }
0x79: {  	_ =	shalt  }
0x7a: {  	_ =	shalt  }
0x7b: {  	_ =	shalt  }
0x7c: {  	_ =	shalt  }
0x7d: {  	_ =	shalt  }
0x7e: {  	_ =	shalt  }
0x7f: {  	_ =	shalt  }
0x80: {  	_ =	shalt  }
0x81: {  	_ =	shalt  }
0x82: {  	_ =	shalt  }
0x83: {  	_ =	shalt  }
0x84: {  	_ =	shalt  }
0x85: {  	_ =	shalt  }
0x86: {  	_ =	shalt  }
0x87: {  	_ =	shalt  }
.Lfunc_end0:
.L_simem_size_0:
called_computation_lowered:
.L_overlay_start_0:
0x88: {  	s2 =	sld [smem:$0x3FD9]  }
0x89: {  	s3 =	sld [smem:$0x3FFE];
	_ =	sdelay $0x1  }
0x8a: {  	s1 =	srdreg.scid  }
0x8b: {  	s0 =	sand.u32 $0x1, s1  }
0x8c: {  	s16 =	sshll.u32 s0, $0xA;
	s2 =	sadd.s32 s3, s2  }
0x8d: {  	s2 =	sadd.s32 s2, s16  }
0x8e: {  	[smem:$0x3FC2] =	sst s2  }
0x8f: {  	_ = 	snop  }
0x90: {  	(tm) =	ssettm $0x1  }
0x91: {  	s17 =	sld [smem:$0x3FFB];
	_ =	sdelay $0x3  }
0x92: {  	_ =	strace s17  }
0x93: {  	s2 =	sld [smem:$0x3FFC];
	_ =	sdelay $0x3  }
0x94: {  	_ =	strace s2  }
0x95: {  	s2 =	sld [smem:$0x3FFD];
	_ =	sdelay $0x3  }
0x96: {  	_ =	strace s2  }
0x97: {  	_ =	strace $0x8FFFFFFF  }
0x98: {  	s18 =	sld [smem:$0x3FDB];
	_ =	sdelay $0x1  }
0x99: {  	s19 =	simm.s32 $_scs_section_size  }
0x9a: {  	s4 =	simm.s32 $_size__tile_overlayer_lowered;
	s5 =	simm.s32 $_tile_overlayer_lowered  }
0x9b: {  	s22 =	simm.s32 $0x1BFF;
	s21 =	sshll.u32 s5, $0x1;
	s2 =	sadd.s32 s19, s18  }
0x9c: {  	s6 =	simm.s32 $0x0;
	s20 =	sshll.u32 s4, $0x1;
	s4 =	sadd.s32 s21, s2  }
0x9d: {  	[timem:s6], [sflag:s22] =	dma.local [hbm:s4], s20  }
0x9e: {  	_ =	swait.ge [sflag:s22], s20  }
0x9f: {  	s3 =	ssub.s32 $0x0, s20;
	[sflag:s22] =	ssyncset.done $0x0  }
0xa0: {  	[sflag:s22] =	ssyncadd.s32 s3;
	_ =	sdelay $0x1  }
0xa1: {  	s23 =	simm.s32 $0x1B8B  }
0xa2: {  	_ =	swait.ge [sflag:s23], $0x1  }
0xa3: {  	[sflag:s23] =	ssyncset.done $0x0  }
0xa4: {  	s25 =	simm.s32 $0x1B8E;
	s24 =	sld [smem:$0x3FFE];
	[sflag:s23] =	ssyncadd.s32 $0xFFFFFFFF  }
0xa5: {  	s26 =	simm.s32 $execute0_lowered;
	[smem:$0x3FD2] =	sst s25  }
0xa6: {  	s4 =	sshll.u32 s26, $0x1;
	_ =	strace $0x80000046;
	[dreg:$0x1] =	wrdreg $0xFFFFFFFF  }
0xa7: {  	s28 =	simm.s32 $_size_execute0_lowered;
	s2 =	sadd.s32 s2, s4;
	[dreg:$0x0] =	wrdreg $0x0  }
0xa8: {  	s4 =	sshll.u32 s28, $0x1;
	[dreg:$0x2] =	wrdreg s2  }
0xa9: {  	[dreg:$0x3] =	wrdreg s4  }
0xaa: {  	[dreg:$0x4] =	wrdreg $0xC0  }
0xab: {  	_ =	task [dreg:s6], $0x5FFFF  }
0xac: {  	[dreg:$0x1] =	wrdreg $0xFFFFFFFF  }
0xad: {  	[dreg:$0x0] =	wrdreg $0x60  }
0xae: {  	[dreg:$0x2] =	wrdreg s24  }
0xaf: {  	[dreg:$0x3] =	wrdreg $0x38000  }
0xb0: {  	[dreg:$0x4] =	wrdreg $0x9  }
0xb1: {  	_ =	task.clear_ibuf [dreg:s6], $0x5FFFF;
	_ =	strace $0x90000046  }
0xb2: {  	s29 =	simm.s32 $0x9;
	_ =	strace $0x80000048  }
0xb3: {  	_ =	swait.ge [sflag:s29], $0x1  }
0xb4: {  	[sflag:s29] =	ssyncadd.s32 $0xFFFFFFFF  }
0xb5: {  	_ =	strace $0x90000048  }
0xb6: {  	_ =	sfence  }
0xb7: {  	s30 =	sld [smem:$0x0];
	_ =	sdelay $0x2  }
0xb8: {  	s31 =	sshll.u32 s1, $0xD;
	s1 =	sshrl.u32 s1, $0x2  }
0xb9: {  	s3 =	sand.u32 $0x4000, s31;
	s1 =	sadd.s32 s1, s30  }
0xba: {  	s0 =	sor.u32 s3, s0;
	s1 =	sshll.u32 s1, $0x11  }
0xbb: {  	s0 =	sor.u32 s1, s0  }
0xbc: {  	s0 =	sadd.s32 $0x8F2B, s0  }
0xbd: {  	[sflag:s0] =	ssyncadd.remote.s32 $0x1  }
0xbe: {  	_ =	sfence.sel $0xFFFF  }
0xbf: {  	[dreg:$0x0] =	wrdreg $0xFFFFFFFF;
	(pc) =	sbr.abs _section_cstart, $3  }
0xc0: {  	[dreg:$0x1] =	wrdreg $0xFFFFFFFF  }
0xc1: {  	_ =	task.clear_ibuf [dreg:s6], $0x2FFFF;
	_ =	strace $0x9FFFFFFF  }
0xc2: {  	(tm) =	ssettm $0x7FFFFFFF  }
0xc3: {  	_ =	shalt  }
tec
execute0_lowered:
.L_overlay_start_1:
0x0: {  	(tag) =	ssettag $0x1  }
0x1: {  	s3 =	rddreg [dreg:$0x0]  }
0x2: {  	s1 =	rddreg [dreg:$0x1]  }
0x3: {  	s0 =	rddreg [dreg:$0x2];
	s2 =	simm.s32 $0x0;
	s4 =	srdreg.scid  }
0x4: {  	s16 =	simm.s32 $0x800;
	s17 =	simm.s32 $0x4;
	[smem:$0x7FF] =	sst s2  }
0x5: {  	s10 =	sand.u32 $0x1, s4;
	s11 =	sadd.s32 $0x3200, s3;
	s12 =	sadd.s32 $0x13200, s3  }
0x6: {  	s3 =	stileid.u32;
	s18 =	sadd.s32 $0x138000, s1;
	_ =	strace $0x80000047  }
0x7: {  	s4 =	ssub.s32 $0x2, s10;
	p0 =	seq.s32 s3, $0xF;
	s6 =	smul.u32 $0x4E000, s3  }
0x8: {  	s28 =	sshll.u32 s10, $0xB;
	s7 =	sshll.u32 s3, $0x7;
	s9 =	smul.u32 $0x138800, s10  }
0x9: {  	s8 =	smul.u32 $0x13800, s3;
	s29 =	sshll.u32 s10, $0xF;
	s5 =	sshrl.u32 s4, $0x1  }
0xa: {  	s31 =	sshll.u32 s3, $0xB;
	s30 =	sadd.s32 s29, s11;
	s13 =	ssub.s32 s4, s5  }
0xb: {  	s4 =	simm.s32 $0x28;
	s5 =	sor.u32 s7, s28;
	s6 =	sshrl.u32 s6, $0x2  }
0xc: {  	s14 =	sadd.s32 s8, s9;
	s15 =	sshrl.u32 s9, $0x3;
	s4 =	simm.s32 @!p0 $0x27  }
0xd: {  	s7 =	sshll.u32 s5, $0x4;
	s6 =	sadd.s32 s6, s1;
	s8 =	sxor.u32 $0xFA0, s5  }
.Ltmp0:
0xe: {  	s14 =	sshrl.u32 s14, $0x3;
	p0 =	sne.s32 s3, $0xF;
	(pc) =	sbr.rel .LBB2_1-.Ltmp0, $4  }
0xf: {  	p1 =	sgt.u32 s5, $0xF27;
	s7 =	sadd.s32 s11, s7;
	s9 =	sadd.s32 s12, s14  }
0x10: {  	s12 =	sadd.s32 s12, s15;
	s11 =	smax.u32 s13, $0x1;
	s13 =	simm.s32 $0x3000  }
0x11: {  	s14 =	simm.s32 $0x3;
	s10 =	sadd.s32 $0x27000, s12;
	s12 =	sadd.s32 s31, s30  }
0x12: {  	v0 =	vimm.f32 $1.000000000e+00;
	v1 =	vimm.f32 $0.0e+00;
	s15 =	simm.s32 $0x50;
	s18 =	sshrl.u32 @!p0 s18, $0x3;
	s12 =	sadd.s32 $0x80, s12  }
.LBB2_15:
0x13: {  	s19 =	simm.s32 @!p1 $0x2  }
0x14: {  	_ =	swait.ge @!p1 [sflag:s19], $0x400  }
0x15: {  	s20 =	simm.s32 @!p1 $0x400;
	[sflag:s19] =	ssyncset.done @!p1 $0x0  }
0x16: {  	s21 =	simm.s32 @!p1 $0x800;
	[sflag:s19] =	ssyncadd.s32 @!p1 $0xFFFFFC00;
	s19 =	simm.s32 @!p1 $0x50  }
0x17: {  	[spmem:s1] =	stream.indirect.scatter.add.f32 @!p1 [tilespmem:s21], [sflag:$0x3], $0x80, s20, s19, $0xb8;
	[tilespmem:$0x17080] =	vst v63  }
0x18: {  	s20 =	simm.s32 @!p1 $0x480  }
0x19: {  	[spmem:s1] =	stream.indirect.scatter.add.f32 @!p1 [tilespmem:s21], [sflag:$0x3], $0x80, s20, s19, $0xb8;
	[tilespmem:$0x17080] =	vst v63  }
0x1a: {  	s20 =	simm.s32 @!p1 $0x500  }
0x1b: {  	[spmem:s1] =	stream.indirect.scatter.add.f32 @!p1 [tilespmem:s21], [sflag:$0x3], $0x80, s20, s19, $0xb8;
	[tilespmem:$0x17080] =	vst v63  }
0x1c: {  	s20 =	simm.s32 @!p1 $0x580  }
0x1d: {  	[spmem:s1] =	stream.indirect.scatter.add.f32 @!p1 [tilespmem:s21], [sflag:$0x3], $0x80, s20, s19, $0xb8;
	[tilespmem:$0x17080] =	vst v63  }
0x1e: {  	s20 =	simm.s32 @!p1 $0x600  }
0x1f: {  	[spmem:s1] =	stream.indirect.scatter.add.f32 @!p1 [tilespmem:s21], [sflag:$0x3], $0x80, s20, s19, $0xb8;
	[tilespmem:$0x17080] =	vst v63  }
0x20: {  	s20 =	simm.s32 @!p1 $0x680  }
0x21: {  	[spmem:s1] =	stream.indirect.scatter.add.f32 @!p1 [tilespmem:s21], [sflag:$0x3], $0x80, s20, s19, $0xb8;
	[tilespmem:$0x17080] =	vst v63  }
0x22: {  	s20 =	simm.s32 @!p1 $0x700  }
0x23: {  	[spmem:s1] =	stream.indirect.scatter.add.f32 @!p1 [tilespmem:s21], [sflag:$0x3], $0x80, s20, s19, $0xb8;
	[tilespmem:$0x17080] =	vst v63  }
0x24: {  	s20 =	simm.s32 @!p1 $0x780  }
0x25: {  	[spmem:s1] =	stream.indirect.scatter.add.f32 @!p1 [tilespmem:s21], [sflag:$0x3], $0x80, s20, s19, $0xb8;
	[tilespmem:$0x17080] =	vst v63  }
0x26: {  	s19 =	simm.s32 @!p1 $0x3  }
0x27: {  	_ =	swait.ge @!p1 [sflag:s19], $0x2800  }
0x28: {  	[sflag:s19] =	ssyncset.done @!p1 $0x0  }
0x29: {  	[sflag:s19] =	ssyncadd.s32 @!p1 $0xFFFFD800  }
0x2a: {  	_ =	swait.ge @!p1 [sflag:s19], $0x2800  }
0x2b: {  	[sflag:s19] =	ssyncset.done @!p1 $0x0  }
0x2c: {  	[sflag:s19] =	ssyncadd.s32 @!p1 $0xFFFFD800  }
0x2d: {  	_ =	swait.ge @!p1 [sflag:s19], $0x2800  }
0x2e: {  	[sflag:s19] =	ssyncset.done @!p1 $0x0  }
0x2f: {  	[sflag:s19] =	ssyncadd.s32 @!p1 $0xFFFFD800  }
0x30: {  	_ =	swait.ge @!p1 [sflag:s19], $0x2800  }
0x31: {  	[sflag:s19] =	ssyncset.done @!p1 $0x0  }
0x32: {  	[sflag:s19] =	ssyncadd.s32 @!p1 $0xFFFFD800  }
0x33: {  	_ =	swait.ge @!p1 [sflag:s19], $0x2800  }
0x34: {  	[sflag:s19] =	ssyncset.done @!p1 $0x0  }
0x35: {  	[sflag:s19] =	ssyncadd.s32 @!p1 $0xFFFFD800  }
0x36: {  	_ =	swait.ge @!p1 [sflag:s19], $0x2800  }
0x37: {  	[sflag:s19] =	ssyncset.done @!p1 $0x0  }
0x38: {  	[sflag:s19] =	ssyncadd.s32 @!p1 $0xFFFFD800  }
0x39: {  	_ =	swait.ge @!p1 [sflag:s19], $0x2800  }
0x3a: {  	[sflag:s19] =	ssyncset.done @!p1 $0x0  }
0x3b: {  	[sflag:s19] =	ssyncadd.s32 @!p1 $0xFFFFD800  }
0x3c: {  	_ =	swait.ge @!p1 [sflag:s19], $0x2800  }
0x3d: {  	[sflag:s19] =	ssyncset.done @!p1 $0x0  }
0x3e: {  	s30 =	sshll.u32 s3, $0x6;
	[sflag:s19] =	ssyncadd.s32 @!p1 $0xFFFFD800  }
0x3f: {  	s31 =	sshrl.u32 s6, $0x3;
	s19 =	sor.u32 $0x1C04, s30;
	[bflag:$0x0] =	sbarrier.arrive $0xFFFF  }
0x40: {  	[hbm:s9], [sflag:s19] =	dma.local [spmem:s31], $0x2700  }
0x41: {  	_ =	swait.ge [sflag:s17], $0x2700  }
0x42: {  	s2 =	sadd.s32 $0x1, s2;
	[sflag:s17] =	ssyncset.done $0x0  }
0x43: {  	p2 =	sne.s32 s2, s11;
	[sflag:s17] =	ssyncadd.s32 $0xFFFFD900  }
0x44: {  	[hbm:s10], [sflag:s19] =	dma.local @!p0 [spmem:s18], $0x100  }
.Ltmp1:
0x45: {  	_ = 	snop;
	(pc) =	sbr.rel @!p2 .LBB2_16-.Ltmp1, $4  }
0x46: {  	s19 =	simm.s32 @!p0 $0x4  }
0x47: {  	_ =	swait.ge @!p0 [sflag:s19], $0x100  }
0x48: {  	[sflag:s19] =	ssyncset.done @!p0 $0x0  }
0x49: {  	[sflag:s19] =	ssyncadd.s32 @!p0 $0xFFFFFF00  }
.LBB2_1:
0x4a: {  	s19 =	simm.s32 $0x70;
	s20 =	simm.s32 $0x3C0  }
.LBB2_2:
0x4b: {  	p2 =	sne.s32 s20, $0x9FC0;
	[tilespmem:s19+$0x800] =	vst v0  }
0x4c: {  	[tilespmem:s19+$0x790] =	vst v0  }
0x4d: {  	[tilespmem:s19+$0x7A0] =	vst v0  }
.Ltmp2:
0x4e: {  	[tilespmem:s19+$0x7B0] =	vst v0;
	(pc) =	sbr.rel @p2 .LBB2_2-.Ltmp2, $4  }
0x4f: {  	[tilespmem:s19+$0x7C0] =	vst v0  }
0x50: {  	[tilespmem:s19+$0x7D0] =	vst v0  }
0x51: {  	[tilespmem:s19+$0x7E0] =	vst v0  }
0x52: {  	[tilespmem:s19+$0x7F0] =	vst v0;
	s19 =	sshra.s32 s20, $0x2;
	s20 =	sadd.s32 $0x200, s20  }
0x53: {  	[tilespmem:s19+$0x800] =	vst v0  }
0x54: {  	[tilespmem:s19+$0x790] =	vst v0  }
0x55: {  	[tilespmem:s19+$0x7A0] =	vst v0  }
0x56: {  	[tilespmem:s19+$0x7B0] =	vst v0  }
0x57: {  	[tilespmem:s19+$0x7C0] =	vst v0  }
0x58: {  	[tilespmem:s19+$0x7D0] =	vst v0  }
0x59: {  	[tilespmem:s19+$0x7E0] =	vst v0  }
0x5a: {  	[tilespmem:s19+$0x7F0] =	vst v0;
	s19 =	simm.s32 $0x0;
	s20 =	simm.s32 $0x200  }
.LBB2_4:
0x5b: {  	p2 =	sne.s32 s20, $0x1E00;
	[tilespmem:s19+$0x3070] =	vst v1  }
0x5c: {  	[tilespmem:s19+$0x3000] =	vst v1  }
0x5d: {  	[tilespmem:s19+$0x3010] =	vst v1  }
.Ltmp3:
0x5e: {  	[tilespmem:s19+$0x3020] =	vst v1;
	(pc) =	sbr.rel @p2 .LBB2_4-.Ltmp3, $4  }
0x5f: {  	[tilespmem:s19+$0x3030] =	vst v1  }
0x60: {  	[tilespmem:s19+$0x3040] =	vst v1  }
0x61: {  	[tilespmem:s19+$0x3050] =	vst v1  }
0x62: {  	[tilespmem:s19+$0x3060] =	vst v1;
	s19 =	sshra.s32 s20, $0x2;
	s20 =	sadd.s32 $0x200, s20  }
0x63: {  	[tilespmem:s19+$0x3070] =	vst v1  }
0x64: {  	[tilespmem:s19+$0x3000] =	vst v1  }
0x65: {  	[tilespmem:s19+$0x3010] =	vst v1  }
0x66: {  	[tilespmem:s19+$0x3020] =	vst v1;
	p2 =	sne.s32 s4, $0x1  }
.Ltmp4:
0x67: {  	[tilespmem:s19+$0x3030] =	vst v1;
	(pc) =	sbr.rel @!p2 .LBB2_7-.Ltmp4, $4  }
0x68: {  	[tilespmem:s19+$0x3040] =	vst v1  }
0x69: {  	[tilespmem:s19+$0x3050] =	vst v1  }
0x6a: {  	[tilespmem:s19+$0x3060] =	vst v1;
	s19 =	sadd.s32 $0xFFFFFFFF, s4;
	s20 =	smov.u32 s6  }
0x6b: {  	[spmem:s6] =	stream.linear.scatter [tilespmem:s13], [sflag:$0x3], $0x800, $0x38;
	[tilespmem:$0x17080] =	vst v63  }
.LBB2_6:
0x6c: {  	p3 =	sne.s32 s19, $0x1  }
.Ltmp5:
0x6d: {  	_ = 	snop;
	(pc) =	sbr.rel @p3 .LBB2_6-.Ltmp5, $3  }
0x6e: {  	_ = 	snop  }
0x6f: {  	s19 =	sadd.s32 $0xFFFFFFFF, s19;
	s20 =	sadd.s32 $0x800, s20;
	_ =	sdelay $0x1  }
0x70: {  	[spmem:s20] =	stream.linear.scatter [tilespmem:s13], [sflag:$0x3], $0x800, $0x38;
	[tilespmem:$0x17080] =	vst v63  }
.LBB2_7:
.Ltmp6:
0x71: {  	(pc) =	sbr.rel @!p2 .LBB2_9-.Ltmp6, $3  }
0x72: {  	_ =	sdelay $0x1  }
0x73: {  	_ =	swait.ge [sflag:s14], $0x800  }
0x74: {  	s19 =	sadd.s32 $0xFFFFFFFF, s4;
	[sflag:s14] =	ssyncset.done $0x0  }
.LBB2_8:
0x75: {  	p2 =	sne.s32 s19, $0x1;
	s19 =	sadd.s32 $0xFFFFFFFF, s19;
	[sflag:s14] =	ssyncadd.s32 $0xFFFFF800  }
.Ltmp7:
0x76: {  	(pc) =	sbr.rel @p2 .LBB2_8-.Ltmp7, $3  }
0x77: {  	_ =	sdelay $0x1  }
0x78: {  	_ =	swait.ge [sflag:s14], $0x800  }
0x79: {  	[sflag:s14] =	ssyncset.done $0x0  }
.LBB2_9:
.Ltmp8:
0x7a: {  	(pc) =	sbr.rel .LBB2_10-.Ltmp8, $4  }
0x7b: {  	_ = 	snop  }
0x7c: {  	[sflag:s14] =	ssyncadd.s32 $0xFFFFF800;
	s19 =	simm.s32 $0x0  }
0x7d: {  	s20 =	smov.u32 s12;
	s21 =	simm.s32 $0x0;
	[bflag:$0x0] =	sbarrier.arrive $0xFFFF  }
0x7e: {  	[tilespmem:s19], [sflag:$0x1] =	stream.linear.gather [hbm4b:s7+s19], $0x400, $0x38;
	[tilespmem:$0x17080] =	vst v63  }
.LBB2_13:
0x7f: {  	[spmem:s1] =	stream.indirect.scatter.add.f32 [tilespmem:s16], [sflag:$0x3], $0x80, s22, s15, $0xb8;
	[tilespmem:$0x17080] =	vst v63  }
0x80: {  	s23 =	sadd.s32 $0x80, s22  }
0x81: {  	[spmem:s1] =	stream.indirect.scatter.add.f32 [tilespmem:s16], [sflag:$0x3], $0x80, s23, s15, $0xb8;
	[tilespmem:$0x17080] =	vst v63  }
0x82: {  	s25 =	sadd.s32 $0x100, s22  }
0x83: {  	[spmem:s1] =	stream.indirect.scatter.add.f32 [tilespmem:s16], [sflag:$0x3], $0x80, s25, s15, $0xb8;
	[tilespmem:$0x17080] =	vst v63  }
0x84: {  	s26 =	sadd.s32 $0x180, s22  }
0x85: {  	[spmem:s1] =	stream.indirect.scatter.add.f32 [tilespmem:s16], [sflag:$0x3], $0x80, s26, s15, $0xb8;
	[tilespmem:$0x17080] =	vst v63  }
0x86: {  	s28 =	sadd.s32 $0x200, s22  }
0x87: {  	[spmem:s1] =	stream.indirect.scatter.add.f32 [tilespmem:s16], [sflag:$0x3], $0x80, s28, s15, $0xb8;
	[tilespmem:$0x17080] =	vst v63  }
0x88: {  	s29 =	sadd.s32 $0x280, s22  }
0x89: {  	[spmem:s1] =	stream.indirect.scatter.add.f32 [tilespmem:s16], [sflag:$0x3], $0x80, s29, s15, $0xb8;
	[tilespmem:$0x17080] =	vst v63  }
0x8a: {  	s30 =	sadd.s32 $0x300, s22  }
0x8b: {  	[spmem:s1] =	stream.indirect.scatter.add.f32 [tilespmem:s16], [sflag:$0x3], $0x80, s30, s15, $0xb8;
	[tilespmem:$0x17080] =	vst v63  }
0x8c: {  	s31 =	sadd.s32 $0x380, s22  }
0x8d: {  	[spmem:s1] =	stream.indirect.scatter.add.f32 [tilespmem:s16], [sflag:$0x3], $0x80, s31, s15, $0xb8;
	[tilespmem:$0x17080] =	vst v63  }
0x8e: {  	_ =	swait.ge [sflag:s14], $0x2800  }
0x8f: {  	[sflag:s14] =	ssyncset.done $0x0  }
0x90: {  	[sflag:s14] =	ssyncadd.s32 $0xFFFFD800  }
0x91: {  	_ =	swait.ge [sflag:s14], $0x2800  }
0x92: {  	[sflag:s14] =	ssyncset.done $0x0  }
0x93: {  	[sflag:s14] =	ssyncadd.s32 $0xFFFFD800  }
0x94: {  	_ =	swait.ge [sflag:s14], $0x2800  }
0x95: {  	[sflag:s14] =	ssyncset.done $0x0  }
0x96: {  	[sflag:s14] =	ssyncadd.s32 $0xFFFFD800  }
0x97: {  	_ =	swait.ge [sflag:s14], $0x2800  }
0x98: {  	[sflag:s14] =	ssyncset.done $0x0  }
0x99: {  	[sflag:s14] =	ssyncadd.s32 $0xFFFFD800  }
0x9a: {  	_ =	swait.ge [sflag:s14], $0x2800  }
0x9b: {  	[sflag:s14] =	ssyncset.done $0x0  }
0x9c: {  	[sflag:s14] =	ssyncadd.s32 $0xFFFFD800  }
0x9d: {  	_ =	swait.ge [sflag:s14], $0x2800  }
0x9e: {  	[sflag:s14] =	ssyncset.done $0x0  }
0x9f: {  	[sflag:s14] =	ssyncadd.s32 $0xFFFFD800  }
0xa0: {  	_ =	swait.ge [sflag:s14], $0x2800  }
0xa1: {  	[sflag:s14] =	ssyncset.done $0x0  }
0xa2: {  	[sflag:s14] =	ssyncadd.s32 $0xFFFFD800  }
0xa3: {  	_ =	swait.ge [sflag:s14], $0x2800  }
0xa4: {  	[sflag:s14] =	ssyncset.done $0x0  }
0xa5: {  	[sflag:s14] =	ssyncadd.s32 $0xFFFFD800  }
.LBB2_14:
0xa6: {  	s19 =	sadd.s32 $0x8, s19  }
0xa7: {  	p2 =	sne.s32 s19, $0x78  }
.Ltmp9:
0xa8: {  	_ = 	snop;
	(pc) =	sbr.rel @!p2 .LBB2_15-.Ltmp9, $2  }
0xa9: {  	_ =	sdelay $0x2  }
0xaa: {  	s21 =	sadd.s32 $0x1, s21;
	s20 =	sadd.s32 $0x80, s20  }
.LBB2_10:
0xab: {  	s22 =	sand.u32 $0x1, s21  }
0xac: {  	p3 =	seq.s32 s22, $0x1  }
.Ltmp10:
0xad: {  	_ = 	snop;
	(pc) =	sbr.rel @!p3 .LBB2_11-.Ltmp10, $2  }
0xae: {  	_ =	sdelay $0x2  }
0xaf: {  	p2 =	sge.u32 s19, s8  }
0xb0: {  	s22 =	simm.s32 @!p2 $0x2;
	s23 =	sadd.s32 s19, s5  }
.Ltmp11:
0xb1: {  	_ =	swait.ge @!p2 [sflag:s22], $0x400;
	s23 =	sadd.s32 $0x8, s23;
	(pc) =	sbr.rel @p2 .LBB2_14-.Ltmp11, $4  }
.Ltmp12:
0xb2: {  	[sflag:s22] =	ssyncset.done @!p2 $0x0;
	p3 =	sgt.u32 s23, $0xF9F;
	(pc) =	sbr.rel @!p2 .LBB2_13-.Ltmp12, $4  }
0xb3: {  	[sflag:s22] =	ssyncadd.s32 @!p2 $0xFFFFFC00;
	s22 =	simm.s32 @!p3 $0x0  }
0xb4: {  	[tilespmem:s22], [sflag:$0x1] =	stream.linear.gather @!p3 [hbm4b:s20+s22], $0x400, $0x38;
	[tilespmem:$0x17080] =	vst v63  }
0xb5: {  	s22 =	simm.s32 $0x400  }
0xb6: {  	_ = 	snop  }
.LBB2_11:
0xb7: {  	s22 =	simm.s32 @!p2 $0x1  }
0xb8: {  	_ =	swait.ge @!p2 [sflag:s22], $0x400  }
0xb9: {  	[sflag:s22] =	ssyncset.done @!p2 $0x0  }
0xba: {  	[sflag:s22] =	ssyncadd.s32 @!p2 $0xFFFFFC00;
	p2 =	slt.u32 s19, s8  }
.Ltmp13:
0xbb: {  	s23 =	sadd.s32 s19, s5;
	(pc) =	sbr.rel @p2 .LBB2_13-.Ltmp13, $4  }
.Ltmp14:
0xbc: {  	p3 =	sgt.u32 s23, $0xF9F;
	(pc) =	sbr.rel @!p2 .LBB2_14-.Ltmp14, $4  }
0xbd: {  	s23 =	simm.s32 @!p3 $0x400;
	s22 =	simm.s32 @!p3 $0x0  }
0xbe: {  	[tilespmem:s23], [sflag:$0x2] =	stream.linear.gather @!p3 [hbm4b:s20+s22], $0x400, $0x38;
	[tilespmem:$0x17080] =	vst v63  }
0xbf: {  	s22 =	simm.s32 $0x0  }
0xc0: {  	_ = 	snop  }
.LBB2_16:
0xc1: {  	_ =	sfence.sel $0x180000  }
0xc2: {  	[bflag:$0x0] =	sbarrier.arrive $0xFFFF  }
0xc3: {  	p0 =	sne.s32 s3, $0x0;
	_ =	strace $0x90000047  }
0xc4: {  	s0 =	sadd.s32 @!p0 $0x100000, s0;
	[bflag:$0x2] =	sbarrier.arrive $0xFFFF  }
0xc5: {  	[sflag:s0] =	ssyncadd.tile.s32 @!p0 $0x1;
	_ =	shalt  }
.Lfunc_end2:
_tile_overlayer_lowered:
.L_overlay_start_2:
0xc6: {  	(tag) =	ssettag $0x2  }
0xc7: {  	s0 =	rddreg [dreg:$0x0];
	s2 =	stileid.u32  }
0xc8: {  	s1 =	rddreg [dreg:$0x1];
	p0 =	sne.s32 s2, $0x0  }
0xc9: {  	s3 =	rddreg [dreg:$0x2];
	[bflag:$0x3] =	sbarrier.arrive $0xFFFF;
	s2 =	simm.s32 @!p0 $0x1C04  }
0xca: {  	[timem:s3], [sflag:s2] =	dma.local @!p0 [hbm:s0], s1  }
0xcb: {  	s0 =	simm.s32 @!p0 $0x4  }
0xcc: {  	_ =	swait.ge @!p0 [sflag:s0], s1  }
0xcd: {  	s1 =	ssub.s32 @!p0 $0x0, s1;
	[sflag:s0] =	ssyncset.done @!p0 $0x0  }
0xce: {  	[sflag:s0] =	ssyncadd.s32 @!p0 s1  }
0xcf: {  	[bflag:$0x3] =	sbarrier.arrive $0xFFFF  }
0xd0: {  	_ =	shalt  }

</sc_bundles>
